<compile_context>
chip_gen: v7x
topology: tpu7x:2x2x1
jax: 0.10.2.dev20260603
libtpu: 0.0.44.dev20260713+nightly
codegen_flags: <defaults>
</compile_context>

<pallas_src>
import functools

import jax
import jax.numpy as jnp
from jax import lax
from jax.experimental import pallas as pl
from jax.experimental.pallas import tpu as pltpu
from jax.experimental.pallas import tpu_sc as plsc

_NBUF = 5
_LA = 3


def _make_gather(V, D, N):
    info = plsc.get_sparse_core_info()
    NC, NS = info.num_cores, info.num_subcores
    NW = NC * NS
    VPT = V // NW
    NV = N // 16

    mesh = plsc.VectorSubcoreMesh(core_axis_name="c", subcore_axis_name="s")

    @functools.partial(
        pl.kernel,
        mesh=mesh,
        compiler_params=pltpu.CompilerParams(needs_layout_passes=False),
        out_type=jax.ShapeDtypeStruct((N, D), jnp.float32),
        scratch_types=[
            pltpu.VMEM((N + 16,), jnp.int32),
            pltpu.VMEM((N,), jnp.int32),
            pltpu.VMEM((N,), jnp.int32),
            pltpu.VMEM((16 * VPT,), jnp.int32),
            pltpu.VMEM((VPT,), jnp.int32),
            pltpu.VMEM((VPT,), jnp.int32),
            pltpu.VMEM((VPT,), jnp.int32),
            pltpu.VMEM((VPT, 1), jnp.int32),
            pltpu.VMEM((VPT + 16,), jnp.int32),
            pltpu.VMEM((VPT + 16,), jnp.int32),
            pltpu.VMEM((_NBUF, 1, D), jnp.float32),
            pltpu.SemaphoreType.DMA((_NBUF,)),
            pltpu.SemaphoreType.DMA,
        ],
    )
    def gather_kernel(table_hbm, idx_hbm, out_hbm, tok_v, own_tok, own_pos,
                      hist16, hist, gbase, cur, uid2, ucnt,
                      ubase, rows_v, sem_g, sem_s):
        pos_sorted = tok_v
        wid = lax.axis_index("s") * NC + lax.axis_index("c")
        lo = wid * VPT
        lane = lax.iota(jnp.int32, 16)
        ones = jnp.full((16,), 1, jnp.int32)
        zeros = jnp.full((16,), 0, jnp.int32)

        def read_scalar(ref, k):
            k8 = (k // 8) * 8
            vv = ref[pl.ds(k8, 16)]
            return jnp.sum(jnp.where(lane == k - k8, vv, 0))

        pltpu.sync_copy(idx_hbm, tok_v.at[pl.ds(0, N)])

        @plsc.parallel_loop(0, VPT, unroll=4)
        def _(i):
            hist16[pl.ds(i * 16, 16)] = zeros

        @plsc.parallel_loop(0, NV, unroll=8, carry=zeros)
        def offv(i, offv):
            v = tok_v[pl.ds(i * 16, 16)]
            local = v - lo
            m = (local >= 0) & (local < VPT)
            mi = jnp.where(m, 1, 0)
            pref = plsc.cumsum(mi) - mi + offv
            plsc.store_scatter(own_tok, [pref], local, mask=m)
            plsc.store_scatter(own_pos, [pref], i * 16 + lane, mask=m)
            return offv + plsc.all_reduce_population_count(m)

        M = offv[0]
        nfull = M // 16
        nrem = M - nfull * 16

        def hist_body(j, c):
            lv = own_tok[pl.ds(j * 16, 16)]
            plsc.addupdate_scatter(hist16, [lane * VPT + lv], ones)
            return c

        lax.fori_loop(0, nfull, hist_body, 0, unroll=False)

        @pl.when(nrem > 0)
        def _():
            lv = own_tok[pl.ds(nfull * 16, 16)]
            mt = lane < nrem
            lvc = jnp.where(mt, lv, 0)
            plsc.addupdate_scatter(hist16, [lane * VPT + lvc], ones, mask=mt)

        def scan_body(c, off):
            acc = zeros
            for l in range(16):
                acc = acc + hist16[pl.ds(l * VPT + c * 16, 16)]
            hist[pl.ds(c * 16, 16)] = acc
            excl = plsc.cumsum(acc) - acc + off
            gbase[pl.ds(c * 16, 16)] = excl
            cur[pl.ds(c * 16, 16)] = excl
            return off + jnp.sum(acc)

        lax.fori_loop(0, VPT // 16, scan_body, 0, unroll=False)

        def uniq_body(c, uoff):
            h = hist[pl.ds(c * 16, 16)]
            gb = gbase[pl.ds(c * 16, 16)]
            m = h > 0
            mi = jnp.where(m, 1, 0)
            pref = plsc.cumsum(mi) - mi + uoff
            plsc.store_scatter(uid2, [pref, pref * 0], lo + c * 16 + lane,
                               mask=m)
            plsc.store_scatter(ucnt, [pref], h, mask=m)
            plsc.store_scatter(ubase, [pref], gb, mask=m)
            return uoff + jnp.sum(mi)

        U = lax.fori_loop(0, VPT // 16, uniq_body, 0, unroll=False)

        def start_g(b, u):
            pltpu.async_copy(table_hbm.at[uid2.at[u]], rows_v.at[b],
                             sem_g.at[b])

        def wait_g(b):
            pltpu.make_async_copy(table_hbm.at[uid2.at[0]], rows_v.at[b],
                                  sem_g.at[b]).wait()

        def wait_s():
            pltpu.make_async_copy(rows_v.at[0], out_hbm.at[pl.ds(0, 1)],
                                  sem_s).wait()

        for up in range(_LA):
            @pl.when(U > up)
            def _(up=up):
                start_g(up, up)

        def place(lv, pv, m):
            lvc = jnp.where(m, lv, 0)
            rank, last = plsc.scan_count(lvc, mask=m)
            b = plsc.load_gather(cur, [lvc])
            plsc.store_scatter(pos_sorted, [b + rank - 1], pv, mask=m)
            plsc.store_scatter(cur, [lvc], b + rank, mask=last)

        def place_body(j, c):
            lv = own_tok[pl.ds(j * 16, 16)]
            pv = own_pos[pl.ds(j * 16, 16)]
            place(lv, pv, lv == lv)
            return c

        lax.fori_loop(0, nfull, place_body, 0, unroll=False)

        @pl.when(nrem > 0)
        def _():
            lv = own_tok[pl.ds(nfull * 16, 16)]
            pv = own_pos[pl.ds(nfull * 16, 16)]
            place(lv, pv, lane < nrem)

        def grp_body(b, u, drained):
            cnt_u = read_scalar(ucnt, u)
            gb_u = read_scalar(ubase, u)
            wait_g(b)

            def pos_body(t, c):
                p = read_scalar(pos_sorted, gb_u + t)
                pltpu.async_copy(rows_v.at[b], out_hbm.at[pl.ds(p, 1)],
                                 sem_s)
                return c

            lax.fori_loop(0, cnt_u, pos_body, 0, unroll=False)

            u2 = u + _LA
            b2 = (b + _LA) % _NBUF

            def prefetch(d):
                def drain(dd):
                    target = read_scalar(ubase, u2 - _NBUF + 1)

                    def drain_body(t, c):
                        wait_s()
                        return c

                    lax.fori_loop(0, jnp.maximum(target - dd, 0), drain_body,
                                  0, unroll=False)
                    return jnp.maximum(target, dd)

                d2 = lax.cond(u >= _NBUF - _LA, drain, lambda dd: dd, d)
                start_g(b2, u2)
                return d2

            return lax.cond(u2 < U, prefetch, lambda d: d, drained)

        def round_body(k, drained):
            for b in range(_NBUF):
                u = k * _NBUF + b
                drained = lax.cond(
                    u < U, functools.partial(grp_body, b, u),
                    lambda d: d, drained)
            return drained

        rounds = (U + _NBUF - 1) // _NBUF
        drained = lax.fori_loop(0, rounds, round_body, 0, unroll=False)

        def tail_drain(t, c):
            wait_s()
            return c

        lax.fori_loop(0, M - drained, tail_drain, 0, unroll=False)

    return gather_kernel


def kernel(tokens, bigram_table):
    B, S = tokens.shape
    V, D = bigram_table.shape
    N = B * S
    idx = tokens.reshape(N).astype(jnp.int32)
    out = _make_gather(V, D, N)(bigram_table, idx)
    return out.reshape(B, S, D)

# --- scband reference (transcript-rebuilt; emitter-appended) ---
"""Pipeline reference for scband-bigram-language-model-50843822850415 (READ-ONLY COPY).

The authoritative reference and input builder live on the scoring server;
editing this copy changes nothing except your own understanding.
"""

import jax, jax.numpy as jnp
import numpy as np

VOCAB = 8192
B, S = 8, 2048

def setup_inputs(seed: int = 0) -> dict:
    key = jax.random.key(seed)
    k1, k2 = jax.random.split(key)
    tokens = jax.random.randint(k1, (B, S), 0, VOCAB, dtype=jnp.int64 if jax.config.jax_enable_x64 else jnp.int32)
    # nn.Embedding default init: N(0, 1)
    bigram_table = jax.random.normal(k2, (VOCAB, VOCAB), dtype=jnp.float32)
    return {"tokens": tokens, "bigram_table": bigram_table}

def reference(tokens, bigram_table):
    # BigramLanguageModel.forward: self.bigram(tokens) -> embedding lookup
    # output shape [B, S, VOCAB]
    return jnp.take(bigram_table, tokens, axis=0)

if __name__ == "__main__":
    import jax
    _d = setup_inputs()
    print(jax.jit(kernel)(*tuple(_d.values())))

</pallas_src>

<mosaic_0001>
#map = affine_map<(d0, d1) -> (0, 0)>
#map1 = affine_map<(d0, d1) -> (0)>
module attributes {stable_mosaic.version = 14 : i64} {
  func.func @gather_kernel(%arg0: i32, %arg1: i32, %arg2: memref<8192x8192xf32, #tpu.memory_space<hbm>>, %arg3: memref<16384xi32, #tpu.memory_space<hbm>>, %arg4: memref<16384x8192xf32, #tpu.memory_space<hbm>>, %arg5: memref<16400xi32, #tpu.memory_space<vmem>>, %arg6: memref<16384xi32, #tpu.memory_space<vmem>>, %arg7: memref<16384xi32, #tpu.memory_space<vmem>>, %arg8: memref<4096xi32, #tpu.memory_space<vmem>>, %arg9: memref<256xi32, #tpu.memory_space<vmem>>, %arg10: memref<256xi32, #tpu.memory_space<vmem>>, %arg11: memref<256xi32, #tpu.memory_space<vmem>>, %arg12: memref<256x1xi32, #tpu.memory_space<vmem>>, %arg13: memref<272xi32, #tpu.memory_space<vmem>>, %arg14: memref<272xi32, #tpu.memory_space<vmem>>, %arg15: memref<5x1x8192xf32, #tpu.memory_space<vmem>>, %arg16: memref<5x!tpu.dma_semaphore, #tpu.memory_space<semaphore_mem>>, %arg17: memref<!tpu.dma_semaphore, #tpu.memory_space<semaphore_mem>>) attributes {dimension_semantics = [#tpu.dimension_semantics<core_parallel>, #tpu.dimension_semantics<subcore_parallel>], iteration_bounds = array<i64: 2, 16>, scalar_prefetch = 0 : i64, scratch_operands = 13 : i64, tpu.core_type = #tpu.core_type<sc_vector_subcore>, window_params = [{transform_indices = #map}, {transform_indices = #map1}, {transform_indices = #map}]} {
    %mul3A = arith.constant 2 : i32
    %mul3A_0 = arith.muli %arg1, %mul3A : i32
    %add3A = arith.addi %mul3A_0, %arg0 : i32
    %mul3A_1 = arith.constant 256 : i32
    %mul3A_2 = arith.muli %add3A, %mul3A_1 : i32
    %iota3A = tpu.iota {dimensions = array<i32: 0>} : vector<16xi32>
    %broadcast_in_dim3A = arith.constant 1 : i32
    %broadcast_in_dim3A_3 = vector.broadcast %broadcast_in_dim3A : i32 to vector<16xi32>
    %broadcast_in_dim3A_4 = arith.constant 0 : i32
    %broadcast_in_dim3A_5 = vector.broadcast %broadcast_in_dim3A_4 : i32 to vector<16xi32>
    "tpu.region"() ({
      %run_scoped3A = tpu.sem_alloc : memref<!tpu.dma_semaphore, #tpu.memory_space<semaphore_mem>>
      %dma_start3A = arith.constant 0 : i32
      %dma_start3A_136 = tpu.memref_slice %arg5[%dma_start3A] : memref<16400xi32, #tpu.memory_space<vmem>> -> memref<16384xi32, #tpu.memory_space<vmem>>
      %dma_start3A_137 = arith.constant 0 : i32
      %dma_start3A_138 = tpu.memref_slice %arg5[%dma_start3A_137] : memref<16400xi32, #tpu.memory_space<vmem>> -> memref<16384xi32, #tpu.memory_space<vmem>>
      tpu.enqueue_dma source(%arg3 : memref<16384xi32, #tpu.memory_space<hbm>>) target(%dma_start3A_138 : memref<16384xi32, #tpu.memory_space<vmem>>) target_semaphore(%run_scoped3A : memref<!tpu.dma_semaphore, #tpu.memory_space<semaphore_mem>>)
      %dma_wait3A = arith.constant 0 : i32
      %dma_wait3A_139 = tpu.memref_slice %arg5[%dma_wait3A] : memref<16400xi32, #tpu.memory_space<vmem>> -> memref<16384xi32, #tpu.memory_space<vmem>>
      %dma_wait3A_140 = arith.constant 0 : i32
      %dma_wait3A_141 = tpu.memref_slice %arg5[%dma_wait3A_140] : memref<16400xi32, #tpu.memory_space<vmem>> -> memref<16384xi32, #tpu.memory_space<vmem>>
      tpu.wait_dma2 semaphore(%run_scoped3A : memref<!tpu.dma_semaphore, #tpu.memory_space<semaphore_mem>>) src(%arg3 : memref<16384xi32, #tpu.memory_space<hbm>>) dst(%dma_wait3A_141 : memref<16384xi32, #tpu.memory_space<vmem>>)
      tpu.yield
    }) : () -> ()
    %parallel_loop3A = arith.constant 0 : i32
    %parallel_loop3A_6 = arith.constant 256 : i32
    %parallel_loop3A_7 = arith.constant 1 : i32
    scf.for %parallel_loop3A_136 = %parallel_loop3A to %parallel_loop3A_6 step %parallel_loop3A_7  : i32 {
      %parallel_loop3A_137 = arith.constant 16 : i32
      %parallel_loop3A_138 = arith.muli %parallel_loop3A_136, %parallel_loop3A_137 : i32
      %parallel_loop3A_139 = arith.index_cast %parallel_loop3A_138 : i32 to index
      %parallel_loop3A_140 = tpu.vector_load %arg8[%parallel_loop3A_139] {strides = array<i32>} : memref<4096xi32, #tpu.memory_space<vmem>>, vector<16xi32>,
      tpu.vector_store %arg8[%parallel_loop3A_139], %broadcast_in_dim3A_5 {strides = array<i32>} : memref<4096xi32, #tpu.memory_space<vmem>>, vector<16xi32>,
    } {sc.loop_unroll_factor = 4 : i64, sc.parallel_access}
    %parallel_loop3A_8 = arith.constant 0 : i32
    %parallel_loop3A_9 = arith.constant 1024 : i32
    %parallel_loop3A_10 = arith.constant 1 : i32
    %parallel_loop3A_11 = scf.for %parallel_loop3A_136 = %parallel_loop3A_8 to %parallel_loop3A_9 step %parallel_loop3A_10 iter_args(%parallel_loop3A_137 = %broadcast_in_dim3A_5) -> (vector<16xi32>)  : i32 {
      %parallel_loop3A_138 = arith.constant 16 : i32
      %parallel_loop3A_139 = arith.muli %parallel_loop3A_136, %parallel_loop3A_138 : i32
      %parallel_loop3A_140 = arith.index_cast %parallel_loop3A_139 : i32 to index
      %parallel_loop3A_141 = tpu.vector_load %arg5[%parallel_loop3A_140] {strides = array<i32>} : memref<16400xi32, #tpu.memory_space<vmem>>, vector<16xi32>,
      %parallel_loop3A_142 = vector.broadcast %mul3A_2 : i32 to vector<16xi32>
      %parallel_loop3A_143 = arith.subi %parallel_loop3A_141, %parallel_loop3A_142 : vector<16xi32>
      %parallel_loop3A_144 = arith.constant 0 : i32
      %parallel_loop3A_145 = vector.broadcast %parallel_loop3A_144 : i32 to vector<16xi32>
      %parallel_loop3A_146 = arith.cmpi sge, %parallel_loop3A_143, %parallel_loop3A_145 : vector<16xi32>
      %parallel_loop3A_147 = arith.constant 256 : i32
      %parallel_loop3A_148 = vector.broadcast %parallel_loop3A_147 : i32 to vector<16xi32>
      %parallel_loop3A_149 = arith.cmpi slt, %parallel_loop3A_143, %parallel_loop3A_148 : vector<16xi32>
      %parallel_loop3A_150 = arith.andi %parallel_loop3A_146, %parallel_loop3A_149 : vector<16xi1>
      %parallel_loop3A_151 = arith.constant 1 : i32
      %parallel_loop3A_152 = arith.constant 0 : i32
      %parallel_loop3A_153 = vector.broadcast %parallel_loop3A_151 : i32 to vector<16xi32>
      %parallel_loop3A_154 = vector.broadcast %parallel_loop3A_152 : i32 to vector<16xi32>
      %parallel_loop3A_155 = arith.select %parallel_loop3A_150, %parallel_loop3A_153, %parallel_loop3A_154 : vector<16xi1>, vector<16xi32>
      %parallel_loop3A_156 = arith.constant true
      %parallel_loop3A_157 = vector.broadcast %parallel_loop3A_156 : i1 to vector<16xi1>
      %parallel_loop3A_158 = tpu.scan <sum>, %parallel_loop3A_155 masked %parallel_loop3A_157 : vector<16xi32>, vector<16xi1> -> vector<16xi32>
      %parallel_loop3A_159 = arith.subi %parallel_loop3A_158, %parallel_loop3A_155 : vector<16xi32>
      %parallel_loop3A_160 = arith.addi %parallel_loop3A_159, %parallel_loop3A_137 : vector<16xi32>
      tpu.vector_store_idx %arg6[%parallel_loop3A_160], %parallel_loop3A_143 masked %parallel_loop3A_150 : memref<16384xi32, #tpu.memory_space<vmem>>[vector<16xi32>], vector<16xi32>, vector<16xi1>
      %parallel_loop3A_161 = arith.constant 16 : i32
      %parallel_loop3A_162 = arith.muli %parallel_loop3A_136, %parallel_loop3A_161 : i32
      %parallel_loop3A_163 = vector.broadcast %parallel_loop3A_162 : i32 to vector<16xi32>
      %parallel_loop3A_164 = arith.addi %parallel_loop3A_163, %iota3A : vector<16xi32>
      tpu.vector_store_idx %arg7[%parallel_loop3A_160], %parallel_loop3A_164 masked %parallel_loop3A_150 : memref<16384xi32, #tpu.memory_space<vmem>>[vector<16xi32>], vector<16xi32>, vector<16xi1>
      %parallel_loop3A_165 = tpu.all_reduce %parallel_loop3A_150 {dim = 0 : i64, kind = #tpu.reduction_kind<sum>} : vector<16xi1> -> vector<16xi32>
      %parallel_loop3A_166 = arith.addi %parallel_loop3A_137, %parallel_loop3A_165 : vector<16xi32>
      scf.yield %parallel_loop3A_166 : vector<16xi32>
    } {sc.loop_unroll_factor = 8 : i64, sc.parallel_access}
    %slice3A = vector.extract_strided_slice %parallel_loop3A_11 {offsets = [0], sizes = [1], strides = [1]} : vector<16xi32> to vector<1xi32>
    %squeeze3A = vector.extract %slice3A[0] : i32 from vector<1xi32>
    %jit3A = arith.constant 16 : i32
    %div3A = arith.divsi %squeeze3A, %jit3A : i32
    %sign3A = arith.constant 0 : i32
    %sign3A_12 = arith.cmpi sgt, %squeeze3A, %sign3A : i32
    %sign3A_13 = arith.extui %sign3A_12 : i1 to i32
    %sign3A_14 = arith.constant 0 : i32
    %sign3A_15 = arith.cmpi slt, %squeeze3A, %sign3A_14 : i32
    %sign3A_16 = arith.extui %sign3A_15 : i1 to i32
    %sign3A_17 = arith.subi %sign3A_13, %sign3A_16 : i32
    %sign3A_18 = arith.constant 0 : i32
    %sign3A_19 = arith.cmpi sgt, %jit3A, %sign3A_18 : i32
    %sign3A_20 = arith.extui %sign3A_19 : i1 to i32
    %sign3A_21 = arith.constant 0 : i32
    %sign3A_22 = arith.cmpi slt, %jit3A, %sign3A_21 : i32
    %sign3A_23 = arith.extui %sign3A_22 : i1 to i32
    %sign3A_24 = arith.subi %sign3A_20, %sign3A_23 : i32
    %ne3A = arith.cmpi ne, %sign3A_17, %sign3A_24 : i32
    %rem3A = arith.remsi %squeeze3A, %jit3A : i32
    %ne3A_25 = arith.constant 0 : i32
    %ne3A_26 = arith.cmpi ne, %rem3A, %ne3A_25 : i32
    %and3A = arith.andi %ne3A, %ne3A_26 : i1
    %sub3A = arith.constant 1 : i32
    %sub3A_27 = arith.subi %div3A, %sub3A : i32
    %select_n3A = arith.select %and3A, %sub3A_27, %div3A : i32
    %mul3A_28 = arith.constant 16 : i32
    %mul3A_29 = arith.muli %select_n3A, %mul3A_28 : i32
    %sub3A_30 = arith.subi %squeeze3A, %mul3A_29 : i32
    %while3A = arith.constant 0 : i32
    %while3A_31 = arith.constant 0 : i32
    %while3A_32 = arith.subi %select_n3A, %while3A_31 : i32
    %while3A_33 = arith.addi %while3A_31, %while3A_32 : i32
    %while3A_34 = arith.constant 1 : i32
    %while3A_35 = arith.divsi %while3A_32, %while3A_34 : i32
    %while3A_36 = arith.muli %while3A_35, %while3A_34 : i32
    %while3A_37 = arith.addi %while3A_31, %while3A_36 : i32
    %while3A_38 = arith.constant 1 : i32
    scf.for %while3A_136 = %while3A_31 to %while3A_37 step %while3A_38  : i32 {
      %mul3A_137 = arith.constant 16 : i32
      %mul3A_138 = arith.muli %while3A_136, %mul3A_137 : i32
      %get3A = arith.index_cast %mul3A_138 : i32 to index
      %get3A_139 = tpu.vector_load %arg6[%get3A] {strides = array<i32>} : memref<16384xi32, #tpu.memory_space<vmem>>, vector<16xi32>,
      %mul3A_140 = arith.constant 256 : i32
      %mul3A_141 = vector.broadcast %mul3A_140 : i32 to vector<16xi32>
      %mul3A_142 = arith.muli %iota3A, %mul3A_141 : vector<16xi32>
      %add3A_143 = arith.addi %mul3A_142, %get3A_139 : vector<16xi32>
      tpu.vector_store_idx %arg8[%add3A_143], %broadcast_in_dim3A_3 {add = true} : memref<4096xi32, #tpu.memory_space<vmem>>[vector<16xi32>], vector<16xi32>,
    }
    %while3A_39 = arith.constant 1 : i32
    scf.for %while3A_136 = %while3A_37 to %while3A_33 step %while3A_39  : i32 {
      %mul3A_137 = arith.constant 16 : i32
      %mul3A_138 = arith.muli %while3A_136, %mul3A_137 : i32
      %get3A = arith.index_cast %mul3A_138 : i32 to index
      %get3A_139 = tpu.vector_load %arg6[%get3A] {strides = array<i32>} : memref<16384xi32, #tpu.memory_space<vmem>>, vector<16xi32>,
      %mul3A_140 = arith.constant 256 : i32
      %mul3A_141 = vector.broadcast %mul3A_140 : i32 to vector<16xi32>
      %mul3A_142 = arith.muli %iota3A, %mul3A_141 : vector<16xi32>
      %add3A_143 = arith.addi %mul3A_142, %get3A_139 : vector<16xi32>
      tpu.vector_store_idx %arg8[%add3A_143], %broadcast_in_dim3A_3 {add = true} : memref<4096xi32, #tpu.memory_space<vmem>>[vector<16xi32>], vector<16xi32>,
    }
    %gt3A = arith.constant 0 : i32
    %gt3A_40 = arith.cmpi sgt, %sub3A_30, %gt3A : i32
    %convert_element_type3A = arith.extui %gt3A_40 : i1 to i32
    %cond3A = arith.constant 0 : i32
    %cond3A_41 = arith.cmpi ne, %convert_element_type3A, %cond3A : i32
    scf.if %cond3A_41 {
      %mul3A_136 = arith.constant 16 : i32
      %mul3A_137 = arith.muli %select_n3A, %mul3A_136 : i32
      %get3A = arith.index_cast %mul3A_137 : i32 to index
      %get3A_138 = tpu.vector_load %arg6[%get3A] {strides = array<i32>} : memref<16384xi32, #tpu.memory_space<vmem>>, vector<16xi32>,
      %lt3A = vector.broadcast %sub3A_30 : i32 to vector<16xi32>
      %lt3A_139 = arith.cmpi slt, %iota3A, %lt3A : vector<16xi32>
      %jit3A_140 = arith.constant 0 : i32
      %broadcast_in_dim3A_141 = vector.broadcast %jit3A_140 : i32 to vector<16xi32>
      %select_n3A_142 = arith.select %lt3A_139, %get3A_138, %broadcast_in_dim3A_141 : vector<16xi1>, vector<16xi32>
      %mul3A_143 = arith.constant 256 : i32
      %mul3A_144 = vector.broadcast %mul3A_143 : i32 to vector<16xi32>
      %mul3A_145 = arith.muli %iota3A, %mul3A_144 : vector<16xi32>
      %add3A_146 = arith.addi %mul3A_145, %select_n3A_142 : vector<16xi32>
      tpu.vector_store_idx %arg8[%add3A_146], %broadcast_in_dim3A_3 masked %lt3A_139 {add = true} : memref<4096xi32, #tpu.memory_space<vmem>>[vector<16xi32>], vector<16xi32>, vector<16xi1>
    } else {
    }
    %scan3A = arith.constant 0 : i32
    %scan3A_42 = arith.constant 0 : i32
    %scan3A_43 = arith.constant 16 : i32
    %scan3A_44 = arith.addi %scan3A_42, %scan3A_43 : i32
    %scan3A_45 = arith.constant 1 : i32
    %scan3A_46 = scf.for %scan3A_136 = %scan3A_42 to %scan3A_44 step %scan3A_45 iter_args(%scan3A_137 = %scan3A) -> (i32)  : i32 {
      %mul3A_138 = arith.constant 16 : i32
      %mul3A_139 = arith.muli %scan3A_136, %mul3A_138 : i32
      %add3A_140 = arith.constant 0 : i32
      %add3A_141 = arith.addi %add3A_140, %mul3A_139 : i32
      %get3A = arith.index_cast %add3A_141 : i32 to index
      %get3A_142 = tpu.vector_load %arg8[%get3A] {strides = array<i32>} : memref<4096xi32, #tpu.memory_space<vmem>>, vector<16xi32>,
      %add3A_143 = arith.addi %broadcast_in_dim3A_5, %get3A_142 : vector<16xi32>
      %mul3A_144 = arith.constant 16 : i32
      %mul3A_145 = arith.muli %scan3A_136, %mul3A_144 : i32
      %add3A_146 = arith.constant 256 : i32
      %add3A_147 = arith.addi %add3A_146, %mul3A_145 : i32
      %get3A_148 = arith.index_cast %add3A_147 : i32 to index
      %get3A_149 = tpu.vector_load %arg8[%get3A_148] {strides = array<i32>} : memref<4096xi32, #tpu.memory_space<vmem>>, vector<16xi32>,
      %add3A_150 = arith.addi %add3A_143, %get3A_149 : vector<16xi32>
      %mul3A_151 = arith.constant 16 : i32
      %mul3A_152 = arith.muli %scan3A_136, %mul3A_151 : i32
      %add3A_153 = arith.constant 512 : i32
      %add3A_154 = arith.addi %add3A_153, %mul3A_152 : i32
      %get3A_155 = arith.index_cast %add3A_154 : i32 to index
      %get3A_156 = tpu.vector_load %arg8[%get3A_155] {strides = array<i32>} : memref<4096xi32, #tpu.memory_space<vmem>>, vector<16xi32>,
      %add3A_157 = arith.addi %add3A_150, %get3A_156 : vector<16xi32>
      %mul3A_158 = arith.constant 16 : i32
      %mul3A_159 = arith.muli %scan3A_136, %mul3A_158 : i32
      %add3A_160 = arith.constant 768 : i32
      %add3A_161 = arith.addi %add3A_160, %mul3A_159 : i32
      %get3A_162 = arith.index_cast %add3A_161 : i32 to index
      %get3A_163 = tpu.vector_load %arg8[%get3A_162] {strides = array<i32>} : memref<4096xi32, #tpu.memory_space<vmem>>, vector<16xi32>,
      %add3A_164 = arith.addi %add3A_157, %get3A_163 : vector<16xi32>
      %mul3A_165 = arith.constant 16 : i32
      %mul3A_166 = arith.muli %scan3A_136, %mul3A_165 : i32
      %add3A_167 = arith.constant 1024 : i32
      %add3A_168 = arith.addi %add3A_167, %mul3A_166 : i32
      %get3A_169 = arith.index_cast %add3A_168 : i32 to index
      %get3A_170 = tpu.vector_load %arg8[%get3A_169] {strides = array<i32>} : memref<4096xi32, #tpu.memory_space<vmem>>, vector<16xi32>,
      %add3A_171 = arith.addi %add3A_164, %get3A_170 : vector<16xi32>
      %mul3A_172 = arith.constant 16 : i32
      %mul3A_173 = arith.muli %scan3A_136, %mul3A_172 : i32
      %add3A_174 = arith.constant 1280 : i32
      %add3A_175 = arith.addi %add3A_174, %mul3A_173 : i32
      %get3A_176 = arith.index_cast %add3A_175 : i32 to index
      %get3A_177 = tpu.vector_load %arg8[%get3A_176] {strides = array<i32>} : memref<4096xi32, #tpu.memory_space<vmem>>, vector<16xi32>,
      %add3A_178 = arith.addi %add3A_171, %get3A_177 : vector<16xi32>
      %mul3A_179 = arith.constant 16 : i32
      %mul3A_180 = arith.muli %scan3A_136, %mul3A_179 : i32
      %add3A_181 = arith.constant 1536 : i32
      %add3A_182 = arith.addi %add3A_181, %mul3A_180 : i32
      %get3A_183 = arith.index_cast %add3A_182 : i32 to index
      %get3A_184 = tpu.vector_load %arg8[%get3A_183] {strides = array<i32>} : memref<4096xi32, #tpu.memory_space<vmem>>, vector<16xi32>,
      %add3A_185 = arith.addi %add3A_178, %get3A_184 : vector<16xi32>
      %mul3A_186 = arith.constant 16 : i32
      %mul3A_187 = arith.muli %scan3A_136, %mul3A_186 : i32
      %add3A_188 = arith.constant 1792 : i32
      %add3A_189 = arith.addi %add3A_188, %mul3A_187 : i32
      %get3A_190 = arith.index_cast %add3A_189 : i32 to index
      %get3A_191 = tpu.vector_load %arg8[%get3A_190] {strides = array<i32>} : memref<4096xi32, #tpu.memory_space<vmem>>, vector<16xi32>,
      %add3A_192 = arith.addi %add3A_185, %get3A_191 : vector<16xi32>
      %mul3A_193 = arith.constant 16 : i32
      %mul3A_194 = arith.muli %scan3A_136, %mul3A_193 : i32
      %add3A_195 = arith.constant 2048 : i32
      %add3A_196 = arith.addi %add3A_195, %mul3A_194 : i32
      %get3A_197 = arith.index_cast %add3A_196 : i32 to index
      %get3A_198 = tpu.vector_load %arg8[%get3A_197] {strides = array<i32>} : memref<4096xi32, #tpu.memory_space<vmem>>, vector<16xi32>,
      %add3A_199 = arith.addi %add3A_192, %get3A_198 : vector<16xi32>
      %mul3A_200 = arith.constant 16 : i32
      %mul3A_201 = arith.muli %scan3A_136, %mul3A_200 : i32
      %add3A_202 = arith.constant 2304 : i32
      %add3A_203 = arith.addi %add3A_202, %mul3A_201 : i32
      %get3A_204 = arith.index_cast %add3A_203 : i32 to index
      %get3A_205 = tpu.vector_load %arg8[%get3A_204] {strides = array<i32>} : memref<4096xi32, #tpu.memory_space<vmem>>, vector<16xi32>,
      %add3A_206 = arith.addi %add3A_199, %get3A_205 : vector<16xi32>
      %mul3A_207 = arith.constant 16 : i32
      %mul3A_208 = arith.muli %scan3A_136, %mul3A_207 : i32
      %add3A_209 = arith.constant 2560 : i32
      %add3A_210 = arith.addi %add3A_209, %mul3A_208 : i32
      %get3A_211 = arith.index_cast %add3A_210 : i32 to index
      %get3A_212 = tpu.vector_load %arg8[%get3A_211] {strides = array<i32>} : memref<4096xi32, #tpu.memory_space<vmem>>, vector<16xi32>,
      %add3A_213 = arith.addi %add3A_206, %get3A_212 : vector<16xi32>
      %mul3A_214 = arith.constant 16 : i32
      %mul3A_215 = arith.muli %scan3A_136, %mul3A_214 : i32
      %add3A_216 = arith.constant 2816 : i32
      %add3A_217 = arith.addi %add3A_216, %mul3A_215 : i32
      %get3A_218 = arith.index_cast %add3A_217 : i32 to index
      %get3A_219 = tpu.vector_load %arg8[%get3A_218] {strides = array<i32>} : memref<4096xi32, #tpu.memory_space<vmem>>, vector<16xi32>,
      %add3A_220 = arith.addi %add3A_213, %get3A_219 : vector<16xi32>
      %mul3A_221 = arith.constant 16 : i32
      %mul3A_222 = arith.muli %scan3A_136, %mul3A_221 : i32
      %add3A_223 = arith.constant 3072 : i32
      %add3A_224 = arith.addi %add3A_223, %mul3A_222 : i32
      %get3A_225 = arith.index_cast %add3A_224 : i32 to index
      %get3A_226 = tpu.vector_load %arg8[%get3A_225] {strides = array<i32>} : memref<4096xi32, #tpu.memory_space<vmem>>, vector<16xi32>,
      %add3A_227 = arith.addi %add3A_220, %get3A_226 : vector<16xi32>
      %mul3A_228 = arith.constant 16 : i32
      %mul3A_229 = arith.muli %scan3A_136, %mul3A_228 : i32
      %add3A_230 = arith.constant 3328 : i32
      %add3A_231 = arith.addi %add3A_230, %mul3A_229 : i32
      %get3A_232 = arith.index_cast %add3A_231 : i32 to index
      %get3A_233 = tpu.vector_load %arg8[%get3A_232] {strides = array<i32>} : memref<4096xi32, #tpu.memory_space<vmem>>, vector<16xi32>,
      %add3A_234 = arith.addi %add3A_227, %get3A_233 : vector<16xi32>
      %mul3A_235 = arith.constant 16 : i32
      %mul3A_236 = arith.muli %scan3A_136, %mul3A_235 : i32
      %add3A_237 = arith.constant 3584 : i32
      %add3A_238 = arith.addi %add3A_237, %mul3A_236 : i32
      %get3A_239 = arith.index_cast %add3A_238 : i32 to index
      %get3A_240 = tpu.vector_load %arg8[%get3A_239] {strides = array<i32>} : memref<4096xi32, #tpu.memory_space<vmem>>, vector<16xi32>,
      %add3A_241 = arith.addi %add3A_234, %get3A_240 : vector<16xi32>
      %mul3A_242 = arith.constant 16 : i32
      %mul3A_243 = arith.muli %scan3A_136, %mul3A_242 : i32
      %add3A_244 = arith.constant 3840 : i32
      %add3A_245 = arith.addi %add3A_244, %mul3A_243 : i32
      %get3A_246 = arith.index_cast %add3A_245 : i32 to index
      %get3A_247 = tpu.vector_load %arg8[%get3A_246] {strides = array<i32>} : memref<4096xi32, #tpu.memory_space<vmem>>, vector<16xi32>,
      %add3A_248 = arith.addi %add3A_241, %get3A_247 : vector<16xi32>
      %mul3A_249 = arith.constant 16 : i32
      %mul3A_250 = arith.muli %scan3A_136, %mul3A_249 : i32
      %swap3A = arith.index_cast %mul3A_250 : i32 to index
      %swap3A_251 = tpu.vector_load %arg9[%swap3A] {strides = array<i32>} : memref<256xi32, #tpu.memory_space<vmem>>, vector<16xi32>,
      tpu.vector_store %arg9[%swap3A], %add3A_248 {strides = array<i32>} : memref<256xi32, #tpu.memory_space<vmem>>, vector<16xi32>,
      %broadcast_in_dim3A_252 = arith.constant true
      %broadcast_in_dim3A_253 = vector.broadcast %broadcast_in_dim3A_252 : i1 to vector<16xi1>
      %masked_cumsum3A = tpu.scan <sum>, %add3A_248 masked %broadcast_in_dim3A_253 : vector<16xi32>, vector<16xi1> -> vector<16xi32>
      %sub3A_254 = arith.subi %masked_cumsum3A, %add3A_248 : vector<16xi32>
      %add3A_255 = vector.broadcast %scan3A_137 : i32 to vector<16xi32>
      %add3A_256 = arith.addi %sub3A_254, %add3A_255 : vector<16xi32>
      %mul3A_257 = arith.constant 16 : i32
      %mul3A_258 = arith.muli %scan3A_136, %mul3A_257 : i32
      %swap3A_259 = arith.index_cast %mul3A_258 : i32 to index
      %swap3A_260 = tpu.vector_load %arg10[%swap3A_259] {strides = array<i32>} : memref<256xi32, #tpu.memory_space<vmem>>, vector<16xi32>,
      tpu.vector_store %arg10[%swap3A_259], %add3A_256 {strides = array<i32>} : memref<256xi32, #tpu.memory_space<vmem>>, vector<16xi32>,
      %mul3A_261 = arith.constant 16 : i32
      %mul3A_262 = arith.muli %scan3A_136, %mul3A_261 : i32
      %swap3A_263 = arith.index_cast %mul3A_262 : i32 to index
      %swap3A_264 = tpu.vector_load %arg11[%swap3A_263] {strides = array<i32>} : memref<256xi32, #tpu.memory_space<vmem>>, vector<16xi32>,
      tpu.vector_store %arg11[%swap3A_263], %add3A_256 {strides = array<i32>} : memref<256xi32, #tpu.memory_space<vmem>>, vector<16xi32>,
      %reduce_sum3A = arith.constant true
      %reduce_sum3A_265 = vector.broadcast %reduce_sum3A : i1 to vector<16xi1>
      %reduce_sum3A_266 = tpu.scan <sum>, %add3A_248 masked %reduce_sum3A_265 : vector<16xi32>, vector<16xi1> -> vector<16xi32>
      %reduce_sum3A_267 = vector.extract %reduce_sum3A_266[15] : i32 from vector<16xi32>
      %add3A_268 = arith.addi %scan3A_137, %reduce_sum3A_267 : i32
      scf.yield %add3A_268 : i32
    }
    %scan3A_47 = arith.constant 16 : i32
    %scan3A_48 = arith.constant 0 : i32
    %scan3A_49 = arith.constant 0 : i32
    %scan3A_50 = arith.constant 16 : i32
    %scan3A_51 = arith.addi %scan3A_49, %scan3A_50 : i32
    %scan3A_52 = arith.constant 1 : i32
    %scan3A_53 = scf.for %scan3A_136 = %scan3A_49 to %scan3A_51 step %scan3A_52 iter_args(%scan3A_137 = %scan3A_48) -> (i32)  : i32 {
      %mul3A_138 = arith.constant 16 : i32
      %mul3A_139 = arith.muli %scan3A_136, %mul3A_138 : i32
      %get3A = arith.index_cast %mul3A_139 : i32 to index
      %get3A_140 = tpu.vector_load %arg9[%get3A] {strides = array<i32>} : memref<256xi32, #tpu.memory_space<vmem>>, vector<16xi32>,
      %mul3A_141 = arith.constant 16 : i32
      %mul3A_142 = arith.muli %scan3A_136, %mul3A_141 : i32
      %get3A_143 = arith.index_cast %mul3A_142 : i32 to index
      %get3A_144 = tpu.vector_load %arg10[%get3A_143] {strides = array<i32>} : memref<256xi32, #tpu.memory_space<vmem>>, vector<16xi32>,
      %gt3A_145 = arith.constant 0 : i32
      %gt3A_146 = vector.broadcast %gt3A_145 : i32 to vector<16xi32>
      %gt3A_147 = arith.cmpi sgt, %get3A_140, %gt3A_146 : vector<16xi32>
      %jit3A_148 = arith.constant 1 : i32
      %jit3A_149 = arith.constant 0 : i32
      %broadcast_in_dim3A_150 = vector.broadcast %jit3A_148 : i32 to vector<16xi32>
      %broadcast_in_dim3A_151 = vector.broadcast %jit3A_149 : i32 to vector<16xi32>
      %select_n3A_152 = arith.select %gt3A_147, %broadcast_in_dim3A_150, %broadcast_in_dim3A_151 : vector<16xi1>, vector<16xi32>
      %broadcast_in_dim3A_153 = arith.constant true
      %broadcast_in_dim3A_154 = vector.broadcast %broadcast_in_dim3A_153 : i1 to vector<16xi1>
      %masked_cumsum3A = tpu.scan <sum>, %select_n3A_152 masked %broadcast_in_dim3A_154 : vector<16xi32>, vector<16xi1> -> vector<16xi32>
      %sub3A_155 = arith.subi %masked_cumsum3A, %select_n3A_152 : vector<16xi32>
      %add3A_156 = vector.broadcast %scan3A_137 : i32 to vector<16xi32>
      %add3A_157 = arith.addi %sub3A_155, %add3A_156 : vector<16xi32>
      %mul3A_158 = arith.constant 0 : i32
      %mul3A_159 = vector.broadcast %mul3A_158 : i32 to vector<16xi32>
      %mul3A_160 = arith.muli %add3A_157, %mul3A_159 : vector<16xi32>
      %mul3A_161 = arith.constant 16 : i32
      %mul3A_162 = arith.muli %scan3A_136, %mul3A_161 : i32
      %add3A_163 = arith.addi %mul3A_2, %mul3A_162 : i32
      %add3A_164 = vector.broadcast %add3A_163 : i32 to vector<16xi32>
      %add3A_165 = arith.addi %add3A_164, %iota3A : vector<16xi32>
      tpu.vector_store_idx %arg12[%add3A_157, %mul3A_160], %add3A_165 masked %gt3A_147 : memref<256x1xi32, #tpu.memory_space<vmem>>[vector<16xi32>, vector<16xi32>], vector<16xi32>, vector<16xi1>
      tpu.vector_store_idx %arg13[%add3A_157], %get3A_140 masked %gt3A_147 : memref<272xi32, #tpu.memory_space<vmem>>[vector<16xi32>], vector<16xi32>, vector<16xi1>
      tpu.vector_store_idx %arg14[%add3A_157], %get3A_144 masked %gt3A_147 : memref<272xi32, #tpu.memory_space<vmem>>[vector<16xi32>], vector<16xi32>, vector<16xi1>
      %reduce_sum3A = arith.constant true
      %reduce_sum3A_166 = vector.broadcast %reduce_sum3A : i1 to vector<16xi1>
      %reduce_sum3A_167 = tpu.scan <sum>, %select_n3A_152 masked %reduce_sum3A_166 : vector<16xi32>, vector<16xi1> -> vector<16xi32>
      %reduce_sum3A_168 = vector.extract %reduce_sum3A_167[15] : i32 from vector<16xi32>
      %add3A_169 = arith.addi %scan3A_137, %reduce_sum3A_168 : i32
      scf.yield %add3A_169 : i32
    }
    %scan3A_54 = arith.constant 16 : i32
    %gt3A_55 = arith.constant 0 : i32
    %gt3A_56 = arith.cmpi sgt, %scan3A_53, %gt3A_55 : i32
    %convert_element_type3A_57 = arith.extui %gt3A_56 : i1 to i32
    %cond3A_58 = arith.constant 0 : i32
    %cond3A_59 = arith.cmpi ne, %convert_element_type3A_57, %cond3A_58 : i32
    scf.if %cond3A_59 {
      %dma_start3A = arith.constant 0 : i32
      %dma_start3A_136 = arith.constant 0 : i32
      %dma_start3A_137 = arith.constant 0 : i32
      %dma_start3A_138 = arith.constant 0 : i32
      %dma_start3A_139 = arith.constant 0 : i32
      %dma_start3A_140 = tpu.memref_slice %arg15[%dma_start3A_136, %dma_start3A_138, %dma_start3A_139] : memref<5x1x8192xf32, #tpu.memory_space<vmem>> -> memref<1x1x8192xf32, #tpu.memory_space<vmem>>
      %dma_start3A_141 = tpu.memref_squeeze %dma_start3A_140 : memref<1x1x8192xf32, #tpu.memory_space<vmem>> -> memref<1x8192xf32, #tpu.memory_space<vmem>>
      %dma_start3A_142 = arith.constant 0 : i32
      %dma_start3A_143 = tpu.memref_slice %arg12[%dma_start3A, %dma_start3A_142] : memref<256x1xi32, #tpu.memory_space<vmem>> -> memref<1x1xi32, #tpu.memory_space<vmem>>
      %dma_start3A_144 = tpu.memref_squeeze %dma_start3A_143 : memref<1x1xi32, #tpu.memory_space<vmem>> -> memref<1xi32, #tpu.memory_space<vmem>>
      %dma_start3A_145 = arith.constant 0 : i32
      %dma_start3A_146 = arith.constant 0 : i32
      %dma_start3A_147 = tpu.memref_slice %arg2[%dma_start3A_145, %dma_start3A_146] : memref<8192x8192xf32, #tpu.memory_space<hbm>> -> memref<8192x8192xf32, #tpu.memory_space<hbm>>
      %dma_start3A_148 = tpu.memref_slice %arg16[%dma_start3A_137] : memref<5x!tpu.dma_semaphore, #tpu.memory_space<semaphore_mem>> -> memref<1x!tpu.dma_semaphore, #tpu.memory_space<semaphore_mem>>
      %dma_start3A_149 = tpu.memref_squeeze %dma_start3A_148 : memref<1x!tpu.dma_semaphore, #tpu.memory_space<semaphore_mem>> -> memref<!tpu.dma_semaphore, #tpu.memory_space<semaphore_mem>>
      tpu.enqueue_indirect_dma source(%dma_start3A_147 : memref<8192x8192xf32, #tpu.memory_space<hbm>>) target(%dma_start3A_141 : memref<1x8192xf32, #tpu.memory_space<vmem>>) offsets(%dma_start3A_144 : memref<1xi32, #tpu.memory_space<vmem>>) semaphore(%dma_start3A_149 : memref<!tpu.dma_semaphore, #tpu.memory_space<semaphore_mem>>)
    } else {
    }
    %gt3A_60 = arith.constant 1 : i32
    %gt3A_61 = arith.cmpi sgt, %scan3A_53, %gt3A_60 : i32
    %convert_element_type3A_62 = arith.extui %gt3A_61 : i1 to i32
    %cond3A_63 = arith.constant 0 : i32
    %cond3A_64 = arith.cmpi ne, %convert_element_type3A_62, %cond3A_63 : i32
    scf.if %cond3A_64 {
      %dma_start3A = arith.constant 1 : i32
      %dma_start3A_136 = arith.constant 1 : i32
      %dma_start3A_137 = arith.constant 1 : i32
      %dma_start3A_138 = arith.constant 0 : i32
      %dma_start3A_139 = arith.constant 0 : i32
      %dma_start3A_140 = tpu.memref_slice %arg15[%dma_start3A_136, %dma_start3A_138, %dma_start3A_139] : memref<5x1x8192xf32, #tpu.memory_space<vmem>> -> memref<1x1x8192xf32, #tpu.memory_space<vmem>>
      %dma_start3A_141 = tpu.memref_squeeze %dma_start3A_140 : memref<1x1x8192xf32, #tpu.memory_space<vmem>> -> memref<1x8192xf32, #tpu.memory_space<vmem>>
      %dma_start3A_142 = arith.constant 0 : i32
      %dma_start3A_143 = tpu.memref_slice %arg12[%dma_start3A, %dma_start3A_142] : memref<256x1xi32, #tpu.memory_space<vmem>> -> memref<1x1xi32, #tpu.memory_space<vmem>>
      %dma_start3A_144 = tpu.memref_squeeze %dma_start3A_143 : memref<1x1xi32, #tpu.memory_space<vmem>> -> memref<1xi32, #tpu.memory_space<vmem>>
      %dma_start3A_145 = arith.constant 0 : i32
      %dma_start3A_146 = arith.constant 0 : i32
      %dma_start3A_147 = tpu.memref_slice %arg2[%dma_start3A_145, %dma_start3A_146] : memref<8192x8192xf32, #tpu.memory_space<hbm>> -> memref<8192x8192xf32, #tpu.memory_space<hbm>>
      %dma_start3A_148 = tpu.memref_slice %arg16[%dma_start3A_137] : memref<5x!tpu.dma_semaphore, #tpu.memory_space<semaphore_mem>> -> memref<1x!tpu.dma_semaphore, #tpu.memory_space<semaphore_mem>>
      %dma_start3A_149 = tpu.memref_squeeze %dma_start3A_148 : memref<1x!tpu.dma_semaphore, #tpu.memory_space<semaphore_mem>> -> memref<!tpu.dma_semaphore, #tpu.memory_space<semaphore_mem>>
      tpu.enqueue_indirect_dma source(%dma_start3A_147 : memref<8192x8192xf32, #tpu.memory_space<hbm>>) target(%dma_start3A_141 : memref<1x8192xf32, #tpu.memory_space<vmem>>) offsets(%dma_start3A_144 : memref<1xi32, #tpu.memory_space<vmem>>) semaphore(%dma_start3A_149 : memref<!tpu.dma_semaphore, #tpu.memory_space<semaphore_mem>>)
    } else {
    }
    %gt3A_65 = arith.constant 2 : i32
    %gt3A_66 = arith.cmpi sgt, %scan3A_53, %gt3A_65 : i32
    %convert_element_type3A_67 = arith.extui %gt3A_66 : i1 to i32
    %cond3A_68 = arith.constant 0 : i32
    %cond3A_69 = arith.cmpi ne, %convert_element_type3A_67, %cond3A_68 : i32
    scf.if %cond3A_69 {
      %dma_start3A = arith.constant 2 : i32
      %dma_start3A_136 = arith.constant 2 : i32
      %dma_start3A_137 = arith.constant 2 : i32
      %dma_start3A_138 = arith.constant 0 : i32
      %dma_start3A_139 = arith.constant 0 : i32
      %dma_start3A_140 = tpu.memref_slice %arg15[%dma_start3A_136, %dma_start3A_138, %dma_start3A_139] : memref<5x1x8192xf32, #tpu.memory_space<vmem>> -> memref<1x1x8192xf32, #tpu.memory_space<vmem>>
      %dma_start3A_141 = tpu.memref_squeeze %dma_start3A_140 : memref<1x1x8192xf32, #tpu.memory_space<vmem>> -> memref<1x8192xf32, #tpu.memory_space<vmem>>
      %dma_start3A_142 = arith.constant 0 : i32
      %dma_start3A_143 = tpu.memref_slice %arg12[%dma_start3A, %dma_start3A_142] : memref<256x1xi32, #tpu.memory_space<vmem>> -> memref<1x1xi32, #tpu.memory_space<vmem>>
      %dma_start3A_144 = tpu.memref_squeeze %dma_start3A_143 : memref<1x1xi32, #tpu.memory_space<vmem>> -> memref<1xi32, #tpu.memory_space<vmem>>
      %dma_start3A_145 = arith.constant 0 : i32
      %dma_start3A_146 = arith.constant 0 : i32
      %dma_start3A_147 = tpu.memref_slice %arg2[%dma_start3A_145, %dma_start3A_146] : memref<8192x8192xf32, #tpu.memory_space<hbm>> -> memref<8192x8192xf32, #tpu.memory_space<hbm>>
      %dma_start3A_148 = tpu.memref_slice %arg16[%dma_start3A_137] : memref<5x!tpu.dma_semaphore, #tpu.memory_space<semaphore_mem>> -> memref<1x!tpu.dma_semaphore, #tpu.memory_space<semaphore_mem>>
      %dma_start3A_149 = tpu.memref_squeeze %dma_start3A_148 : memref<1x!tpu.dma_semaphore, #tpu.memory_space<semaphore_mem>> -> memref<!tpu.dma_semaphore, #tpu.memory_space<semaphore_mem>>
      tpu.enqueue_indirect_dma source(%dma_start3A_147 : memref<8192x8192xf32, #tpu.memory_space<hbm>>) target(%dma_start3A_141 : memref<1x8192xf32, #tpu.memory_space<vmem>>) offsets(%dma_start3A_144 : memref<1xi32, #tpu.memory_space<vmem>>) semaphore(%dma_start3A_149 : memref<!tpu.dma_semaphore, #tpu.memory_space<semaphore_mem>>)
    } else {
    }
    %while3A_70 = arith.constant 0 : i32
    %while3A_71 = arith.constant 0 : i32
    %while3A_72 = arith.subi %select_n3A, %while3A_71 : i32
    %while3A_73 = arith.addi %while3A_71, %while3A_72 : i32
    %while3A_74 = arith.constant 1 : i32
    %while3A_75 = arith.divsi %while3A_72, %while3A_74 : i32
    %while3A_76 = arith.muli %while3A_75, %while3A_74 : i32
    %while3A_77 = arith.addi %while3A_71, %while3A_76 : i32
    %while3A_78 = arith.constant 1 : i32
    scf.for %while3A_136 = %while3A_71 to %while3A_77 step %while3A_78  : i32 {
      %mul3A_137 = arith.constant 16 : i32
      %mul3A_138 = arith.muli %while3A_136, %mul3A_137 : i32
      %get3A = arith.index_cast %mul3A_138 : i32 to index
      %get3A_139 = tpu.vector_load %arg6[%get3A] {strides = array<i32>} : memref<16384xi32, #tpu.memory_space<vmem>>, vector<16xi32>,
      %mul3A_140 = arith.constant 16 : i32
      %mul3A_141 = arith.muli %while3A_136, %mul3A_140 : i32
      %get3A_142 = arith.index_cast %mul3A_141 : i32 to index
      %get3A_143 = tpu.vector_load %arg7[%get3A_142] {strides = array<i32>} : memref<16384xi32, #tpu.memory_space<vmem>>, vector<16xi32>,
      %eq3A = arith.cmpi eq, %get3A_139, %get3A_139 : vector<16xi32>
      %jit3A_144 = arith.constant 0 : i32
      %broadcast_in_dim3A_145 = vector.broadcast %jit3A_144 : i32 to vector<16xi32>
      %select_n3A_146 = arith.select %eq3A, %get3A_139, %broadcast_in_dim3A_145 : vector<16xi1>, vector<16xi32>
      %unique3A, %unique3A_147 = tpu.scan_count mask(%eq3A : vector<16xi1>) value(%select_n3A_146 : vector<16xi32>) : vector<16xi1>, vector<16xi32>
      %gather3A = tpu.vector_load_idx %arg11[%select_n3A_146] : memref<256xi32, #tpu.memory_space<vmem>>[vector<16xi32>], vector<16xi32>,
      %add3A_148 = arith.addi %gather3A, %unique3A_147 : vector<16xi32>
      %sub3A_149 = arith.constant 1 : i32
      %sub3A_150 = vector.broadcast %sub3A_149 : i32 to vector<16xi32>
      %sub3A_151 = arith.subi %add3A_148, %sub3A_150 : vector<16xi32>
      tpu.vector_store_idx %arg5[%sub3A_151], %get3A_143 masked %eq3A : memref<16400xi32, #tpu.memory_space<vmem>>[vector<16xi32>], vector<16xi32>, vector<16xi1>
      %add3A_152 = arith.addi %gather3A, %unique3A_147 : vector<16xi32>
      tpu.vector_store_idx %arg11[%select_n3A_146], %add3A_152 masked %unique3A : memref<256xi32, #tpu.memory_space<vmem>>[vector<16xi32>], vector<16xi32>, vector<16xi1>
    }
    %while3A_79 = arith.constant 1 : i32
    scf.for %while3A_136 = %while3A_77 to %while3A_73 step %while3A_79  : i32 {
      %mul3A_137 = arith.constant 16 : i32
      %mul3A_138 = arith.muli %while3A_136, %mul3A_137 : i32
      %get3A = arith.index_cast %mul3A_138 : i32 to index
      %get3A_139 = tpu.vector_load %arg6[%get3A] {strides = array<i32>} : memref<16384xi32, #tpu.memory_space<vmem>>, vector<16xi32>,
      %mul3A_140 = arith.constant 16 : i32
      %mul3A_141 = arith.muli %while3A_136, %mul3A_140 : i32
      %get3A_142 = arith.index_cast %mul3A_141 : i32 to index
      %get3A_143 = tpu.vector_load %arg7[%get3A_142] {strides = array<i32>} : memref<16384xi32, #tpu.memory_space<vmem>>, vector<16xi32>,
      %eq3A = arith.cmpi eq, %get3A_139, %get3A_139 : vector<16xi32>
      %jit3A_144 = arith.constant 0 : i32
      %broadcast_in_dim3A_145 = vector.broadcast %jit3A_144 : i32 to vector<16xi32>
      %select_n3A_146 = arith.select %eq3A, %get3A_139, %broadcast_in_dim3A_145 : vector<16xi1>, vector<16xi32>
      %unique3A, %unique3A_147 = tpu.scan_count mask(%eq3A : vector<16xi1>) value(%select_n3A_146 : vector<16xi32>) : vector<16xi1>, vector<16xi32>
      %gather3A = tpu.vector_load_idx %arg11[%select_n3A_146] : memref<256xi32, #tpu.memory_space<vmem>>[vector<16xi32>], vector<16xi32>,
      %add3A_148 = arith.addi %gather3A, %unique3A_147 : vector<16xi32>
      %sub3A_149 = arith.constant 1 : i32
      %sub3A_150 = vector.broadcast %sub3A_149 : i32 to vector<16xi32>
      %sub3A_151 = arith.subi %add3A_148, %sub3A_150 : vector<16xi32>
      tpu.vector_store_idx %arg5[%sub3A_151], %get3A_143 masked %eq3A : memref<16400xi32, #tpu.memory_space<vmem>>[vector<16xi32>], vector<16xi32>, vector<16xi1>
      %add3A_152 = arith.addi %gather3A, %unique3A_147 : vector<16xi32>
      tpu.vector_store_idx %arg11[%select_n3A_146], %add3A_152 masked %unique3A : memref<256xi32, #tpu.memory_space<vmem>>[vector<16xi32>], vector<16xi32>, vector<16xi1>
    }
    %gt3A_80 = arith.constant 0 : i32
    %gt3A_81 = arith.cmpi sgt, %sub3A_30, %gt3A_80 : i32
    %convert_element_type3A_82 = arith.extui %gt3A_81 : i1 to i32
    %cond3A_83 = arith.constant 0 : i32
    %cond3A_84 = arith.cmpi ne, %convert_element_type3A_82, %cond3A_83 : i32
    scf.if %cond3A_84 {
      %mul3A_136 = arith.constant 16 : i32
      %mul3A_137 = arith.muli %select_n3A, %mul3A_136 : i32
      %get3A = arith.index_cast %mul3A_137 : i32 to index
      %get3A_138 = tpu.vector_load %arg6[%get3A] {strides = array<i32>} : memref<16384xi32, #tpu.memory_space<vmem>>, vector<16xi32>,
      %mul3A_139 = arith.constant 16 : i32
      %mul3A_140 = arith.muli %select_n3A, %mul3A_139 : i32
      %get3A_141 = arith.index_cast %mul3A_140 : i32 to index
      %get3A_142 = tpu.vector_load %arg7[%get3A_141] {strides = array<i32>} : memref<16384xi32, #tpu.memory_space<vmem>>, vector<16xi32>,
      %lt3A = vector.broadcast %sub3A_30 : i32 to vector<16xi32>
      %lt3A_143 = arith.cmpi slt, %iota3A, %lt3A : vector<16xi32>
      %jit3A_144 = arith.constant 0 : i32
      %broadcast_in_dim3A_145 = vector.broadcast %jit3A_144 : i32 to vector<16xi32>
      %select_n3A_146 = arith.select %lt3A_143, %get3A_138, %broadcast_in_dim3A_145 : vector<16xi1>, vector<16xi32>
      %unique3A, %unique3A_147 = tpu.scan_count mask(%lt3A_143 : vector<16xi1>) value(%select_n3A_146 : vector<16xi32>) : vector<16xi1>, vector<16xi32>
      %gather3A = tpu.vector_load_idx %arg11[%select_n3A_146] : memref<256xi32, #tpu.memory_space<vmem>>[vector<16xi32>], vector<16xi32>,
      %add3A_148 = arith.addi %gather3A, %unique3A_147 : vector<16xi32>
      %sub3A_149 = arith.constant 1 : i32
      %sub3A_150 = vector.broadcast %sub3A_149 : i32 to vector<16xi32>
      %sub3A_151 = arith.subi %add3A_148, %sub3A_150 : vector<16xi32>
      tpu.vector_store_idx %arg5[%sub3A_151], %get3A_142 masked %lt3A_143 : memref<16400xi32, #tpu.memory_space<vmem>>[vector<16xi32>], vector<16xi32>, vector<16xi1>
      %add3A_152 = arith.addi %gather3A, %unique3A_147 : vector<16xi32>
      tpu.vector_store_idx %arg11[%select_n3A_146], %add3A_152 masked %unique3A : memref<256xi32, #tpu.memory_space<vmem>>[vector<16xi32>], vector<16xi32>, vector<16xi1>
    } else {
    }
    %add3A_85 = arith.constant 5 : i32
    %add3A_86 = arith.addi %scan3A_53, %add3A_85 : i32
    %sub3A_87 = arith.constant 1 : i32
    %sub3A_88 = arith.subi %add3A_86, %sub3A_87 : i32
    %jit3A_89 = arith.constant 5 : i32
    %div3A_90 = arith.divsi %sub3A_88, %jit3A_89 : i32
    %sign3A_91 = arith.constant 0 : i32
    %sign3A_92 = arith.cmpi sgt, %sub3A_88, %sign3A_91 : i32
    %sign3A_93 = arith.extui %sign3A_92 : i1 to i32
    %sign3A_94 = arith.constant 0 : i32
    %sign3A_95 = arith.cmpi slt, %sub3A_88, %sign3A_94 : i32
    %sign3A_96 = arith.extui %sign3A_95 : i1 to i32
    %sign3A_97 = arith.subi %sign3A_93, %sign3A_96 : i32
    %sign3A_98 = arith.constant 0 : i32
    %sign3A_99 = arith.cmpi sgt, %jit3A_89, %sign3A_98 : i32
    %sign3A_100 = arith.extui %sign3A_99 : i1 to i32
    %sign3A_101 = arith.constant 0 : i32
    %sign3A_102 = arith.cmpi slt, %jit3A_89, %sign3A_101 : i32
    %sign3A_103 = arith.extui %sign3A_102 : i1 to i32
    %sign3A_104 = arith.subi %sign3A_100, %sign3A_103 : i32
    %ne3A_105 = arith.cmpi ne, %sign3A_97, %sign3A_104 : i32
    %rem3A_106 = arith.remsi %sub3A_88, %jit3A_89 : i32
    %ne3A_107 = arith.constant 0 : i32
    %ne3A_108 = arith.cmpi ne, %rem3A_106, %ne3A_107 : i32
    %and3A_109 = arith.andi %ne3A_105, %ne3A_108 : i1
    %sub3A_110 = arith.constant 1 : i32
    %sub3A_111 = arith.subi %div3A_90, %sub3A_110 : i32
    %select_n3A_112 = arith.select %and3A_109, %sub3A_111, %div3A_90 : i32
    %while3A_113 = arith.constant 0 : i32
    %while3A_114 = arith.constant 0 : i32
    %while3A_115 = arith.subi %select_n3A_112, %while3A_113 : i32
    %while3A_116 = arith.addi %while3A_113, %while3A_115 : i32
    %while3A_117 = arith.constant 1 : i32
    %while3A_118 = arith.divsi %while3A_115, %while3A_117 : i32
    %while3A_119 = arith.muli %while3A_118, %while3A_117 : i32
    %while3A_120 = arith.addi %while3A_113, %while3A_119 : i32
    %while3A_121 = arith.constant 1 : i32
    %while3A_122 = scf.for %while3A_136 = %while3A_113 to %while3A_120 step %while3A_121 iter_args(%while3A_137 = %while3A_114) -> (i32)  : i32 {
      %mul3A_138 = arith.constant 5 : i32
      %mul3A_139 = arith.muli %while3A_136, %mul3A_138 : i32
      %add3A_140 = arith.constant 0 : i32
      %add3A_141 = arith.addi %mul3A_139, %add3A_140 : i32
      %lt3A = arith.cmpi slt, %add3A_141, %scan3A_53 : i32
      %convert_element_type3A_142 = arith.extui %lt3A : i1 to i32
      %cond3A_143 = arith.constant 0 : i32
      %cond3A_144 = arith.cmpi ne, %convert_element_type3A_142, %cond3A_143 : i32
      %cond3A_145 = scf.if %cond3A_144 -> (i32) {
        %jit3A_182 = arith.constant 8 : i32
        %div3A_183 = arith.divsi %add3A_141, %jit3A_182 : i32
        %sign3A_184 = arith.constant 0 : i32
        %sign3A_185 = arith.cmpi sgt, %add3A_141, %sign3A_184 : i32
        %sign3A_186 = arith.extui %sign3A_185 : i1 to i32
        %sign3A_187 = arith.constant 0 : i32
        %sign3A_188 = arith.cmpi slt, %add3A_141, %sign3A_187 : i32
        %sign3A_189 = arith.extui %sign3A_188 : i1 to i32
        %sign3A_190 = arith.subi %sign3A_186, %sign3A_189 : i32
        %sign3A_191 = arith.constant 0 : i32
        %sign3A_192 = arith.cmpi sgt, %jit3A_182, %sign3A_191 : i32
        %sign3A_193 = arith.extui %sign3A_192 : i1 to i32
        %sign3A_194 = arith.constant 0 : i32
        %sign3A_195 = arith.cmpi slt, %jit3A_182, %sign3A_194 : i32
        %sign3A_196 = arith.extui %sign3A_195 : i1 to i32
        %sign3A_197 = arith.subi %sign3A_193, %sign3A_196 : i32
        %ne3A_198 = arith.cmpi ne, %sign3A_190, %sign3A_197 : i32
        %rem3A_199 = arith.remsi %add3A_141, %jit3A_182 : i32
        %ne3A_200 = arith.constant 0 : i32
        %ne3A_201 = arith.cmpi ne, %rem3A_199, %ne3A_200 : i32
        %and3A_202 = arith.andi %ne3A_198, %ne3A_201 : i1
        %sub3A_203 = arith.constant 1 : i32
        %sub3A_204 = arith.subi %div3A_183, %sub3A_203 : i32
        %select_n3A_205 = arith.select %and3A_202, %sub3A_204, %div3A_183 : i32
        %mul3A_206 = arith.constant 8 : i32
        %mul3A_207 = arith.muli %select_n3A_205, %mul3A_206 : i32
        %get3A = arith.index_cast %mul3A_207 : i32 to index
        %get3A_208 = tpu.vector_load %arg13[%get3A] {strides = array<i32>} : memref<272xi32, #tpu.memory_space<vmem>>, vector<16xi32>,
        %sub3A_209 = arith.subi %add3A_141, %mul3A_207 : i32
        %eq3A = vector.broadcast %sub3A_209 : i32 to vector<16xi32>
        %eq3A_210 = arith.cmpi eq, %iota3A, %eq3A : vector<16xi32>
        %jit3A_211 = arith.constant 0 : i32
        %broadcast_in_dim3A_212 = vector.broadcast %jit3A_211 : i32 to vector<16xi32>
        %select_n3A_213 = arith.select %eq3A_210, %get3A_208, %broadcast_in_dim3A_212 : vector<16xi1>, vector<16xi32>
        %reduce_sum3A = arith.constant true
        %reduce_sum3A_214 = vector.broadcast %reduce_sum3A : i1 to vector<16xi1>
        %reduce_sum3A_215 = tpu.scan <sum>, %select_n3A_213 masked %reduce_sum3A_214 : vector<16xi32>, vector<16xi1> -> vector<16xi32>
        %reduce_sum3A_216 = vector.extract %reduce_sum3A_215[15] : i32 from vector<16xi32>
        %jit3A_217 = arith.constant 8 : i32
        %div3A_218 = arith.divsi %add3A_141, %jit3A_217 : i32
        %sign3A_219 = arith.constant 0 : i32
        %sign3A_220 = arith.cmpi sgt, %add3A_141, %sign3A_219 : i32
        %sign3A_221 = arith.extui %sign3A_220 : i1 to i32
        %sign3A_222 = arith.constant 0 : i32
        %sign3A_223 = arith.cmpi slt, %add3A_141, %sign3A_222 : i32
        %sign3A_224 = arith.extui %sign3A_223 : i1 to i32
        %sign3A_225 = arith.subi %sign3A_221, %sign3A_224 : i32
        %sign3A_226 = arith.constant 0 : i32
        %sign3A_227 = arith.cmpi sgt, %jit3A_217, %sign3A_226 : i32
        %sign3A_228 = arith.extui %sign3A_227 : i1 to i32
        %sign3A_229 = arith.constant 0 : i32
        %sign3A_230 = arith.cmpi slt, %jit3A_217, %sign3A_229 : i32
        %sign3A_231 = arith.extui %sign3A_230 : i1 to i32
        %sign3A_232 = arith.subi %sign3A_228, %sign3A_231 : i32
        %ne3A_233 = arith.cmpi ne, %sign3A_225, %sign3A_232 : i32
        %rem3A_234 = arith.remsi %add3A_141, %jit3A_217 : i32
        %ne3A_235 = arith.constant 0 : i32
        %ne3A_236 = arith.cmpi ne, %rem3A_234, %ne3A_235 : i32
        %and3A_237 = arith.andi %ne3A_233, %ne3A_236 : i1
        %sub3A_238 = arith.constant 1 : i32
        %sub3A_239 = arith.subi %div3A_218, %sub3A_238 : i32
        %select_n3A_240 = arith.select %and3A_237, %sub3A_239, %div3A_218 : i32
        %mul3A_241 = arith.constant 8 : i32
        %mul3A_242 = arith.muli %select_n3A_240, %mul3A_241 : i32
        %get3A_243 = arith.index_cast %mul3A_242 : i32 to index
        %get3A_244 = tpu.vector_load %arg14[%get3A_243] {strides = array<i32>} : memref<272xi32, #tpu.memory_space<vmem>>, vector<16xi32>,
        %sub3A_245 = arith.subi %add3A_141, %mul3A_242 : i32
        %eq3A_246 = vector.broadcast %sub3A_245 : i32 to vector<16xi32>
        %eq3A_247 = arith.cmpi eq, %iota3A, %eq3A_246 : vector<16xi32>
        %jit3A_248 = arith.constant 0 : i32
        %broadcast_in_dim3A_249 = vector.broadcast %jit3A_248 : i32 to vector<16xi32>
        %select_n3A_250 = arith.select %eq3A_247, %get3A_244, %broadcast_in_dim3A_249 : vector<16xi1>, vector<16xi32>
        %reduce_sum3A_251 = arith.constant true
        %reduce_sum3A_252 = vector.broadcast %reduce_sum3A_251 : i1 to vector<16xi1>
        %reduce_sum3A_253 = tpu.scan <sum>, %select_n3A_250 masked %reduce_sum3A_252 : vector<16xi32>, vector<16xi1> -> vector<16xi32>
        %reduce_sum3A_254 = vector.extract %reduce_sum3A_253[15] : i32 from vector<16xi32>
        %dma_wait3A = arith.constant 0 : i32
        %dma_wait3A_255 = arith.constant 0 : i32
        %dma_wait3A_256 = arith.constant 0 : i32
        %dma_wait3A_257 = arith.constant 0 : i32
        %dma_wait3A_258 = arith.constant 0 : i32
        %dma_wait3A_259 = tpu.memref_slice %arg15[%dma_wait3A_255, %dma_wait3A_257, %dma_wait3A_258] : memref<5x1x8192xf32, #tpu.memory_space<vmem>> -> memref<1x1x8192xf32, #tpu.memory_space<vmem>>
        %dma_wait3A_260 = tpu.memref_squeeze %dma_wait3A_259 : memref<1x1x8192xf32, #tpu.memory_space<vmem>> -> memref<1x8192xf32, #tpu.memory_space<vmem>>
        %dma_wait3A_261 = arith.constant 0 : i32
        %dma_wait3A_262 = tpu.memref_slice %arg12[%dma_wait3A, %dma_wait3A_261] : memref<256x1xi32, #tpu.memory_space<vmem>> -> memref<1x1xi32, #tpu.memory_space<vmem>>
        %dma_wait3A_263 = tpu.memref_squeeze %dma_wait3A_262 : memref<1x1xi32, #tpu.memory_space<vmem>> -> memref<1xi32, #tpu.memory_space<vmem>>
        %dma_wait3A_264 = arith.constant 0 : i32
        %dma_wait3A_265 = arith.constant 0 : i32
        %dma_wait3A_266 = tpu.memref_slice %arg2[%dma_wait3A_264, %dma_wait3A_265] : memref<8192x8192xf32, #tpu.memory_space<hbm>> -> memref<8192x8192xf32, #tpu.memory_space<hbm>>
        %dma_wait3A_267 = tpu.memref_slice %arg16[%dma_wait3A_256] : memref<5x!tpu.dma_semaphore, #tpu.memory_space<semaphore_mem>> -> memref<1x!tpu.dma_semaphore, #tpu.memory_space<semaphore_mem>>
        %dma_wait3A_268 = tpu.memref_squeeze %dma_wait3A_267 : memref<1x!tpu.dma_semaphore, #tpu.memory_space<semaphore_mem>> -> memref<!tpu.dma_semaphore, #tpu.memory_space<semaphore_mem>>
        tpu.wait_indirect_dma semaphore(%dma_wait3A_268 : memref<!tpu.dma_semaphore, #tpu.memory_space<semaphore_mem>>) src(%dma_wait3A_266 : memref<8192x8192xf32, #tpu.memory_space<hbm>>) dst(%dma_wait3A_260 : memref<1x8192xf32, #tpu.memory_space<vmem>>)
        %while3A_269 = arith.constant 0 : i32
        %while3A_270 = arith.constant 0 : i32
        %while3A_271 = arith.subi %reduce_sum3A_216, %while3A_270 : i32
        %while3A_272 = arith.addi %while3A_270, %while3A_271 : i32
        %while3A_273 = arith.constant 1 : i32
        %while3A_274 = arith.divsi %while3A_271, %while3A_273 : i32
        %while3A_275 = arith.muli %while3A_274, %while3A_273 : i32
        %while3A_276 = arith.addi %while3A_270, %while3A_275 : i32
        %while3A_277 = arith.constant 1 : i32
        scf.for %while3A_286 = %while3A_270 to %while3A_276 step %while3A_277  : i32 {
          %add3A_287 = arith.addi %reduce_sum3A_254, %while3A_286 : i32
          %jit3A_288 = arith.constant 8 : i32
          %div3A_289 = arith.divsi %add3A_287, %jit3A_288 : i32
          %sign3A_290 = arith.constant 0 : i32
          %sign3A_291 = arith.cmpi sgt, %add3A_287, %sign3A_290 : i32
          %sign3A_292 = arith.extui %sign3A_291 : i1 to i32
          %sign3A_293 = arith.constant 0 : i32
          %sign3A_294 = arith.cmpi slt, %add3A_287, %sign3A_293 : i32
          %sign3A_295 = arith.extui %sign3A_294 : i1 to i32
          %sign3A_296 = arith.subi %sign3A_292, %sign3A_295 : i32
          %sign3A_297 = arith.constant 0 : i32
          %sign3A_298 = arith.cmpi sgt, %jit3A_288, %sign3A_297 : i32
          %sign3A_299 = arith.extui %sign3A_298 : i1 to i32
          %sign3A_300 = arith.constant 0 : i32
          %sign3A_301 = arith.cmpi slt, %jit3A_288, %sign3A_300 : i32
          %sign3A_302 = arith.extui %sign3A_301 : i1 to i32
          %sign3A_303 = arith.subi %sign3A_299, %sign3A_302 : i32
          %ne3A_304 = arith.cmpi ne, %sign3A_296, %sign3A_303 : i32
          %rem3A_305 = arith.remsi %add3A_287, %jit3A_288 : i32
          %ne3A_306 = arith.constant 0 : i32
          %ne3A_307 = arith.cmpi ne, %rem3A_305, %ne3A_306 : i32
          %and3A_308 = arith.andi %ne3A_304, %ne3A_307 : i1
          %sub3A_309 = arith.constant 1 : i32
          %sub3A_310 = arith.subi %div3A_289, %sub3A_309 : i32
          %select_n3A_311 = arith.select %and3A_308, %sub3A_310, %div3A_289 : i32
          %mul3A_312 = arith.constant 8 : i32
          %mul3A_313 = arith.muli %select_n3A_311, %mul3A_312 : i32
          %get3A_314 = arith.index_cast %mul3A_313 : i32 to index
          %get3A_315 = tpu.vector_load %arg5[%get3A_314] {strides = array<i32>} : memref<16400xi32, #tpu.memory_space<vmem>>, vector<16xi32>,
          %sub3A_316 = arith.subi %add3A_287, %mul3A_313 : i32
          %eq3A_317 = vector.broadcast %sub3A_316 : i32 to vector<16xi32>
          %eq3A_318 = arith.cmpi eq, %iota3A, %eq3A_317 : vector<16xi32>
          %jit3A_319 = arith.constant 0 : i32
          %broadcast_in_dim3A_320 = vector.broadcast %jit3A_319 : i32 to vector<16xi32>
          %select_n3A_321 = arith.select %eq3A_318, %get3A_315, %broadcast_in_dim3A_320 : vector<16xi1>, vector<16xi32>
          %reduce_sum3A_322 = arith.constant true
          %reduce_sum3A_323 = vector.broadcast %reduce_sum3A_322 : i1 to vector<16xi1>
          %reduce_sum3A_324 = tpu.scan <sum>, %select_n3A_321 masked %reduce_sum3A_323 : vector<16xi32>, vector<16xi1> -> vector<16xi32>
          %reduce_sum3A_325 = vector.extract %reduce_sum3A_324[15] : i32 from vector<16xi32>
          %dma_start3A = arith.constant 0 : i32
          %dma_start3A_326 = arith.constant 0 : i32
          %dma_start3A_327 = arith.constant 0 : i32
          %dma_start3A_328 = tpu.memref_slice %arg15[%dma_start3A, %dma_start3A_326, %dma_start3A_327] : memref<5x1x8192xf32, #tpu.memory_space<vmem>> -> memref<1x1x8192xf32, #tpu.memory_space<vmem>>
          %dma_start3A_329 = tpu.memref_squeeze %dma_start3A_328 : memref<1x1x8192xf32, #tpu.memory_space<vmem>> -> memref<1x8192xf32, #tpu.memory_space<vmem>>
          %dma_start3A_330 = arith.constant 0 : i32
          %dma_start3A_331 = tpu.memref_slice %arg4[%reduce_sum3A_325, %dma_start3A_330] : memref<16384x8192xf32, #tpu.memory_space<hbm>> -> memref<1x8192xf32, #tpu.memory_space<hbm>>
          %dma_start3A_332 = arith.constant 0 : i32
          %dma_start3A_333 = tpu.memref_slice %arg4[%reduce_sum3A_325, %dma_start3A_332] : memref<16384x8192xf32, #tpu.memory_space<hbm>> -> memref<1x8192xf32, #tpu.memory_space<hbm>>
          %dma_start3A_334 = arith.constant 0 : i32
          %dma_start3A_335 = arith.constant 0 : i32
          %dma_start3A_336 = tpu.memref_slice %arg15[%dma_start3A, %dma_start3A_334, %dma_start3A_335] : memref<5x1x8192xf32, #tpu.memory_space<vmem>> -> memref<1x1x8192xf32, #tpu.memory_space<vmem>>
          %dma_start3A_337 = tpu.memref_squeeze %dma_start3A_336 : memref<1x1x8192xf32, #tpu.memory_space<vmem>> -> memref<1x8192xf32, #tpu.memory_space<vmem>>
          tpu.enqueue_dma source(%dma_start3A_337 : memref<1x8192xf32, #tpu.memory_space<vmem>>) target(%dma_start3A_333 : memref<1x8192xf32, #tpu.memory_space<hbm>>) target_semaphore(%arg17 : memref<!tpu.dma_semaphore, #tpu.memory_space<semaphore_mem>>)
        }
        %while3A_278 = arith.constant 1 : i32
        scf.for %while3A_286 = %while3A_276 to %while3A_272 step %while3A_278  : i32 {
          %add3A_287 = arith.addi %reduce_sum3A_254, %while3A_286 : i32
          %jit3A_288 = arith.constant 8 : i32
          %div3A_289 = arith.divsi %add3A_287, %jit3A_288 : i32
          %sign3A_290 = arith.constant 0 : i32
          %sign3A_291 = arith.cmpi sgt, %add3A_287, %sign3A_290 : i32
          %sign3A_292 = arith.extui %sign3A_291 : i1 to i32
          %sign3A_293 = arith.constant 0 : i32
          %sign3A_294 = arith.cmpi slt, %add3A_287, %sign3A_293 : i32
          %sign3A_295 = arith.extui %sign3A_294 : i1 to i32
          %sign3A_296 = arith.subi %sign3A_292, %sign3A_295 : i32
          %sign3A_297 = arith.constant 0 : i32
          %sign3A_298 = arith.cmpi sgt, %jit3A_288, %sign3A_297 : i32
          %sign3A_299 = arith.extui %sign3A_298 : i1 to i32
          %sign3A_300 = arith.constant 0 : i32
          %sign3A_301 = arith.cmpi slt, %jit3A_288, %sign3A_300 : i32
          %sign3A_302 = arith.extui %sign3A_301 : i1 to i32
          %sign3A_303 = arith.subi %sign3A_299, %sign3A_302 : i32
          %ne3A_304 = arith.cmpi ne, %sign3A_296, %sign3A_303 : i32
          %rem3A_305 = arith.remsi %add3A_287, %jit3A_288 : i32
          %ne3A_306 = arith.constant 0 : i32
          %ne3A_307 = arith.cmpi ne, %rem3A_305, %ne3A_306 : i32
          %and3A_308 = arith.andi %ne3A_304, %ne3A_307 : i1
          %sub3A_309 = arith.constant 1 : i32
          %sub3A_310 = arith.subi %div3A_289, %sub3A_309 : i32
          %select_n3A_311 = arith.select %and3A_308, %sub3A_310, %div3A_289 : i32
          %mul3A_312 = arith.constant 8 : i32
          %mul3A_313 = arith.muli %select_n3A_311, %mul3A_312 : i32
          %get3A_314 = arith.index_cast %mul3A_313 : i32 to index
          %get3A_315 = tpu.vector_load %arg5[%get3A_314] {strides = array<i32>} : memref<16400xi32, #tpu.memory_space<vmem>>, vector<16xi32>,
          %sub3A_316 = arith.subi %add3A_287, %mul3A_313 : i32
          %eq3A_317 = vector.broadcast %sub3A_316 : i32 to vector<16xi32>
          %eq3A_318 = arith.cmpi eq, %iota3A, %eq3A_317 : vector<16xi32>
          %jit3A_319 = arith.constant 0 : i32
          %broadcast_in_dim3A_320 = vector.broadcast %jit3A_319 : i32 to vector<16xi32>
          %select_n3A_321 = arith.select %eq3A_318, %get3A_315, %broadcast_in_dim3A_320 : vector<16xi1>, vector<16xi32>
          %reduce_sum3A_322 = arith.constant true
          %reduce_sum3A_323 = vector.broadcast %reduce_sum3A_322 : i1 to vector<16xi1>
          %reduce_sum3A_324 = tpu.scan <sum>, %select_n3A_321 masked %reduce_sum3A_323 : vector<16xi32>, vector<16xi1> -> vector<16xi32>
          %reduce_sum3A_325 = vector.extract %reduce_sum3A_324[15] : i32 from vector<16xi32>
          %dma_start3A = arith.constant 0 : i32
          %dma_start3A_326 = arith.constant 0 : i32
          %dma_start3A_327 = arith.constant 0 : i32
          %dma_start3A_328 = tpu.memref_slice %arg15[%dma_start3A, %dma_start3A_326, %dma_start3A_327] : memref<5x1x8192xf32, #tpu.memory_space<vmem>> -> memref<1x1x8192xf32, #tpu.memory_space<vmem>>
          %dma_start3A_329 = tpu.memref_squeeze %dma_start3A_328 : memref<1x1x8192xf32, #tpu.memory_space<vmem>> -> memref<1x8192xf32, #tpu.memory_space<vmem>>
          %dma_start3A_330 = arith.constant 0 : i32
          %dma_start3A_331 = tpu.memref_slice %arg4[%reduce_sum3A_325, %dma_start3A_330] : memref<16384x8192xf32, #tpu.memory_space<hbm>> -> memref<1x8192xf32, #tpu.memory_space<hbm>>
          %dma_start3A_332 = arith.constant 0 : i32
          %dma_start3A_333 = tpu.memref_slice %arg4[%reduce_sum3A_325, %dma_start3A_332] : memref<16384x8192xf32, #tpu.memory_space<hbm>> -> memref<1x8192xf32, #tpu.memory_space<hbm>>
          %dma_start3A_334 = arith.constant 0 : i32
          %dma_start3A_335 = arith.constant 0 : i32
          %dma_start3A_336 = tpu.memref_slice %arg15[%dma_start3A, %dma_start3A_334, %dma_start3A_335] : memref<5x1x8192xf32, #tpu.memory_space<vmem>> -> memref<1x1x8192xf32, #tpu.memory_space<vmem>>
          %dma_start3A_337 = tpu.memref_squeeze %dma_start3A_336 : memref<1x1x8192xf32, #tpu.memory_space<vmem>> -> memref<1x8192xf32, #tpu.memory_space<vmem>>
          tpu.enqueue_dma source(%dma_start3A_337 : memref<1x8192xf32, #tpu.memory_space<vmem>>) target(%dma_start3A_333 : memref<1x8192xf32, #tpu.memory_space<hbm>>) target_semaphore(%arg17 : memref<!tpu.dma_semaphore, #tpu.memory_space<semaphore_mem>>)
        }
        %add3A_279 = arith.constant 3 : i32
        %add3A_280 = arith.addi %add3A_141, %add3A_279 : i32
        %lt3A_281 = arith.cmpi slt, %add3A_280, %scan3A_53 : i32
        %convert_element_type3A_282 = arith.extui %lt3A_281 : i1 to i32
        %cond3A_283 = arith.constant 0 : i32
        %cond3A_284 = arith.cmpi ne, %convert_element_type3A_282, %cond3A_283 : i32
        %cond3A_285 = scf.if %cond3A_284 -> (i32) {
          %ge3A = arith.constant 2 : i32
          %ge3A_286 = arith.cmpi sge, %add3A_141, %ge3A : i32
          %convert_element_type3A_287 = arith.extui %ge3A_286 : i1 to i32
          %cond3A_288 = arith.constant 0 : i32
          %cond3A_289 = arith.cmpi ne, %convert_element_type3A_287, %cond3A_288 : i32
          %cond3A_290 = scf.if %cond3A_289 -> (i32) {
            %sub3A_304 = arith.constant 5 : i32
            %sub3A_305 = arith.subi %add3A_280, %sub3A_304 : i32
            %add3A_306 = arith.constant 1 : i32
            %add3A_307 = arith.addi %sub3A_305, %add3A_306 : i32
            %jit3A_308 = arith.constant 8 : i32
            %div3A_309 = arith.divsi %add3A_307, %jit3A_308 : i32
            %sign3A_310 = arith.constant 0 : i32
            %sign3A_311 = arith.cmpi sgt, %add3A_307, %sign3A_310 : i32
            %sign3A_312 = arith.extui %sign3A_311 : i1 to i32
            %sign3A_313 = arith.constant 0 : i32
            %sign3A_314 = arith.cmpi slt, %add3A_307, %sign3A_313 : i32
            %sign3A_315 = arith.extui %sign3A_314 : i1 to i32
            %sign3A_316 = arith.subi %sign3A_312, %sign3A_315 : i32
            %sign3A_317 = arith.constant 0 : i32
            %sign3A_318 = arith.cmpi sgt, %jit3A_308, %sign3A_317 : i32
            %sign3A_319 = arith.extui %sign3A_318 : i1 to i32
            %sign3A_320 = arith.constant 0 : i32
            %sign3A_321 = arith.cmpi slt, %jit3A_308, %sign3A_320 : i32
            %sign3A_322 = arith.extui %sign3A_321 : i1 to i32
            %sign3A_323 = arith.subi %sign3A_319, %sign3A_322 : i32
            %ne3A_324 = arith.cmpi ne, %sign3A_316, %sign3A_323 : i32
            %rem3A_325 = arith.remsi %add3A_307, %jit3A_308 : i32
            %ne3A_326 = arith.constant 0 : i32
            %ne3A_327 = arith.cmpi ne, %rem3A_325, %ne3A_326 : i32
            %and3A_328 = arith.andi %ne3A_324, %ne3A_327 : i1
            %sub3A_329 = arith.constant 1 : i32
            %sub3A_330 = arith.subi %div3A_309, %sub3A_329 : i32
            %select_n3A_331 = arith.select %and3A_328, %sub3A_330, %div3A_309 : i32
            %mul3A_332 = arith.constant 8 : i32
            %mul3A_333 = arith.muli %select_n3A_331, %mul3A_332 : i32
            %get3A_334 = arith.index_cast %mul3A_333 : i32 to index
            %get3A_335 = tpu.vector_load %arg14[%get3A_334] {strides = array<i32>} : memref<272xi32, #tpu.memory_space<vmem>>, vector<16xi32>,
            %sub3A_336 = arith.subi %add3A_307, %mul3A_333 : i32
            %eq3A_337 = vector.broadcast %sub3A_336 : i32 to vector<16xi32>
            %eq3A_338 = arith.cmpi eq, %iota3A, %eq3A_337 : vector<16xi32>
            %jit3A_339 = arith.constant 0 : i32
            %broadcast_in_dim3A_340 = vector.broadcast %jit3A_339 : i32 to vector<16xi32>
            %select_n3A_341 = arith.select %eq3A_338, %get3A_335, %broadcast_in_dim3A_340 : vector<16xi1>, vector<16xi32>
            %reduce_sum3A_342 = arith.constant true
            %reduce_sum3A_343 = vector.broadcast %reduce_sum3A_342 : i1 to vector<16xi1>
            %reduce_sum3A_344 = tpu.scan <sum>, %select_n3A_341 masked %reduce_sum3A_343 : vector<16xi32>, vector<16xi1> -> vector<16xi32>
            %reduce_sum3A_345 = vector.extract %reduce_sum3A_344[15] : i32 from vector<16xi32>
            %sub3A_346 = arith.subi %reduce_sum3A_345, %while3A_137 : i32
            %max3A = arith.constant 0 : i32
            %max3A_347 = arith.maxsi %sub3A_346, %max3A : i32
            %while3A_348 = arith.constant 0 : i32
            %while3A_349 = arith.constant 0 : i32
            %while3A_350 = arith.subi %max3A_347, %while3A_349 : i32
            %while3A_351 = arith.addi %while3A_349, %while3A_350 : i32
            %while3A_352 = arith.constant 1 : i32
            %while3A_353 = arith.divsi %while3A_350, %while3A_352 : i32
            %while3A_354 = arith.muli %while3A_353, %while3A_352 : i32
            %while3A_355 = arith.addi %while3A_349, %while3A_354 : i32
            %while3A_356 = arith.constant 1 : i32
            scf.for %while3A_359 = %while3A_349 to %while3A_355 step %while3A_356  : i32 {
              %dma_wait3A_360 = arith.constant 0 : i32
              %dma_wait3A_361 = arith.constant 0 : i32
              %dma_wait3A_362 = arith.constant 0 : i32
              %dma_wait3A_363 = tpu.memref_slice %arg15[%dma_wait3A_360, %dma_wait3A_361, %dma_wait3A_362] : memref<5x1x8192xf32, #tpu.memory_space<vmem>> -> memref<1x1x8192xf32, #tpu.memory_space<vmem>>
              %dma_wait3A_364 = tpu.memref_squeeze %dma_wait3A_363 : memref<1x1x8192xf32, #tpu.memory_space<vmem>> -> memref<1x8192xf32, #tpu.memory_space<vmem>>
              %dma_wait3A_365 = arith.constant 0 : i32
              %dma_wait3A_366 = arith.constant 0 : i32
              %dma_wait3A_367 = tpu.memref_slice %arg4[%dma_wait3A_365, %dma_wait3A_366] : memref<16384x8192xf32, #tpu.memory_space<hbm>> -> memref<1x8192xf32, #tpu.memory_space<hbm>>
              %dma_wait3A_368 = arith.constant 0 : i32
              %dma_wait3A_369 = arith.constant 0 : i32
              %dma_wait3A_370 = tpu.memref_slice %arg4[%dma_wait3A_368, %dma_wait3A_369] : memref<16384x8192xf32, #tpu.memory_space<hbm>> -> memref<1x8192xf32, #tpu.memory_space<hbm>>
              %dma_wait3A_371 = arith.constant 0 : i32
              %dma_wait3A_372 = arith.constant 0 : i32
              %dma_wait3A_373 = tpu.memref_slice %arg15[%dma_wait3A_360, %dma_wait3A_371, %dma_wait3A_372] : memref<5x1x8192xf32, #tpu.memory_space<vmem>> -> memref<1x1x8192xf32, #tpu.memory_space<vmem>>
              %dma_wait3A_374 = tpu.memref_squeeze %dma_wait3A_373 : memref<1x1x8192xf32, #tpu.memory_space<vmem>> -> memref<1x8192xf32, #tpu.memory_space<vmem>>
              tpu.wait_dma2 semaphore(%arg17 : memref<!tpu.dma_semaphore, #tpu.memory_space<semaphore_mem>>) src(%dma_wait3A_374 : memref<1x8192xf32, #tpu.memory_space<vmem>>) dst(%dma_wait3A_370 : memref<1x8192xf32, #tpu.memory_space<hbm>>)
            }
            %while3A_357 = arith.constant 1 : i32
            scf.for %while3A_359 = %while3A_355 to %while3A_351 step %while3A_357  : i32 {
              %dma_wait3A_360 = arith.constant 0 : i32
              %dma_wait3A_361 = arith.constant 0 : i32
              %dma_wait3A_362 = arith.constant 0 : i32
              %dma_wait3A_363 = tpu.memref_slice %arg15[%dma_wait3A_360, %dma_wait3A_361, %dma_wait3A_362] : memref<5x1x8192xf32, #tpu.memory_space<vmem>> -> memref<1x1x8192xf32, #tpu.memory_space<vmem>>
              %dma_wait3A_364 = tpu.memref_squeeze %dma_wait3A_363 : memref<1x1x8192xf32, #tpu.memory_space<vmem>> -> memref<1x8192xf32, #tpu.memory_space<vmem>>
              %dma_wait3A_365 = arith.constant 0 : i32
              %dma_wait3A_366 = arith.constant 0 : i32
              %dma_wait3A_367 = tpu.memref_slice %arg4[%dma_wait3A_365, %dma_wait3A_366] : memref<16384x8192xf32, #tpu.memory_space<hbm>> -> memref<1x8192xf32, #tpu.memory_space<hbm>>
              %dma_wait3A_368 = arith.constant 0 : i32
              %dma_wait3A_369 = arith.constant 0 : i32
              %dma_wait3A_370 = tpu.memref_slice %arg4[%dma_wait3A_368, %dma_wait3A_369] : memref<16384x8192xf32, #tpu.memory_space<hbm>> -> memref<1x8192xf32, #tpu.memory_space<hbm>>
              %dma_wait3A_371 = arith.constant 0 : i32
              %dma_wait3A_372 = arith.constant 0 : i32
              %dma_wait3A_373 = tpu.memref_slice %arg15[%dma_wait3A_360, %dma_wait3A_371, %dma_wait3A_372] : memref<5x1x8192xf32, #tpu.memory_space<vmem>> -> memref<1x1x8192xf32, #tpu.memory_space<vmem>>
              %dma_wait3A_374 = tpu.memref_squeeze %dma_wait3A_373 : memref<1x1x8192xf32, #tpu.memory_space<vmem>> -> memref<1x8192xf32, #tpu.memory_space<vmem>>
              tpu.wait_dma2 semaphore(%arg17 : memref<!tpu.dma_semaphore, #tpu.memory_space<semaphore_mem>>) src(%dma_wait3A_374 : memref<1x8192xf32, #tpu.memory_space<vmem>>) dst(%dma_wait3A_370 : memref<1x8192xf32, #tpu.memory_space<hbm>>)
            }
            %max3A_358 = arith.maxsi %reduce_sum3A_345, %while3A_137 : i32
            scf.yield %max3A_358 : i32
          } else {
            scf.yield %while3A_137 : i32
          }
          %dma_start3A = arith.constant 3 : i32
          %dma_start3A_291 = arith.constant 3 : i32
          %dma_start3A_292 = arith.constant 0 : i32
          %dma_start3A_293 = arith.constant 0 : i32
          %dma_start3A_294 = tpu.memref_slice %arg15[%dma_start3A, %dma_start3A_292, %dma_start3A_293] : memref<5x1x8192xf32, #tpu.memory_space<vmem>> -> memref<1x1x8192xf32, #tpu.memory_space<vmem>>
          %dma_start3A_295 = tpu.memref_squeeze %dma_start3A_294 : memref<1x1x8192xf32, #tpu.memory_space<vmem>> -> memref<1x8192xf32, #tpu.memory_space<vmem>>
          %dma_start3A_296 = arith.constant 0 : i32
          %dma_start3A_297 = tpu.memref_slice %arg12[%add3A_280, %dma_start3A_296] : memref<256x1xi32, #tpu.memory_space<vmem>> -> memref<1x1xi32, #tpu.memory_space<vmem>>
          %dma_start3A_298 = tpu.memref_squeeze %dma_start3A_297 : memref<1x1xi32, #tpu.memory_space<vmem>> -> memref<1xi32, #tpu.memory_space<vmem>>
          %dma_start3A_299 = arith.constant 0 : i32
          %dma_start3A_300 = arith.constant 0 : i32
          %dma_start3A_301 = tpu.memref_slice %arg2[%dma_start3A_299, %dma_start3A_300] : memref<8192x8192xf32, #tpu.memory_space<hbm>> -> memref<8192x8192xf32, #tpu.memory_space<hbm>>
          %dma_start3A_302 = tpu.memref_slice %arg16[%dma_start3A_291] : memref<5x!tpu.dma_semaphore, #tpu.memory_space<semaphore_mem>> -> memref<1x!tpu.dma_semaphore, #tpu.memory_space<semaphore_mem>>
          %dma_start3A_303 = tpu.memref_squeeze %dma_start3A_302 : memref<1x!tpu.dma_semaphore, #tpu.memory_space<semaphore_mem>> -> memref<!tpu.dma_semaphore, #tpu.memory_space<semaphore_mem>>
          tpu.enqueue_indirect_dma source(%dma_start3A_301 : memref<8192x8192xf32, #tpu.memory_space<hbm>>) target(%dma_start3A_295 : memref<1x8192xf32, #tpu.memory_space<vmem>>) offsets(%dma_start3A_298 : memref<1xi32, #tpu.memory_space<vmem>>) semaphore(%dma_start3A_303 : memref<!tpu.dma_semaphore, #tpu.memory_space<semaphore_mem>>)
          scf.yield %cond3A_290 : i32
        } else {
          scf.yield %while3A_137 : i32
        }
        scf.yield %cond3A_285 : i32
      } else {
        scf.yield %while3A_137 : i32
      }
      %mul3A_146 = arith.constant 5 : i32
      %mul3A_147 = arith.muli %while3A_136, %mul3A_146 : i32
      %add3A_148 = arith.constant 1 : i32
      %add3A_149 = arith.addi %mul3A_147, %add3A_148 : i32
      %lt3A_150 = arith.cmpi slt, %add3A_149, %scan3A_53 : i32
      %convert_element_type3A_151 = arith.extui %lt3A_150 : i1 to i32
      %cond3A_152 = arith.constant 0 : i32
      %cond3A_153 = arith.cmpi ne, %convert_element_type3A_151, %cond3A_152 : i32
      %cond3A_154 = scf.if %cond3A_153 -> (i32) {
        %jit3A_182 = arith.constant 8 : i32
        %div3A_183 = arith.divsi %add3A_149, %jit3A_182 : i32
        %sign3A_184 = arith.constant 0 : i32
        %sign3A_185 = arith.cmpi sgt, %add3A_149, %sign3A_184 : i32
        %sign3A_186 = arith.extui %sign3A_185 : i1 to i32
        %sign3A_187 = arith.constant 0 : i32
        %sign3A_188 = arith.cmpi slt, %add3A_149, %sign3A_187 : i32
        %sign3A_189 = arith.extui %sign3A_188 : i1 to i32
        %sign3A_190 = arith.subi %sign3A_186, %sign3A_189 : i32
        %sign3A_191 = arith.constant 0 : i32
        %sign3A_192 = arith.cmpi sgt, %jit3A_182, %sign3A_191 : i32
        %sign3A_193 = arith.extui %sign3A_192 : i1 to i32
        %sign3A_194 = arith.constant 0 : i32
        %sign3A_195 = arith.cmpi slt, %jit3A_182, %sign3A_194 : i32
        %sign3A_196 = arith.extui %sign3A_195 : i1 to i32
        %sign3A_197 = arith.subi %sign3A_193, %sign3A_196 : i32
        %ne3A_198 = arith.cmpi ne, %sign3A_190, %sign3A_197 : i32
        %rem3A_199 = arith.remsi %add3A_149, %jit3A_182 : i32
        %ne3A_200 = arith.constant 0 : i32
        %ne3A_201 = arith.cmpi ne, %rem3A_199, %ne3A_200 : i32
        %and3A_202 = arith.andi %ne3A_198, %ne3A_201 : i1
        %sub3A_203 = arith.constant 1 : i32
        %sub3A_204 = arith.subi %div3A_183, %sub3A_203 : i32
        %select_n3A_205 = arith.select %and3A_202, %sub3A_204, %div3A_183 : i32
        %mul3A_206 = arith.constant 8 : i32
        %mul3A_207 = arith.muli %select_n3A_205, %mul3A_206 : i32
        %get3A = arith.index_cast %mul3A_207 : i32 to index
        %get3A_208 = tpu.vector_load %arg13[%get3A] {strides = array<i32>} : memref<272xi32, #tpu.memory_space<vmem>>, vector<16xi32>,
        %sub3A_209 = arith.subi %add3A_149, %mul3A_207 : i32
        %eq3A = vector.broadcast %sub3A_209 : i32 to vector<16xi32>
        %eq3A_210 = arith.cmpi eq, %iota3A, %eq3A : vector<16xi32>
        %jit3A_211 = arith.constant 0 : i32
        %broadcast_in_dim3A_212 = vector.broadcast %jit3A_211 : i32 to vector<16xi32>
        %select_n3A_213 = arith.select %eq3A_210, %get3A_208, %broadcast_in_dim3A_212 : vector<16xi1>, vector<16xi32>
        %reduce_sum3A = arith.constant true
        %reduce_sum3A_214 = vector.broadcast %reduce_sum3A : i1 to vector<16xi1>
        %reduce_sum3A_215 = tpu.scan <sum>, %select_n3A_213 masked %reduce_sum3A_214 : vector<16xi32>, vector<16xi1> -> vector<16xi32>
        %reduce_sum3A_216 = vector.extract %reduce_sum3A_215[15] : i32 from vector<16xi32>
        %jit3A_217 = arith.constant 8 : i32
        %div3A_218 = arith.divsi %add3A_149, %jit3A_217 : i32
        %sign3A_219 = arith.constant 0 : i32
        %sign3A_220 = arith.cmpi sgt, %add3A_149, %sign3A_219 : i32
        %sign3A_221 = arith.extui %sign3A_220 : i1 to i32
        %sign3A_222 = arith.constant 0 : i32
        %sign3A_223 = arith.cmpi slt, %add3A_149, %sign3A_222 : i32
        %sign3A_224 = arith.extui %sign3A_223 : i1 to i32
        %sign3A_225 = arith.subi %sign3A_221, %sign3A_224 : i32
        %sign3A_226 = arith.constant 0 : i32
        %sign3A_227 = arith.cmpi sgt, %jit3A_217, %sign3A_226 : i32
        %sign3A_228 = arith.extui %sign3A_227 : i1 to i32
        %sign3A_229 = arith.constant 0 : i32
        %sign3A_230 = arith.cmpi slt, %jit3A_217, %sign3A_229 : i32
        %sign3A_231 = arith.extui %sign3A_230 : i1 to i32
        %sign3A_232 = arith.subi %sign3A_228, %sign3A_231 : i32
        %ne3A_233 = arith.cmpi ne, %sign3A_225, %sign3A_232 : i32
        %rem3A_234 = arith.remsi %add3A_149, %jit3A_217 : i32
        %ne3A_235 = arith.constant 0 : i32
        %ne3A_236 = arith.cmpi ne, %rem3A_234, %ne3A_235 : i32
        %and3A_237 = arith.andi %ne3A_233, %ne3A_236 : i1
        %sub3A_238 = arith.constant 1 : i32
        %sub3A_239 = arith.subi %div3A_218, %sub3A_238 : i32
        %select_n3A_240 = arith.select %and3A_237, %sub3A_239, %div3A_218 : i32
        %mul3A_241 = arith.constant 8 : i32
        %mul3A_242 = arith.muli %select_n3A_240, %mul3A_241 : i32
        %get3A_243 = arith.index_cast %mul3A_242 : i32 to index
        %get3A_244 = tpu.vector_load %arg14[%get3A_243] {strides = array<i32>} : memref<272xi32, #tpu.memory_space<vmem>>, vector<16xi32>,
        %sub3A_245 = arith.subi %add3A_149, %mul3A_242 : i32
        %eq3A_246 = vector.broadcast %sub3A_245 : i32 to vector<16xi32>
        %eq3A_247 = arith.cmpi eq, %iota3A, %eq3A_246 : vector<16xi32>
        %jit3A_248 = arith.constant 0 : i32
        %broadcast_in_dim3A_249 = vector.broadcast %jit3A_248 : i32 to vector<16xi32>
        %select_n3A_250 = arith.select %eq3A_247, %get3A_244, %broadcast_in_dim3A_249 : vector<16xi1>, vector<16xi32>
        %reduce_sum3A_251 = arith.constant true
        %reduce_sum3A_252 = vector.broadcast %reduce_sum3A_251 : i1 to vector<16xi1>
        %reduce_sum3A_253 = tpu.scan <sum>, %select_n3A_250 masked %reduce_sum3A_252 : vector<16xi32>, vector<16xi1> -> vector<16xi32>
        %reduce_sum3A_254 = vector.extract %reduce_sum3A_253[15] : i32 from vector<16xi32>
        %dma_wait3A = arith.constant 0 : i32
        %dma_wait3A_255 = arith.constant 1 : i32
        %dma_wait3A_256 = arith.constant 1 : i32
        %dma_wait3A_257 = arith.constant 0 : i32
        %dma_wait3A_258 = arith.constant 0 : i32
        %dma_wait3A_259 = tpu.memref_slice %arg15[%dma_wait3A_255, %dma_wait3A_257, %dma_wait3A_258] : memref<5x1x8192xf32, #tpu.memory_space<vmem>> -> memref<1x1x8192xf32, #tpu.memory_space<vmem>>
        %dma_wait3A_260 = tpu.memref_squeeze %dma_wait3A_259 : memref<1x1x8192xf32, #tpu.memory_space<vmem>> -> memref<1x8192xf32, #tpu.memory_space<vmem>>
        %dma_wait3A_261 = arith.constant 0 : i32
        %dma_wait3A_262 = tpu.memref_slice %arg12[%dma_wait3A, %dma_wait3A_261] : memref<256x1xi32, #tpu.memory_space<vmem>> -> memref<1x1xi32, #tpu.memory_space<vmem>>
        %dma_wait3A_263 = tpu.memref_squeeze %dma_wait3A_262 : memref<1x1xi32, #tpu.memory_space<vmem>> -> memref<1xi32, #tpu.memory_space<vmem>>
        %dma_wait3A_264 = arith.constant 0 : i32
        %dma_wait3A_265 = arith.constant 0 : i32
        %dma_wait3A_266 = tpu.memref_slice %arg2[%dma_wait3A_264, %dma_wait3A_265] : memref<8192x8192xf32, #tpu.memory_space<hbm>> -> memref<8192x8192xf32, #tpu.memory_space<hbm>>
        %dma_wait3A_267 = tpu.memref_slice %arg16[%dma_wait3A_256] : memref<5x!tpu.dma_semaphore, #tpu.memory_space<semaphore_mem>> -> memref<1x!tpu.dma_semaphore, #tpu.memory_space<semaphore_mem>>
        %dma_wait3A_268 = tpu.memref_squeeze %dma_wait3A_267 : memref<1x!tpu.dma_semaphore, #tpu.memory_space<semaphore_mem>> -> memref<!tpu.dma_semaphore, #tpu.memory_space<semaphore_mem>>
        tpu.wait_indirect_dma semaphore(%dma_wait3A_268 : memref<!tpu.dma_semaphore, #tpu.memory_space<semaphore_mem>>) src(%dma_wait3A_266 : memref<8192x8192xf32, #tpu.memory_space<hbm>>) dst(%dma_wait3A_260 : memref<1x8192xf32, #tpu.memory_space<vmem>>)
        %while3A_269 = arith.constant 0 : i32
        %while3A_270 = arith.constant 0 : i32
        %while3A_271 = arith.subi %reduce_sum3A_216, %while3A_270 : i32
        %while3A_272 = arith.addi %while3A_270, %while3A_271 : i32
        %while3A_273 = arith.constant 1 : i32
        %while3A_274 = arith.divsi %while3A_271, %while3A_273 : i32
        %while3A_275 = arith.muli %while3A_274, %while3A_273 : i32
        %while3A_276 = arith.addi %while3A_270, %while3A_275 : i32
        %while3A_277 = arith.constant 1 : i32
        scf.for %while3A_286 = %while3A_270 to %while3A_276 step %while3A_277  : i32 {
          %add3A_287 = arith.addi %reduce_sum3A_254, %while3A_286 : i32
          %jit3A_288 = arith.constant 8 : i32
          %div3A_289 = arith.divsi %add3A_287, %jit3A_288 : i32
          %sign3A_290 = arith.constant 0 : i32
          %sign3A_291 = arith.cmpi sgt, %add3A_287, %sign3A_290 : i32
          %sign3A_292 = arith.extui %sign3A_291 : i1 to i32
          %sign3A_293 = arith.constant 0 : i32
          %sign3A_294 = arith.cmpi slt, %add3A_287, %sign3A_293 : i32
          %sign3A_295 = arith.extui %sign3A_294 : i1 to i32
          %sign3A_296 = arith.subi %sign3A_292, %sign3A_295 : i32
          %sign3A_297 = arith.constant 0 : i32
          %sign3A_298 = arith.cmpi sgt, %jit3A_288, %sign3A_297 : i32
          %sign3A_299 = arith.extui %sign3A_298 : i1 to i32
          %sign3A_300 = arith.constant 0 : i32
          %sign3A_301 = arith.cmpi slt, %jit3A_288, %sign3A_300 : i32
          %sign3A_302 = arith.extui %sign3A_301 : i1 to i32
          %sign3A_303 = arith.subi %sign3A_299, %sign3A_302 : i32
          %ne3A_304 = arith.cmpi ne, %sign3A_296, %sign3A_303 : i32
          %rem3A_305 = arith.remsi %add3A_287, %jit3A_288 : i32
          %ne3A_306 = arith.constant 0 : i32
          %ne3A_307 = arith.cmpi ne, %rem3A_305, %ne3A_306 : i32
          %and3A_308 = arith.andi %ne3A_304, %ne3A_307 : i1
          %sub3A_309 = arith.constant 1 : i32
          %sub3A_310 = arith.subi %div3A_289, %sub3A_309 : i32
          %select_n3A_311 = arith.select %and3A_308, %sub3A_310, %div3A_289 : i32
          %mul3A_312 = arith.constant 8 : i32
          %mul3A_313 = arith.muli %select_n3A_311, %mul3A_312 : i32
          %get3A_314 = arith.index_cast %mul3A_313 : i32 to index
          %get3A_315 = tpu.vector_load %arg5[%get3A_314] {strides = array<i32>} : memref<16400xi32, #tpu.memory_space<vmem>>, vector<16xi32>,
          %sub3A_316 = arith.subi %add3A_287, %mul3A_313 : i32
          %eq3A_317 = vector.broadcast %sub3A_316 : i32 to vector<16xi32>
          %eq3A_318 = arith.cmpi eq, %iota3A, %eq3A_317 : vector<16xi32>
          %jit3A_319 = arith.constant 0 : i32
          %broadcast_in_dim3A_320 = vector.broadcast %jit3A_319 : i32 to vector<16xi32>
          %select_n3A_321 = arith.select %eq3A_318, %get3A_315, %broadcast_in_dim3A_320 : vector<16xi1>, vector<16xi32>
          %reduce_sum3A_322 = arith.constant true
          %reduce_sum3A_323 = vector.broadcast %reduce_sum3A_322 : i1 to vector<16xi1>
          %reduce_sum3A_324 = tpu.scan <sum>, %select_n3A_321 masked %reduce_sum3A_323 : vector<16xi32>, vector<16xi1> -> vector<16xi32>
          %reduce_sum3A_325 = vector.extract %reduce_sum3A_324[15] : i32 from vector<16xi32>
          %dma_start3A = arith.constant 1 : i32
          %dma_start3A_326 = arith.constant 0 : i32
          %dma_start3A_327 = arith.constant 0 : i32
          %dma_start3A_328 = tpu.memref_slice %arg15[%dma_start3A, %dma_start3A_326, %dma_start3A_327] : memref<5x1x8192xf32, #tpu.memory_space<vmem>> -> memref<1x1x8192xf32, #tpu.memory_space<vmem>>
          %dma_start3A_329 = tpu.memref_squeeze %dma_start3A_328 : memref<1x1x8192xf32, #tpu.memory_space<vmem>> -> memref<1x8192xf32, #tpu.memory_space<vmem>>
          %dma_start3A_330 = arith.constant 0 : i32
          %dma_start3A_331 = tpu.memref_slice %arg4[%reduce_sum3A_325, %dma_start3A_330] : memref<16384x8192xf32, #tpu.memory_space<hbm>> -> memref<1x8192xf32, #tpu.memory_space<hbm>>
          %dma_start3A_332 = arith.constant 0 : i32
          %dma_start3A_333 = tpu.memref_slice %arg4[%reduce_sum3A_325, %dma_start3A_332] : memref<16384x8192xf32, #tpu.memory_space<hbm>> -> memref<1x8192xf32, #tpu.memory_space<hbm>>
          %dma_start3A_334 = arith.constant 0 : i32
          %dma_start3A_335 = arith.constant 0 : i32
          %dma_start3A_336 = tpu.memref_slice %arg15[%dma_start3A, %dma_start3A_334, %dma_start3A_335] : memref<5x1x8192xf32, #tpu.memory_space<vmem>> -> memref<1x1x8192xf32, #tpu.memory_space<vmem>>
          %dma_start3A_337 = tpu.memref_squeeze %dma_start3A_336 : memref<1x1x8192xf32, #tpu.memory_space<vmem>> -> memref<1x8192xf32, #tpu.memory_space<vmem>>
          tpu.enqueue_dma source(%dma_start3A_337 : memref<1x8192xf32, #tpu.memory_space<vmem>>) target(%dma_start3A_333 : memref<1x8192xf32, #tpu.memory_space<hbm>>) target_semaphore(%arg17 : memref<!tpu.dma_semaphore, #tpu.memory_space<semaphore_mem>>)
        }
        %while3A_278 = arith.constant 1 : i32
        scf.for %while3A_286 = %while3A_276 to %while3A_272 step %while3A_278  : i32 {
          %add3A_287 = arith.addi %reduce_sum3A_254, %while3A_286 : i32
          %jit3A_288 = arith.constant 8 : i32
          %div3A_289 = arith.divsi %add3A_287, %jit3A_288 : i32
          %sign3A_290 = arith.constant 0 : i32
          %sign3A_291 = arith.cmpi sgt, %add3A_287, %sign3A_290 : i32
          %sign3A_292 = arith.extui %sign3A_291 : i1 to i32
          %sign3A_293 = arith.constant 0 : i32
          %sign3A_294 = arith.cmpi slt, %add3A_287, %sign3A_293 : i32
          %sign3A_295 = arith.extui %sign3A_294 : i1 to i32
          %sign3A_296 = arith.subi %sign3A_292, %sign3A_295 : i32
          %sign3A_297 = arith.constant 0 : i32
          %sign3A_298 = arith.cmpi sgt, %jit3A_288, %sign3A_297 : i32
          %sign3A_299 = arith.extui %sign3A_298 : i1 to i32
          %sign3A_300 = arith.constant 0 : i32
          %sign3A_301 = arith.cmpi slt, %jit3A_288, %sign3A_300 : i32
          %sign3A_302 = arith.extui %sign3A_301 : i1 to i32
          %sign3A_303 = arith.subi %sign3A_299, %sign3A_302 : i32
          %ne3A_304 = arith.cmpi ne, %sign3A_296, %sign3A_303 : i32
          %rem3A_305 = arith.remsi %add3A_287, %jit3A_288 : i32
          %ne3A_306 = arith.constant 0 : i32
          %ne3A_307 = arith.cmpi ne, %rem3A_305, %ne3A_306 : i32
          %and3A_308 = arith.andi %ne3A_304, %ne3A_307 : i1
          %sub3A_309 = arith.constant 1 : i32
          %sub3A_310 = arith.subi %div3A_289, %sub3A_309 : i32
          %select_n3A_311 = arith.select %and3A_308, %sub3A_310, %div3A_289 : i32
          %mul3A_312 = arith.constant 8 : i32
          %mul3A_313 = arith.muli %select_n3A_311, %mul3A_312 : i32
          %get3A_314 = arith.index_cast %mul3A_313 : i32 to index
          %get3A_315 = tpu.vector_load %arg5[%get3A_314] {strides = array<i32>} : memref<16400xi32, #tpu.memory_space<vmem>>, vector<16xi32>,
          %sub3A_316 = arith.subi %add3A_287, %mul3A_313 : i32
          %eq3A_317 = vector.broadcast %sub3A_316 : i32 to vector<16xi32>
          %eq3A_318 = arith.cmpi eq, %iota3A, %eq3A_317 : vector<16xi32>
          %jit3A_319 = arith.constant 0 : i32
          %broadcast_in_dim3A_320 = vector.broadcast %jit3A_319 : i32 to vector<16xi32>
          %select_n3A_321 = arith.select %eq3A_318, %get3A_315, %broadcast_in_dim3A_320 : vector<16xi1>, vector<16xi32>
          %reduce_sum3A_322 = arith.constant true
          %reduce_sum3A_323 = vector.broadcast %reduce_sum3A_322 : i1 to vector<16xi1>
          %reduce_sum3A_324 = tpu.scan <sum>, %select_n3A_321 masked %reduce_sum3A_323 : vector<16xi32>, vector<16xi1> -> vector<16xi32>
          %reduce_sum3A_325 = vector.extract %reduce_sum3A_324[15] : i32 from vector<16xi32>
          %dma_start3A = arith.constant 1 : i32
          %dma_start3A_326 = arith.constant 0 : i32
          %dma_start3A_327 = arith.constant 0 : i32
          %dma_start3A_328 = tpu.memref_slice %arg15[%dma_start3A, %dma_start3A_326, %dma_start3A_327] : memref<5x1x8192xf32, #tpu.memory_space<vmem>> -> memref<1x1x8192xf32, #tpu.memory_space<vmem>>
          %dma_start3A_329 = tpu.memref_squeeze %dma_start3A_328 : memref<1x1x8192xf32, #tpu.memory_space<vmem>> -> memref<1x8192xf32, #tpu.memory_space<vmem>>
          %dma_start3A_330 = arith.constant 0 : i32
          %dma_start3A_331 = tpu.memref_slice %arg4[%reduce_sum3A_325, %dma_start3A_330] : memref<16384x8192xf32, #tpu.memory_space<hbm>> -> memref<1x8192xf32, #tpu.memory_space<hbm>>
          %dma_start3A_332 = arith.constant 0 : i32
          %dma_start3A_333 = tpu.memref_slice %arg4[%reduce_sum3A_325, %dma_start3A_332] : memref<16384x8192xf32, #tpu.memory_space<hbm>> -> memref<1x8192xf32, #tpu.memory_space<hbm>>
          %dma_start3A_334 = arith.constant 0 : i32
          %dma_start3A_335 = arith.constant 0 : i32
          %dma_start3A_336 = tpu.memref_slice %arg15[%dma_start3A, %dma_start3A_334, %dma_start3A_335] : memref<5x1x8192xf32, #tpu.memory_space<vmem>> -> memref<1x1x8192xf32, #tpu.memory_space<vmem>>
          %dma_start3A_337 = tpu.memref_squeeze %dma_start3A_336 : memref<1x1x8192xf32, #tpu.memory_space<vmem>> -> memref<1x8192xf32, #tpu.memory_space<vmem>>
          tpu.enqueue_dma source(%dma_start3A_337 : memref<1x8192xf32, #tpu.memory_space<vmem>>) target(%dma_start3A_333 : memref<1x8192xf32, #tpu.memory_space<hbm>>) target_semaphore(%arg17 : memref<!tpu.dma_semaphore, #tpu.memory_space<semaphore_mem>>)
        }
        %add3A_279 = arith.constant 3 : i32
        %add3A_280 = arith.addi %add3A_149, %add3A_279 : i32
        %lt3A_281 = arith.cmpi slt, %add3A_280, %scan3A_53 : i32
        %convert_element_type3A_282 = arith.extui %lt3A_281 : i1 to i32
        %cond3A_283 = arith.constant 0 : i32
        %cond3A_284 = arith.cmpi ne, %convert_element_type3A_282, %cond3A_283 : i32
        %cond3A_285 = scf.if %cond3A_284 -> (i32) {
          %ge3A = arith.constant 2 : i32
          %ge3A_286 = arith.cmpi sge, %add3A_149, %ge3A : i32
          %convert_element_type3A_287 = arith.extui %ge3A_286 : i1 to i32
          %cond3A_288 = arith.constant 0 : i32
          %cond3A_289 = arith.cmpi ne, %convert_element_type3A_287, %cond3A_288 : i32
          %cond3A_290 = scf.if %cond3A_289 -> (i32) {
            %sub3A_304 = arith.constant 5 : i32
            %sub3A_305 = arith.subi %add3A_280, %sub3A_304 : i32
            %add3A_306 = arith.constant 1 : i32
            %add3A_307 = arith.addi %sub3A_305, %add3A_306 : i32
            %jit3A_308 = arith.constant 8 : i32
            %div3A_309 = arith.divsi %add3A_307, %jit3A_308 : i32
            %sign3A_310 = arith.constant 0 : i32
            %sign3A_311 = arith.cmpi sgt, %add3A_307, %sign3A_310 : i32
            %sign3A_312 = arith.extui %sign3A_311 : i1 to i32
            %sign3A_313 = arith.constant 0 : i32
            %sign3A_314 = arith.cmpi slt, %add3A_307, %sign3A_313 : i32
            %sign3A_315 = arith.extui %sign3A_314 : i1 to i32
            %sign3A_316 = arith.subi %sign3A_312, %sign3A_315 : i32
            %sign3A_317 = arith.constant 0 : i32
            %sign3A_318 = arith.cmpi sgt, %jit3A_308, %sign3A_317 : i32
            %sign3A_319 = arith.extui %sign3A_318 : i1 to i32
            %sign3A_320 = arith.constant 0 : i32
            %sign3A_321 = arith.cmpi slt, %jit3A_308, %sign3A_320 : i32
            %sign3A_322 = arith.extui %sign3A_321 : i1 to i32
            %sign3A_323 = arith.subi %sign3A_319, %sign3A_322 : i32
            %ne3A_324 = arith.cmpi ne, %sign3A_316, %sign3A_323 : i32
            %rem3A_325 = arith.remsi %add3A_307, %jit3A_308 : i32
            %ne3A_326 = arith.constant 0 : i32
            %ne3A_327 = arith.cmpi ne, %rem3A_325, %ne3A_326 : i32
            %and3A_328 = arith.andi %ne3A_324, %ne3A_327 : i1
            %sub3A_329 = arith.constant 1 : i32
            %sub3A_330 = arith.subi %div3A_309, %sub3A_329 : i32
            %select_n3A_331 = arith.select %and3A_328, %sub3A_330, %div3A_309 : i32
            %mul3A_332 = arith.constant 8 : i32
            %mul3A_333 = arith.muli %select_n3A_331, %mul3A_332 : i32
            %get3A_334 = arith.index_cast %mul3A_333 : i32 to index
            %get3A_335 = tpu.vector_load %arg14[%get3A_334] {strides = array<i32>} : memref<272xi32, #tpu.memory_space<vmem>>, vector<16xi32>,
            %sub3A_336 = arith.subi %add3A_307, %mul3A_333 : i32
            %eq3A_337 = vector.broadcast %sub3A_336 : i32 to vector<16xi32>
            %eq3A_338 = arith.cmpi eq, %iota3A, %eq3A_337 : vector<16xi32>
            %jit3A_339 = arith.constant 0 : i32
            %broadcast_in_dim3A_340 = vector.broadcast %jit3A_339 : i32 to vector<16xi32>
            %select_n3A_341 = arith.select %eq3A_338, %get3A_335, %broadcast_in_dim3A_340 : vector<16xi1>, vector<16xi32>
            %reduce_sum3A_342 = arith.constant true
            %reduce_sum3A_343 = vector.broadcast %reduce_sum3A_342 : i1 to vector<16xi1>
            %reduce_sum3A_344 = tpu.scan <sum>, %select_n3A_341 masked %reduce_sum3A_343 : vector<16xi32>, vector<16xi1> -> vector<16xi32>
            %reduce_sum3A_345 = vector.extract %reduce_sum3A_344[15] : i32 from vector<16xi32>
            %sub3A_346 = arith.subi %reduce_sum3A_345, %cond3A_145 : i32
            %max3A = arith.constant 0 : i32
            %max3A_347 = arith.maxsi %sub3A_346, %max3A : i32
            %while3A_348 = arith.constant 0 : i32
            %while3A_349 = arith.constant 0 : i32
            %while3A_350 = arith.subi %max3A_347, %while3A_349 : i32
            %while3A_351 = arith.addi %while3A_349, %while3A_350 : i32
            %while3A_352 = arith.constant 1 : i32
            %while3A_353 = arith.divsi %while3A_350, %while3A_352 : i32
            %while3A_354 = arith.muli %while3A_353, %while3A_352 : i32
            %while3A_355 = arith.addi %while3A_349, %while3A_354 : i32
            %while3A_356 = arith.constant 1 : i32
            scf.for %while3A_359 = %while3A_349 to %while3A_355 step %while3A_356  : i32 {
              %dma_wait3A_360 = arith.constant 0 : i32
              %dma_wait3A_361 = arith.constant 0 : i32
              %dma_wait3A_362 = arith.constant 0 : i32
              %dma_wait3A_363 = tpu.memref_slice %arg15[%dma_wait3A_360, %dma_wait3A_361, %dma_wait3A_362] : memref<5x1x8192xf32, #tpu.memory_space<vmem>> -> memref<1x1x8192xf32, #tpu.memory_space<vmem>>
              %dma_wait3A_364 = tpu.memref_squeeze %dma_wait3A_363 : memref<1x1x8192xf32, #tpu.memory_space<vmem>> -> memref<1x8192xf32, #tpu.memory_space<vmem>>
              %dma_wait3A_365 = arith.constant 0 : i32
              %dma_wait3A_366 = arith.constant 0 : i32
              %dma_wait3A_367 = tpu.memref_slice %arg4[%dma_wait3A_365, %dma_wait3A_366] : memref<16384x8192xf32, #tpu.memory_space<hbm>> -> memref<1x8192xf32, #tpu.memory_space<hbm>>
              %dma_wait3A_368 = arith.constant 0 : i32
              %dma_wait3A_369 = arith.constant 0 : i32
              %dma_wait3A_370 = tpu.memref_slice %arg4[%dma_wait3A_368, %dma_wait3A_369] : memref<16384x8192xf32, #tpu.memory_space<hbm>> -> memref<1x8192xf32, #tpu.memory_space<hbm>>
              %dma_wait3A_371 = arith.constant 0 : i32
              %dma_wait3A_372 = arith.constant 0 : i32
              %dma_wait3A_373 = tpu.memref_slice %arg15[%dma_wait3A_360, %dma_wait3A_371, %dma_wait3A_372] : memref<5x1x8192xf32, #tpu.memory_space<vmem>> -> memref<1x1x8192xf32, #tpu.memory_space<vmem>>
              %dma_wait3A_374 = tpu.memref_squeeze %dma_wait3A_373 : memref<1x1x8192xf32, #tpu.memory_space<vmem>> -> memref<1x8192xf32, #tpu.memory_space<vmem>>
              tpu.wait_dma2 semaphore(%arg17 : memref<!tpu.dma_semaphore, #tpu.memory_space<semaphore_mem>>) src(%dma_wait3A_374 : memref<1x8192xf32, #tpu.memory_space<vmem>>) dst(%dma_wait3A_370 : memref<1x8192xf32, #tpu.memory_space<hbm>>)
            }
            %while3A_357 = arith.constant 1 : i32
            scf.for %while3A_359 = %while3A_355 to %while3A_351 step %while3A_357  : i32 {
              %dma_wait3A_360 = arith.constant 0 : i32
              %dma_wait3A_361 = arith.constant 0 : i32
              %dma_wait3A_362 = arith.constant 0 : i32
              %dma_wait3A_363 = tpu.memref_slice %arg15[%dma_wait3A_360, %dma_wait3A_361, %dma_wait3A_362] : memref<5x1x8192xf32, #tpu.memory_space<vmem>> -> memref<1x1x8192xf32, #tpu.memory_space<vmem>>
              %dma_wait3A_364 = tpu.memref_squeeze %dma_wait3A_363 : memref<1x1x8192xf32, #tpu.memory_space<vmem>> -> memref<1x8192xf32, #tpu.memory_space<vmem>>
              %dma_wait3A_365 = arith.constant 0 : i32
              %dma_wait3A_366 = arith.constant 0 : i32
              %dma_wait3A_367 = tpu.memref_slice %arg4[%dma_wait3A_365, %dma_wait3A_366] : memref<16384x8192xf32, #tpu.memory_space<hbm>> -> memref<1x8192xf32, #tpu.memory_space<hbm>>
              %dma_wait3A_368 = arith.constant 0 : i32
              %dma_wait3A_369 = arith.constant 0 : i32
              %dma_wait3A_370 = tpu.memref_slice %arg4[%dma_wait3A_368, %dma_wait3A_369] : memref<16384x8192xf32, #tpu.memory_space<hbm>> -> memref<1x8192xf32, #tpu.memory_space<hbm>>
              %dma_wait3A_371 = arith.constant 0 : i32
              %dma_wait3A_372 = arith.constant 0 : i32
              %dma_wait3A_373 = tpu.memref_slice %arg15[%dma_wait3A_360, %dma_wait3A_371, %dma_wait3A_372] : memref<5x1x8192xf32, #tpu.memory_space<vmem>> -> memref<1x1x8192xf32, #tpu.memory_space<vmem>>
              %dma_wait3A_374 = tpu.memref_squeeze %dma_wait3A_373 : memref<1x1x8192xf32, #tpu.memory_space<vmem>> -> memref<1x8192xf32, #tpu.memory_space<vmem>>
              tpu.wait_dma2 semaphore(%arg17 : memref<!tpu.dma_semaphore, #tpu.memory_space<semaphore_mem>>) src(%dma_wait3A_374 : memref<1x8192xf32, #tpu.memory_space<vmem>>) dst(%dma_wait3A_370 : memref<1x8192xf32, #tpu.memory_space<hbm>>)
            }
            %max3A_358 = arith.maxsi %reduce_sum3A_345, %cond3A_145 : i32
            scf.yield %max3A_358 : i32
          } else {
            scf.yield %cond3A_145 : i32
          }
          %dma_start3A = arith.constant 4 : i32
          %dma_start3A_291 = arith.constant 4 : i32
          %dma_start3A_292 = arith.constant 0 : i32
          %dma_start3A_293 = arith.constant 0 : i32
          %dma_start3A_294 = tpu.memref_slice %arg15[%dma_start3A, %dma_start3A_292, %dma_start3A_293] : memref<5x1x8192xf32, #tpu.memory_space<vmem>> -> memref<1x1x8192xf32, #tpu.memory_space<vmem>>
          %dma_start3A_295 = tpu.memref_squeeze %dma_start3A_294 : memref<1x1x8192xf32, #tpu.memory_space<vmem>> -> memref<1x8192xf32, #tpu.memory_space<vmem>>
          %dma_start3A_296 = arith.constant 0 : i32
          %dma_start3A_297 = tpu.memref_slice %arg12[%add3A_280, %dma_start3A_296] : memref<256x1xi32, #tpu.memory_space<vmem>> -> memref<1x1xi32, #tpu.memory_space<vmem>>
          %dma_start3A_298 = tpu.memref_squeeze %dma_start3A_297 : memref<1x1xi32, #tpu.memory_space<vmem>> -> memref<1xi32, #tpu.memory_space<vmem>>
          %dma_start3A_299 = arith.constant 0 : i32
          %dma_start3A_300 = arith.constant 0 : i32
          %dma_start3A_301 = tpu.memref_slice %arg2[%dma_start3A_299, %dma_start3A_300] : memref<8192x8192xf32, #tpu.memory_space<hbm>> -> memref<8192x8192xf32, #tpu.memory_space<hbm>>
          %dma_start3A_302 = tpu.memref_slice %arg16[%dma_start3A_291] : memref<5x!tpu.dma_semaphore, #tpu.memory_space<semaphore_mem>> -> memref<1x!tpu.dma_semaphore, #tpu.memory_space<semaphore_mem>>
          %dma_start3A_303 = tpu.memref_squeeze %dma_start3A_302 : memref<1x!tpu.dma_semaphore, #tpu.memory_space<semaphore_mem>> -> memref<!tpu.dma_semaphore, #tpu.memory_space<semaphore_mem>>
          tpu.enqueue_indirect_dma source(%dma_start3A_301 : memref<8192x8192xf32, #tpu.memory_space<hbm>>) target(%dma_start3A_295 : memref<1x8192xf32, #tpu.memory_space<vmem>>) offsets(%dma_start3A_298 : memref<1xi32, #tpu.memory_space<vmem>>) semaphore(%dma_start3A_303 : memref<!tpu.dma_semaphore, #tpu.memory_space<semaphore_mem>>)
          scf.yield %cond3A_290 : i32
        } else {
          scf.yield %cond3A_145 : i32
        }
        scf.yield %cond3A_285 : i32
      } else {
        scf.yield %cond3A_145 : i32
      }
      %mul3A_155 = arith.constant 5 : i32
      %mul3A_156 = arith.muli %while3A_136, %mul3A_155 : i32
      %add3A_157 = arith.constant 2 : i32
      %add3A_158 = arith.addi %mul3A_156, %add3A_157 : i32
      %lt3A_159 = arith.cmpi slt, %add3A_158, %scan3A_53 : i32
      %convert_element_type3A_160 = arith.extui %lt3A_159 : i1 to i32
      %cond3A_161 = arith.constant 0 : i32
      %cond3A_162 = arith.cmpi ne, %convert_element_type3A_160, %cond3A_161 : i32
      %cond3A_163 = scf.if %cond3A_162 -> (i32) {
        %jit3A_182 = arith.constant 8 : i32
        %div3A_183 = arith.divsi %add3A_158, %jit3A_182 : i32
        %sign3A_184 = arith.constant 0 : i32
        %sign3A_185 = arith.cmpi sgt, %add3A_158, %sign3A_184 : i32
        %sign3A_186 = arith.extui %sign3A_185 : i1 to i32
        %sign3A_187 = arith.constant 0 : i32
        %sign3A_188 = arith.cmpi slt, %add3A_158, %sign3A_187 : i32
        %sign3A_189 = arith.extui %sign3A_188 : i1 to i32
        %sign3A_190 = arith.subi %sign3A_186, %sign3A_189 : i32
        %sign3A_191 = arith.constant 0 : i32
        %sign3A_192 = arith.cmpi sgt, %jit3A_182, %sign3A_191 : i32
        %sign3A_193 = arith.extui %sign3A_192 : i1 to i32
        %sign3A_194 = arith.constant 0 : i32
        %sign3A_195 = arith.cmpi slt, %jit3A_182, %sign3A_194 : i32
        %sign3A_196 = arith.extui %sign3A_195 : i1 to i32
        %sign3A_197 = arith.subi %sign3A_193, %sign3A_196 : i32
        %ne3A_198 = arith.cmpi ne, %sign3A_190, %sign3A_197 : i32
        %rem3A_199 = arith.remsi %add3A_158, %jit3A_182 : i32
        %ne3A_200 = arith.constant 0 : i32
        %ne3A_201 = arith.cmpi ne, %rem3A_199, %ne3A_200 : i32
        %and3A_202 = arith.andi %ne3A_198, %ne3A_201 : i1
        %sub3A_203 = arith.constant 1 : i32
        %sub3A_204 = arith.subi %div3A_183, %sub3A_203 : i32
        %select_n3A_205 = arith.select %and3A_202, %sub3A_204, %div3A_183 : i32
        %mul3A_206 = arith.constant 8 : i32
        %mul3A_207 = arith.muli %select_n3A_205, %mul3A_206 : i32
        %get3A = arith.index_cast %mul3A_207 : i32 to index
        %get3A_208 = tpu.vector_load %arg13[%get3A] {strides = array<i32>} : memref<272xi32, #tpu.memory_space<vmem>>, vector<16xi32>,
        %sub3A_209 = arith.subi %add3A_158, %mul3A_207 : i32
        %eq3A = vector.broadcast %sub3A_209 : i32 to vector<16xi32>
        %eq3A_210 = arith.cmpi eq, %iota3A, %eq3A : vector<16xi32>
        %jit3A_211 = arith.constant 0 : i32
        %broadcast_in_dim3A_212 = vector.broadcast %jit3A_211 : i32 to vector<16xi32>
        %select_n3A_213 = arith.select %eq3A_210, %get3A_208, %broadcast_in_dim3A_212 : vector<16xi1>, vector<16xi32>
        %reduce_sum3A = arith.constant true
        %reduce_sum3A_214 = vector.broadcast %reduce_sum3A : i1 to vector<16xi1>
        %reduce_sum3A_215 = tpu.scan <sum>, %select_n3A_213 masked %reduce_sum3A_214 : vector<16xi32>, vector<16xi1> -> vector<16xi32>
        %reduce_sum3A_216 = vector.extract %reduce_sum3A_215[15] : i32 from vector<16xi32>
        %jit3A_217 = arith.constant 8 : i32
        %div3A_218 = arith.divsi %add3A_158, %jit3A_217 : i32
        %sign3A_219 = arith.constant 0 : i32
        %sign3A_220 = arith.cmpi sgt, %add3A_158, %sign3A_219 : i32
        %sign3A_221 = arith.extui %sign3A_220 : i1 to i32
        %sign3A_222 = arith.constant 0 : i32
        %sign3A_223 = arith.cmpi slt, %add3A_158, %sign3A_222 : i32
        %sign3A_224 = arith.extui %sign3A_223 : i1 to i32
        %sign3A_225 = arith.subi %sign3A_221, %sign3A_224 : i32
        %sign3A_226 = arith.constant 0 : i32
        %sign3A_227 = arith.cmpi sgt, %jit3A_217, %sign3A_226 : i32
        %sign3A_228 = arith.extui %sign3A_227 : i1 to i32
        %sign3A_229 = arith.constant 0 : i32
        %sign3A_230 = arith.cmpi slt, %jit3A_217, %sign3A_229 : i32
        %sign3A_231 = arith.extui %sign3A_230 : i1 to i32
        %sign3A_232 = arith.subi %sign3A_228, %sign3A_231 : i32
        %ne3A_233 = arith.cmpi ne, %sign3A_225, %sign3A_232 : i32
        %rem3A_234 = arith.remsi %add3A_158, %jit3A_217 : i32
        %ne3A_235 = arith.constant 0 : i32
        %ne3A_236 = arith.cmpi ne, %rem3A_234, %ne3A_235 : i32
        %and3A_237 = arith.andi %ne3A_233, %ne3A_236 : i1
        %sub3A_238 = arith.constant 1 : i32
        %sub3A_239 = arith.subi %div3A_218, %sub3A_238 : i32
        %select_n3A_240 = arith.select %and3A_237, %sub3A_239, %div3A_218 : i32
        %mul3A_241 = arith.constant 8 : i32
        %mul3A_242 = arith.muli %select_n3A_240, %mul3A_241 : i32
        %get3A_243 = arith.index_cast %mul3A_242 : i32 to index
        %get3A_244 = tpu.vector_load %arg14[%get3A_243] {strides = array<i32>} : memref<272xi32, #tpu.memory_space<vmem>>, vector<16xi32>,
        %sub3A_245 = arith.subi %add3A_158, %mul3A_242 : i32
        %eq3A_246 = vector.broadcast %sub3A_245 : i32 to vector<16xi32>
        %eq3A_247 = arith.cmpi eq, %iota3A, %eq3A_246 : vector<16xi32>
        %jit3A_248 = arith.constant 0 : i32
        %broadcast_in_dim3A_249 = vector.broadcast %jit3A_248 : i32 to vector<16xi32>
        %select_n3A_250 = arith.select %eq3A_247, %get3A_244, %broadcast_in_dim3A_249 : vector<16xi1>, vector<16xi32>
        %reduce_sum3A_251 = arith.constant true
        %reduce_sum3A_252 = vector.broadcast %reduce_sum3A_251 : i1 to vector<16xi1>
        %reduce_sum3A_253 = tpu.scan <sum>, %select_n3A_250 masked %reduce_sum3A_252 : vector<16xi32>, vector<16xi1> -> vector<16xi32>
        %reduce_sum3A_254 = vector.extract %reduce_sum3A_253[15] : i32 from vector<16xi32>
        %dma_wait3A = arith.constant 0 : i32
        %dma_wait3A_255 = arith.constant 2 : i32
        %dma_wait3A_256 = arith.constant 2 : i32
        %dma_wait3A_257 = arith.constant 0 : i32
        %dma_wait3A_258 = arith.constant 0 : i32
        %dma_wait3A_259 = tpu.memref_slice %arg15[%dma_wait3A_255, %dma_wait3A_257, %dma_wait3A_258] : memref<5x1x8192xf32, #tpu.memory_space<vmem>> -> memref<1x1x8192xf32, #tpu.memory_space<vmem>>
        %dma_wait3A_260 = tpu.memref_squeeze %dma_wait3A_259 : memref<1x1x8192xf32, #tpu.memory_space<vmem>> -> memref<1x8192xf32, #tpu.memory_space<vmem>>
        %dma_wait3A_261 = arith.constant 0 : i32
        %dma_wait3A_262 = tpu.memref_slice %arg12[%dma_wait3A, %dma_wait3A_261] : memref<256x1xi32, #tpu.memory_space<vmem>> -> memref<1x1xi32, #tpu.memory_space<vmem>>
        %dma_wait3A_263 = tpu.memref_squeeze %dma_wait3A_262 : memref<1x1xi32, #tpu.memory_space<vmem>> -> memref<1xi32, #tpu.memory_space<vmem>>
        %dma_wait3A_264 = arith.constant 0 : i32
        %dma_wait3A_265 = arith.constant 0 : i32
        %dma_wait3A_266 = tpu.memref_slice %arg2[%dma_wait3A_264, %dma_wait3A_265] : memref<8192x8192xf32, #tpu.memory_space<hbm>> -> memref<8192x8192xf32, #tpu.memory_space<hbm>>
        %dma_wait3A_267 = tpu.memref_slice %arg16[%dma_wait3A_256] : memref<5x!tpu.dma_semaphore, #tpu.memory_space<semaphore_mem>> -> memref<1x!tpu.dma_semaphore, #tpu.memory_space<semaphore_mem>>
        %dma_wait3A_268 = tpu.memref_squeeze %dma_wait3A_267 : memref<1x!tpu.dma_semaphore, #tpu.memory_space<semaphore_mem>> -> memref<!tpu.dma_semaphore, #tpu.memory_space<semaphore_mem>>
        tpu.wait_indirect_dma semaphore(%dma_wait3A_268 : memref<!tpu.dma_semaphore, #tpu.memory_space<semaphore_mem>>) src(%dma_wait3A_266 : memref<8192x8192xf32, #tpu.memory_space<hbm>>) dst(%dma_wait3A_260 : memref<1x8192xf32, #tpu.memory_space<vmem>>)
        %while3A_269 = arith.constant 0 : i32
        %while3A_270 = arith.constant 0 : i32
        %while3A_271 = arith.subi %reduce_sum3A_216, %while3A_270 : i32
        %while3A_272 = arith.addi %while3A_270, %while3A_271 : i32
        %while3A_273 = arith.constant 1 : i32
        %while3A_274 = arith.divsi %while3A_271, %while3A_273 : i32
        %while3A_275 = arith.muli %while3A_274, %while3A_273 : i32
        %while3A_276 = arith.addi %while3A_270, %while3A_275 : i32
        %while3A_277 = arith.constant 1 : i32
        scf.for %while3A_286 = %while3A_270 to %while3A_276 step %while3A_277  : i32 {
          %add3A_287 = arith.addi %reduce_sum3A_254, %while3A_286 : i32
          %jit3A_288 = arith.constant 8 : i32
          %div3A_289 = arith.divsi %add3A_287, %jit3A_288 : i32
          %sign3A_290 = arith.constant 0 : i32
          %sign3A_291 = arith.cmpi sgt, %add3A_287, %sign3A_290 : i32
          %sign3A_292 = arith.extui %sign3A_291 : i1 to i32
          %sign3A_293 = arith.constant 0 : i32
          %sign3A_294 = arith.cmpi slt, %add3A_287, %sign3A_293 : i32
          %sign3A_295 = arith.extui %sign3A_294 : i1 to i32
          %sign3A_296 = arith.subi %sign3A_292, %sign3A_295 : i32
          %sign3A_297 = arith.constant 0 : i32
          %sign3A_298 = arith.cmpi sgt, %jit3A_288, %sign3A_297 : i32
          %sign3A_299 = arith.extui %sign3A_298 : i1 to i32
          %sign3A_300 = arith.constant 0 : i32
          %sign3A_301 = arith.cmpi slt, %jit3A_288, %sign3A_300 : i32
          %sign3A_302 = arith.extui %sign3A_301 : i1 to i32
          %sign3A_303 = arith.subi %sign3A_299, %sign3A_302 : i32
          %ne3A_304 = arith.cmpi ne, %sign3A_296, %sign3A_303 : i32
          %rem3A_305 = arith.remsi %add3A_287, %jit3A_288 : i32
          %ne3A_306 = arith.constant 0 : i32
          %ne3A_307 = arith.cmpi ne, %rem3A_305, %ne3A_306 : i32
          %and3A_308 = arith.andi %ne3A_304, %ne3A_307 : i1
          %sub3A_309 = arith.constant 1 : i32
          %sub3A_310 = arith.subi %div3A_289, %sub3A_309 : i32
          %select_n3A_311 = arith.select %and3A_308, %sub3A_310, %div3A_289 : i32
          %mul3A_312 = arith.constant 8 : i32
          %mul3A_313 = arith.muli %select_n3A_311, %mul3A_312 : i32
          %get3A_314 = arith.index_cast %mul3A_313 : i32 to index
          %get3A_315 = tpu.vector_load %arg5[%get3A_314] {strides = array<i32>} : memref<16400xi32, #tpu.memory_space<vmem>>, vector<16xi32>,
          %sub3A_316 = arith.subi %add3A_287, %mul3A_313 : i32
          %eq3A_317 = vector.broadcast %sub3A_316 : i32 to vector<16xi32>
          %eq3A_318 = arith.cmpi eq, %iota3A, %eq3A_317 : vector<16xi32>
          %jit3A_319 = arith.constant 0 : i32
          %broadcast_in_dim3A_320 = vector.broadcast %jit3A_319 : i32 to vector<16xi32>
          %select_n3A_321 = arith.select %eq3A_318, %get3A_315, %broadcast_in_dim3A_320 : vector<16xi1>, vector<16xi32>
          %reduce_sum3A_322 = arith.constant true
          %reduce_sum3A_323 = vector.broadcast %reduce_sum3A_322 : i1 to vector<16xi1>
          %reduce_sum3A_324 = tpu.scan <sum>, %select_n3A_321 masked %reduce_sum3A_323 : vector<16xi32>, vector<16xi1> -> vector<16xi32>
          %reduce_sum3A_325 = vector.extract %reduce_sum3A_324[15] : i32 from vector<16xi32>
          %dma_start3A = arith.constant 2 : i32
          %dma_start3A_326 = arith.constant 0 : i32
          %dma_start3A_327 = arith.constant 0 : i32
          %dma_start3A_328 = tpu.memref_slice %arg15[%dma_start3A, %dma_start3A_326, %dma_start3A_327] : memref<5x1x8192xf32, #tpu.memory_space<vmem>> -> memref<1x1x8192xf32, #tpu.memory_space<vmem>>
          %dma_start3A_329 = tpu.memref_squeeze %dma_start3A_328 : memref<1x1x8192xf32, #tpu.memory_space<vmem>> -> memref<1x8192xf32, #tpu.memory_space<vmem>>
          %dma_start3A_330 = arith.constant 0 : i32
          %dma_start3A_331 = tpu.memref_slice %arg4[%reduce_sum3A_325, %dma_start3A_330] : memref<16384x8192xf32, #tpu.memory_space<hbm>> -> memref<1x8192xf32, #tpu.memory_space<hbm>>
          %dma_start3A_332 = arith.constant 0 : i32
          %dma_start3A_333 = tpu.memref_slice %arg4[%reduce_sum3A_325, %dma_start3A_332] : memref<16384x8192xf32, #tpu.memory_space<hbm>> -> memref<1x8192xf32, #tpu.memory_space<hbm>>
          %dma_start3A_334 = arith.constant 0 : i32
          %dma_start3A_335 = arith.constant 0 : i32
          %dma_start3A_336 = tpu.memref_slice %arg15[%dma_start3A, %dma_start3A_334, %dma_start3A_335] : memref<5x1x8192xf32, #tpu.memory_space<vmem>> -> memref<1x1x8192xf32, #tpu.memory_space<vmem>>
          %dma_start3A_337 = tpu.memref_squeeze %dma_start3A_336 : memref<1x1x8192xf32, #tpu.memory_space<vmem>> -> memref<1x8192xf32, #tpu.memory_space<vmem>>
          tpu.enqueue_dma source(%dma_start3A_337 : memref<1x8192xf32, #tpu.memory_space<vmem>>) target(%dma_start3A_333 : memref<1x8192xf32, #tpu.memory_space<hbm>>) target_semaphore(%arg17 : memref<!tpu.dma_semaphore, #tpu.memory_space<semaphore_mem>>)
        }
        %while3A_278 = arith.constant 1 : i32
        scf.for %while3A_286 = %while3A_276 to %while3A_272 step %while3A_278  : i32 {
          %add3A_287 = arith.addi %reduce_sum3A_254, %while3A_286 : i32
          %jit3A_288 = arith.constant 8 : i32
          %div3A_289 = arith.divsi %add3A_287, %jit3A_288 : i32
          %sign3A_290 = arith.constant 0 : i32
          %sign3A_291 = arith.cmpi sgt, %add3A_287, %sign3A_290 : i32
          %sign3A_292 = arith.extui %sign3A_291 : i1 to i32
          %sign3A_293 = arith.constant 0 : i32
          %sign3A_294 = arith.cmpi slt, %add3A_287, %sign3A_293 : i32
          %sign3A_295 = arith.extui %sign3A_294 : i1 to i32
          %sign3A_296 = arith.subi %sign3A_292, %sign3A_295 : i32
          %sign3A_297 = arith.constant 0 : i32
          %sign3A_298 = arith.cmpi sgt, %jit3A_288, %sign3A_297 : i32
          %sign3A_299 = arith.extui %sign3A_298 : i1 to i32
          %sign3A_300 = arith.constant 0 : i32
          %sign3A_301 = arith.cmpi slt, %jit3A_288, %sign3A_300 : i32
          %sign3A_302 = arith.extui %sign3A_301 : i1 to i32
          %sign3A_303 = arith.subi %sign3A_299, %sign3A_302 : i32
          %ne3A_304 = arith.cmpi ne, %sign3A_296, %sign3A_303 : i32
          %rem3A_305 = arith.remsi %add3A_287, %jit3A_288 : i32
          %ne3A_306 = arith.constant 0 : i32
          %ne3A_307 = arith.cmpi ne, %rem3A_305, %ne3A_306 : i32
          %and3A_308 = arith.andi %ne3A_304, %ne3A_307 : i1
          %sub3A_309 = arith.constant 1 : i32
          %sub3A_310 = arith.subi %div3A_289, %sub3A_309 : i32
          %select_n3A_311 = arith.select %and3A_308, %sub3A_310, %div3A_289 : i32
          %mul3A_312 = arith.constant 8 : i32
          %mul3A_313 = arith.muli %select_n3A_311, %mul3A_312 : i32
          %get3A_314 = arith.index_cast %mul3A_313 : i32 to index
          %get3A_315 = tpu.vector_load %arg5[%get3A_314] {strides = array<i32>} : memref<16400xi32, #tpu.memory_space<vmem>>, vector<16xi32>,
          %sub3A_316 = arith.subi %add3A_287, %mul3A_313 : i32
          %eq3A_317 = vector.broadcast %sub3A_316 : i32 to vector<16xi32>
          %eq3A_318 = arith.cmpi eq, %iota3A, %eq3A_317 : vector<16xi32>
          %jit3A_319 = arith.constant 0 : i32
          %broadcast_in_dim3A_320 = vector.broadcast %jit3A_319 : i32 to vector<16xi32>
          %select_n3A_321 = arith.select %eq3A_318, %get3A_315, %broadcast_in_dim3A_320 : vector<16xi1>, vector<16xi32>
          %reduce_sum3A_322 = arith.constant true
          %reduce_sum3A_323 = vector.broadcast %reduce_sum3A_322 : i1 to vector<16xi1>
          %reduce_sum3A_324 = tpu.scan <sum>, %select_n3A_321 masked %reduce_sum3A_323 : vector<16xi32>, vector<16xi1> -> vector<16xi32>
          %reduce_sum3A_325 = vector.extract %reduce_sum3A_324[15] : i32 from vector<16xi32>
          %dma_start3A = arith.constant 2 : i32
          %dma_start3A_326 = arith.constant 0 : i32
          %dma_start3A_327 = arith.constant 0 : i32
          %dma_start3A_328 = tpu.memref_slice %arg15[%dma_start3A, %dma_start3A_326, %dma_start3A_327] : memref<5x1x8192xf32, #tpu.memory_space<vmem>> -> memref<1x1x8192xf32, #tpu.memory_space<vmem>>
          %dma_start3A_329 = tpu.memref_squeeze %dma_start3A_328 : memref<1x1x8192xf32, #tpu.memory_space<vmem>> -> memref<1x8192xf32, #tpu.memory_space<vmem>>
          %dma_start3A_330 = arith.constant 0 : i32
          %dma_start3A_331 = tpu.memref_slice %arg4[%reduce_sum3A_325, %dma_start3A_330] : memref<16384x8192xf32, #tpu.memory_space<hbm>> -> memref<1x8192xf32, #tpu.memory_space<hbm>>
          %dma_start3A_332 = arith.constant 0 : i32
          %dma_start3A_333 = tpu.memref_slice %arg4[%reduce_sum3A_325, %dma_start3A_332] : memref<16384x8192xf32, #tpu.memory_space<hbm>> -> memref<1x8192xf32, #tpu.memory_space<hbm>>
          %dma_start3A_334 = arith.constant 0 : i32
          %dma_start3A_335 = arith.constant 0 : i32
          %dma_start3A_336 = tpu.memref_slice %arg15[%dma_start3A, %dma_start3A_334, %dma_start3A_335] : memref<5x1x8192xf32, #tpu.memory_space<vmem>> -> memref<1x1x8192xf32, #tpu.memory_space<vmem>>
          %dma_start3A_337 = tpu.memref_squeeze %dma_start3A_336 : memref<1x1x8192xf32, #tpu.memory_space<vmem>> -> memref<1x8192xf32, #tpu.memory_space<vmem>>
          tpu.enqueue_dma source(%dma_start3A_337 : memref<1x8192xf32, #tpu.memory_space<vmem>>) target(%dma_start3A_333 : memref<1x8192xf32, #tpu.memory_space<hbm>>) target_semaphore(%arg17 : memref<!tpu.dma_semaphore, #tpu.memory_space<semaphore_mem>>)
        }
        %add3A_279 = arith.constant 3 : i32
        %add3A_280 = arith.addi %add3A_158, %add3A_279 : i32
        %lt3A_281 = arith.cmpi slt, %add3A_280, %scan3A_53 : i32
        %convert_element_type3A_282 = arith.extui %lt3A_281 : i1 to i32
        %cond3A_283 = arith.constant 0 : i32
        %cond3A_284 = arith.cmpi ne, %convert_element_type3A_282, %cond3A_283 : i32
        %cond3A_285 = scf.if %cond3A_284 -> (i32) {
          %ge3A = arith.constant 2 : i32
          %ge3A_286 = arith.cmpi sge, %add3A_158, %ge3A : i32
          %convert_element_type3A_287 = arith.extui %ge3A_286 : i1 to i32
          %cond3A_288 = arith.constant 0 : i32
          %cond3A_289 = arith.cmpi ne, %convert_element_type3A_287, %cond3A_288 : i32
          %cond3A_290 = scf.if %cond3A_289 -> (i32) {
            %sub3A_304 = arith.constant 5 : i32
            %sub3A_305 = arith.subi %add3A_280, %sub3A_304 : i32
            %add3A_306 = arith.constant 1 : i32
            %add3A_307 = arith.addi %sub3A_305, %add3A_306 : i32
            %jit3A_308 = arith.constant 8 : i32
            %div3A_309 = arith.divsi %add3A_307, %jit3A_308 : i32
            %sign3A_310 = arith.constant 0 : i32
            %sign3A_311 = arith.cmpi sgt, %add3A_307, %sign3A_310 : i32
            %sign3A_312 = arith.extui %sign3A_311 : i1 to i32
            %sign3A_313 = arith.constant 0 : i32
            %sign3A_314 = arith.cmpi slt, %add3A_307, %sign3A_313 : i32
            %sign3A_315 = arith.extui %sign3A_314 : i1 to i32
            %sign3A_316 = arith.subi %sign3A_312, %sign3A_315 : i32
            %sign3A_317 = arith.constant 0 : i32
            %sign3A_318 = arith.cmpi sgt, %jit3A_308, %sign3A_317 : i32
            %sign3A_319 = arith.extui %sign3A_318 : i1 to i32
            %sign3A_320 = arith.constant 0 : i32
            %sign3A_321 = arith.cmpi slt, %jit3A_308, %sign3A_320 : i32
            %sign3A_322 = arith.extui %sign3A_321 : i1 to i32
            %sign3A_323 = arith.subi %sign3A_319, %sign3A_322 : i32
            %ne3A_324 = arith.cmpi ne, %sign3A_316, %sign3A_323 : i32
            %rem3A_325 = arith.remsi %add3A_307, %jit3A_308 : i32
            %ne3A_326 = arith.constant 0 : i32
            %ne3A_327 = arith.cmpi ne, %rem3A_325, %ne3A_326 : i32
            %and3A_328 = arith.andi %ne3A_324, %ne3A_327 : i1
            %sub3A_329 = arith.constant 1 : i32
            %sub3A_330 = arith.subi %div3A_309, %sub3A_329 : i32
            %select_n3A_331 = arith.select %and3A_328, %sub3A_330, %div3A_309 : i32
            %mul3A_332 = arith.constant 8 : i32
            %mul3A_333 = arith.muli %select_n3A_331, %mul3A_332 : i32
            %get3A_334 = arith.index_cast %mul3A_333 : i32 to index
            %get3A_335 = tpu.vector_load %arg14[%get3A_334] {strides = array<i32>} : memref<272xi32, #tpu.memory_space<vmem>>, vector<16xi32>,
            %sub3A_336 = arith.subi %add3A_307, %mul3A_333 : i32
            %eq3A_337 = vector.broadcast %sub3A_336 : i32 to vector<16xi32>
            %eq3A_338 = arith.cmpi eq, %iota3A, %eq3A_337 : vector<16xi32>
            %jit3A_339 = arith.constant 0 : i32
            %broadcast_in_dim3A_340 = vector.broadcast %jit3A_339 : i32 to vector<16xi32>
            %select_n3A_341 = arith.select %eq3A_338, %get3A_335, %broadcast_in_dim3A_340 : vector<16xi1>, vector<16xi32>
            %reduce_sum3A_342 = arith.constant true
            %reduce_sum3A_343 = vector.broadcast %reduce_sum3A_342 : i1 to vector<16xi1>
            %reduce_sum3A_344 = tpu.scan <sum>, %select_n3A_341 masked %reduce_sum3A_343 : vector<16xi32>, vector<16xi1> -> vector<16xi32>
            %reduce_sum3A_345 = vector.extract %reduce_sum3A_344[15] : i32 from vector<16xi32>
            %sub3A_346 = arith.subi %reduce_sum3A_345, %cond3A_154 : i32
            %max3A = arith.constant 0 : i32
            %max3A_347 = arith.maxsi %sub3A_346, %max3A : i32
            %while3A_348 = arith.constant 0 : i32
            %while3A_349 = arith.constant 0 : i32
            %while3A_350 = arith.subi %max3A_347, %while3A_349 : i32
            %while3A_351 = arith.addi %while3A_349, %while3A_350 : i32
            %while3A_352 = arith.constant 1 : i32
            %while3A_353 = arith.divsi %while3A_350, %while3A_352 : i32
            %while3A_354 = arith.muli %while3A_353, %while3A_352 : i32
            %while3A_355 = arith.addi %while3A_349, %while3A_354 : i32
            %while3A_356 = arith.constant 1 : i32
            scf.for %while3A_359 = %while3A_349 to %while3A_355 step %while3A_356  : i32 {
              %dma_wait3A_360 = arith.constant 0 : i32
              %dma_wait3A_361 = arith.constant 0 : i32
              %dma_wait3A_362 = arith.constant 0 : i32
              %dma_wait3A_363 = tpu.memref_slice %arg15[%dma_wait3A_360, %dma_wait3A_361, %dma_wait3A_362] : memref<5x1x8192xf32, #tpu.memory_space<vmem>> -> memref<1x1x8192xf32, #tpu.memory_space<vmem>>
              %dma_wait3A_364 = tpu.memref_squeeze %dma_wait3A_363 : memref<1x1x8192xf32, #tpu.memory_space<vmem>> -> memref<1x8192xf32, #tpu.memory_space<vmem>>
              %dma_wait3A_365 = arith.constant 0 : i32
              %dma_wait3A_366 = arith.constant 0 : i32
              %dma_wait3A_367 = tpu.memref_slice %arg4[%dma_wait3A_365, %dma_wait3A_366] : memref<16384x8192xf32, #tpu.memory_space<hbm>> -> memref<1x8192xf32, #tpu.memory_space<hbm>>
              %dma_wait3A_368 = arith.constant 0 : i32
              %dma_wait3A_369 = arith.constant 0 : i32
              %dma_wait3A_370 = tpu.memref_slice %arg4[%dma_wait3A_368, %dma_wait3A_369] : memref<16384x8192xf32, #tpu.memory_space<hbm>> -> memref<1x8192xf32, #tpu.memory_space<hbm>>
              %dma_wait3A_371 = arith.constant 0 : i32
              %dma_wait3A_372 = arith.constant 0 : i32
              %dma_wait3A_373 = tpu.memref_slice %arg15[%dma_wait3A_360, %dma_wait3A_371, %dma_wait3A_372] : memref<5x1x8192xf32, #tpu.memory_space<vmem>> -> memref<1x1x8192xf32, #tpu.memory_space<vmem>>
              %dma_wait3A_374 = tpu.memref_squeeze %dma_wait3A_373 : memref<1x1x8192xf32, #tpu.memory_space<vmem>> -> memref<1x8192xf32, #tpu.memory_space<vmem>>
              tpu.wait_dma2 semaphore(%arg17 : memref<!tpu.dma_semaphore, #tpu.memory_space<semaphore_mem>>) src(%dma_wait3A_374 : memref<1x8192xf32, #tpu.memory_space<vmem>>) dst(%dma_wait3A_370 : memref<1x8192xf32, #tpu.memory_space<hbm>>)
            }
            %while3A_357 = arith.constant 1 : i32
            scf.for %while3A_359 = %while3A_355 to %while3A_351 step %while3A_357  : i32 {
              %dma_wait3A_360 = arith.constant 0 : i32
              %dma_wait3A_361 = arith.constant 0 : i32
              %dma_wait3A_362 = arith.constant 0 : i32
              %dma_wait3A_363 = tpu.memref_slice %arg15[%dma_wait3A_360, %dma_wait3A_361, %dma_wait3A_362] : memref<5x1x8192xf32, #tpu.memory_space<vmem>> -> memref<1x1x8192xf32, #tpu.memory_space<vmem>>
              %dma_wait3A_364 = tpu.memref_squeeze %dma_wait3A_363 : memref<1x1x8192xf32, #tpu.memory_space<vmem>> -> memref<1x8192xf32, #tpu.memory_space<vmem>>
              %dma_wait3A_365 = arith.constant 0 : i32
              %dma_wait3A_366 = arith.constant 0 : i32
              %dma_wait3A_367 = tpu.memref_slice %arg4[%dma_wait3A_365, %dma_wait3A_366] : memref<16384x8192xf32, #tpu.memory_space<hbm>> -> memref<1x8192xf32, #tpu.memory_space<hbm>>
              %dma_wait3A_368 = arith.constant 0 : i32
              %dma_wait3A_369 = arith.constant 0 : i32
              %dma_wait3A_370 = tpu.memref_slice %arg4[%dma_wait3A_368, %dma_wait3A_369] : memref<16384x8192xf32, #tpu.memory_space<hbm>> -> memref<1x8192xf32, #tpu.memory_space<hbm>>
              %dma_wait3A_371 = arith.constant 0 : i32
              %dma_wait3A_372 = arith.constant 0 : i32
              %dma_wait3A_373 = tpu.memref_slice %arg15[%dma_wait3A_360, %dma_wait3A_371, %dma_wait3A_372] : memref<5x1x8192xf32, #tpu.memory_space<vmem>> -> memref<1x1x8192xf32, #tpu.memory_space<vmem>>
              %dma_wait3A_374 = tpu.memref_squeeze %dma_wait3A_373 : memref<1x1x8192xf32, #tpu.memory_space<vmem>> -> memref<1x8192xf32, #tpu.memory_space<vmem>>
              tpu.wait_dma2 semaphore(%arg17 : memref<!tpu.dma_semaphore, #tpu.memory_space<semaphore_mem>>) src(%dma_wait3A_374 : memref<1x8192xf32, #tpu.memory_space<vmem>>) dst(%dma_wait3A_370 : memref<1x8192xf32, #tpu.memory_space<hbm>>)
            }
            %max3A_358 = arith.maxsi %reduce_sum3A_345, %cond3A_154 : i32
            scf.yield %max3A_358 : i32
          } else {
            scf.yield %cond3A_154 : i32
          }
          %dma_start3A = arith.constant 0 : i32
          %dma_start3A_291 = arith.constant 0 : i32
          %dma_start3A_292 = arith.constant 0 : i32
          %dma_start3A_293 = arith.constant 0 : i32
          %dma_start3A_294 = tpu.memref_slice %arg15[%dma_start3A, %dma_start3A_292, %dma_start3A_293] : memref<5x1x8192xf32, #tpu.memory_space<vmem>> -> memref<1x1x8192xf32, #tpu.memory_space<vmem>>
          %dma_start3A_295 = tpu.memref_squeeze %dma_start3A_294 : memref<1x1x8192xf32, #tpu.memory_space<vmem>> -> memref<1x8192xf32, #tpu.memory_space<vmem>>
          %dma_start3A_296 = arith.constant 0 : i32
          %dma_start3A_297 = tpu.memref_slice %arg12[%add3A_280, %dma_start3A_296] : memref<256x1xi32, #tpu.memory_space<vmem>> -> memref<1x1xi32, #tpu.memory_space<vmem>>
          %dma_start3A_298 = tpu.memref_squeeze %dma_start3A_297 : memref<1x1xi32, #tpu.memory_space<vmem>> -> memref<1xi32, #tpu.memory_space<vmem>>
          %dma_start3A_299 = arith.constant 0 : i32
          %dma_start3A_300 = arith.constant 0 : i32
          %dma_start3A_301 = tpu.memref_slice %arg2[%dma_start3A_299, %dma_start3A_300] : memref<8192x8192xf32, #tpu.memory_space<hbm>> -> memref<8192x8192xf32, #tpu.memory_space<hbm>>
          %dma_start3A_302 = tpu.memref_slice %arg16[%dma_start3A_291] : memref<5x!tpu.dma_semaphore, #tpu.memory_space<semaphore_mem>> -> memref<1x!tpu.dma_semaphore, #tpu.memory_space<semaphore_mem>>
          %dma_start3A_303 = tpu.memref_squeeze %dma_start3A_302 : memref<1x!tpu.dma_semaphore, #tpu.memory_space<semaphore_mem>> -> memref<!tpu.dma_semaphore, #tpu.memory_space<semaphore_mem>>
          tpu.enqueue_indirect_dma source(%dma_start3A_301 : memref<8192x8192xf32, #tpu.memory_space<hbm>>) target(%dma_start3A_295 : memref<1x8192xf32, #tpu.memory_space<vmem>>) offsets(%dma_start3A_298 : memref<1xi32, #tpu.memory_space<vmem>>) semaphore(%dma_start3A_303 : memref<!tpu.dma_semaphore, #tpu.memory_space<semaphore_mem>>)
          scf.yield %cond3A_290 : i32
        } else {
          scf.yield %cond3A_154 : i32
        }
        scf.yield %cond3A_285 : i32
      } else {
        scf.yield %cond3A_154 : i32
      }
      %mul3A_164 = arith.constant 5 : i32
      %mul3A_165 = arith.muli %while3A_136, %mul3A_164 : i32
      %add3A_166 = arith.constant 3 : i32
      %add3A_167 = arith.addi %mul3A_165, %add3A_166 : i32
      %lt3A_168 = arith.cmpi slt, %add3A_167, %scan3A_53 : i32
      %convert_element_type3A_169 = arith.extui %lt3A_168 : i1 to i32
      %cond3A_170 = arith.constant 0 : i32
      %cond3A_171 = arith.cmpi ne, %convert_element_type3A_169, %cond3A_170 : i32
      %cond3A_172 = scf.if %cond3A_171 -> (i32) {
        %jit3A_182 = arith.constant 8 : i32
        %div3A_183 = arith.divsi %add3A_167, %jit3A_182 : i32
        %sign3A_184 = arith.constant 0 : i32
        %sign3A_185 = arith.cmpi sgt, %add3A_167, %sign3A_184 : i32
        %sign3A_186 = arith.extui %sign3A_185 : i1 to i32
        %sign3A_187 = arith.constant 0 : i32
        %sign3A_188 = arith.cmpi slt, %add3A_167, %sign3A_187 : i32
        %sign3A_189 = arith.extui %sign3A_188 : i1 to i32
        %sign3A_190 = arith.subi %sign3A_186, %sign3A_189 : i32
        %sign3A_191 = arith.constant 0 : i32
        %sign3A_192 = arith.cmpi sgt, %jit3A_182, %sign3A_191 : i32
        %sign3A_193 = arith.extui %sign3A_192 : i1 to i32
        %sign3A_194 = arith.constant 0 : i32
        %sign3A_195 = arith.cmpi slt, %jit3A_182, %sign3A_194 : i32
        %sign3A_196 = arith.extui %sign3A_195 : i1 to i32
        %sign3A_197 = arith.subi %sign3A_193, %sign3A_196 : i32
        %ne3A_198 = arith.cmpi ne, %sign3A_190, %sign3A_197 : i32
        %rem3A_199 = arith.remsi %add3A_167, %jit3A_182 : i32
        %ne3A_200 = arith.constant 0 : i32
        %ne3A_201 = arith.cmpi ne, %rem3A_199, %ne3A_200 : i32
        %and3A_202 = arith.andi %ne3A_198, %ne3A_201 : i1
        %sub3A_203 = arith.constant 1 : i32
        %sub3A_204 = arith.subi %div3A_183, %sub3A_203 : i32
        %select_n3A_205 = arith.select %and3A_202, %sub3A_204, %div3A_183 : i32
        %mul3A_206 = arith.constant 8 : i32
        %mul3A_207 = arith.muli %select_n3A_205, %mul3A_206 : i32
        %get3A = arith.index_cast %mul3A_207 : i32 to index
        %get3A_208 = tpu.vector_load %arg13[%get3A] {strides = array<i32>} : memref<272xi32, #tpu.memory_space<vmem>>, vector<16xi32>,
        %sub3A_209 = arith.subi %add3A_167, %mul3A_207 : i32
        %eq3A = vector.broadcast %sub3A_209 : i32 to vector<16xi32>
        %eq3A_210 = arith.cmpi eq, %iota3A, %eq3A : vector<16xi32>
        %jit3A_211 = arith.constant 0 : i32
        %broadcast_in_dim3A_212 = vector.broadcast %jit3A_211 : i32 to vector<16xi32>
        %select_n3A_213 = arith.select %eq3A_210, %get3A_208, %broadcast_in_dim3A_212 : vector<16xi1>, vector<16xi32>
        %reduce_sum3A = arith.constant true
        %reduce_sum3A_214 = vector.broadcast %reduce_sum3A : i1 to vector<16xi1>
        %reduce_sum3A_215 = tpu.scan <sum>, %select_n3A_213 masked %reduce_sum3A_214 : vector<16xi32>, vector<16xi1> -> vector<16xi32>
        %reduce_sum3A_216 = vector.extract %reduce_sum3A_215[15] : i32 from vector<16xi32>
        %jit3A_217 = arith.constant 8 : i32
        %div3A_218 = arith.divsi %add3A_167, %jit3A_217 : i32
        %sign3A_219 = arith.constant 0 : i32
        %sign3A_220 = arith.cmpi sgt, %add3A_167, %sign3A_219 : i32
        %sign3A_221 = arith.extui %sign3A_220 : i1 to i32
        %sign3A_222 = arith.constant 0 : i32
        %sign3A_223 = arith.cmpi slt, %add3A_167, %sign3A_222 : i32
        %sign3A_224 = arith.extui %sign3A_223 : i1 to i32
        %sign3A_225 = arith.subi %sign3A_221, %sign3A_224 : i32
        %sign3A_226 = arith.constant 0 : i32
        %sign3A_227 = arith.cmpi sgt, %jit3A_217, %sign3A_226 : i32
        %sign3A_228 = arith.extui %sign3A_227 : i1 to i32
        %sign3A_229 = arith.constant 0 : i32
        %sign3A_230 = arith.cmpi slt, %jit3A_217, %sign3A_229 : i32
        %sign3A_231 = arith.extui %sign3A_230 : i1 to i32
        %sign3A_232 = arith.subi %sign3A_228, %sign3A_231 : i32
        %ne3A_233 = arith.cmpi ne, %sign3A_225, %sign3A_232 : i32
        %rem3A_234 = arith.remsi %add3A_167, %jit3A_217 : i32
        %ne3A_235 = arith.constant 0 : i32
        %ne3A_236 = arith.cmpi ne, %rem3A_234, %ne3A_235 : i32
        %and3A_237 = arith.andi %ne3A_233, %ne3A_236 : i1
        %sub3A_238 = arith.constant 1 : i32
        %sub3A_239 = arith.subi %div3A_218, %sub3A_238 : i32
        %select_n3A_240 = arith.select %and3A_237, %sub3A_239, %div3A_218 : i32
        %mul3A_241 = arith.constant 8 : i32
        %mul3A_242 = arith.muli %select_n3A_240, %mul3A_241 : i32
        %get3A_243 = arith.index_cast %mul3A_242 : i32 to index
        %get3A_244 = tpu.vector_load %arg14[%get3A_243] {strides = array<i32>} : memref<272xi32, #tpu.memory_space<vmem>>, vector<16xi32>,
        %sub3A_245 = arith.subi %add3A_167, %mul3A_242 : i32
        %eq3A_246 = vector.broadcast %sub3A_245 : i32 to vector<16xi32>
        %eq3A_247 = arith.cmpi eq, %iota3A, %eq3A_246 : vector<16xi32>
        %jit3A_248 = arith.constant 0 : i32
        %broadcast_in_dim3A_249 = vector.broadcast %jit3A_248 : i32 to vector<16xi32>
        %select_n3A_250 = arith.select %eq3A_247, %get3A_244, %broadcast_in_dim3A_249 : vector<16xi1>, vector<16xi32>
        %reduce_sum3A_251 = arith.constant true
        %reduce_sum3A_252 = vector.broadcast %reduce_sum3A_251 : i1 to vector<16xi1>
        %reduce_sum3A_253 = tpu.scan <sum>, %select_n3A_250 masked %reduce_sum3A_252 : vector<16xi32>, vector<16xi1> -> vector<16xi32>
        %reduce_sum3A_254 = vector.extract %reduce_sum3A_253[15] : i32 from vector<16xi32>
        %dma_wait3A = arith.constant 0 : i32
        %dma_wait3A_255 = arith.constant 3 : i32
        %dma_wait3A_256 = arith.constant 3 : i32
        %dma_wait3A_257 = arith.constant 0 : i32
        %dma_wait3A_258 = arith.constant 0 : i32
        %dma_wait3A_259 = tpu.memref_slice %arg15[%dma_wait3A_255, %dma_wait3A_257, %dma_wait3A_258] : memref<5x1x8192xf32, #tpu.memory_space<vmem>> -> memref<1x1x8192xf32, #tpu.memory_space<vmem>>
        %dma_wait3A_260 = tpu.memref_squeeze %dma_wait3A_259 : memref<1x1x8192xf32, #tpu.memory_space<vmem>> -> memref<1x8192xf32, #tpu.memory_space<vmem>>
        %dma_wait3A_261 = arith.constant 0 : i32
        %dma_wait3A_262 = tpu.memref_slice %arg12[%dma_wait3A, %dma_wait3A_261] : memref<256x1xi32, #tpu.memory_space<vmem>> -> memref<1x1xi32, #tpu.memory_space<vmem>>
        %dma_wait3A_263 = tpu.memref_squeeze %dma_wait3A_262 : memref<1x1xi32, #tpu.memory_space<vmem>> -> memref<1xi32, #tpu.memory_space<vmem>>
        %dma_wait3A_264 = arith.constant 0 : i32
        %dma_wait3A_265 = arith.constant 0 : i32
        %dma_wait3A_266 = tpu.memref_slice %arg2[%dma_wait3A_264, %dma_wait3A_265] : memref<8192x8192xf32, #tpu.memory_space<hbm>> -> memref<8192x8192xf32, #tpu.memory_space<hbm>>
        %dma_wait3A_267 = tpu.memref_slice %arg16[%dma_wait3A_256] : memref<5x!tpu.dma_semaphore, #tpu.memory_space<semaphore_mem>> -> memref<1x!tpu.dma_semaphore, #tpu.memory_space<semaphore_mem>>
        %dma_wait3A_268 = tpu.memref_squeeze %dma_wait3A_267 : memref<1x!tpu.dma_semaphore, #tpu.memory_space<semaphore_mem>> -> memref<!tpu.dma_semaphore, #tpu.memory_space<semaphore_mem>>
        tpu.wait_indirect_dma semaphore(%dma_wait3A_268 : memref<!tpu.dma_semaphore, #tpu.memory_space<semaphore_mem>>) src(%dma_wait3A_266 : memref<8192x8192xf32, #tpu.memory_space<hbm>>) dst(%dma_wait3A_260 : memref<1x8192xf32, #tpu.memory_space<vmem>>)
        %while3A_269 = arith.constant 0 : i32
        %while3A_270 = arith.constant 0 : i32
        %while3A_271 = arith.subi %reduce_sum3A_216, %while3A_270 : i32
        %while3A_272 = arith.addi %while3A_270, %while3A_271 : i32
        %while3A_273 = arith.constant 1 : i32
        %while3A_274 = arith.divsi %while3A_271, %while3A_273 : i32
        %while3A_275 = arith.muli %while3A_274, %while3A_273 : i32
        %while3A_276 = arith.addi %while3A_270, %while3A_275 : i32
        %while3A_277 = arith.constant 1 : i32
        scf.for %while3A_286 = %while3A_270 to %while3A_276 step %while3A_277  : i32 {
          %add3A_287 = arith.addi %reduce_sum3A_254, %while3A_286 : i32
          %jit3A_288 = arith.constant 8 : i32
          %div3A_289 = arith.divsi %add3A_287, %jit3A_288 : i32
          %sign3A_290 = arith.constant 0 : i32
          %sign3A_291 = arith.cmpi sgt, %add3A_287, %sign3A_290 : i32
          %sign3A_292 = arith.extui %sign3A_291 : i1 to i32
          %sign3A_293 = arith.constant 0 : i32
          %sign3A_294 = arith.cmpi slt, %add3A_287, %sign3A_293 : i32
          %sign3A_295 = arith.extui %sign3A_294 : i1 to i32
          %sign3A_296 = arith.subi %sign3A_292, %sign3A_295 : i32
          %sign3A_297 = arith.constant 0 : i32
          %sign3A_298 = arith.cmpi sgt, %jit3A_288, %sign3A_297 : i32
          %sign3A_299 = arith.extui %sign3A_298 : i1 to i32
          %sign3A_300 = arith.constant 0 : i32
          %sign3A_301 = arith.cmpi slt, %jit3A_288, %sign3A_300 : i32
          %sign3A_302 = arith.extui %sign3A_301 : i1 to i32
          %sign3A_303 = arith.subi %sign3A_299, %sign3A_302 : i32
          %ne3A_304 = arith.cmpi ne, %sign3A_296, %sign3A_303 : i32
          %rem3A_305 = arith.remsi %add3A_287, %jit3A_288 : i32
          %ne3A_306 = arith.constant 0 : i32
          %ne3A_307 = arith.cmpi ne, %rem3A_305, %ne3A_306 : i32
          %and3A_308 = arith.andi %ne3A_304, %ne3A_307 : i1
          %sub3A_309 = arith.constant 1 : i32
          %sub3A_310 = arith.subi %div3A_289, %sub3A_309 : i32
          %select_n3A_311 = arith.select %and3A_308, %sub3A_310, %div3A_289 : i32
          %mul3A_312 = arith.constant 8 : i32
          %mul3A_313 = arith.muli %select_n3A_311, %mul3A_312 : i32
          %get3A_314 = arith.index_cast %mul3A_313 : i32 to index
          %get3A_315 = tpu.vector_load %arg5[%get3A_314] {strides = array<i32>} : memref<16400xi32, #tpu.memory_space<vmem>>, vector<16xi32>,
          %sub3A_316 = arith.subi %add3A_287, %mul3A_313 : i32
          %eq3A_317 = vector.broadcast %sub3A_316 : i32 to vector<16xi32>
          %eq3A_318 = arith.cmpi eq, %iota3A, %eq3A_317 : vector<16xi32>
          %jit3A_319 = arith.constant 0 : i32
          %broadcast_in_dim3A_320 = vector.broadcast %jit3A_319 : i32 to vector<16xi32>
          %select_n3A_321 = arith.select %eq3A_318, %get3A_315, %broadcast_in_dim3A_320 : vector<16xi1>, vector<16xi32>
          %reduce_sum3A_322 = arith.constant true
          %reduce_sum3A_323 = vector.broadcast %reduce_sum3A_322 : i1 to vector<16xi1>
          %reduce_sum3A_324 = tpu.scan <sum>, %select_n3A_321 masked %reduce_sum3A_323 : vector<16xi32>, vector<16xi1> -> vector<16xi32>
          %reduce_sum3A_325 = vector.extract %reduce_sum3A_324[15] : i32 from vector<16xi32>
          %dma_start3A = arith.constant 3 : i32
          %dma_start3A_326 = arith.constant 0 : i32
          %dma_start3A_327 = arith.constant 0 : i32
          %dma_start3A_328 = tpu.memref_slice %arg15[%dma_start3A, %dma_start3A_326, %dma_start3A_327] : memref<5x1x8192xf32, #tpu.memory_space<vmem>> -> memref<1x1x8192xf32, #tpu.memory_space<vmem>>
          %dma_start3A_329 = tpu.memref_squeeze %dma_start3A_328 : memref<1x1x8192xf32, #tpu.memory_space<vmem>> -> memref<1x8192xf32, #tpu.memory_space<vmem>>
          %dma_start3A_330 = arith.constant 0 : i32
          %dma_start3A_331 = tpu.memref_slice %arg4[%reduce_sum3A_325, %dma_start3A_330] : memref<16384x8192xf32, #tpu.memory_space<hbm>> -> memref<1x8192xf32, #tpu.memory_space<hbm>>
          %dma_start3A_332 = arith.constant 0 : i32
          %dma_start3A_333 = tpu.memref_slice %arg4[%reduce_sum3A_325, %dma_start3A_332] : memref<16384x8192xf32, #tpu.memory_space<hbm>> -> memref<1x8192xf32, #tpu.memory_space<hbm>>
          %dma_start3A_334 = arith.constant 0 : i32
          %dma_start3A_335 = arith.constant 0 : i32
          %dma_start3A_336 = tpu.memref_slice %arg15[%dma_start3A, %dma_start3A_334, %dma_start3A_335] : memref<5x1x8192xf32, #tpu.memory_space<vmem>> -> memref<1x1x8192xf32, #tpu.memory_space<vmem>>
          %dma_start3A_337 = tpu.memref_squeeze %dma_start3A_336 : memref<1x1x8192xf32, #tpu.memory_space<vmem>> -> memref<1x8192xf32, #tpu.memory_space<vmem>>
          tpu.enqueue_dma source(%dma_start3A_337 : memref<1x8192xf32, #tpu.memory_space<vmem>>) target(%dma_start3A_333 : memref<1x8192xf32, #tpu.memory_space<hbm>>) target_semaphore(%arg17 : memref<!tpu.dma_semaphore, #tpu.memory_space<semaphore_mem>>)
        }
        %while3A_278 = arith.constant 1 : i32
        scf.for %while3A_286 = %while3A_276 to %while3A_272 step %while3A_278  : i32 {
          %add3A_287 = arith.addi %reduce_sum3A_254, %while3A_286 : i32
          %jit3A_288 = arith.constant 8 : i32
          %div3A_289 = arith.divsi %add3A_287, %jit3A_288 : i32
          %sign3A_290 = arith.constant 0 : i32
          %sign3A_291 = arith.cmpi sgt, %add3A_287, %sign3A_290 : i32
          %sign3A_292 = arith.extui %sign3A_291 : i1 to i32
          %sign3A_293 = arith.constant 0 : i32
          %sign3A_294 = arith.cmpi slt, %add3A_287, %sign3A_293 : i32
          %sign3A_295 = arith.extui %sign3A_294 : i1 to i32
          %sign3A_296 = arith.subi %sign3A_292, %sign3A_295 : i32
          %sign3A_297 = arith.constant 0 : i32
          %sign3A_298 = arith.cmpi sgt, %jit3A_288, %sign3A_297 : i32
          %sign3A_299 = arith.extui %sign3A_298 : i1 to i32
          %sign3A_300 = arith.constant 0 : i32
          %sign3A_301 = arith.cmpi slt, %jit3A_288, %sign3A_300 : i32
          %sign3A_302 = arith.extui %sign3A_301 : i1 to i32
          %sign3A_303 = arith.subi %sign3A_299, %sign3A_302 : i32
          %ne3A_304 = arith.cmpi ne, %sign3A_296, %sign3A_303 : i32
          %rem3A_305 = arith.remsi %add3A_287, %jit3A_288 : i32
          %ne3A_306 = arith.constant 0 : i32
          %ne3A_307 = arith.cmpi ne, %rem3A_305, %ne3A_306 : i32
          %and3A_308 = arith.andi %ne3A_304, %ne3A_307 : i1
          %sub3A_309 = arith.constant 1 : i32
          %sub3A_310 = arith.subi %div3A_289, %sub3A_309 : i32
          %select_n3A_311 = arith.select %and3A_308, %sub3A_310, %div3A_289 : i32
          %mul3A_312 = arith.constant 8 : i32
          %mul3A_313 = arith.muli %select_n3A_311, %mul3A_312 : i32
          %get3A_314 = arith.index_cast %mul3A_313 : i32 to index
          %get3A_315 = tpu.vector_load %arg5[%get3A_314] {strides = array<i32>} : memref<16400xi32, #tpu.memory_space<vmem>>, vector<16xi32>,
          %sub3A_316 = arith.subi %add3A_287, %mul3A_313 : i32
          %eq3A_317 = vector.broadcast %sub3A_316 : i32 to vector<16xi32>
          %eq3A_318 = arith.cmpi eq, %iota3A, %eq3A_317 : vector<16xi32>
          %jit3A_319 = arith.constant 0 : i32
          %broadcast_in_dim3A_320 = vector.broadcast %jit3A_319 : i32 to vector<16xi32>
          %select_n3A_321 = arith.select %eq3A_318, %get3A_315, %broadcast_in_dim3A_320 : vector<16xi1>, vector<16xi32>
          %reduce_sum3A_322 = arith.constant true
          %reduce_sum3A_323 = vector.broadcast %reduce_sum3A_322 : i1 to vector<16xi1>
          %reduce_sum3A_324 = tpu.scan <sum>, %select_n3A_321 masked %reduce_sum3A_323 : vector<16xi32>, vector<16xi1> -> vector<16xi32>
          %reduce_sum3A_325 = vector.extract %reduce_sum3A_324[15] : i32 from vector<16xi32>
          %dma_start3A = arith.constant 3 : i32
          %dma_start3A_326 = arith.constant 0 : i32
          %dma_start3A_327 = arith.constant 0 : i32
          %dma_start3A_328 = tpu.memref_slice %arg15[%dma_start3A, %dma_start3A_326, %dma_start3A_327] : memref<5x1x8192xf32, #tpu.memory_space<vmem>> -> memref<1x1x8192xf32, #tpu.memory_space<vmem>>
          %dma_start3A_329 = tpu.memref_squeeze %dma_start3A_328 : memref<1x1x8192xf32, #tpu.memory_space<vmem>> -> memref<1x8192xf32, #tpu.memory_space<vmem>>
          %dma_start3A_330 = arith.constant 0 : i32
          %dma_start3A_331 = tpu.memref_slice %arg4[%reduce_sum3A_325, %dma_start3A_330] : memref<16384x8192xf32, #tpu.memory_space<hbm>> -> memref<1x8192xf32, #tpu.memory_space<hbm>>
          %dma_start3A_332 = arith.constant 0 : i32
          %dma_start3A_333 = tpu.memref_slice %arg4[%reduce_sum3A_325, %dma_start3A_332] : memref<16384x8192xf32, #tpu.memory_space<hbm>> -> memref<1x8192xf32, #tpu.memory_space<hbm>>
          %dma_start3A_334 = arith.constant 0 : i32
          %dma_start3A_335 = arith.constant 0 : i32
          %dma_start3A_336 = tpu.memref_slice %arg15[%dma_start3A, %dma_start3A_334, %dma_start3A_335] : memref<5x1x8192xf32, #tpu.memory_space<vmem>> -> memref<1x1x8192xf32, #tpu.memory_space<vmem>>
          %dma_start3A_337 = tpu.memref_squeeze %dma_start3A_336 : memref<1x1x8192xf32, #tpu.memory_space<vmem>> -> memref<1x8192xf32, #tpu.memory_space<vmem>>
          tpu.enqueue_dma source(%dma_start3A_337 : memref<1x8192xf32, #tpu.memory_space<vmem>>) target(%dma_start3A_333 : memref<1x8192xf32, #tpu.memory_space<hbm>>) target_semaphore(%arg17 : memref<!tpu.dma_semaphore, #tpu.memory_space<semaphore_mem>>)
        }
        %add3A_279 = arith.constant 3 : i32
        %add3A_280 = arith.addi %add3A_167, %add3A_279 : i32
        %lt3A_281 = arith.cmpi slt, %add3A_280, %scan3A_53 : i32
        %convert_element_type3A_282 = arith.extui %lt3A_281 : i1 to i32
        %cond3A_283 = arith.constant 0 : i32
        %cond3A_284 = arith.cmpi ne, %convert_element_type3A_282, %cond3A_283 : i32
        %cond3A_285 = scf.if %cond3A_284 -> (i32) {
          %ge3A = arith.constant 2 : i32
          %ge3A_286 = arith.cmpi sge, %add3A_167, %ge3A : i32
          %convert_element_type3A_287 = arith.extui %ge3A_286 : i1 to i32
          %cond3A_288 = arith.constant 0 : i32
          %cond3A_289 = arith.cmpi ne, %convert_element_type3A_287, %cond3A_288 : i32
          %cond3A_290 = scf.if %cond3A_289 -> (i32) {
            %sub3A_304 = arith.constant 5 : i32
            %sub3A_305 = arith.subi %add3A_280, %sub3A_304 : i32
            %add3A_306 = arith.constant 1 : i32
            %add3A_307 = arith.addi %sub3A_305, %add3A_306 : i32
            %jit3A_308 = arith.constant 8 : i32
            %div3A_309 = arith.divsi %add3A_307, %jit3A_308 : i32
            %sign3A_310 = arith.constant 0 : i32
            %sign3A_311 = arith.cmpi sgt, %add3A_307, %sign3A_310 : i32
            %sign3A_312 = arith.extui %sign3A_311 : i1 to i32
            %sign3A_313 = arith.constant 0 : i32
            %sign3A_314 = arith.cmpi slt, %add3A_307, %sign3A_313 : i32
            %sign3A_315 = arith.extui %sign3A_314 : i1 to i32
            %sign3A_316 = arith.subi %sign3A_312, %sign3A_315 : i32
            %sign3A_317 = arith.constant 0 : i32
            %sign3A_318 = arith.cmpi sgt, %jit3A_308, %sign3A_317 : i32
            %sign3A_319 = arith.extui %sign3A_318 : i1 to i32
            %sign3A_320 = arith.constant 0 : i32
            %sign3A_321 = arith.cmpi slt, %jit3A_308, %sign3A_320 : i32
            %sign3A_322 = arith.extui %sign3A_321 : i1 to i32
            %sign3A_323 = arith.subi %sign3A_319, %sign3A_322 : i32
            %ne3A_324 = arith.cmpi ne, %sign3A_316, %sign3A_323 : i32
            %rem3A_325 = arith.remsi %add3A_307, %jit3A_308 : i32
            %ne3A_326 = arith.constant 0 : i32
            %ne3A_327 = arith.cmpi ne, %rem3A_325, %ne3A_326 : i32
            %and3A_328 = arith.andi %ne3A_324, %ne3A_327 : i1
            %sub3A_329 = arith.constant 1 : i32
            %sub3A_330 = arith.subi %div3A_309, %sub3A_329 : i32
            %select_n3A_331 = arith.select %and3A_328, %sub3A_330, %div3A_309 : i32
            %mul3A_332 = arith.constant 8 : i32
            %mul3A_333 = arith.muli %select_n3A_331, %mul3A_332 : i32
            %get3A_334 = arith.index_cast %mul3A_333 : i32 to index
            %get3A_335 = tpu.vector_load %arg14[%get3A_334] {strides = array<i32>} : memref<272xi32, #tpu.memory_space<vmem>>, vector<16xi32>,
            %sub3A_336 = arith.subi %add3A_307, %mul3A_333 : i32
            %eq3A_337 = vector.broadcast %sub3A_336 : i32 to vector<16xi32>
            %eq3A_338 = arith.cmpi eq, %iota3A, %eq3A_337 : vector<16xi32>
            %jit3A_339 = arith.constant 0 : i32
            %broadcast_in_dim3A_340 = vector.broadcast %jit3A_339 : i32 to vector<16xi32>
            %select_n3A_341 = arith.select %eq3A_338, %get3A_335, %broadcast_in_dim3A_340 : vector<16xi1>, vector<16xi32>
            %reduce_sum3A_342 = arith.constant true
            %reduce_sum3A_343 = vector.broadcast %reduce_sum3A_342 : i1 to vector<16xi1>
            %reduce_sum3A_344 = tpu.scan <sum>, %select_n3A_341 masked %reduce_sum3A_343 : vector<16xi32>, vector<16xi1> -> vector<16xi32>
            %reduce_sum3A_345 = vector.extract %reduce_sum3A_344[15] : i32 from vector<16xi32>
            %sub3A_346 = arith.subi %reduce_sum3A_345, %cond3A_163 : i32
            %max3A = arith.constant 0 : i32
            %max3A_347 = arith.maxsi %sub3A_346, %max3A : i32
            %while3A_348 = arith.constant 0 : i32
            %while3A_349 = arith.constant 0 : i32
            %while3A_350 = arith.subi %max3A_347, %while3A_349 : i32
            %while3A_351 = arith.addi %while3A_349, %while3A_350 : i32
            %while3A_352 = arith.constant 1 : i32
            %while3A_353 = arith.divsi %while3A_350, %while3A_352 : i32
            %while3A_354 = arith.muli %while3A_353, %while3A_352 : i32
            %while3A_355 = arith.addi %while3A_349, %while3A_354 : i32
            %while3A_356 = arith.constant 1 : i32
            scf.for %while3A_359 = %while3A_349 to %while3A_355 step %while3A_356  : i32 {
              %dma_wait3A_360 = arith.constant 0 : i32
              %dma_wait3A_361 = arith.constant 0 : i32
              %dma_wait3A_362 = arith.constant 0 : i32
              %dma_wait3A_363 = tpu.memref_slice %arg15[%dma_wait3A_360, %dma_wait3A_361, %dma_wait3A_362] : memref<5x1x8192xf32, #tpu.memory_space<vmem>> -> memref<1x1x8192xf32, #tpu.memory_space<vmem>>
              %dma_wait3A_364 = tpu.memref_squeeze %dma_wait3A_363 : memref<1x1x8192xf32, #tpu.memory_space<vmem>> -> memref<1x8192xf32, #tpu.memory_space<vmem>>
              %dma_wait3A_365 = arith.constant 0 : i32
              %dma_wait3A_366 = arith.constant 0 : i32
              %dma_wait3A_367 = tpu.memref_slice %arg4[%dma_wait3A_365, %dma_wait3A_366] : memref<16384x8192xf32, #tpu.memory_space<hbm>> -> memref<1x8192xf32, #tpu.memory_space<hbm>>
              %dma_wait3A_368 = arith.constant 0 : i32
              %dma_wait3A_369 = arith.constant 0 : i32
              %dma_wait3A_370 = tpu.memref_slice %arg4[%dma_wait3A_368, %dma_wait3A_369] : memref<16384x8192xf32, #tpu.memory_space<hbm>> -> memref<1x8192xf32, #tpu.memory_space<hbm>>
              %dma_wait3A_371 = arith.constant 0 : i32
              %dma_wait3A_372 = arith.constant 0 : i32
              %dma_wait3A_373 = tpu.memref_slice %arg15[%dma_wait3A_360, %dma_wait3A_371, %dma_wait3A_372] : memref<5x1x8192xf32, #tpu.memory_space<vmem>> -> memref<1x1x8192xf32, #tpu.memory_space<vmem>>
              %dma_wait3A_374 = tpu.memref_squeeze %dma_wait3A_373 : memref<1x1x8192xf32, #tpu.memory_space<vmem>> -> memref<1x8192xf32, #tpu.memory_space<vmem>>
              tpu.wait_dma2 semaphore(%arg17 : memref<!tpu.dma_semaphore, #tpu.memory_space<semaphore_mem>>) src(%dma_wait3A_374 : memref<1x8192xf32, #tpu.memory_space<vmem>>) dst(%dma_wait3A_370 : memref<1x8192xf32, #tpu.memory_space<hbm>>)
            }
            %while3A_357 = arith.constant 1 : i32
            scf.for %while3A_359 = %while3A_355 to %while3A_351 step %while3A_357  : i32 {
              %dma_wait3A_360 = arith.constant 0 : i32
              %dma_wait3A_361 = arith.constant 0 : i32
              %dma_wait3A_362 = arith.constant 0 : i32
              %dma_wait3A_363 = tpu.memref_slice %arg15[%dma_wait3A_360, %dma_wait3A_361, %dma_wait3A_362] : memref<5x1x8192xf32, #tpu.memory_space<vmem>> -> memref<1x1x8192xf32, #tpu.memory_space<vmem>>
              %dma_wait3A_364 = tpu.memref_squeeze %dma_wait3A_363 : memref<1x1x8192xf32, #tpu.memory_space<vmem>> -> memref<1x8192xf32, #tpu.memory_space<vmem>>
              %dma_wait3A_365 = arith.constant 0 : i32
              %dma_wait3A_366 = arith.constant 0 : i32
              %dma_wait3A_367 = tpu.memref_slice %arg4[%dma_wait3A_365, %dma_wait3A_366] : memref<16384x8192xf32, #tpu.memory_space<hbm>> -> memref<1x8192xf32, #tpu.memory_space<hbm>>
              %dma_wait3A_368 = arith.constant 0 : i32
              %dma_wait3A_369 = arith.constant 0 : i32
              %dma_wait3A_370 = tpu.memref_slice %arg4[%dma_wait3A_368, %dma_wait3A_369] : memref<16384x8192xf32, #tpu.memory_space<hbm>> -> memref<1x8192xf32, #tpu.memory_space<hbm>>
              %dma_wait3A_371 = arith.constant 0 : i32
              %dma_wait3A_372 = arith.constant 0 : i32
              %dma_wait3A_373 = tpu.memref_slice %arg15[%dma_wait3A_360, %dma_wait3A_371, %dma_wait3A_372] : memref<5x1x8192xf32, #tpu.memory_space<vmem>> -> memref<1x1x8192xf32, #tpu.memory_space<vmem>>
              %dma_wait3A_374 = tpu.memref_squeeze %dma_wait3A_373 : memref<1x1x8192xf32, #tpu.memory_space<vmem>> -> memref<1x8192xf32, #tpu.memory_space<vmem>>
              tpu.wait_dma2 semaphore(%arg17 : memref<!tpu.dma_semaphore, #tpu.memory_space<semaphore_mem>>) src(%dma_wait3A_374 : memref<1x8192xf32, #tpu.memory_space<vmem>>) dst(%dma_wait3A_370 : memref<1x8192xf32, #tpu.memory_space<hbm>>)
            }
            %max3A_358 = arith.maxsi %reduce_sum3A_345, %cond3A_163 : i32
            scf.yield %max3A_358 : i32
          } else {
            scf.yield %cond3A_163 : i32
          }
          %dma_start3A = arith.constant 1 : i32
          %dma_start3A_291 = arith.constant 1 : i32
          %dma_start3A_292 = arith.constant 0 : i32
          %dma_start3A_293 = arith.constant 0 : i32
          %dma_start3A_294 = tpu.memref_slice %arg15[%dma_start3A, %dma_start3A_292, %dma_start3A_293] : memref<5x1x8192xf32, #tpu.memory_space<vmem>> -> memref<1x1x8192xf32, #tpu.memory_space<vmem>>
          %dma_start3A_295 = tpu.memref_squeeze %dma_start3A_294 : memref<1x1x8192xf32, #tpu.memory_space<vmem>> -> memref<1x8192xf32, #tpu.memory_space<vmem>>
          %dma_start3A_296 = arith.constant 0 : i32
          %dma_start3A_297 = tpu.memref_slice %arg12[%add3A_280, %dma_start3A_296] : memref<256x1xi32, #tpu.memory_space<vmem>> -> memref<1x1xi32, #tpu.memory_space<vmem>>
          %dma_start3A_298 = tpu.memref_squeeze %dma_start3A_297 : memref<1x1xi32, #tpu.memory_space<vmem>> -> memref<1xi32, #tpu.memory_space<vmem>>
          %dma_start3A_299 = arith.constant 0 : i32
          %dma_start3A_300 = arith.constant 0 : i32
          %dma_start3A_301 = tpu.memref_slice %arg2[%dma_start3A_299, %dma_start3A_300] : memref<8192x8192xf32, #tpu.memory_space<hbm>> -> memref<8192x8192xf32, #tpu.memory_space<hbm>>
          %dma_start3A_302 = tpu.memref_slice %arg16[%dma_start3A_291] : memref<5x!tpu.dma_semaphore, #tpu.memory_space<semaphore_mem>> -> memref<1x!tpu.dma_semaphore, #tpu.memory_space<semaphore_mem>>
          %dma_start3A_303 = tpu.memref_squeeze %dma_start3A_302 : memref<1x!tpu.dma_semaphore, #tpu.memory_space<semaphore_mem>> -> memref<!tpu.dma_semaphore, #tpu.memory_space<semaphore_mem>>
          tpu.enqueue_indirect_dma source(%dma_start3A_301 : memref<8192x8192xf32, #tpu.memory_space<hbm>>) target(%dma_start3A_295 : memref<1x8192xf32, #tpu.memory_space<vmem>>) offsets(%dma_start3A_298 : memref<1xi32, #tpu.memory_space<vmem>>) semaphore(%dma_start3A_303 : memref<!tpu.dma_semaphore, #tpu.memory_space<semaphore_mem>>)
          scf.yield %cond3A_290 : i32
        } else {
          scf.yield %cond3A_163 : i32
        }
        scf.yield %cond3A_285 : i32
      } else {
        scf.yield %cond3A_163 : i32
      }
      %mul3A_173 = arith.constant 5 : i32
      %mul3A_174 = arith.muli %while3A_136, %mul3A_173 : i32
      %add3A_175 = arith.constant 4 : i32
      %add3A_176 = arith.addi %mul3A_174, %add3A_175 : i32
      %lt3A_177 = arith.cmpi slt, %add3A_176, %scan3A_53 : i32
      %convert_element_type3A_178 = arith.extui %lt3A_177 : i1 to i32
      %cond3A_179 = arith.constant 0 : i32
      %cond3A_180 = arith.cmpi ne, %convert_element_type3A_178, %cond3A_179 : i32
      %cond3A_181 = scf.if %cond3A_180 -> (i32) {
        %jit3A_182 = arith.constant 8 : i32
        %div3A_183 = arith.divsi %add3A_176, %jit3A_182 : i32
        %sign3A_184 = arith.constant 0 : i32
        %sign3A_185 = arith.cmpi sgt, %add3A_176, %sign3A_184 : i32
        %sign3A_186 = arith.extui %sign3A_185 : i1 to i32
        %sign3A_187 = arith.constant 0 : i32
        %sign3A_188 = arith.cmpi slt, %add3A_176, %sign3A_187 : i32
        %sign3A_189 = arith.extui %sign3A_188 : i1 to i32
        %sign3A_190 = arith.subi %sign3A_186, %sign3A_189 : i32
        %sign3A_191 = arith.constant 0 : i32
        %sign3A_192 = arith.cmpi sgt, %jit3A_182, %sign3A_191 : i32
        %sign3A_193 = arith.extui %sign3A_192 : i1 to i32
        %sign3A_194 = arith.constant 0 : i32
        %sign3A_195 = arith.cmpi slt, %jit3A_182, %sign3A_194 : i32
        %sign3A_196 = arith.extui %sign3A_195 : i1 to i32
        %sign3A_197 = arith.subi %sign3A_193, %sign3A_196 : i32
        %ne3A_198 = arith.cmpi ne, %sign3A_190, %sign3A_197 : i32
        %rem3A_199 = arith.remsi %add3A_176, %jit3A_182 : i32
        %ne3A_200 = arith.constant 0 : i32
        %ne3A_201 = arith.cmpi ne, %rem3A_199, %ne3A_200 : i32
        %and3A_202 = arith.andi %ne3A_198, %ne3A_201 : i1
        %sub3A_203 = arith.constant 1 : i32
        %sub3A_204 = arith.subi %div3A_183, %sub3A_203 : i32
        %select_n3A_205 = arith.select %and3A_202, %sub3A_204, %div3A_183 : i32
        %mul3A_206 = arith.constant 8 : i32
        %mul3A_207 = arith.muli %select_n3A_205, %mul3A_206 : i32
        %get3A = arith.index_cast %mul3A_207 : i32 to index
        %get3A_208 = tpu.vector_load %arg13[%get3A] {strides = array<i32>} : memref<272xi32, #tpu.memory_space<vmem>>, vector<16xi32>,
        %sub3A_209 = arith.subi %add3A_176, %mul3A_207 : i32
        %eq3A = vector.broadcast %sub3A_209 : i32 to vector<16xi32>
        %eq3A_210 = arith.cmpi eq, %iota3A, %eq3A : vector<16xi32>
        %jit3A_211 = arith.constant 0 : i32
        %broadcast_in_dim3A_212 = vector.broadcast %jit3A_211 : i32 to vector<16xi32>
        %select_n3A_213 = arith.select %eq3A_210, %get3A_208, %broadcast_in_dim3A_212 : vector<16xi1>, vector<16xi32>
        %reduce_sum3A = arith.constant true
        %reduce_sum3A_214 = vector.broadcast %reduce_sum3A : i1 to vector<16xi1>
        %reduce_sum3A_215 = tpu.scan <sum>, %select_n3A_213 masked %reduce_sum3A_214 : vector<16xi32>, vector<16xi1> -> vector<16xi32>
        %reduce_sum3A_216 = vector.extract %reduce_sum3A_215[15] : i32 from vector<16xi32>
        %jit3A_217 = arith.constant 8 : i32
        %div3A_218 = arith.divsi %add3A_176, %jit3A_217 : i32
        %sign3A_219 = arith.constant 0 : i32
        %sign3A_220 = arith.cmpi sgt, %add3A_176, %sign3A_219 : i32
        %sign3A_221 = arith.extui %sign3A_220 : i1 to i32
        %sign3A_222 = arith.constant 0 : i32
        %sign3A_223 = arith.cmpi slt, %add3A_176, %sign3A_222 : i32
        %sign3A_224 = arith.extui %sign3A_223 : i1 to i32
        %sign3A_225 = arith.subi %sign3A_221, %sign3A_224 : i32
        %sign3A_226 = arith.constant 0 : i32
        %sign3A_227 = arith.cmpi sgt, %jit3A_217, %sign3A_226 : i32
        %sign3A_228 = arith.extui %sign3A_227 : i1 to i32
        %sign3A_229 = arith.constant 0 : i32
        %sign3A_230 = arith.cmpi slt, %jit3A_217, %sign3A_229 : i32
        %sign3A_231 = arith.extui %sign3A_230 : i1 to i32
        %sign3A_232 = arith.subi %sign3A_228, %sign3A_231 : i32
        %ne3A_233 = arith.cmpi ne, %sign3A_225, %sign3A_232 : i32
        %rem3A_234 = arith.remsi %add3A_176, %jit3A_217 : i32
        %ne3A_235 = arith.constant 0 : i32
        %ne3A_236 = arith.cmpi ne, %rem3A_234, %ne3A_235 : i32
        %and3A_237 = arith.andi %ne3A_233, %ne3A_236 : i1
        %sub3A_238 = arith.constant 1 : i32
        %sub3A_239 = arith.subi %div3A_218, %sub3A_238 : i32
        %select_n3A_240 = arith.select %and3A_237, %sub3A_239, %div3A_218 : i32
        %mul3A_241 = arith.constant 8 : i32
        %mul3A_242 = arith.muli %select_n3A_240, %mul3A_241 : i32
        %get3A_243 = arith.index_cast %mul3A_242 : i32 to index
        %get3A_244 = tpu.vector_load %arg14[%get3A_243] {strides = array<i32>} : memref<272xi32, #tpu.memory_space<vmem>>, vector<16xi32>,
        %sub3A_245 = arith.subi %add3A_176, %mul3A_242 : i32
        %eq3A_246 = vector.broadcast %sub3A_245 : i32 to vector<16xi32>
        %eq3A_247 = arith.cmpi eq, %iota3A, %eq3A_246 : vector<16xi32>
        %jit3A_248 = arith.constant 0 : i32
        %broadcast_in_dim3A_249 = vector.broadcast %jit3A_248 : i32 to vector<16xi32>
        %select_n3A_250 = arith.select %eq3A_247, %get3A_244, %broadcast_in_dim3A_249 : vector<16xi1>, vector<16xi32>
        %reduce_sum3A_251 = arith.constant true
        %reduce_sum3A_252 = vector.broadcast %reduce_sum3A_251 : i1 to vector<16xi1>
        %reduce_sum3A_253 = tpu.scan <sum>, %select_n3A_250 masked %reduce_sum3A_252 : vector<16xi32>, vector<16xi1> -> vector<16xi32>
        %reduce_sum3A_254 = vector.extract %reduce_sum3A_253[15] : i32 from vector<16xi32>
        %dma_wait3A = arith.constant 0 : i32
        %dma_wait3A_255 = arith.constant 4 : i32
        %dma_wait3A_256 = arith.constant 4 : i32
        %dma_wait3A_257 = arith.constant 0 : i32
        %dma_wait3A_258 = arith.constant 0 : i32
        %dma_wait3A_259 = tpu.memref_slice %arg15[%dma_wait3A_255, %dma_wait3A_257, %dma_wait3A_258] : memref<5x1x8192xf32, #tpu.memory_space<vmem>> -> memref<1x1x8192xf32, #tpu.memory_space<vmem>>
        %dma_wait3A_260 = tpu.memref_squeeze %dma_wait3A_259 : memref<1x1x8192xf32, #tpu.memory_space<vmem>> -> memref<1x8192xf32, #tpu.memory_space<vmem>>
        %dma_wait3A_261 = arith.constant 0 : i32
        %dma_wait3A_262 = tpu.memref_slice %arg12[%dma_wait3A, %dma_wait3A_261] : memref<256x1xi32, #tpu.memory_space<vmem>> -> memref<1x1xi32, #tpu.memory_space<vmem>>
        %dma_wait3A_263 = tpu.memref_squeeze %dma_wait3A_262 : memref<1x1xi32, #tpu.memory_space<vmem>> -> memref<1xi32, #tpu.memory_space<vmem>>
        %dma_wait3A_264 = arith.constant 0 : i32
        %dma_wait3A_265 = arith.constant 0 : i32
        %dma_wait3A_266 = tpu.memref_slice %arg2[%dma_wait3A_264, %dma_wait3A_265] : memref<8192x8192xf32, #tpu.memory_space<hbm>> -> memref<8192x8192xf32, #tpu.memory_space<hbm>>
        %dma_wait3A_267 = tpu.memref_slice %arg16[%dma_wait3A_256] : memref<5x!tpu.dma_semaphore, #tpu.memory_space<semaphore_mem>> -> memref<1x!tpu.dma_semaphore, #tpu.memory_space<semaphore_mem>>
        %dma_wait3A_268 = tpu.memref_squeeze %dma_wait3A_267 : memref<1x!tpu.dma_semaphore, #tpu.memory_space<semaphore_mem>> -> memref<!tpu.dma_semaphore, #tpu.memory_space<semaphore_mem>>
        tpu.wait_indirect_dma semaphore(%dma_wait3A_268 : memref<!tpu.dma_semaphore, #tpu.memory_space<semaphore_mem>>) src(%dma_wait3A_266 : memref<8192x8192xf32, #tpu.memory_space<hbm>>) dst(%dma_wait3A_260 : memref<1x8192xf32, #tpu.memory_space<vmem>>)
        %while3A_269 = arith.constant 0 : i32
        %while3A_270 = arith.constant 0 : i32
        %while3A_271 = arith.subi %reduce_sum3A_216, %while3A_270 : i32
        %while3A_272 = arith.addi %while3A_270, %while3A_271 : i32
        %while3A_273 = arith.constant 1 : i32
        %while3A_274 = arith.divsi %while3A_271, %while3A_273 : i32
        %while3A_275 = arith.muli %while3A_274, %while3A_273 : i32
        %while3A_276 = arith.addi %while3A_270, %while3A_275 : i32
        %while3A_277 = arith.constant 1 : i32
        scf.for %while3A_286 = %while3A_270 to %while3A_276 step %while3A_277  : i32 {
          %add3A_287 = arith.addi %reduce_sum3A_254, %while3A_286 : i32
          %jit3A_288 = arith.constant 8 : i32
          %div3A_289 = arith.divsi %add3A_287, %jit3A_288 : i32
          %sign3A_290 = arith.constant 0 : i32
          %sign3A_291 = arith.cmpi sgt, %add3A_287, %sign3A_290 : i32
          %sign3A_292 = arith.extui %sign3A_291 : i1 to i32
          %sign3A_293 = arith.constant 0 : i32
          %sign3A_294 = arith.cmpi slt, %add3A_287, %sign3A_293 : i32
          %sign3A_295 = arith.extui %sign3A_294 : i1 to i32
          %sign3A_296 = arith.subi %sign3A_292, %sign3A_295 : i32
          %sign3A_297 = arith.constant 0 : i32
          %sign3A_298 = arith.cmpi sgt, %jit3A_288, %sign3A_297 : i32
          %sign3A_299 = arith.extui %sign3A_298 : i1 to i32
          %sign3A_300 = arith.constant 0 : i32
          %sign3A_301 = arith.cmpi slt, %jit3A_288, %sign3A_300 : i32
          %sign3A_302 = arith.extui %sign3A_301 : i1 to i32
          %sign3A_303 = arith.subi %sign3A_299, %sign3A_302 : i32
          %ne3A_304 = arith.cmpi ne, %sign3A_296, %sign3A_303 : i32
          %rem3A_305 = arith.remsi %add3A_287, %jit3A_288 : i32
          %ne3A_306 = arith.constant 0 : i32
          %ne3A_307 = arith.cmpi ne, %rem3A_305, %ne3A_306 : i32
          %and3A_308 = arith.andi %ne3A_304, %ne3A_307 : i1
          %sub3A_309 = arith.constant 1 : i32
          %sub3A_310 = arith.subi %div3A_289, %sub3A_309 : i32
          %select_n3A_311 = arith.select %and3A_308, %sub3A_310, %div3A_289 : i32
          %mul3A_312 = arith.constant 8 : i32
          %mul3A_313 = arith.muli %select_n3A_311, %mul3A_312 : i32
          %get3A_314 = arith.index_cast %mul3A_313 : i32 to index
          %get3A_315 = tpu.vector_load %arg5[%get3A_314] {strides = array<i32>} : memref<16400xi32, #tpu.memory_space<vmem>>, vector<16xi32>,
          %sub3A_316 = arith.subi %add3A_287, %mul3A_313 : i32
          %eq3A_317 = vector.broadcast %sub3A_316 : i32 to vector<16xi32>
          %eq3A_318 = arith.cmpi eq, %iota3A, %eq3A_317 : vector<16xi32>
          %jit3A_319 = arith.constant 0 : i32
          %broadcast_in_dim3A_320 = vector.broadcast %jit3A_319 : i32 to vector<16xi32>
          %select_n3A_321 = arith.select %eq3A_318, %get3A_315, %broadcast_in_dim3A_320 : vector<16xi1>, vector<16xi32>
          %reduce_sum3A_322 = arith.constant true
          %reduce_sum3A_323 = vector.broadcast %reduce_sum3A_322 : i1 to vector<16xi1>
          %reduce_sum3A_324 = tpu.scan <sum>, %select_n3A_321 masked %reduce_sum3A_323 : vector<16xi32>, vector<16xi1> -> vector<16xi32>
          %reduce_sum3A_325 = vector.extract %reduce_sum3A_324[15] : i32 from vector<16xi32>
          %dma_start3A = arith.constant 4 : i32
          %dma_start3A_326 = arith.constant 0 : i32
          %dma_start3A_327 = arith.constant 0 : i32
          %dma_start3A_328 = tpu.memref_slice %arg15[%dma_start3A, %dma_start3A_326, %dma_start3A_327] : memref<5x1x8192xf32, #tpu.memory_space<vmem>> -> memref<1x1x8192xf32, #tpu.memory_space<vmem>>
          %dma_start3A_329 = tpu.memref_squeeze %dma_start3A_328 : memref<1x1x8192xf32, #tpu.memory_space<vmem>> -> memref<1x8192xf32, #tpu.memory_space<vmem>>
          %dma_start3A_330 = arith.constant 0 : i32
          %dma_start3A_331 = tpu.memref_slice %arg4[%reduce_sum3A_325, %dma_start3A_330] : memref<16384x8192xf32, #tpu.memory_space<hbm>> -> memref<1x8192xf32, #tpu.memory_space<hbm>>
          %dma_start3A_332 = arith.constant 0 : i32
          %dma_start3A_333 = tpu.memref_slice %arg4[%reduce_sum3A_325, %dma_start3A_332] : memref<16384x8192xf32, #tpu.memory_space<hbm>> -> memref<1x8192xf32, #tpu.memory_space<hbm>>
          %dma_start3A_334 = arith.constant 0 : i32
          %dma_start3A_335 = arith.constant 0 : i32
          %dma_start3A_336 = tpu.memref_slice %arg15[%dma_start3A, %dma_start3A_334, %dma_start3A_335] : memref<5x1x8192xf32, #tpu.memory_space<vmem>> -> memref<1x1x8192xf32, #tpu.memory_space<vmem>>
          %dma_start3A_337 = tpu.memref_squeeze %dma_start3A_336 : memref<1x1x8192xf32, #tpu.memory_space<vmem>> -> memref<1x8192xf32, #tpu.memory_space<vmem>>
          tpu.enqueue_dma source(%dma_start3A_337 : memref<1x8192xf32, #tpu.memory_space<vmem>>) target(%dma_start3A_333 : memref<1x8192xf32, #tpu.memory_space<hbm>>) target_semaphore(%arg17 : memref<!tpu.dma_semaphore, #tpu.memory_space<semaphore_mem>>)
        }
        %while3A_278 = arith.constant 1 : i32
        scf.for %while3A_286 = %while3A_276 to %while3A_272 step %while3A_278  : i32 {
          %add3A_287 = arith.addi %reduce_sum3A_254, %while3A_286 : i32
          %jit3A_288 = arith.constant 8 : i32
          %div3A_289 = arith.divsi %add3A_287, %jit3A_288 : i32
          %sign3A_290 = arith.constant 0 : i32
          %sign3A_291 = arith.cmpi sgt, %add3A_287, %sign3A_290 : i32
          %sign3A_292 = arith.extui %sign3A_291 : i1 to i32
          %sign3A_293 = arith.constant 0 : i32
          %sign3A_294 = arith.cmpi slt, %add3A_287, %sign3A_293 : i32
          %sign3A_295 = arith.extui %sign3A_294 : i1 to i32
          %sign3A_296 = arith.subi %sign3A_292, %sign3A_295 : i32
          %sign3A_297 = arith.constant 0 : i32
          %sign3A_298 = arith.cmpi sgt, %jit3A_288, %sign3A_297 : i32
          %sign3A_299 = arith.extui %sign3A_298 : i1 to i32
          %sign3A_300 = arith.constant 0 : i32
          %sign3A_301 = arith.cmpi slt, %jit3A_288, %sign3A_300 : i32
          %sign3A_302 = arith.extui %sign3A_301 : i1 to i32
          %sign3A_303 = arith.subi %sign3A_299, %sign3A_302 : i32
          %ne3A_304 = arith.cmpi ne, %sign3A_296, %sign3A_303 : i32
          %rem3A_305 = arith.remsi %add3A_287, %jit3A_288 : i32
          %ne3A_306 = arith.constant 0 : i32
          %ne3A_307 = arith.cmpi ne, %rem3A_305, %ne3A_306 : i32
          %and3A_308 = arith.andi %ne3A_304, %ne3A_307 : i1
          %sub3A_309 = arith.constant 1 : i32
          %sub3A_310 = arith.subi %div3A_289, %sub3A_309 : i32
          %select_n3A_311 = arith.select %and3A_308, %sub3A_310, %div3A_289 : i32
          %mul3A_312 = arith.constant 8 : i32
          %mul3A_313 = arith.muli %select_n3A_311, %mul3A_312 : i32
          %get3A_314 = arith.index_cast %mul3A_313 : i32 to index
          %get3A_315 = tpu.vector_load %arg5[%get3A_314] {strides = array<i32>} : memref<16400xi32, #tpu.memory_space<vmem>>, vector<16xi32>,
          %sub3A_316 = arith.subi %add3A_287, %mul3A_313 : i32
          %eq3A_317 = vector.broadcast %sub3A_316 : i32 to vector<16xi32>
          %eq3A_318 = arith.cmpi eq, %iota3A, %eq3A_317 : vector<16xi32>
          %jit3A_319 = arith.constant 0 : i32
          %broadcast_in_dim3A_320 = vector.broadcast %jit3A_319 : i32 to vector<16xi32>
          %select_n3A_321 = arith.select %eq3A_318, %get3A_315, %broadcast_in_dim3A_320 : vector<16xi1>, vector<16xi32>
          %reduce_sum3A_322 = arith.constant true
          %reduce_sum3A_323 = vector.broadcast %reduce_sum3A_322 : i1 to vector<16xi1>
          %reduce_sum3A_324 = tpu.scan <sum>, %select_n3A_321 masked %reduce_sum3A_323 : vector<16xi32>, vector<16xi1> -> vector<16xi32>
          %reduce_sum3A_325 = vector.extract %reduce_sum3A_324[15] : i32 from vector<16xi32>
          %dma_start3A = arith.constant 4 : i32
          %dma_start3A_326 = arith.constant 0 : i32
          %dma_start3A_327 = arith.constant 0 : i32
          %dma_start3A_328 = tpu.memref_slice %arg15[%dma_start3A, %dma_start3A_326, %dma_start3A_327] : memref<5x1x8192xf32, #tpu.memory_space<vmem>> -> memref<1x1x8192xf32, #tpu.memory_space<vmem>>
          %dma_start3A_329 = tpu.memref_squeeze %dma_start3A_328 : memref<1x1x8192xf32, #tpu.memory_space<vmem>> -> memref<1x8192xf32, #tpu.memory_space<vmem>>
          %dma_start3A_330 = arith.constant 0 : i32
          %dma_start3A_331 = tpu.memref_slice %arg4[%reduce_sum3A_325, %dma_start3A_330] : memref<16384x8192xf32, #tpu.memory_space<hbm>> -> memref<1x8192xf32, #tpu.memory_space<hbm>>
          %dma_start3A_332 = arith.constant 0 : i32
          %dma_start3A_333 = tpu.memref_slice %arg4[%reduce_sum3A_325, %dma_start3A_332] : memref<16384x8192xf32, #tpu.memory_space<hbm>> -> memref<1x8192xf32, #tpu.memory_space<hbm>>
          %dma_start3A_334 = arith.constant 0 : i32
          %dma_start3A_335 = arith.constant 0 : i32
          %dma_start3A_336 = tpu.memref_slice %arg15[%dma_start3A, %dma_start3A_334, %dma_start3A_335] : memref<5x1x8192xf32, #tpu.memory_space<vmem>> -> memref<1x1x8192xf32, #tpu.memory_space<vmem>>
          %dma_start3A_337 = tpu.memref_squeeze %dma_start3A_336 : memref<1x1x8192xf32, #tpu.memory_space<vmem>> -> memref<1x8192xf32, #tpu.memory_space<vmem>>
          tpu.enqueue_dma source(%dma_start3A_337 : memref<1x8192xf32, #tpu.memory_space<vmem>>) target(%dma_start3A_333 : memref<1x8192xf32, #tpu.memory_space<hbm>>) target_semaphore(%arg17 : memref<!tpu.dma_semaphore, #tpu.memory_space<semaphore_mem>>)
        }
        %add3A_279 = arith.constant 3 : i32
        %add3A_280 = arith.addi %add3A_176, %add3A_279 : i32
        %lt3A_281 = arith.cmpi slt, %add3A_280, %scan3A_53 : i32
        %convert_element_type3A_282 = arith.extui %lt3A_281 : i1 to i32
        %cond3A_283 = arith.constant 0 : i32
        %cond3A_284 = arith.cmpi ne, %convert_element_type3A_282, %cond3A_283 : i32
        %cond3A_285 = scf.if %cond3A_284 -> (i32) {
          %ge3A = arith.constant 2 : i32
          %ge3A_286 = arith.cmpi sge, %add3A_176, %ge3A : i32
          %convert_element_type3A_287 = arith.extui %ge3A_286 : i1 to i32
          %cond3A_288 = arith.constant 0 : i32
          %cond3A_289 = arith.cmpi ne, %convert_element_type3A_287, %cond3A_288 : i32
          %cond3A_290 = scf.if %cond3A_289 -> (i32) {
            %sub3A_304 = arith.constant 5 : i32
            %sub3A_305 = arith.subi %add3A_280, %sub3A_304 : i32
            %add3A_306 = arith.constant 1 : i32
            %add3A_307 = arith.addi %sub3A_305, %add3A_306 : i32
            %jit3A_308 = arith.constant 8 : i32
            %div3A_309 = arith.divsi %add3A_307, %jit3A_308 : i32
            %sign3A_310 = arith.constant 0 : i32
            %sign3A_311 = arith.cmpi sgt, %add3A_307, %sign3A_310 : i32
            %sign3A_312 = arith.extui %sign3A_311 : i1 to i32
            %sign3A_313 = arith.constant 0 : i32
            %sign3A_314 = arith.cmpi slt, %add3A_307, %sign3A_313 : i32
            %sign3A_315 = arith.extui %sign3A_314 : i1 to i32
            %sign3A_316 = arith.subi %sign3A_312, %sign3A_315 : i32
            %sign3A_317 = arith.constant 0 : i32
            %sign3A_318 = arith.cmpi sgt, %jit3A_308, %sign3A_317 : i32
            %sign3A_319 = arith.extui %sign3A_318 : i1 to i32
            %sign3A_320 = arith.constant 0 : i32
            %sign3A_321 = arith.cmpi slt, %jit3A_308, %sign3A_320 : i32
            %sign3A_322 = arith.extui %sign3A_321 : i1 to i32
            %sign3A_323 = arith.subi %sign3A_319, %sign3A_322 : i32
            %ne3A_324 = arith.cmpi ne, %sign3A_316, %sign3A_323 : i32
            %rem3A_325 = arith.remsi %add3A_307, %jit3A_308 : i32
            %ne3A_326 = arith.constant 0 : i32
            %ne3A_327 = arith.cmpi ne, %rem3A_325, %ne3A_326 : i32
            %and3A_328 = arith.andi %ne3A_324, %ne3A_327 : i1
            %sub3A_329 = arith.constant 1 : i32
            %sub3A_330 = arith.subi %div3A_309, %sub3A_329 : i32
            %select_n3A_331 = arith.select %and3A_328, %sub3A_330, %div3A_309 : i32
            %mul3A_332 = arith.constant 8 : i32
            %mul3A_333 = arith.muli %select_n3A_331, %mul3A_332 : i32
            %get3A_334 = arith.index_cast %mul3A_333 : i32 to index
            %get3A_335 = tpu.vector_load %arg14[%get3A_334] {strides = array<i32>} : memref<272xi32, #tpu.memory_space<vmem>>, vector<16xi32>,
            %sub3A_336 = arith.subi %add3A_307, %mul3A_333 : i32
            %eq3A_337 = vector.broadcast %sub3A_336 : i32 to vector<16xi32>
            %eq3A_338 = arith.cmpi eq, %iota3A, %eq3A_337 : vector<16xi32>
            %jit3A_339 = arith.constant 0 : i32
            %broadcast_in_dim3A_340 = vector.broadcast %jit3A_339 : i32 to vector<16xi32>
            %select_n3A_341 = arith.select %eq3A_338, %get3A_335, %broadcast_in_dim3A_340 : vector<16xi1>, vector<16xi32>
            %reduce_sum3A_342 = arith.constant true
            %reduce_sum3A_343 = vector.broadcast %reduce_sum3A_342 : i1 to vector<16xi1>
            %reduce_sum3A_344 = tpu.scan <sum>, %select_n3A_341 masked %reduce_sum3A_343 : vector<16xi32>, vector<16xi1> -> vector<16xi32>
            %reduce_sum3A_345 = vector.extract %reduce_sum3A_344[15] : i32 from vector<16xi32>
            %sub3A_346 = arith.subi %reduce_sum3A_345, %cond3A_172 : i32
            %max3A = arith.constant 0 : i32
            %max3A_347 = arith.maxsi %sub3A_346, %max3A : i32
            %while3A_348 = arith.constant 0 : i32
            %while3A_349 = arith.constant 0 : i32
            %while3A_350 = arith.subi %max3A_347, %while3A_349 : i32
            %while3A_351 = arith.addi %while3A_349, %while3A_350 : i32
            %while3A_352 = arith.constant 1 : i32
            %while3A_353 = arith.divsi %while3A_350, %while3A_352 : i32
            %while3A_354 = arith.muli %while3A_353, %while3A_352 : i32
            %while3A_355 = arith.addi %while3A_349, %while3A_354 : i32
            %while3A_356 = arith.constant 1 : i32
            scf.for %while3A_359 = %while3A_349 to %while3A_355 step %while3A_356  : i32 {
              %dma_wait3A_360 = arith.constant 0 : i32
              %dma_wait3A_361 = arith.constant 0 : i32
              %dma_wait3A_362 = arith.constant 0 : i32
              %dma_wait3A_363 = tpu.memref_slice %arg15[%dma_wait3A_360, %dma_wait3A_361, %dma_wait3A_362] : memref<5x1x8192xf32, #tpu.memory_space<vmem>> -> memref<1x1x8192xf32, #tpu.memory_space<vmem>>
              %dma_wait3A_364 = tpu.memref_squeeze %dma_wait3A_363 : memref<1x1x8192xf32, #tpu.memory_space<vmem>> -> memref<1x8192xf32, #tpu.memory_space<vmem>>
              %dma_wait3A_365 = arith.constant 0 : i32
              %dma_wait3A_366 = arith.constant 0 : i32
              %dma_wait3A_367 = tpu.memref_slice %arg4[%dma_wait3A_365, %dma_wait3A_366] : memref<16384x8192xf32, #tpu.memory_space<hbm>> -> memref<1x8192xf32, #tpu.memory_space<hbm>>
              %dma_wait3A_368 = arith.constant 0 : i32
              %dma_wait3A_369 = arith.constant 0 : i32
              %dma_wait3A_370 = tpu.memref_slice %arg4[%dma_wait3A_368, %dma_wait3A_369] : memref<16384x8192xf32, #tpu.memory_space<hbm>> -> memref<1x8192xf32, #tpu.memory_space<hbm>>
              %dma_wait3A_371 = arith.constant 0 : i32
              %dma_wait3A_372 = arith.constant 0 : i32
              %dma_wait3A_373 = tpu.memref_slice %arg15[%dma_wait3A_360, %dma_wait3A_371, %dma_wait3A_372] : memref<5x1x8192xf32, #tpu.memory_space<vmem>> -> memref<1x1x8192xf32, #tpu.memory_space<vmem>>
              %dma_wait3A_374 = tpu.memref_squeeze %dma_wait3A_373 : memref<1x1x8192xf32, #tpu.memory_space<vmem>> -> memref<1x8192xf32, #tpu.memory_space<vmem>>
              tpu.wait_dma2 semaphore(%arg17 : memref<!tpu.dma_semaphore, #tpu.memory_space<semaphore_mem>>) src(%dma_wait3A_374 : memref<1x8192xf32, #tpu.memory_space<vmem>>) dst(%dma_wait3A_370 : memref<1x8192xf32, #tpu.memory_space<hbm>>)
            }
            %while3A_357 = arith.constant 1 : i32
            scf.for %while3A_359 = %while3A_355 to %while3A_351 step %while3A_357  : i32 {
              %dma_wait3A_360 = arith.constant 0 : i32
              %dma_wait3A_361 = arith.constant 0 : i32
              %dma_wait3A_362 = arith.constant 0 : i32
              %dma_wait3A_363 = tpu.memref_slice %arg15[%dma_wait3A_360, %dma_wait3A_361, %dma_wait3A_362] : memref<5x1x8192xf32, #tpu.memory_space<vmem>> -> memref<1x1x8192xf32, #tpu.memory_space<vmem>>
              %dma_wait3A_364 = tpu.memref_squeeze %dma_wait3A_363 : memref<1x1x8192xf32, #tpu.memory_space<vmem>> -> memref<1x8192xf32, #tpu.memory_space<vmem>>
              %dma_wait3A_365 = arith.constant 0 : i32
              %dma_wait3A_366 = arith.constant 0 : i32
              %dma_wait3A_367 = tpu.memref_slice %arg4[%dma_wait3A_365, %dma_wait3A_366] : memref<16384x8192xf32, #tpu.memory_space<hbm>> -> memref<1x8192xf32, #tpu.memory_space<hbm>>
              %dma_wait3A_368 = arith.constant 0 : i32
              %dma_wait3A_369 = arith.constant 0 : i32
              %dma_wait3A_370 = tpu.memref_slice %arg4[%dma_wait3A_368, %dma_wait3A_369] : memref<16384x8192xf32, #tpu.memory_space<hbm>> -> memref<1x8192xf32, #tpu.memory_space<hbm>>
              %dma_wait3A_371 = arith.constant 0 : i32
              %dma_wait3A_372 = arith.constant 0 : i32
              %dma_wait3A_373 = tpu.memref_slice %arg15[%dma_wait3A_360, %dma_wait3A_371, %dma_wait3A_372] : memref<5x1x8192xf32, #tpu.memory_space<vmem>> -> memref<1x1x8192xf32, #tpu.memory_space<vmem>>
              %dma_wait3A_374 = tpu.memref_squeeze %dma_wait3A_373 : memref<1x1x8192xf32, #tpu.memory_space<vmem>> -> memref<1x8192xf32, #tpu.memory_space<vmem>>
              tpu.wait_dma2 semaphore(%arg17 : memref<!tpu.dma_semaphore, #tpu.memory_space<semaphore_mem>>) src(%dma_wait3A_374 : memref<1x8192xf32, #tpu.memory_space<vmem>>) dst(%dma_wait3A_370 : memref<1x8192xf32, #tpu.memory_space<hbm>>)
            }
            %max3A_358 = arith.maxsi %reduce_sum3A_345, %cond3A_172 : i32
            scf.yield %max3A_358 : i32
          } else {
            scf.yield %cond3A_172 : i32
          }
          %dma_start3A = arith.constant 2 : i32
          %dma_start3A_291 = arith.constant 2 : i32
          %dma_start3A_292 = arith.constant 0 : i32
          %dma_start3A_293 = arith.constant 0 : i32
          %dma_start3A_294 = tpu.memref_slice %arg15[%dma_start3A, %dma_start3A_292, %dma_start3A_293] : memref<5x1x8192xf32, #tpu.memory_space<vmem>> -> memref<1x1x8192xf32, #tpu.memory_space<vmem>>
          %dma_start3A_295 = tpu.memref_squeeze %dma_start3A_294 : memref<1x1x8192xf32, #tpu.memory_space<vmem>> -> memref<1x8192xf32, #tpu.memory_space<vmem>>
          %dma_start3A_296 = arith.constant 0 : i32
          %dma_start3A_297 = tpu.memref_slice %arg12[%add3A_280, %dma_start3A_296] : memref<256x1xi32, #tpu.memory_space<vmem>> -> memref<1x1xi32, #tpu.memory_space<vmem>>
          %dma_start3A_298 = tpu.memref_squeeze %dma_start3A_297 : memref<1x1xi32, #tpu.memory_space<vmem>> -> memref<1xi32, #tpu.memory_space<vmem>>
          %dma_start3A_299 = arith.constant 0 : i32
          %dma_start3A_300 = arith.constant 0 : i32
          %dma_start3A_301 = tpu.memref_slice %arg2[%dma_start3A_299, %dma_start3A_300] : memref<8192x8192xf32, #tpu.memory_space<hbm>> -> memref<8192x8192xf32, #tpu.memory_space<hbm>>
          %dma_start3A_302 = tpu.memref_slice %arg16[%dma_start3A_291] : memref<5x!tpu.dma_semaphore, #tpu.memory_space<semaphore_mem>> -> memref<1x!tpu.dma_semaphore, #tpu.memory_space<semaphore_mem>>
          %dma_start3A_303 = tpu.memref_squeeze %dma_start3A_302 : memref<1x!tpu.dma_semaphore, #tpu.memory_space<semaphore_mem>> -> memref<!tpu.dma_semaphore, #tpu.memory_space<semaphore_mem>>
          tpu.enqueue_indirect_dma source(%dma_start3A_301 : memref<8192x8192xf32, #tpu.memory_space<hbm>>) target(%dma_start3A_295 : memref<1x8192xf32, #tpu.memory_space<vmem>>) offsets(%dma_start3A_298 : memref<1xi32, #tpu.memory_space<vmem>>) semaphore(%dma_start3A_303 : memref<!tpu.dma_semaphore, #tpu.memory_space<semaphore_mem>>)
          scf.yield %cond3A_290 : i32
        } else {
          scf.yield %cond3A_172 : i32
        }
        scf.yield %cond3A_285 : i32
      } else {
        scf.yield %cond3A_172 : i32
      }
      scf.yield %cond3A_181 : i32
    }
    %while3A_123 = arith.constant 1 : i32
    %while3A_124 = scf.for %while3A_136 = %while3A_120 to %while3A_116 step %while3A_123 iter_args(%while3A_137 = %while3A_122) -> (i32)  : i32 {
      %mul3A_138 = arith.constant 5 : i32
      %mul3A_139 = arith.muli %while3A_136, %mul3A_138 : i32
      %add3A_140 = arith.constant 0 : i32
      %add3A_141 = arith.addi %mul3A_139, %add3A_140 : i32
      %lt3A = arith.cmpi slt, %add3A_141, %scan3A_53 : i32
      %convert_element_type3A_142 = arith.extui %lt3A : i1 to i32
      %cond3A_143 = arith.constant 0 : i32
      %cond3A_144 = arith.cmpi ne, %convert_element_type3A_142, %cond3A_143 : i32
      %cond3A_145 = scf.if %cond3A_144 -> (i32) {
        %jit3A_182 = arith.constant 8 : i32
        %div3A_183 = arith.divsi %add3A_141, %jit3A_182 : i32
        %sign3A_184 = arith.constant 0 : i32
        %sign3A_185 = arith.cmpi sgt, %add3A_141, %sign3A_184 : i32
        %sign3A_186 = arith.extui %sign3A_185 : i1 to i32
        %sign3A_187 = arith.constant 0 : i32
        %sign3A_188 = arith.cmpi slt, %add3A_141, %sign3A_187 : i32
        %sign3A_189 = arith.extui %sign3A_188 : i1 to i32
        %sign3A_190 = arith.subi %sign3A_186, %sign3A_189 : i32
        %sign3A_191 = arith.constant 0 : i32
        %sign3A_192 = arith.cmpi sgt, %jit3A_182, %sign3A_191 : i32
        %sign3A_193 = arith.extui %sign3A_192 : i1 to i32
        %sign3A_194 = arith.constant 0 : i32
        %sign3A_195 = arith.cmpi slt, %jit3A_182, %sign3A_194 : i32
        %sign3A_196 = arith.extui %sign3A_195 : i1 to i32
        %sign3A_197 = arith.subi %sign3A_193, %sign3A_196 : i32
        %ne3A_198 = arith.cmpi ne, %sign3A_190, %sign3A_197 : i32
        %rem3A_199 = arith.remsi %add3A_141, %jit3A_182 : i32
        %ne3A_200 = arith.constant 0 : i32
        %ne3A_201 = arith.cmpi ne, %rem3A_199, %ne3A_200 : i32
        %and3A_202 = arith.andi %ne3A_198, %ne3A_201 : i1
        %sub3A_203 = arith.constant 1 : i32
        %sub3A_204 = arith.subi %div3A_183, %sub3A_203 : i32
        %select_n3A_205 = arith.select %and3A_202, %sub3A_204, %div3A_183 : i32
        %mul3A_206 = arith.constant 8 : i32
        %mul3A_207 = arith.muli %select_n3A_205, %mul3A_206 : i32
        %get3A = arith.index_cast %mul3A_207 : i32 to index
        %get3A_208 = tpu.vector_load %arg13[%get3A] {strides = array<i32>} : memref<272xi32, #tpu.memory_space<vmem>>, vector<16xi32>,
        %sub3A_209 = arith.subi %add3A_141, %mul3A_207 : i32
        %eq3A = vector.broadcast %sub3A_209 : i32 to vector<16xi32>
        %eq3A_210 = arith.cmpi eq, %iota3A, %eq3A : vector<16xi32>
        %jit3A_211 = arith.constant 0 : i32
        %broadcast_in_dim3A_212 = vector.broadcast %jit3A_211 : i32 to vector<16xi32>
        %select_n3A_213 = arith.select %eq3A_210, %get3A_208, %broadcast_in_dim3A_212 : vector<16xi1>, vector<16xi32>
        %reduce_sum3A = arith.constant true
        %reduce_sum3A_214 = vector.broadcast %reduce_sum3A : i1 to vector<16xi1>
        %reduce_sum3A_215 = tpu.scan <sum>, %select_n3A_213 masked %reduce_sum3A_214 : vector<16xi32>, vector<16xi1> -> vector<16xi32>
        %reduce_sum3A_216 = vector.extract %reduce_sum3A_215[15] : i32 from vector<16xi32>
        %jit3A_217 = arith.constant 8 : i32
        %div3A_218 = arith.divsi %add3A_141, %jit3A_217 : i32
        %sign3A_219 = arith.constant 0 : i32
        %sign3A_220 = arith.cmpi sgt, %add3A_141, %sign3A_219 : i32
        %sign3A_221 = arith.extui %sign3A_220 : i1 to i32
        %sign3A_222 = arith.constant 0 : i32
        %sign3A_223 = arith.cmpi slt, %add3A_141, %sign3A_222 : i32
        %sign3A_224 = arith.extui %sign3A_223 : i1 to i32
        %sign3A_225 = arith.subi %sign3A_221, %sign3A_224 : i32
        %sign3A_226 = arith.constant 0 : i32
        %sign3A_227 = arith.cmpi sgt, %jit3A_217, %sign3A_226 : i32
        %sign3A_228 = arith.extui %sign3A_227 : i1 to i32
        %sign3A_229 = arith.constant 0 : i32
        %sign3A_230 = arith.cmpi slt, %jit3A_217, %sign3A_229 : i32
        %sign3A_231 = arith.extui %sign3A_230 : i1 to i32
        %sign3A_232 = arith.subi %sign3A_228, %sign3A_231 : i32
        %ne3A_233 = arith.cmpi ne, %sign3A_225, %sign3A_232 : i32
        %rem3A_234 = arith.remsi %add3A_141, %jit3A_217 : i32
        %ne3A_235 = arith.constant 0 : i32
        %ne3A_236 = arith.cmpi ne, %rem3A_234, %ne3A_235 : i32
        %and3A_237 = arith.andi %ne3A_233, %ne3A_236 : i1
        %sub3A_238 = arith.constant 1 : i32
        %sub3A_239 = arith.subi %div3A_218, %sub3A_238 : i32
        %select_n3A_240 = arith.select %and3A_237, %sub3A_239, %div3A_218 : i32
        %mul3A_241 = arith.constant 8 : i32
        %mul3A_242 = arith.muli %select_n3A_240, %mul3A_241 : i32
        %get3A_243 = arith.index_cast %mul3A_242 : i32 to index
        %get3A_244 = tpu.vector_load %arg14[%get3A_243] {strides = array<i32>} : memref<272xi32, #tpu.memory_space<vmem>>, vector<16xi32>,
        %sub3A_245 = arith.subi %add3A_141, %mul3A_242 : i32
        %eq3A_246 = vector.broadcast %sub3A_245 : i32 to vector<16xi32>
        %eq3A_247 = arith.cmpi eq, %iota3A, %eq3A_246 : vector<16xi32>
        %jit3A_248 = arith.constant 0 : i32
        %broadcast_in_dim3A_249 = vector.broadcast %jit3A_248 : i32 to vector<16xi32>
        %select_n3A_250 = arith.select %eq3A_247, %get3A_244, %broadcast_in_dim3A_249 : vector<16xi1>, vector<16xi32>
        %reduce_sum3A_251 = arith.constant true
        %reduce_sum3A_252 = vector.broadcast %reduce_sum3A_251 : i1 to vector<16xi1>
        %reduce_sum3A_253 = tpu.scan <sum>, %select_n3A_250 masked %reduce_sum3A_252 : vector<16xi32>, vector<16xi1> -> vector<16xi32>
        %reduce_sum3A_254 = vector.extract %reduce_sum3A_253[15] : i32 from vector<16xi32>
        %dma_wait3A = arith.constant 0 : i32
        %dma_wait3A_255 = arith.constant 0 : i32
        %dma_wait3A_256 = arith.constant 0 : i32
        %dma_wait3A_257 = arith.constant 0 : i32
        %dma_wait3A_258 = arith.constant 0 : i32
        %dma_wait3A_259 = tpu.memref_slice %arg15[%dma_wait3A_255, %dma_wait3A_257, %dma_wait3A_258] : memref<5x1x8192xf32, #tpu.memory_space<vmem>> -> memref<1x1x8192xf32, #tpu.memory_space<vmem>>
        %dma_wait3A_260 = tpu.memref_squeeze %dma_wait3A_259 : memref<1x1x8192xf32, #tpu.memory_space<vmem>> -> memref<1x8192xf32, #tpu.memory_space<vmem>>
        %dma_wait3A_261 = arith.constant 0 : i32
        %dma_wait3A_262 = tpu.memref_slice %arg12[%dma_wait3A, %dma_wait3A_261] : memref<256x1xi32, #tpu.memory_space<vmem>> -> memref<1x1xi32, #tpu.memory_space<vmem>>
        %dma_wait3A_263 = tpu.memref_squeeze %dma_wait3A_262 : memref<1x1xi32, #tpu.memory_space<vmem>> -> memref<1xi32, #tpu.memory_space<vmem>>
        %dma_wait3A_264 = arith.constant 0 : i32
        %dma_wait3A_265 = arith.constant 0 : i32
        %dma_wait3A_266 = tpu.memref_slice %arg2[%dma_wait3A_264, %dma_wait3A_265] : memref<8192x8192xf32, #tpu.memory_space<hbm>> -> memref<8192x8192xf32, #tpu.memory_space<hbm>>
        %dma_wait3A_267 = tpu.memref_slice %arg16[%dma_wait3A_256] : memref<5x!tpu.dma_semaphore, #tpu.memory_space<semaphore_mem>> -> memref<1x!tpu.dma_semaphore, #tpu.memory_space<semaphore_mem>>
        %dma_wait3A_268 = tpu.memref_squeeze %dma_wait3A_267 : memref<1x!tpu.dma_semaphore, #tpu.memory_space<semaphore_mem>> -> memref<!tpu.dma_semaphore, #tpu.memory_space<semaphore_mem>>
        tpu.wait_indirect_dma semaphore(%dma_wait3A_268 : memref<!tpu.dma_semaphore, #tpu.memory_space<semaphore_mem>>) src(%dma_wait3A_266 : memref<8192x8192xf32, #tpu.memory_space<hbm>>) dst(%dma_wait3A_260 : memref<1x8192xf32, #tpu.memory_space<vmem>>)
        %while3A_269 = arith.constant 0 : i32
        %while3A_270 = arith.constant 0 : i32
        %while3A_271 = arith.subi %reduce_sum3A_216, %while3A_270 : i32
        %while3A_272 = arith.addi %while3A_270, %while3A_271 : i32
        %while3A_273 = arith.constant 1 : i32
        %while3A_274 = arith.divsi %while3A_271, %while3A_273 : i32
        %while3A_275 = arith.muli %while3A_274, %while3A_273 : i32
        %while3A_276 = arith.addi %while3A_270, %while3A_275 : i32
        %while3A_277 = arith.constant 1 : i32
        scf.for %while3A_286 = %while3A_270 to %while3A_276 step %while3A_277  : i32 {
          %add3A_287 = arith.addi %reduce_sum3A_254, %while3A_286 : i32
          %jit3A_288 = arith.constant 8 : i32
          %div3A_289 = arith.divsi %add3A_287, %jit3A_288 : i32
          %sign3A_290 = arith.constant 0 : i32
          %sign3A_291 = arith.cmpi sgt, %add3A_287, %sign3A_290 : i32
          %sign3A_292 = arith.extui %sign3A_291 : i1 to i32
          %sign3A_293 = arith.constant 0 : i32
          %sign3A_294 = arith.cmpi slt, %add3A_287, %sign3A_293 : i32
          %sign3A_295 = arith.extui %sign3A_294 : i1 to i32
          %sign3A_296 = arith.subi %sign3A_292, %sign3A_295 : i32
          %sign3A_297 = arith.constant 0 : i32
          %sign3A_298 = arith.cmpi sgt, %jit3A_288, %sign3A_297 : i32
          %sign3A_299 = arith.extui %sign3A_298 : i1 to i32
          %sign3A_300 = arith.constant 0 : i32
          %sign3A_301 = arith.cmpi slt, %jit3A_288, %sign3A_300 : i32
          %sign3A_302 = arith.extui %sign3A_301 : i1 to i32
          %sign3A_303 = arith.subi %sign3A_299, %sign3A_302 : i32
          %ne3A_304 = arith.cmpi ne, %sign3A_296, %sign3A_303 : i32
          %rem3A_305 = arith.remsi %add3A_287, %jit3A_288 : i32
          %ne3A_306 = arith.constant 0 : i32
          %ne3A_307 = arith.cmpi ne, %rem3A_305, %ne3A_306 : i32
          %and3A_308 = arith.andi %ne3A_304, %ne3A_307 : i1
          %sub3A_309 = arith.constant 1 : i32
          %sub3A_310 = arith.subi %div3A_289, %sub3A_309 : i32
          %select_n3A_311 = arith.select %and3A_308, %sub3A_310, %div3A_289 : i32
          %mul3A_312 = arith.constant 8 : i32
          %mul3A_313 = arith.muli %select_n3A_311, %mul3A_312 : i32
          %get3A_314 = arith.index_cast %mul3A_313 : i32 to index
          %get3A_315 = tpu.vector_load %arg5[%get3A_314] {strides = array<i32>} : memref<16400xi32, #tpu.memory_space<vmem>>, vector<16xi32>,
          %sub3A_316 = arith.subi %add3A_287, %mul3A_313 : i32
          %eq3A_317 = vector.broadcast %sub3A_316 : i32 to vector<16xi32>
          %eq3A_318 = arith.cmpi eq, %iota3A, %eq3A_317 : vector<16xi32>
          %jit3A_319 = arith.constant 0 : i32
          %broadcast_in_dim3A_320 = vector.broadcast %jit3A_319 : i32 to vector<16xi32>
          %select_n3A_321 = arith.select %eq3A_318, %get3A_315, %broadcast_in_dim3A_320 : vector<16xi1>, vector<16xi32>
          %reduce_sum3A_322 = arith.constant true
          %reduce_sum3A_323 = vector.broadcast %reduce_sum3A_322 : i1 to vector<16xi1>
          %reduce_sum3A_324 = tpu.scan <sum>, %select_n3A_321 masked %reduce_sum3A_323 : vector<16xi32>, vector<16xi1> -> vector<16xi32>
          %reduce_sum3A_325 = vector.extract %reduce_sum3A_324[15] : i32 from vector<16xi32>
          %dma_start3A = arith.constant 0 : i32
          %dma_start3A_326 = arith.constant 0 : i32
          %dma_start3A_327 = arith.constant 0 : i32
          %dma_start3A_328 = tpu.memref_slice %arg15[%dma_start3A, %dma_start3A_326, %dma_start3A_327] : memref<5x1x8192xf32, #tpu.memory_space<vmem>> -> memref<1x1x8192xf32, #tpu.memory_space<vmem>>
          %dma_start3A_329 = tpu.memref_squeeze %dma_start3A_328 : memref<1x1x8192xf32, #tpu.memory_space<vmem>> -> memref<1x8192xf32, #tpu.memory_space<vmem>>
          %dma_start3A_330 = arith.constant 0 : i32
          %dma_start3A_331 = tpu.memref_slice %arg4[%reduce_sum3A_325, %dma_start3A_330] : memref<16384x8192xf32, #tpu.memory_space<hbm>> -> memref<1x8192xf32, #tpu.memory_space<hbm>>
          %dma_start3A_332 = arith.constant 0 : i32
          %dma_start3A_333 = tpu.memref_slice %arg4[%reduce_sum3A_325, %dma_start3A_332] : memref<16384x8192xf32, #tpu.memory_space<hbm>> -> memref<1x8192xf32, #tpu.memory_space<hbm>>
          %dma_start3A_334 = arith.constant 0 : i32
          %dma_start3A_335 = arith.constant 0 : i32
          %dma_start3A_336 = tpu.memref_slice %arg15[%dma_start3A, %dma_start3A_334, %dma_start3A_335] : memref<5x1x8192xf32, #tpu.memory_space<vmem>> -> memref<1x1x8192xf32, #tpu.memory_space<vmem>>
          %dma_start3A_337 = tpu.memref_squeeze %dma_start3A_336 : memref<1x1x8192xf32, #tpu.memory_space<vmem>> -> memref<1x8192xf32, #tpu.memory_space<vmem>>
          tpu.enqueue_dma source(%dma_start3A_337 : memref<1x8192xf32, #tpu.memory_space<vmem>>) target(%dma_start3A_333 : memref<1x8192xf32, #tpu.memory_space<hbm>>) target_semaphore(%arg17 : memref<!tpu.dma_semaphore, #tpu.memory_space<semaphore_mem>>)
        }
        %while3A_278 = arith.constant 1 : i32
        scf.for %while3A_286 = %while3A_276 to %while3A_272 step %while3A_278  : i32 {
          %add3A_287 = arith.addi %reduce_sum3A_254, %while3A_286 : i32
          %jit3A_288 = arith.constant 8 : i32
          %div3A_289 = arith.divsi %add3A_287, %jit3A_288 : i32
          %sign3A_290 = arith.constant 0 : i32
          %sign3A_291 = arith.cmpi sgt, %add3A_287, %sign3A_290 : i32
          %sign3A_292 = arith.extui %sign3A_291 : i1 to i32
          %sign3A_293 = arith.constant 0 : i32
          %sign3A_294 = arith.cmpi slt, %add3A_287, %sign3A_293 : i32
          %sign3A_295 = arith.extui %sign3A_294 : i1 to i32
          %sign3A_296 = arith.subi %sign3A_292, %sign3A_295 : i32
          %sign3A_297 = arith.constant 0 : i32
          %sign3A_298 = arith.cmpi sgt, %jit3A_288, %sign3A_297 : i32
          %sign3A_299 = arith.extui %sign3A_298 : i1 to i32
          %sign3A_300 = arith.constant 0 : i32
          %sign3A_301 = arith.cmpi slt, %jit3A_288, %sign3A_300 : i32
          %sign3A_302 = arith.extui %sign3A_301 : i1 to i32
          %sign3A_303 = arith.subi %sign3A_299, %sign3A_302 : i32
          %ne3A_304 = arith.cmpi ne, %sign3A_296, %sign3A_303 : i32
          %rem3A_305 = arith.remsi %add3A_287, %jit3A_288 : i32
          %ne3A_306 = arith.constant 0 : i32
          %ne3A_307 = arith.cmpi ne, %rem3A_305, %ne3A_306 : i32
          %and3A_308 = arith.andi %ne3A_304, %ne3A_307 : i1
          %sub3A_309 = arith.constant 1 : i32
          %sub3A_310 = arith.subi %div3A_289, %sub3A_309 : i32
          %select_n3A_311 = arith.select %and3A_308, %sub3A_310, %div3A_289 : i32
          %mul3A_312 = arith.constant 8 : i32
          %mul3A_313 = arith.muli %select_n3A_311, %mul3A_312 : i32
          %get3A_314 = arith.index_cast %mul3A_313 : i32 to index
          %get3A_315 = tpu.vector_load %arg5[%get3A_314] {strides = array<i32>} : memref<16400xi32, #tpu.memory_space<vmem>>, vector<16xi32>,
          %sub3A_316 = arith.subi %add3A_287, %mul3A_313 : i32
          %eq3A_317 = vector.broadcast %sub3A_316 : i32 to vector<16xi32>
          %eq3A_318 = arith.cmpi eq, %iota3A, %eq3A_317 : vector<16xi32>
          %jit3A_319 = arith.constant 0 : i32
          %broadcast_in_dim3A_320 = vector.broadcast %jit3A_319 : i32 to vector<16xi32>
          %select_n3A_321 = arith.select %eq3A_318, %get3A_315, %broadcast_in_dim3A_320 : vector<16xi1>, vector<16xi32>
          %reduce_sum3A_322 = arith.constant true
          %reduce_sum3A_323 = vector.broadcast %reduce_sum3A_322 : i1 to vector<16xi1>
          %reduce_sum3A_324 = tpu.scan <sum>, %select_n3A_321 masked %reduce_sum3A_323 : vector<16xi32>, vector<16xi1> -> vector<16xi32>
          %reduce_sum3A_325 = vector.extract %reduce_sum3A_324[15] : i32 from vector<16xi32>
          %dma_start3A = arith.constant 0 : i32
          %dma_start3A_326 = arith.constant 0 : i32
          %dma_start3A_327 = arith.constant 0 : i32
          %dma_start3A_328 = tpu.memref_slice %arg15[%dma_start3A, %dma_start3A_326, %dma_start3A_327] : memref<5x1x8192xf32, #tpu.memory_space<vmem>> -> memref<1x1x8192xf32, #tpu.memory_space<vmem>>
          %dma_start3A_329 = tpu.memref_squeeze %dma_start3A_328 : memref<1x1x8192xf32, #tpu.memory_space<vmem>> -> memref<1x8192xf32, #tpu.memory_space<vmem>>
          %dma_start3A_330 = arith.constant 0 : i32
          %dma_start3A_331 = tpu.memref_slice %arg4[%reduce_sum3A_325, %dma_start3A_330] : memref<16384x8192xf32, #tpu.memory_space<hbm>> -> memref<1x8192xf32, #tpu.memory_space<hbm>>
          %dma_start3A_332 = arith.constant 0 : i32
          %dma_start3A_333 = tpu.memref_slice %arg4[%reduce_sum3A_325, %dma_start3A_332] : memref<16384x8192xf32, #tpu.memory_space<hbm>> -> memref<1x8192xf32, #tpu.memory_space<hbm>>
          %dma_start3A_334 = arith.constant 0 : i32
          %dma_start3A_335 = arith.constant 0 : i32
          %dma_start3A_336 = tpu.memref_slice %arg15[%dma_start3A, %dma_start3A_334, %dma_start3A_335] : memref<5x1x8192xf32, #tpu.memory_space<vmem>> -> memref<1x1x8192xf32, #tpu.memory_space<vmem>>
          %dma_start3A_337 = tpu.memref_squeeze %dma_start3A_336 : memref<1x1x8192xf32, #tpu.memory_space<vmem>> -> memref<1x8192xf32, #tpu.memory_space<vmem>>
          tpu.enqueue_dma source(%dma_start3A_337 : memref<1x8192xf32, #tpu.memory_space<vmem>>) target(%dma_start3A_333 : memref<1x8192xf32, #tpu.memory_space<hbm>>) target_semaphore(%arg17 : memref<!tpu.dma_semaphore, #tpu.memory_space<semaphore_mem>>)
        }
        %add3A_279 = arith.constant 3 : i32
        %add3A_280 = arith.addi %add3A_141, %add3A_279 : i32
        %lt3A_281 = arith.cmpi slt, %add3A_280, %scan3A_53 : i32
        %convert_element_type3A_282 = arith.extui %lt3A_281 : i1 to i32
        %cond3A_283 = arith.constant 0 : i32
        %cond3A_284 = arith.cmpi ne, %convert_element_type3A_282, %cond3A_283 : i32
        %cond3A_285 = scf.if %cond3A_284 -> (i32) {
          %ge3A = arith.constant 2 : i32
          %ge3A_286 = arith.cmpi sge, %add3A_141, %ge3A : i32
          %convert_element_type3A_287 = arith.extui %ge3A_286 : i1 to i32
          %cond3A_288 = arith.constant 0 : i32
          %cond3A_289 = arith.cmpi ne, %convert_element_type3A_287, %cond3A_288 : i32
          %cond3A_290 = scf.if %cond3A_289 -> (i32) {
            %sub3A_304 = arith.constant 5 : i32
            %sub3A_305 = arith.subi %add3A_280, %sub3A_304 : i32
            %add3A_306 = arith.constant 1 : i32
            %add3A_307 = arith.addi %sub3A_305, %add3A_306 : i32
            %jit3A_308 = arith.constant 8 : i32
            %div3A_309 = arith.divsi %add3A_307, %jit3A_308 : i32
            %sign3A_310 = arith.constant 0 : i32
            %sign3A_311 = arith.cmpi sgt, %add3A_307, %sign3A_310 : i32
            %sign3A_312 = arith.extui %sign3A_311 : i1 to i32
            %sign3A_313 = arith.constant 0 : i32
            %sign3A_314 = arith.cmpi slt, %add3A_307, %sign3A_313 : i32
            %sign3A_315 = arith.extui %sign3A_314 : i1 to i32
            %sign3A_316 = arith.subi %sign3A_312, %sign3A_315 : i32
            %sign3A_317 = arith.constant 0 : i32
            %sign3A_318 = arith.cmpi sgt, %jit3A_308, %sign3A_317 : i32
            %sign3A_319 = arith.extui %sign3A_318 : i1 to i32
            %sign3A_320 = arith.constant 0 : i32
            %sign3A_321 = arith.cmpi slt, %jit3A_308, %sign3A_320 : i32
            %sign3A_322 = arith.extui %sign3A_321 : i1 to i32
            %sign3A_323 = arith.subi %sign3A_319, %sign3A_322 : i32
            %ne3A_324 = arith.cmpi ne, %sign3A_316, %sign3A_323 : i32
            %rem3A_325 = arith.remsi %add3A_307, %jit3A_308 : i32
            %ne3A_326 = arith.constant 0 : i32
            %ne3A_327 = arith.cmpi ne, %rem3A_325, %ne3A_326 : i32
            %and3A_328 = arith.andi %ne3A_324, %ne3A_327 : i1
            %sub3A_329 = arith.constant 1 : i32
            %sub3A_330 = arith.subi %div3A_309, %sub3A_329 : i32
            %select_n3A_331 = arith.select %and3A_328, %sub3A_330, %div3A_309 : i32
            %mul3A_332 = arith.constant 8 : i32
            %mul3A_333 = arith.muli %select_n3A_331, %mul3A_332 : i32
            %get3A_334 = arith.index_cast %mul3A_333 : i32 to index
            %get3A_335 = tpu.vector_load %arg14[%get3A_334] {strides = array<i32>} : memref<272xi32, #tpu.memory_space<vmem>>, vector<16xi32>,
            %sub3A_336 = arith.subi %add3A_307, %mul3A_333 : i32
            %eq3A_337 = vector.broadcast %sub3A_336 : i32 to vector<16xi32>
            %eq3A_338 = arith.cmpi eq, %iota3A, %eq3A_337 : vector<16xi32>
            %jit3A_339 = arith.constant 0 : i32
            %broadcast_in_dim3A_340 = vector.broadcast %jit3A_339 : i32 to vector<16xi32>
            %select_n3A_341 = arith.select %eq3A_338, %get3A_335, %broadcast_in_dim3A_340 : vector<16xi1>, vector<16xi32>
            %reduce_sum3A_342 = arith.constant true
            %reduce_sum3A_343 = vector.broadcast %reduce_sum3A_342 : i1 to vector<16xi1>
            %reduce_sum3A_344 = tpu.scan <sum>, %select_n3A_341 masked %reduce_sum3A_343 : vector<16xi32>, vector<16xi1> -> vector<16xi32>
            %reduce_sum3A_345 = vector.extract %reduce_sum3A_344[15] : i32 from vector<16xi32>
            %sub3A_346 = arith.subi %reduce_sum3A_345, %while3A_137 : i32
            %max3A = arith.constant 0 : i32
            %max3A_347 = arith.maxsi %sub3A_346, %max3A : i32
            %while3A_348 = arith.constant 0 : i32
            %while3A_349 = arith.constant 0 : i32
            %while3A_350 = arith.subi %max3A_347, %while3A_349 : i32
            %while3A_351 = arith.addi %while3A_349, %while3A_350 : i32
            %while3A_352 = arith.constant 1 : i32
            %while3A_353 = arith.divsi %while3A_350, %while3A_352 : i32
            %while3A_354 = arith.muli %while3A_353, %while3A_352 : i32
            %while3A_355 = arith.addi %while3A_349, %while3A_354 : i32
            %while3A_356 = arith.constant 1 : i32
            scf.for %while3A_359 = %while3A_349 to %while3A_355 step %while3A_356  : i32 {
              %dma_wait3A_360 = arith.constant 0 : i32
              %dma_wait3A_361 = arith.constant 0 : i32
              %dma_wait3A_362 = arith.constant 0 : i32
              %dma_wait3A_363 = tpu.memref_slice %arg15[%dma_wait3A_360, %dma_wait3A_361, %dma_wait3A_362] : memref<5x1x8192xf32, #tpu.memory_space<vmem>> -> memref<1x1x8192xf32, #tpu.memory_space<vmem>>
              %dma_wait3A_364 = tpu.memref_squeeze %dma_wait3A_363 : memref<1x1x8192xf32, #tpu.memory_space<vmem>> -> memref<1x8192xf32, #tpu.memory_space<vmem>>
              %dma_wait3A_365 = arith.constant 0 : i32
              %dma_wait3A_366 = arith.constant 0 : i32
              %dma_wait3A_367 = tpu.memref_slice %arg4[%dma_wait3A_365, %dma_wait3A_366] : memref<16384x8192xf32, #tpu.memory_space<hbm>> -> memref<1x8192xf32, #tpu.memory_space<hbm>>
              %dma_wait3A_368 = arith.constant 0 : i32
              %dma_wait3A_369 = arith.constant 0 : i32
              %dma_wait3A_370 = tpu.memref_slice %arg4[%dma_wait3A_368, %dma_wait3A_369] : memref<16384x8192xf32, #tpu.memory_space<hbm>> -> memref<1x8192xf32, #tpu.memory_space<hbm>>
              %dma_wait3A_371 = arith.constant 0 : i32
              %dma_wait3A_372 = arith.constant 0 : i32
              %dma_wait3A_373 = tpu.memref_slice %arg15[%dma_wait3A_360, %dma_wait3A_371, %dma_wait3A_372] : memref<5x1x8192xf32, #tpu.memory_space<vmem>> -> memref<1x1x8192xf32, #tpu.memory_space<vmem>>
              %dma_wait3A_374 = tpu.memref_squeeze %dma_wait3A_373 : memref<1x1x8192xf32, #tpu.memory_space<vmem>> -> memref<1x8192xf32, #tpu.memory_space<vmem>>
              tpu.wait_dma2 semaphore(%arg17 : memref<!tpu.dma_semaphore, #tpu.memory_space<semaphore_mem>>) src(%dma_wait3A_374 : memref<1x8192xf32, #tpu.memory_space<vmem>>) dst(%dma_wait3A_370 : memref<1x8192xf32, #tpu.memory_space<hbm>>)
            }
            %while3A_357 = arith.constant 1 : i32
            scf.for %while3A_359 = %while3A_355 to %while3A_351 step %while3A_357  : i32 {
              %dma_wait3A_360 = arith.constant 0 : i32
              %dma_wait3A_361 = arith.constant 0 : i32
              %dma_wait3A_362 = arith.constant 0 : i32
              %dma_wait3A_363 = tpu.memref_slice %arg15[%dma_wait3A_360, %dma_wait3A_361, %dma_wait3A_362] : memref<5x1x8192xf32, #tpu.memory_space<vmem>> -> memref<1x1x8192xf32, #tpu.memory_space<vmem>>
              %dma_wait3A_364 = tpu.memref_squeeze %dma_wait3A_363 : memref<1x1x8192xf32, #tpu.memory_space<vmem>> -> memref<1x8192xf32, #tpu.memory_space<vmem>>
              %dma_wait3A_365 = arith.constant 0 : i32
              %dma_wait3A_366 = arith.constant 0 : i32
              %dma_wait3A_367 = tpu.memref_slice %arg4[%dma_wait3A_365, %dma_wait3A_366] : memref<16384x8192xf32, #tpu.memory_space<hbm>> -> memref<1x8192xf32, #tpu.memory_space<hbm>>
              %dma_wait3A_368 = arith.constant 0 : i32
              %dma_wait3A_369 = arith.constant 0 : i32
              %dma_wait3A_370 = tpu.memref_slice %arg4[%dma_wait3A_368, %dma_wait3A_369] : memref<16384x8192xf32, #tpu.memory_space<hbm>> -> memref<1x8192xf32, #tpu.memory_space<hbm>>
              %dma_wait3A_371 = arith.constant 0 : i32
              %dma_wait3A_372 = arith.constant 0 : i32
              %dma_wait3A_373 = tpu.memref_slice %arg15[%dma_wait3A_360, %dma_wait3A_371, %dma_wait3A_372] : memref<5x1x8192xf32, #tpu.memory_space<vmem>> -> memref<1x1x8192xf32, #tpu.memory_space<vmem>>
              %dma_wait3A_374 = tpu.memref_squeeze %dma_wait3A_373 : memref<1x1x8192xf32, #tpu.memory_space<vmem>> -> memref<1x8192xf32, #tpu.memory_space<vmem>>
              tpu.wait_dma2 semaphore(%arg17 : memref<!tpu.dma_semaphore, #tpu.memory_space<semaphore_mem>>) src(%dma_wait3A_374 : memref<1x8192xf32, #tpu.memory_space<vmem>>) dst(%dma_wait3A_370 : memref<1x8192xf32, #tpu.memory_space<hbm>>)
            }
            %max3A_358 = arith.maxsi %reduce_sum3A_345, %while3A_137 : i32
            scf.yield %max3A_358 : i32
          } else {
            scf.yield %while3A_137 : i32
          }
          %dma_start3A = arith.constant 3 : i32
          %dma_start3A_291 = arith.constant 3 : i32
          %dma_start3A_292 = arith.constant 0 : i32
          %dma_start3A_293 = arith.constant 0 : i32
          %dma_start3A_294 = tpu.memref_slice %arg15[%dma_start3A, %dma_start3A_292, %dma_start3A_293] : memref<5x1x8192xf32, #tpu.memory_space<vmem>> -> memref<1x1x8192xf32, #tpu.memory_space<vmem>>
          %dma_start3A_295 = tpu.memref_squeeze %dma_start3A_294 : memref<1x1x8192xf32, #tpu.memory_space<vmem>> -> memref<1x8192xf32, #tpu.memory_space<vmem>>
          %dma_start3A_296 = arith.constant 0 : i32
          %dma_start3A_297 = tpu.memref_slice %arg12[%add3A_280, %dma_start3A_296] : memref<256x1xi32, #tpu.memory_space<vmem>> -> memref<1x1xi32, #tpu.memory_space<vmem>>
          %dma_start3A_298 = tpu.memref_squeeze %dma_start3A_297 : memref<1x1xi32, #tpu.memory_space<vmem>> -> memref<1xi32, #tpu.memory_space<vmem>>
          %dma_start3A_299 = arith.constant 0 : i32
          %dma_start3A_300 = arith.constant 0 : i32
          %dma_start3A_301 = tpu.memref_slice %arg2[%dma_start3A_299, %dma_start3A_300] : memref<8192x8192xf32, #tpu.memory_space<hbm>> -> memref<8192x8192xf32, #tpu.memory_space<hbm>>
          %dma_start3A_302 = tpu.memref_slice %arg16[%dma_start3A_291] : memref<5x!tpu.dma_semaphore, #tpu.memory_space<semaphore_mem>> -> memref<1x!tpu.dma_semaphore, #tpu.memory_space<semaphore_mem>>
          %dma_start3A_303 = tpu.memref_squeeze %dma_start3A_302 : memref<1x!tpu.dma_semaphore, #tpu.memory_space<semaphore_mem>> -> memref<!tpu.dma_semaphore, #tpu.memory_space<semaphore_mem>>
          tpu.enqueue_indirect_dma source(%dma_start3A_301 : memref<8192x8192xf32, #tpu.memory_space<hbm>>) target(%dma_start3A_295 : memref<1x8192xf32, #tpu.memory_space<vmem>>) offsets(%dma_start3A_298 : memref<1xi32, #tpu.memory_space<vmem>>) semaphore(%dma_start3A_303 : memref<!tpu.dma_semaphore, #tpu.memory_space<semaphore_mem>>)
          scf.yield %cond3A_290 : i32
        } else {
          scf.yield %while3A_137 : i32
        }
        scf.yield %cond3A_285 : i32
      } else {
        scf.yield %while3A_137 : i32
      }
      %mul3A_146 = arith.constant 5 : i32
      %mul3A_147 = arith.muli %while3A_136, %mul3A_146 : i32
      %add3A_148 = arith.constant 1 : i32
      %add3A_149 = arith.addi %mul3A_147, %add3A_148 : i32
      %lt3A_150 = arith.cmpi slt, %add3A_149, %scan3A_53 : i32
      %convert_element_type3A_151 = arith.extui %lt3A_150 : i1 to i32
      %cond3A_152 = arith.constant 0 : i32
      %cond3A_153 = arith.cmpi ne, %convert_element_type3A_151, %cond3A_152 : i32
      %cond3A_154 = scf.if %cond3A_153 -> (i32) {
        %jit3A_182 = arith.constant 8 : i32
        %div3A_183 = arith.divsi %add3A_149, %jit3A_182 : i32
        %sign3A_184 = arith.constant 0 : i32
        %sign3A_185 = arith.cmpi sgt, %add3A_149, %sign3A_184 : i32
        %sign3A_186 = arith.extui %sign3A_185 : i1 to i32
        %sign3A_187 = arith.constant 0 : i32
        %sign3A_188 = arith.cmpi slt, %add3A_149, %sign3A_187 : i32
        %sign3A_189 = arith.extui %sign3A_188 : i1 to i32
        %sign3A_190 = arith.subi %sign3A_186, %sign3A_189 : i32
        %sign3A_191 = arith.constant 0 : i32
        %sign3A_192 = arith.cmpi sgt, %jit3A_182, %sign3A_191 : i32
        %sign3A_193 = arith.extui %sign3A_192 : i1 to i32
        %sign3A_194 = arith.constant 0 : i32
        %sign3A_195 = arith.cmpi slt, %jit3A_182, %sign3A_194 : i32
        %sign3A_196 = arith.extui %sign3A_195 : i1 to i32
        %sign3A_197 = arith.subi %sign3A_193, %sign3A_196 : i32
        %ne3A_198 = arith.cmpi ne, %sign3A_190, %sign3A_197 : i32
        %rem3A_199 = arith.remsi %add3A_149, %jit3A_182 : i32
        %ne3A_200 = arith.constant 0 : i32
        %ne3A_201 = arith.cmpi ne, %rem3A_199, %ne3A_200 : i32
        %and3A_202 = arith.andi %ne3A_198, %ne3A_201 : i1
        %sub3A_203 = arith.constant 1 : i32
        %sub3A_204 = arith.subi %div3A_183, %sub3A_203 : i32
        %select_n3A_205 = arith.select %and3A_202, %sub3A_204, %div3A_183 : i32
        %mul3A_206 = arith.constant 8 : i32
        %mul3A_207 = arith.muli %select_n3A_205, %mul3A_206 : i32
        %get3A = arith.index_cast %mul3A_207 : i32 to index
        %get3A_208 = tpu.vector_load %arg13[%get3A] {strides = array<i32>} : memref<272xi32, #tpu.memory_space<vmem>>, vector<16xi32>,
        %sub3A_209 = arith.subi %add3A_149, %mul3A_207 : i32
        %eq3A = vector.broadcast %sub3A_209 : i32 to vector<16xi32>
        %eq3A_210 = arith.cmpi eq, %iota3A, %eq3A : vector<16xi32>
        %jit3A_211 = arith.constant 0 : i32
        %broadcast_in_dim3A_212 = vector.broadcast %jit3A_211 : i32 to vector<16xi32>
        %select_n3A_213 = arith.select %eq3A_210, %get3A_208, %broadcast_in_dim3A_212 : vector<16xi1>, vector<16xi32>
        %reduce_sum3A = arith.constant true
        %reduce_sum3A_214 = vector.broadcast %reduce_sum3A : i1 to vector<16xi1>
        %reduce_sum3A_215 = tpu.scan <sum>, %select_n3A_213 masked %reduce_sum3A_214 : vector<16xi32>, vector<16xi1> -> vector<16xi32>
        %reduce_sum3A_216 = vector.extract %reduce_sum3A_215[15] : i32 from vector<16xi32>
        %jit3A_217 = arith.constant 8 : i32
        %div3A_218 = arith.divsi %add3A_149, %jit3A_217 : i32
        %sign3A_219 = arith.constant 0 : i32
        %sign3A_220 = arith.cmpi sgt, %add3A_149, %sign3A_219 : i32
        %sign3A_221 = arith.extui %sign3A_220 : i1 to i32
        %sign3A_222 = arith.constant 0 : i32
        %sign3A_223 = arith.cmpi slt, %add3A_149, %sign3A_222 : i32
        %sign3A_224 = arith.extui %sign3A_223 : i1 to i32
        %sign3A_225 = arith.subi %sign3A_221, %sign3A_224 : i32
        %sign3A_226 = arith.constant 0 : i32
        %sign3A_227 = arith.cmpi sgt, %jit3A_217, %sign3A_226 : i32
        %sign3A_228 = arith.extui %sign3A_227 : i1 to i32
        %sign3A_229 = arith.constant 0 : i32
        %sign3A_230 = arith.cmpi slt, %jit3A_217, %sign3A_229 : i32
        %sign3A_231 = arith.extui %sign3A_230 : i1 to i32
        %sign3A_232 = arith.subi %sign3A_228, %sign3A_231 : i32
        %ne3A_233 = arith.cmpi ne, %sign3A_225, %sign3A_232 : i32
        %rem3A_234 = arith.remsi %add3A_149, %jit3A_217 : i32
        %ne3A_235 = arith.constant 0 : i32
        %ne3A_236 = arith.cmpi ne, %rem3A_234, %ne3A_235 : i32
        %and3A_237 = arith.andi %ne3A_233, %ne3A_236 : i1
        %sub3A_238 = arith.constant 1 : i32
        %sub3A_239 = arith.subi %div3A_218, %sub3A_238 : i32
        %select_n3A_240 = arith.select %and3A_237, %sub3A_239, %div3A_218 : i32
        %mul3A_241 = arith.constant 8 : i32
        %mul3A_242 = arith.muli %select_n3A_240, %mul3A_241 : i32
        %get3A_243 = arith.index_cast %mul3A_242 : i32 to index
        %get3A_244 = tpu.vector_load %arg14[%get3A_243] {strides = array<i32>} : memref<272xi32, #tpu.memory_space<vmem>>, vector<16xi32>,
        %sub3A_245 = arith.subi %add3A_149, %mul3A_242 : i32
        %eq3A_246 = vector.broadcast %sub3A_245 : i32 to vector<16xi32>
        %eq3A_247 = arith.cmpi eq, %iota3A, %eq3A_246 : vector<16xi32>
        %jit3A_248 = arith.constant 0 : i32
        %broadcast_in_dim3A_249 = vector.broadcast %jit3A_248 : i32 to vector<16xi32>
        %select_n3A_250 = arith.select %eq3A_247, %get3A_244, %broadcast_in_dim3A_249 : vector<16xi1>, vector<16xi32>
        %reduce_sum3A_251 = arith.constant true
        %reduce_sum3A_252 = vector.broadcast %reduce_sum3A_251 : i1 to vector<16xi1>
        %reduce_sum3A_253 = tpu.scan <sum>, %select_n3A_250 masked %reduce_sum3A_252 : vector<16xi32>, vector<16xi1> -> vector<16xi32>
        %reduce_sum3A_254 = vector.extract %reduce_sum3A_253[15] : i32 from vector<16xi32>
        %dma_wait3A = arith.constant 0 : i32
        %dma_wait3A_255 = arith.constant 1 : i32
        %dma_wait3A_256 = arith.constant 1 : i32
        %dma_wait3A_257 = arith.constant 0 : i32
        %dma_wait3A_258 = arith.constant 0 : i32
        %dma_wait3A_259 = tpu.memref_slice %arg15[%dma_wait3A_255, %dma_wait3A_257, %dma_wait3A_258] : memref<5x1x8192xf32, #tpu.memory_space<vmem>> -> memref<1x1x8192xf32, #tpu.memory_space<vmem>>
        %dma_wait3A_260 = tpu.memref_squeeze %dma_wait3A_259 : memref<1x1x8192xf32, #tpu.memory_space<vmem>> -> memref<1x8192xf32, #tpu.memory_space<vmem>>
        %dma_wait3A_261 = arith.constant 0 : i32
        %dma_wait3A_262 = tpu.memref_slice %arg12[%dma_wait3A, %dma_wait3A_261] : memref<256x1xi32, #tpu.memory_space<vmem>> -> memref<1x1xi32, #tpu.memory_space<vmem>>
        %dma_wait3A_263 = tpu.memref_squeeze %dma_wait3A_262 : memref<1x1xi32, #tpu.memory_space<vmem>> -> memref<1xi32, #tpu.memory_space<vmem>>
        %dma_wait3A_264 = arith.constant 0 : i32
        %dma_wait3A_265 = arith.constant 0 : i32
        %dma_wait3A_266 = tpu.memref_slice %arg2[%dma_wait3A_264, %dma_wait3A_265] : memref<8192x8192xf32, #tpu.memory_space<hbm>> -> memref<8192x8192xf32, #tpu.memory_space<hbm>>
        %dma_wait3A_267 = tpu.memref_slice %arg16[%dma_wait3A_256] : memref<5x!tpu.dma_semaphore, #tpu.memory_space<semaphore_mem>> -> memref<1x!tpu.dma_semaphore, #tpu.memory_space<semaphore_mem>>
        %dma_wait3A_268 = tpu.memref_squeeze %dma_wait3A_267 : memref<1x!tpu.dma_semaphore, #tpu.memory_space<semaphore_mem>> -> memref<!tpu.dma_semaphore, #tpu.memory_space<semaphore_mem>>
        tpu.wait_indirect_dma semaphore(%dma_wait3A_268 : memref<!tpu.dma_semaphore, #tpu.memory_space<semaphore_mem>>) src(%dma_wait3A_266 : memref<8192x8192xf32, #tpu.memory_space<hbm>>) dst(%dma_wait3A_260 : memref<1x8192xf32, #tpu.memory_space<vmem>>)
        %while3A_269 = arith.constant 0 : i32
        %while3A_270 = arith.constant 0 : i32
        %while3A_271 = arith.subi %reduce_sum3A_216, %while3A_270 : i32
        %while3A_272 = arith.addi %while3A_270, %while3A_271 : i32
        %while3A_273 = arith.constant 1 : i32
        %while3A_274 = arith.divsi %while3A_271, %while3A_273 : i32
        %while3A_275 = arith.muli %while3A_274, %while3A_273 : i32
        %while3A_276 = arith.addi %while3A_270, %while3A_275 : i32
        %while3A_277 = arith.constant 1 : i32
        scf.for %while3A_286 = %while3A_270 to %while3A_276 step %while3A_277  : i32 {
          %add3A_287 = arith.addi %reduce_sum3A_254, %while3A_286 : i32
          %jit3A_288 = arith.constant 8 : i32
          %div3A_289 = arith.divsi %add3A_287, %jit3A_288 : i32
          %sign3A_290 = arith.constant 0 : i32
          %sign3A_291 = arith.cmpi sgt, %add3A_287, %sign3A_290 : i32
          %sign3A_292 = arith.extui %sign3A_291 : i1 to i32
          %sign3A_293 = arith.constant 0 : i32
          %sign3A_294 = arith.cmpi slt, %add3A_287, %sign3A_293 : i32
          %sign3A_295 = arith.extui %sign3A_294 : i1 to i32
          %sign3A_296 = arith.subi %sign3A_292, %sign3A_295 : i32
          %sign3A_297 = arith.constant 0 : i32
          %sign3A_298 = arith.cmpi sgt, %jit3A_288, %sign3A_297 : i32
          %sign3A_299 = arith.extui %sign3A_298 : i1 to i32
          %sign3A_300 = arith.constant 0 : i32
          %sign3A_301 = arith.cmpi slt, %jit3A_288, %sign3A_300 : i32
          %sign3A_302 = arith.extui %sign3A_301 : i1 to i32
          %sign3A_303 = arith.subi %sign3A_299, %sign3A_302 : i32
          %ne3A_304 = arith.cmpi ne, %sign3A_296, %sign3A_303 : i32
          %rem3A_305 = arith.remsi %add3A_287, %jit3A_288 : i32
          %ne3A_306 = arith.constant 0 : i32
          %ne3A_307 = arith.cmpi ne, %rem3A_305, %ne3A_306 : i32
          %and3A_308 = arith.andi %ne3A_304, %ne3A_307 : i1
          %sub3A_309 = arith.constant 1 : i32
          %sub3A_310 = arith.subi %div3A_289, %sub3A_309 : i32
          %select_n3A_311 = arith.select %and3A_308, %sub3A_310, %div3A_289 : i32
          %mul3A_312 = arith.constant 8 : i32
          %mul3A_313 = arith.muli %select_n3A_311, %mul3A_312 : i32
          %get3A_314 = arith.index_cast %mul3A_313 : i32 to index
          %get3A_315 = tpu.vector_load %arg5[%get3A_314] {strides = array<i32>} : memref<16400xi32, #tpu.memory_space<vmem>>, vector<16xi32>,
          %sub3A_316 = arith.subi %add3A_287, %mul3A_313 : i32
          %eq3A_317 = vector.broadcast %sub3A_316 : i32 to vector<16xi32>
          %eq3A_318 = arith.cmpi eq, %iota3A, %eq3A_317 : vector<16xi32>
          %jit3A_319 = arith.constant 0 : i32
          %broadcast_in_dim3A_320 = vector.broadcast %jit3A_319 : i32 to vector<16xi32>
          %select_n3A_321 = arith.select %eq3A_318, %get3A_315, %broadcast_in_dim3A_320 : vector<16xi1>, vector<16xi32>
          %reduce_sum3A_322 = arith.constant true
          %reduce_sum3A_323 = vector.broadcast %reduce_sum3A_322 : i1 to vector<16xi1>
          %reduce_sum3A_324 = tpu.scan <sum>, %select_n3A_321 masked %reduce_sum3A_323 : vector<16xi32>, vector<16xi1> -> vector<16xi32>
          %reduce_sum3A_325 = vector.extract %reduce_sum3A_324[15] : i32 from vector<16xi32>
          %dma_start3A = arith.constant 1 : i32
          %dma_start3A_326 = arith.constant 0 : i32
          %dma_start3A_327 = arith.constant 0 : i32
          %dma_start3A_328 = tpu.memref_slice %arg15[%dma_start3A, %dma_start3A_326, %dma_start3A_327] : memref<5x1x8192xf32, #tpu.memory_space<vmem>> -> memref<1x1x8192xf32, #tpu.memory_space<vmem>>
          %dma_start3A_329 = tpu.memref_squeeze %dma_start3A_328 : memref<1x1x8192xf32, #tpu.memory_space<vmem>> -> memref<1x8192xf32, #tpu.memory_space<vmem>>
          %dma_start3A_330 = arith.constant 0 : i32
          %dma_start3A_331 = tpu.memref_slice %arg4[%reduce_sum3A_325, %dma_start3A_330] : memref<16384x8192xf32, #tpu.memory_space<hbm>> -> memref<1x8192xf32, #tpu.memory_space<hbm>>
          %dma_start3A_332 = arith.constant 0 : i32
          %dma_start3A_333 = tpu.memref_slice %arg4[%reduce_sum3A_325, %dma_start3A_332] : memref<16384x8192xf32, #tpu.memory_space<hbm>> -> memref<1x8192xf32, #tpu.memory_space<hbm>>
          %dma_start3A_334 = arith.constant 0 : i32
          %dma_start3A_335 = arith.constant 0 : i32
          %dma_start3A_336 = tpu.memref_slice %arg15[%dma_start3A, %dma_start3A_334, %dma_start3A_335] : memref<5x1x8192xf32, #tpu.memory_space<vmem>> -> memref<1x1x8192xf32, #tpu.memory_space<vmem>>
          %dma_start3A_337 = tpu.memref_squeeze %dma_start3A_336 : memref<1x1x8192xf32, #tpu.memory_space<vmem>> -> memref<1x8192xf32, #tpu.memory_space<vmem>>
          tpu.enqueue_dma source(%dma_start3A_337 : memref<1x8192xf32, #tpu.memory_space<vmem>>) target(%dma_start3A_333 : memref<1x8192xf32, #tpu.memory_space<hbm>>) target_semaphore(%arg17 : memref<!tpu.dma_semaphore, #tpu.memory_space<semaphore_mem>>)
        }
        %while3A_278 = arith.constant 1 : i32
        scf.for %while3A_286 = %while3A_276 to %while3A_272 step %while3A_278  : i32 {
          %add3A_287 = arith.addi %reduce_sum3A_254, %while3A_286 : i32
          %jit3A_288 = arith.constant 8 : i32
          %div3A_289 = arith.divsi %add3A_287, %jit3A_288 : i32
          %sign3A_290 = arith.constant 0 : i32
          %sign3A_291 = arith.cmpi sgt, %add3A_287, %sign3A_290 : i32
          %sign3A_292 = arith.extui %sign3A_291 : i1 to i32
          %sign3A_293 = arith.constant 0 : i32
          %sign3A_294 = arith.cmpi slt, %add3A_287, %sign3A_293 : i32
          %sign3A_295 = arith.extui %sign3A_294 : i1 to i32
          %sign3A_296 = arith.subi %sign3A_292, %sign3A_295 : i32
          %sign3A_297 = arith.constant 0 : i32
          %sign3A_298 = arith.cmpi sgt, %jit3A_288, %sign3A_297 : i32
          %sign3A_299 = arith.extui %sign3A_298 : i1 to i32
          %sign3A_300 = arith.constant 0 : i32
          %sign3A_301 = arith.cmpi slt, %jit3A_288, %sign3A_300 : i32
          %sign3A_302 = arith.extui %sign3A_301 : i1 to i32
          %sign3A_303 = arith.subi %sign3A_299, %sign3A_302 : i32
          %ne3A_304 = arith.cmpi ne, %sign3A_296, %sign3A_303 : i32
          %rem3A_305 = arith.remsi %add3A_287, %jit3A_288 : i32
          %ne3A_306 = arith.constant 0 : i32
          %ne3A_307 = arith.cmpi ne, %rem3A_305, %ne3A_306 : i32
          %and3A_308 = arith.andi %ne3A_304, %ne3A_307 : i1
          %sub3A_309 = arith.constant 1 : i32
          %sub3A_310 = arith.subi %div3A_289, %sub3A_309 : i32
          %select_n3A_311 = arith.select %and3A_308, %sub3A_310, %div3A_289 : i32
          %mul3A_312 = arith.constant 8 : i32
          %mul3A_313 = arith.muli %select_n3A_311, %mul3A_312 : i32
          %get3A_314 = arith.index_cast %mul3A_313 : i32 to index
          %get3A_315 = tpu.vector_load %arg5[%get3A_314] {strides = array<i32>} : memref<16400xi32, #tpu.memory_space<vmem>>, vector<16xi32>,
          %sub3A_316 = arith.subi %add3A_287, %mul3A_313 : i32
          %eq3A_317 = vector.broadcast %sub3A_316 : i32 to vector<16xi32>
          %eq3A_318 = arith.cmpi eq, %iota3A, %eq3A_317 : vector<16xi32>
          %jit3A_319 = arith.constant 0 : i32
          %broadcast_in_dim3A_320 = vector.broadcast %jit3A_319 : i32 to vector<16xi32>
          %select_n3A_321 = arith.select %eq3A_318, %get3A_315, %broadcast_in_dim3A_320 : vector<16xi1>, vector<16xi32>
          %reduce_sum3A_322 = arith.constant true
          %reduce_sum3A_323 = vector.broadcast %reduce_sum3A_322 : i1 to vector<16xi1>
          %reduce_sum3A_324 = tpu.scan <sum>, %select_n3A_321 masked %reduce_sum3A_323 : vector<16xi32>, vector<16xi1> -> vector<16xi32>
          %reduce_sum3A_325 = vector.extract %reduce_sum3A_324[15] : i32 from vector<16xi32>
          %dma_start3A = arith.constant 1 : i32
          %dma_start3A_326 = arith.constant 0 : i32
          %dma_start3A_327 = arith.constant 0 : i32
          %dma_start3A_328 = tpu.memref_slice %arg15[%dma_start3A, %dma_start3A_326, %dma_start3A_327] : memref<5x1x8192xf32, #tpu.memory_space<vmem>> -> memref<1x1x8192xf32, #tpu.memory_space<vmem>>
          %dma_start3A_329 = tpu.memref_squeeze %dma_start3A_328 : memref<1x1x8192xf32, #tpu.memory_space<vmem>> -> memref<1x8192xf32, #tpu.memory_space<vmem>>
          %dma_start3A_330 = arith.constant 0 : i32
          %dma_start3A_331 = tpu.memref_slice %arg4[%reduce_sum3A_325, %dma_start3A_330] : memref<16384x8192xf32, #tpu.memory_space<hbm>> -> memref<1x8192xf32, #tpu.memory_space<hbm>>
          %dma_start3A_332 = arith.constant 0 : i32
          %dma_start3A_333 = tpu.memref_slice %arg4[%reduce_sum3A_325, %dma_start3A_332] : memref<16384x8192xf32, #tpu.memory_space<hbm>> -> memref<1x8192xf32, #tpu.memory_space<hbm>>
          %dma_start3A_334 = arith.constant 0 : i32
          %dma_start3A_335 = arith.constant 0 : i32
          %dma_start3A_336 = tpu.memref_slice %arg15[%dma_start3A, %dma_start3A_334, %dma_start3A_335] : memref<5x1x8192xf32, #tpu.memory_space<vmem>> -> memref<1x1x8192xf32, #tpu.memory_space<vmem>>
          %dma_start3A_337 = tpu.memref_squeeze %dma_start3A_336 : memref<1x1x8192xf32, #tpu.memory_space<vmem>> -> memref<1x8192xf32, #tpu.memory_space<vmem>>
          tpu.enqueue_dma source(%dma_start3A_337 : memref<1x8192xf32, #tpu.memory_space<vmem>>) target(%dma_start3A_333 : memref<1x8192xf32, #tpu.memory_space<hbm>>) target_semaphore(%arg17 : memref<!tpu.dma_semaphore, #tpu.memory_space<semaphore_mem>>)
        }
        %add3A_279 = arith.constant 3 : i32
        %add3A_280 = arith.addi %add3A_149, %add3A_279 : i32
        %lt3A_281 = arith.cmpi slt, %add3A_280, %scan3A_53 : i32
        %convert_element_type3A_282 = arith.extui %lt3A_281 : i1 to i32
        %cond3A_283 = arith.constant 0 : i32
        %cond3A_284 = arith.cmpi ne, %convert_element_type3A_282, %cond3A_283 : i32
        %cond3A_285 = scf.if %cond3A_284 -> (i32) {
          %ge3A = arith.constant 2 : i32
          %ge3A_286 = arith.cmpi sge, %add3A_149, %ge3A : i32
          %convert_element_type3A_287 = arith.extui %ge3A_286 : i1 to i32
          %cond3A_288 = arith.constant 0 : i32
          %cond3A_289 = arith.cmpi ne, %convert_element_type3A_287, %cond3A_288 : i32
          %cond3A_290 = scf.if %cond3A_289 -> (i32) {
            %sub3A_304 = arith.constant 5 : i32
            %sub3A_305 = arith.subi %add3A_280, %sub3A_304 : i32
            %add3A_306 = arith.constant 1 : i32
            %add3A_307 = arith.addi %sub3A_305, %add3A_306 : i32
            %jit3A_308 = arith.constant 8 : i32
            %div3A_309 = arith.divsi %add3A_307, %jit3A_308 : i32
            %sign3A_310 = arith.constant 0 : i32
            %sign3A_311 = arith.cmpi sgt, %add3A_307, %sign3A_310 : i32
            %sign3A_312 = arith.extui %sign3A_311 : i1 to i32
            %sign3A_313 = arith.constant 0 : i32
            %sign3A_314 = arith.cmpi slt, %add3A_307, %sign3A_313 : i32
            %sign3A_315 = arith.extui %sign3A_314 : i1 to i32
            %sign3A_316 = arith.subi %sign3A_312, %sign3A_315 : i32
            %sign3A_317 = arith.constant 0 : i32
            %sign3A_318 = arith.cmpi sgt, %jit3A_308, %sign3A_317 : i32
            %sign3A_319 = arith.extui %sign3A_318 : i1 to i32
            %sign3A_320 = arith.constant 0 : i32
            %sign3A_321 = arith.cmpi slt, %jit3A_308, %sign3A_320 : i32
            %sign3A_322 = arith.extui %sign3A_321 : i1 to i32
            %sign3A_323 = arith.subi %sign3A_319, %sign3A_322 : i32
            %ne3A_324 = arith.cmpi ne, %sign3A_316, %sign3A_323 : i32
            %rem3A_325 = arith.remsi %add3A_307, %jit3A_308 : i32
            %ne3A_326 = arith.constant 0 : i32
            %ne3A_327 = arith.cmpi ne, %rem3A_325, %ne3A_326 : i32
            %and3A_328 = arith.andi %ne3A_324, %ne3A_327 : i1
            %sub3A_329 = arith.constant 1 : i32
            %sub3A_330 = arith.subi %div3A_309, %sub3A_329 : i32
            %select_n3A_331 = arith.select %and3A_328, %sub3A_330, %div3A_309 : i32
            %mul3A_332 = arith.constant 8 : i32
            %mul3A_333 = arith.muli %select_n3A_331, %mul3A_332 : i32
            %get3A_334 = arith.index_cast %mul3A_333 : i32 to index
            %get3A_335 = tpu.vector_load %arg14[%get3A_334] {strides = array<i32>} : memref<272xi32, #tpu.memory_space<vmem>>, vector<16xi32>,
            %sub3A_336 = arith.subi %add3A_307, %mul3A_333 : i32
            %eq3A_337 = vector.broadcast %sub3A_336 : i32 to vector<16xi32>
            %eq3A_338 = arith.cmpi eq, %iota3A, %eq3A_337 : vector<16xi32>
            %jit3A_339 = arith.constant 0 : i32
            %broadcast_in_dim3A_340 = vector.broadcast %jit3A_339 : i32 to vector<16xi32>
            %select_n3A_341 = arith.select %eq3A_338, %get3A_335, %broadcast_in_dim3A_340 : vector<16xi1>, vector<16xi32>
            %reduce_sum3A_342 = arith.constant true
            %reduce_sum3A_343 = vector.broadcast %reduce_sum3A_342 : i1 to vector<16xi1>
            %reduce_sum3A_344 = tpu.scan <sum>, %select_n3A_341 masked %reduce_sum3A_343 : vector<16xi32>, vector<16xi1> -> vector<16xi32>
            %reduce_sum3A_345 = vector.extract %reduce_sum3A_344[15] : i32 from vector<16xi32>
            %sub3A_346 = arith.subi %reduce_sum3A_345, %cond3A_145 : i32
            %max3A = arith.constant 0 : i32
            %max3A_347 = arith.maxsi %sub3A_346, %max3A : i32
            %while3A_348 = arith.constant 0 : i32
            %while3A_349 = arith.constant 0 : i32
            %while3A_350 = arith.subi %max3A_347, %while3A_349 : i32
            %while3A_351 = arith.addi %while3A_349, %while3A_350 : i32
            %while3A_352 = arith.constant 1 : i32
            %while3A_353 = arith.divsi %while3A_350, %while3A_352 : i32
            %while3A_354 = arith.muli %while3A_353, %while3A_352 : i32
            %while3A_355 = arith.addi %while3A_349, %while3A_354 : i32
            %while3A_356 = arith.constant 1 : i32
            scf.for %while3A_359 = %while3A_349 to %while3A_355 step %while3A_356  : i32 {
              %dma_wait3A_360 = arith.constant 0 : i32
              %dma_wait3A_361 = arith.constant 0 : i32
              %dma_wait3A_362 = arith.constant 0 : i32
              %dma_wait3A_363 = tpu.memref_slice %arg15[%dma_wait3A_360, %dma_wait3A_361, %dma_wait3A_362] : memref<5x1x8192xf32, #tpu.memory_space<vmem>> -> memref<1x1x8192xf32, #tpu.memory_space<vmem>>
              %dma_wait3A_364 = tpu.memref_squeeze %dma_wait3A_363 : memref<1x1x8192xf32, #tpu.memory_space<vmem>> -> memref<1x8192xf32, #tpu.memory_space<vmem>>
              %dma_wait3A_365 = arith.constant 0 : i32
              %dma_wait3A_366 = arith.constant 0 : i32
              %dma_wait3A_367 = tpu.memref_slice %arg4[%dma_wait3A_365, %dma_wait3A_366] : memref<16384x8192xf32, #tpu.memory_space<hbm>> -> memref<1x8192xf32, #tpu.memory_space<hbm>>
              %dma_wait3A_368 = arith.constant 0 : i32
              %dma_wait3A_369 = arith.constant 0 : i32
              %dma_wait3A_370 = tpu.memref_slice %arg4[%dma_wait3A_368, %dma_wait3A_369] : memref<16384x8192xf32, #tpu.memory_space<hbm>> -> memref<1x8192xf32, #tpu.memory_space<hbm>>
              %dma_wait3A_371 = arith.constant 0 : i32
              %dma_wait3A_372 = arith.constant 0 : i32
              %dma_wait3A_373 = tpu.memref_slice %arg15[%dma_wait3A_360, %dma_wait3A_371, %dma_wait3A_372] : memref<5x1x8192xf32, #tpu.memory_space<vmem>> -> memref<1x1x8192xf32, #tpu.memory_space<vmem>>
              %dma_wait3A_374 = tpu.memref_squeeze %dma_wait3A_373 : memref<1x1x8192xf32, #tpu.memory_space<vmem>> -> memref<1x8192xf32, #tpu.memory_space<vmem>>
              tpu.wait_dma2 semaphore(%arg17 : memref<!tpu.dma_semaphore, #tpu.memory_space<semaphore_mem>>) src(%dma_wait3A_374 : memref<1x8192xf32, #tpu.memory_space<vmem>>) dst(%dma_wait3A_370 : memref<1x8192xf32, #tpu.memory_space<hbm>>)
            }
            %while3A_357 = arith.constant 1 : i32
            scf.for %while3A_359 = %while3A_355 to %while3A_351 step %while3A_357  : i32 {
              %dma_wait3A_360 = arith.constant 0 : i32
              %dma_wait3A_361 = arith.constant 0 : i32
              %dma_wait3A_362 = arith.constant 0 : i32
              %dma_wait3A_363 = tpu.memref_slice %arg15[%dma_wait3A_360, %dma_wait3A_361, %dma_wait3A_362] : memref<5x1x8192xf32, #tpu.memory_space<vmem>> -> memref<1x1x8192xf32, #tpu.memory_space<vmem>>
              %dma_wait3A_364 = tpu.memref_squeeze %dma_wait3A_363 : memref<1x1x8192xf32, #tpu.memory_space<vmem>> -> memref<1x8192xf32, #tpu.memory_space<vmem>>
              %dma_wait3A_365 = arith.constant 0 : i32
              %dma_wait3A_366 = arith.constant 0 : i32
              %dma_wait3A_367 = tpu.memref_slice %arg4[%dma_wait3A_365, %dma_wait3A_366] : memref<16384x8192xf32, #tpu.memory_space<hbm>> -> memref<1x8192xf32, #tpu.memory_space<hbm>>
              %dma_wait3A_368 = arith.constant 0 : i32
              %dma_wait3A_369 = arith.constant 0 : i32
              %dma_wait3A_370 = tpu.memref_slice %arg4[%dma_wait3A_368, %dma_wait3A_369] : memref<16384x8192xf32, #tpu.memory_space<hbm>> -> memref<1x8192xf32, #tpu.memory_space<hbm>>
              %dma_wait3A_371 = arith.constant 0 : i32
              %dma_wait3A_372 = arith.constant 0 : i32
              %dma_wait3A_373 = tpu.memref_slice %arg15[%dma_wait3A_360, %dma_wait3A_371, %dma_wait3A_372] : memref<5x1x8192xf32, #tpu.memory_space<vmem>> -> memref<1x1x8192xf32, #tpu.memory_space<vmem>>
              %dma_wait3A_374 = tpu.memref_squeeze %dma_wait3A_373 : memref<1x1x8192xf32, #tpu.memory_space<vmem>> -> memref<1x8192xf32, #tpu.memory_space<vmem>>
              tpu.wait_dma2 semaphore(%arg17 : memref<!tpu.dma_semaphore, #tpu.memory_space<semaphore_mem>>) src(%dma_wait3A_374 : memref<1x8192xf32, #tpu.memory_space<vmem>>) dst(%dma_wait3A_370 : memref<1x8192xf32, #tpu.memory_space<hbm>>)
            }
            %max3A_358 = arith.maxsi %reduce_sum3A_345, %cond3A_145 : i32
            scf.yield %max3A_358 : i32
          } else {
            scf.yield %cond3A_145 : i32
          }
          %dma_start3A = arith.constant 4 : i32
          %dma_start3A_291 = arith.constant 4 : i32
          %dma_start3A_292 = arith.constant 0 : i32
          %dma_start3A_293 = arith.constant 0 : i32
          %dma_start3A_294 = tpu.memref_slice %arg15[%dma_start3A, %dma_start3A_292, %dma_start3A_293] : memref<5x1x8192xf32, #tpu.memory_space<vmem>> -> memref<1x1x8192xf32, #tpu.memory_space<vmem>>
          %dma_start3A_295 = tpu.memref_squeeze %dma_start3A_294 : memref<1x1x8192xf32, #tpu.memory_space<vmem>> -> memref<1x8192xf32, #tpu.memory_space<vmem>>
          %dma_start3A_296 = arith.constant 0 : i32
          %dma_start3A_297 = tpu.memref_slice %arg12[%add3A_280, %dma_start3A_296] : memref<256x1xi32, #tpu.memory_space<vmem>> -> memref<1x1xi32, #tpu.memory_space<vmem>>
          %dma_start3A_298 = tpu.memref_squeeze %dma_start3A_297 : memref<1x1xi32, #tpu.memory_space<vmem>> -> memref<1xi32, #tpu.memory_space<vmem>>
          %dma_start3A_299 = arith.constant 0 : i32
          %dma_start3A_300 = arith.constant 0 : i32
          %dma_start3A_301 = tpu.memref_slice %arg2[%dma_start3A_299, %dma_start3A_300] : memref<8192x8192xf32, #tpu.memory_space<hbm>> -> memref<8192x8192xf32, #tpu.memory_space<hbm>>
          %dma_start3A_302 = tpu.memref_slice %arg16[%dma_start3A_291] : memref<5x!tpu.dma_semaphore, #tpu.memory_space<semaphore_mem>> -> memref<1x!tpu.dma_semaphore, #tpu.memory_space<semaphore_mem>>
          %dma_start3A_303 = tpu.memref_squeeze %dma_start3A_302 : memref<1x!tpu.dma_semaphore, #tpu.memory_space<semaphore_mem>> -> memref<!tpu.dma_semaphore, #tpu.memory_space<semaphore_mem>>
          tpu.enqueue_indirect_dma source(%dma_start3A_301 : memref<8192x8192xf32, #tpu.memory_space<hbm>>) target(%dma_start3A_295 : memref<1x8192xf32, #tpu.memory_space<vmem>>) offsets(%dma_start3A_298 : memref<1xi32, #tpu.memory_space<vmem>>) semaphore(%dma_start3A_303 : memref<!tpu.dma_semaphore, #tpu.memory_space<semaphore_mem>>)
          scf.yield %cond3A_290 : i32
        } else {
          scf.yield %cond3A_145 : i32
        }
        scf.yield %cond3A_285 : i32
      } else {
        scf.yield %cond3A_145 : i32
      }
      %mul3A_155 = arith.constant 5 : i32
      %mul3A_156 = arith.muli %while3A_136, %mul3A_155 : i32
      %add3A_157 = arith.constant 2 : i32
      %add3A_158 = arith.addi %mul3A_156, %add3A_157 : i32
      %lt3A_159 = arith.cmpi slt, %add3A_158, %scan3A_53 : i32
      %convert_element_type3A_160 = arith.extui %lt3A_159 : i1 to i32
      %cond3A_161 = arith.constant 0 : i32
      %cond3A_162 = arith.cmpi ne, %convert_element_type3A_160, %cond3A_161 : i32
      %cond3A_163 = scf.if %cond3A_162 -> (i32) {
        %jit3A_182 = arith.constant 8 : i32
        %div3A_183 = arith.divsi %add3A_158, %jit3A_182 : i32
        %sign3A_184 = arith.constant 0 : i32
        %sign3A_185 = arith.cmpi sgt, %add3A_158, %sign3A_184 : i32
        %sign3A_186 = arith.extui %sign3A_185 : i1 to i32
        %sign3A_187 = arith.constant 0 : i32
        %sign3A_188 = arith.cmpi slt, %add3A_158, %sign3A_187 : i32
        %sign3A_189 = arith.extui %sign3A_188 : i1 to i32
        %sign3A_190 = arith.subi %sign3A_186, %sign3A_189 : i32
        %sign3A_191 = arith.constant 0 : i32
        %sign3A_192 = arith.cmpi sgt, %jit3A_182, %sign3A_191 : i32
        %sign3A_193 = arith.extui %sign3A_192 : i1 to i32
        %sign3A_194 = arith.constant 0 : i32
        %sign3A_195 = arith.cmpi slt, %jit3A_182, %sign3A_194 : i32
        %sign3A_196 = arith.extui %sign3A_195 : i1 to i32
        %sign3A_197 = arith.subi %sign3A_193, %sign3A_196 : i32
        %ne3A_198 = arith.cmpi ne, %sign3A_190, %sign3A_197 : i32
        %rem3A_199 = arith.remsi %add3A_158, %jit3A_182 : i32
        %ne3A_200 = arith.constant 0 : i32
        %ne3A_201 = arith.cmpi ne, %rem3A_199, %ne3A_200 : i32
        %and3A_202 = arith.andi %ne3A_198, %ne3A_201 : i1
        %sub3A_203 = arith.constant 1 : i32
        %sub3A_204 = arith.subi %div3A_183, %sub3A_203 : i32
        %select_n3A_205 = arith.select %and3A_202, %sub3A_204, %div3A_183 : i32
        %mul3A_206 = arith.constant 8 : i32
        %mul3A_207 = arith.muli %select_n3A_205, %mul3A_206 : i32
        %get3A = arith.index_cast %mul3A_207 : i32 to index
        %get3A_208 = tpu.vector_load %arg13[%get3A] {strides = array<i32>} : memref<272xi32, #tpu.memory_space<vmem>>, vector<16xi32>,
        %sub3A_209 = arith.subi %add3A_158, %mul3A_207 : i32
        %eq3A = vector.broadcast %sub3A_209 : i32 to vector<16xi32>
        %eq3A_210 = arith.cmpi eq, %iota3A, %eq3A : vector<16xi32>
        %jit3A_211 = arith.constant 0 : i32
        %broadcast_in_dim3A_212 = vector.broadcast %jit3A_211 : i32 to vector<16xi32>
        %select_n3A_213 = arith.select %eq3A_210, %get3A_208, %broadcast_in_dim3A_212 : vector<16xi1>, vector<16xi32>
        %reduce_sum3A = arith.constant true
        %reduce_sum3A_214 = vector.broadcast %reduce_sum3A : i1 to vector<16xi1>
        %reduce_sum3A_215 = tpu.scan <sum>, %select_n3A_213 masked %reduce_sum3A_214 : vector<16xi32>, vector<16xi1> -> vector<16xi32>
        %reduce_sum3A_216 = vector.extract %reduce_sum3A_215[15] : i32 from vector<16xi32>
        %jit3A_217 = arith.constant 8 : i32
        %div3A_218 = arith.divsi %add3A_158, %jit3A_217 : i32
        %sign3A_219 = arith.constant 0 : i32
        %sign3A_220 = arith.cmpi sgt, %add3A_158, %sign3A_219 : i32
        %sign3A_221 = arith.extui %sign3A_220 : i1 to i32
        %sign3A_222 = arith.constant 0 : i32
        %sign3A_223 = arith.cmpi slt, %add3A_158, %sign3A_222 : i32
        %sign3A_224 = arith.extui %sign3A_223 : i1 to i32
        %sign3A_225 = arith.subi %sign3A_221, %sign3A_224 : i32
        %sign3A_226 = arith.constant 0 : i32
        %sign3A_227 = arith.cmpi sgt, %jit3A_217, %sign3A_226 : i32
        %sign3A_228 = arith.extui %sign3A_227 : i1 to i32
        %sign3A_229 = arith.constant 0 : i32
        %sign3A_230 = arith.cmpi slt, %jit3A_217, %sign3A_229 : i32
        %sign3A_231 = arith.extui %sign3A_230 : i1 to i32
        %sign3A_232 = arith.subi %sign3A_228, %sign3A_231 : i32
        %ne3A_233 = arith.cmpi ne, %sign3A_225, %sign3A_232 : i32
        %rem3A_234 = arith.remsi %add3A_158, %jit3A_217 : i32
        %ne3A_235 = arith.constant 0 : i32
        %ne3A_236 = arith.cmpi ne, %rem3A_234, %ne3A_235 : i32
        %and3A_237 = arith.andi %ne3A_233, %ne3A_236 : i1
        %sub3A_238 = arith.constant 1 : i32
        %sub3A_239 = arith.subi %div3A_218, %sub3A_238 : i32
        %select_n3A_240 = arith.select %and3A_237, %sub3A_239, %div3A_218 : i32
        %mul3A_241 = arith.constant 8 : i32
        %mul3A_242 = arith.muli %select_n3A_240, %mul3A_241 : i32
        %get3A_243 = arith.index_cast %mul3A_242 : i32 to index
        %get3A_244 = tpu.vector_load %arg14[%get3A_243] {strides = array<i32>} : memref<272xi32, #tpu.memory_space<vmem>>, vector<16xi32>,
        %sub3A_245 = arith.subi %add3A_158, %mul3A_242 : i32
        %eq3A_246 = vector.broadcast %sub3A_245 : i32 to vector<16xi32>
        %eq3A_247 = arith.cmpi eq, %iota3A, %eq3A_246 : vector<16xi32>
        %jit3A_248 = arith.constant 0 : i32
        %broadcast_in_dim3A_249 = vector.broadcast %jit3A_248 : i32 to vector<16xi32>
        %select_n3A_250 = arith.select %eq3A_247, %get3A_244, %broadcast_in_dim3A_249 : vector<16xi1>, vector<16xi32>
        %reduce_sum3A_251 = arith.constant true
        %reduce_sum3A_252 = vector.broadcast %reduce_sum3A_251 : i1 to vector<16xi1>
        %reduce_sum3A_253 = tpu.scan <sum>, %select_n3A_250 masked %reduce_sum3A_252 : vector<16xi32>, vector<16xi1> -> vector<16xi32>
        %reduce_sum3A_254 = vector.extract %reduce_sum3A_253[15] : i32 from vector<16xi32>
        %dma_wait3A = arith.constant 0 : i32
        %dma_wait3A_255 = arith.constant 2 : i32
        %dma_wait3A_256 = arith.constant 2 : i32
        %dma_wait3A_257 = arith.constant 0 : i32
        %dma_wait3A_258 = arith.constant 0 : i32
        %dma_wait3A_259 = tpu.memref_slice %arg15[%dma_wait3A_255, %dma_wait3A_257, %dma_wait3A_258] : memref<5x1x8192xf32, #tpu.memory_space<vmem>> -> memref<1x1x8192xf32, #tpu.memory_space<vmem>>
        %dma_wait3A_260 = tpu.memref_squeeze %dma_wait3A_259 : memref<1x1x8192xf32, #tpu.memory_space<vmem>> -> memref<1x8192xf32, #tpu.memory_space<vmem>>
        %dma_wait3A_261 = arith.constant 0 : i32
        %dma_wait3A_262 = tpu.memref_slice %arg12[%dma_wait3A, %dma_wait3A_261] : memref<256x1xi32, #tpu.memory_space<vmem>> -> memref<1x1xi32, #tpu.memory_space<vmem>>
        %dma_wait3A_263 = tpu.memref_squeeze %dma_wait3A_262 : memref<1x1xi32, #tpu.memory_space<vmem>> -> memref<1xi32, #tpu.memory_space<vmem>>
        %dma_wait3A_264 = arith.constant 0 : i32
        %dma_wait3A_265 = arith.constant 0 : i32
        %dma_wait3A_266 = tpu.memref_slice %arg2[%dma_wait3A_264, %dma_wait3A_265] : memref<8192x8192xf32, #tpu.memory_space<hbm>> -> memref<8192x8192xf32, #tpu.memory_space<hbm>>
        %dma_wait3A_267 = tpu.memref_slice %arg16[%dma_wait3A_256] : memref<5x!tpu.dma_semaphore, #tpu.memory_space<semaphore_mem>> -> memref<1x!tpu.dma_semaphore, #tpu.memory_space<semaphore_mem>>
        %dma_wait3A_268 = tpu.memref_squeeze %dma_wait3A_267 : memref<1x!tpu.dma_semaphore, #tpu.memory_space<semaphore_mem>> -> memref<!tpu.dma_semaphore, #tpu.memory_space<semaphore_mem>>
        tpu.wait_indirect_dma semaphore(%dma_wait3A_268 : memref<!tpu.dma_semaphore, #tpu.memory_space<semaphore_mem>>) src(%dma_wait3A_266 : memref<8192x8192xf32, #tpu.memory_space<hbm>>) dst(%dma_wait3A_260 : memref<1x8192xf32, #tpu.memory_space<vmem>>)
        %while3A_269 = arith.constant 0 : i32
        %while3A_270 = arith.constant 0 : i32
        %while3A_271 = arith.subi %reduce_sum3A_216, %while3A_270 : i32
        %while3A_272 = arith.addi %while3A_270, %while3A_271 : i32
        %while3A_273 = arith.constant 1 : i32
        %while3A_274 = arith.divsi %while3A_271, %while3A_273 : i32
        %while3A_275 = arith.muli %while3A_274, %while3A_273 : i32
        %while3A_276 = arith.addi %while3A_270, %while3A_275 : i32
        %while3A_277 = arith.constant 1 : i32
        scf.for %while3A_286 = %while3A_270 to %while3A_276 step %while3A_277  : i32 {
          %add3A_287 = arith.addi %reduce_sum3A_254, %while3A_286 : i32
          %jit3A_288 = arith.constant 8 : i32
          %div3A_289 = arith.divsi %add3A_287, %jit3A_288 : i32
          %sign3A_290 = arith.constant 0 : i32
          %sign3A_291 = arith.cmpi sgt, %add3A_287, %sign3A_290 : i32
          %sign3A_292 = arith.extui %sign3A_291 : i1 to i32
          %sign3A_293 = arith.constant 0 : i32
          %sign3A_294 = arith.cmpi slt, %add3A_287, %sign3A_293 : i32
          %sign3A_295 = arith.extui %sign3A_294 : i1 to i32
          %sign3A_296 = arith.subi %sign3A_292, %sign3A_295 : i32
          %sign3A_297 = arith.constant 0 : i32
          %sign3A_298 = arith.cmpi sgt, %jit3A_288, %sign3A_297 : i32
          %sign3A_299 = arith.extui %sign3A_298 : i1 to i32
          %sign3A_300 = arith.constant 0 : i32
          %sign3A_301 = arith.cmpi slt, %jit3A_288, %sign3A_300 : i32
          %sign3A_302 = arith.extui %sign3A_301 : i1 to i32
          %sign3A_303 = arith.subi %sign3A_299, %sign3A_302 : i32
          %ne3A_304 = arith.cmpi ne, %sign3A_296, %sign3A_303 : i32
          %rem3A_305 = arith.remsi %add3A_287, %jit3A_288 : i32
          %ne3A_306 = arith.constant 0 : i32
          %ne3A_307 = arith.cmpi ne, %rem3A_305, %ne3A_306 : i32
          %and3A_308 = arith.andi %ne3A_304, %ne3A_307 : i1
          %sub3A_309 = arith.constant 1 : i32
          %sub3A_310 = arith.subi %div3A_289, %sub3A_309 : i32
          %select_n3A_311 = arith.select %and3A_308, %sub3A_310, %div3A_289 : i32
          %mul3A_312 = arith.constant 8 : i32
          %mul3A_313 = arith.muli %select_n3A_311, %mul3A_312 : i32
          %get3A_314 = arith.index_cast %mul3A_313 : i32 to index
          %get3A_315 = tpu.vector_load %arg5[%get3A_314] {strides = array<i32>} : memref<16400xi32, #tpu.memory_space<vmem>>, vector<16xi32>,
          %sub3A_316 = arith.subi %add3A_287, %mul3A_313 : i32
          %eq3A_317 = vector.broadcast %sub3A_316 : i32 to vector<16xi32>
          %eq3A_318 = arith.cmpi eq, %iota3A, %eq3A_317 : vector<16xi32>
          %jit3A_319 = arith.constant 0 : i32
          %broadcast_in_dim3A_320 = vector.broadcast %jit3A_319 : i32 to vector<16xi32>
          %select_n3A_321 = arith.select %eq3A_318, %get3A_315, %broadcast_in_dim3A_320 : vector<16xi1>, vector<16xi32>
          %reduce_sum3A_322 = arith.constant true
          %reduce_sum3A_323 = vector.broadcast %reduce_sum3A_322 : i1 to vector<16xi1>
          %reduce_sum3A_324 = tpu.scan <sum>, %select_n3A_321 masked %reduce_sum3A_323 : vector<16xi32>, vector<16xi1> -> vector<16xi32>
          %reduce_sum3A_325 = vector.extract %reduce_sum3A_324[15] : i32 from vector<16xi32>
          %dma_start3A = arith.constant 2 : i32
          %dma_start3A_326 = arith.constant 0 : i32
          %dma_start3A_327 = arith.constant 0 : i32
          %dma_start3A_328 = tpu.memref_slice %arg15[%dma_start3A, %dma_start3A_326, %dma_start3A_327] : memref<5x1x8192xf32, #tpu.memory_space<vmem>> -> memref<1x1x8192xf32, #tpu.memory_space<vmem>>
          %dma_start3A_329 = tpu.memref_squeeze %dma_start3A_328 : memref<1x1x8192xf32, #tpu.memory_space<vmem>> -> memref<1x8192xf32, #tpu.memory_space<vmem>>
          %dma_start3A_330 = arith.constant 0 : i32
          %dma_start3A_331 = tpu.memref_slice %arg4[%reduce_sum3A_325, %dma_start3A_330] : memref<16384x8192xf32, #tpu.memory_space<hbm>> -> memref<1x8192xf32, #tpu.memory_space<hbm>>
          %dma_start3A_332 = arith.constant 0 : i32
          %dma_start3A_333 = tpu.memref_slice %arg4[%reduce_sum3A_325, %dma_start3A_332] : memref<16384x8192xf32, #tpu.memory_space<hbm>> -> memref<1x8192xf32, #tpu.memory_space<hbm>>
          %dma_start3A_334 = arith.constant 0 : i32
          %dma_start3A_335 = arith.constant 0 : i32
          %dma_start3A_336 = tpu.memref_slice %arg15[%dma_start3A, %dma_start3A_334, %dma_start3A_335] : memref<5x1x8192xf32, #tpu.memory_space<vmem>> -> memref<1x1x8192xf32, #tpu.memory_space<vmem>>
          %dma_start3A_337 = tpu.memref_squeeze %dma_start3A_336 : memref<1x1x8192xf32, #tpu.memory_space<vmem>> -> memref<1x8192xf32, #tpu.memory_space<vmem>>
          tpu.enqueue_dma source(%dma_start3A_337 : memref<1x8192xf32, #tpu.memory_space<vmem>>) target(%dma_start3A_333 : memref<1x8192xf32, #tpu.memory_space<hbm>>) target_semaphore(%arg17 : memref<!tpu.dma_semaphore, #tpu.memory_space<semaphore_mem>>)
        }
        %while3A_278 = arith.constant 1 : i32
        scf.for %while3A_286 = %while3A_276 to %while3A_272 step %while3A_278  : i32 {
          %add3A_287 = arith.addi %reduce_sum3A_254, %while3A_286 : i32
          %jit3A_288 = arith.constant 8 : i32
          %div3A_289 = arith.divsi %add3A_287, %jit3A_288 : i32
          %sign3A_290 = arith.constant 0 : i32
          %sign3A_291 = arith.cmpi sgt, %add3A_287, %sign3A_290 : i32
          %sign3A_292 = arith.extui %sign3A_291 : i1 to i32
          %sign3A_293 = arith.constant 0 : i32
          %sign3A_294 = arith.cmpi slt, %add3A_287, %sign3A_293 : i32
          %sign3A_295 = arith.extui %sign3A_294 : i1 to i32
          %sign3A_296 = arith.subi %sign3A_292, %sign3A_295 : i32
          %sign3A_297 = arith.constant 0 : i32
          %sign3A_298 = arith.cmpi sgt, %jit3A_288, %sign3A_297 : i32
          %sign3A_299 = arith.extui %sign3A_298 : i1 to i32
          %sign3A_300 = arith.constant 0 : i32
          %sign3A_301 = arith.cmpi slt, %jit3A_288, %sign3A_300 : i32
          %sign3A_302 = arith.extui %sign3A_301 : i1 to i32
          %sign3A_303 = arith.subi %sign3A_299, %sign3A_302 : i32
          %ne3A_304 = arith.cmpi ne, %sign3A_296, %sign3A_303 : i32
          %rem3A_305 = arith.remsi %add3A_287, %jit3A_288 : i32
          %ne3A_306 = arith.constant 0 : i32
          %ne3A_307 = arith.cmpi ne, %rem3A_305, %ne3A_306 : i32
          %and3A_308 = arith.andi %ne3A_304, %ne3A_307 : i1
          %sub3A_309 = arith.constant 1 : i32
          %sub3A_310 = arith.subi %div3A_289, %sub3A_309 : i32
          %select_n3A_311 = arith.select %and3A_308, %sub3A_310, %div3A_289 : i32
          %mul3A_312 = arith.constant 8 : i32
          %mul3A_313 = arith.muli %select_n3A_311, %mul3A_312 : i32
          %get3A_314 = arith.index_cast %mul3A_313 : i32 to index
          %get3A_315 = tpu.vector_load %arg5[%get3A_314] {strides = array<i32>} : memref<16400xi32, #tpu.memory_space<vmem>>, vector<16xi32>,
          %sub3A_316 = arith.subi %add3A_287, %mul3A_313 : i32
          %eq3A_317 = vector.broadcast %sub3A_316 : i32 to vector<16xi32>
          %eq3A_318 = arith.cmpi eq, %iota3A, %eq3A_317 : vector<16xi32>
          %jit3A_319 = arith.constant 0 : i32
          %broadcast_in_dim3A_320 = vector.broadcast %jit3A_319 : i32 to vector<16xi32>
          %select_n3A_321 = arith.select %eq3A_318, %get3A_315, %broadcast_in_dim3A_320 : vector<16xi1>, vector<16xi32>
          %reduce_sum3A_322 = arith.constant true
          %reduce_sum3A_323 = vector.broadcast %reduce_sum3A_322 : i1 to vector<16xi1>
          %reduce_sum3A_324 = tpu.scan <sum>, %select_n3A_321 masked %reduce_sum3A_323 : vector<16xi32>, vector<16xi1> -> vector<16xi32>
          %reduce_sum3A_325 = vector.extract %reduce_sum3A_324[15] : i32 from vector<16xi32>
          %dma_start3A = arith.constant 2 : i32
          %dma_start3A_326 = arith.constant 0 : i32
          %dma_start3A_327 = arith.constant 0 : i32
          %dma_start3A_328 = tpu.memref_slice %arg15[%dma_start3A, %dma_start3A_326, %dma_start3A_327] : memref<5x1x8192xf32, #tpu.memory_space<vmem>> -> memref<1x1x8192xf32, #tpu.memory_space<vmem>>
          %dma_start3A_329 = tpu.memref_squeeze %dma_start3A_328 : memref<1x1x8192xf32, #tpu.memory_space<vmem>> -> memref<1x8192xf32, #tpu.memory_space<vmem>>
          %dma_start3A_330 = arith.constant 0 : i32
          %dma_start3A_331 = tpu.memref_slice %arg4[%reduce_sum3A_325, %dma_start3A_330] : memref<16384x8192xf32, #tpu.memory_space<hbm>> -> memref<1x8192xf32, #tpu.memory_space<hbm>>
          %dma_start3A_332 = arith.constant 0 : i32
          %dma_start3A_333 = tpu.memref_slice %arg4[%reduce_sum3A_325, %dma_start3A_332] : memref<16384x8192xf32, #tpu.memory_space<hbm>> -> memref<1x8192xf32, #tpu.memory_space<hbm>>
          %dma_start3A_334 = arith.constant 0 : i32
          %dma_start3A_335 = arith.constant 0 : i32
          %dma_start3A_336 = tpu.memref_slice %arg15[%dma_start3A, %dma_start3A_334, %dma_start3A_335] : memref<5x1x8192xf32, #tpu.memory_space<vmem>> -> memref<1x1x8192xf32, #tpu.memory_space<vmem>>
          %dma_start3A_337 = tpu.memref_squeeze %dma_start3A_336 : memref<1x1x8192xf32, #tpu.memory_space<vmem>> -> memref<1x8192xf32, #tpu.memory_space<vmem>>
          tpu.enqueue_dma source(%dma_start3A_337 : memref<1x8192xf32, #tpu.memory_space<vmem>>) target(%dma_start3A_333 : memref<1x8192xf32, #tpu.memory_space<hbm>>) target_semaphore(%arg17 : memref<!tpu.dma_semaphore, #tpu.memory_space<semaphore_mem>>)
        }
        %add3A_279 = arith.constant 3 : i32
        %add3A_280 = arith.addi %add3A_158, %add3A_279 : i32
        %lt3A_281 = arith.cmpi slt, %add3A_280, %scan3A_53 : i32
        %convert_element_type3A_282 = arith.extui %lt3A_281 : i1 to i32
        %cond3A_283 = arith.constant 0 : i32
        %cond3A_284 = arith.cmpi ne, %convert_element_type3A_282, %cond3A_283 : i32
        %cond3A_285 = scf.if %cond3A_284 -> (i32) {
          %ge3A = arith.constant 2 : i32
          %ge3A_286 = arith.cmpi sge, %add3A_158, %ge3A : i32
          %convert_element_type3A_287 = arith.extui %ge3A_286 : i1 to i32
          %cond3A_288 = arith.constant 0 : i32
          %cond3A_289 = arith.cmpi ne, %convert_element_type3A_287, %cond3A_288 : i32
          %cond3A_290 = scf.if %cond3A_289 -> (i32) {
            %sub3A_304 = arith.constant 5 : i32
            %sub3A_305 = arith.subi %add3A_280, %sub3A_304 : i32
            %add3A_306 = arith.constant 1 : i32
            %add3A_307 = arith.addi %sub3A_305, %add3A_306 : i32
            %jit3A_308 = arith.constant 8 : i32
            %div3A_309 = arith.divsi %add3A_307, %jit3A_308 : i32
            %sign3A_310 = arith.constant 0 : i32
            %sign3A_311 = arith.cmpi sgt, %add3A_307, %sign3A_310 : i32
            %sign3A_312 = arith.extui %sign3A_311 : i1 to i32
            %sign3A_313 = arith.constant 0 : i32
            %sign3A_314 = arith.cmpi slt, %add3A_307, %sign3A_313 : i32
            %sign3A_315 = arith.extui %sign3A_314 : i1 to i32
            %sign3A_316 = arith.subi %sign3A_312, %sign3A_315 : i32
            %sign3A_317 = arith.constant 0 : i32
            %sign3A_318 = arith.cmpi sgt, %jit3A_308, %sign3A_317 : i32
            %sign3A_319 = arith.extui %sign3A_318 : i1 to i32
            %sign3A_320 = arith.constant 0 : i32
            %sign3A_321 = arith.cmpi slt, %jit3A_308, %sign3A_320 : i32
            %sign3A_322 = arith.extui %sign3A_321 : i1 to i32
            %sign3A_323 = arith.subi %sign3A_319, %sign3A_322 : i32
            %ne3A_324 = arith.cmpi ne, %sign3A_316, %sign3A_323 : i32
            %rem3A_325 = arith.remsi %add3A_307, %jit3A_308 : i32
            %ne3A_326 = arith.constant 0 : i32
            %ne3A_327 = arith.cmpi ne, %rem3A_325, %ne3A_326 : i32
            %and3A_328 = arith.andi %ne3A_324, %ne3A_327 : i1
            %sub3A_329 = arith.constant 1 : i32
            %sub3A_330 = arith.subi %div3A_309, %sub3A_329 : i32
            %select_n3A_331 = arith.select %and3A_328, %sub3A_330, %div3A_309 : i32
            %mul3A_332 = arith.constant 8 : i32
            %mul3A_333 = arith.muli %select_n3A_331, %mul3A_332 : i32
            %get3A_334 = arith.index_cast %mul3A_333 : i32 to index
            %get3A_335 = tpu.vector_load %arg14[%get3A_334] {strides = array<i32>} : memref<272xi32, #tpu.memory_space<vmem>>, vector<16xi32>,
            %sub3A_336 = arith.subi %add3A_307, %mul3A_333 : i32
            %eq3A_337 = vector.broadcast %sub3A_336 : i32 to vector<16xi32>
            %eq3A_338 = arith.cmpi eq, %iota3A, %eq3A_337 : vector<16xi32>
            %jit3A_339 = arith.constant 0 : i32
            %broadcast_in_dim3A_340 = vector.broadcast %jit3A_339 : i32 to vector<16xi32>
            %select_n3A_341 = arith.select %eq3A_338, %get3A_335, %broadcast_in_dim3A_340 : vector<16xi1>, vector<16xi32>
            %reduce_sum3A_342 = arith.constant true
            %reduce_sum3A_343 = vector.broadcast %reduce_sum3A_342 : i1 to vector<16xi1>
            %reduce_sum3A_344 = tpu.scan <sum>, %select_n3A_341 masked %reduce_sum3A_343 : vector<16xi32>, vector<16xi1> -> vector<16xi32>
            %reduce_sum3A_345 = vector.extract %reduce_sum3A_344[15] : i32 from vector<16xi32>
            %sub3A_346 = arith.subi %reduce_sum3A_345, %cond3A_154 : i32
            %max3A = arith.constant 0 : i32
            %max3A_347 = arith.maxsi %sub3A_346, %max3A : i32
            %while3A_348 = arith.constant 0 : i32
            %while3A_349 = arith.constant 0 : i32
            %while3A_350 = arith.subi %max3A_347, %while3A_349 : i32
            %while3A_351 = arith.addi %while3A_349, %while3A_350 : i32
            %while3A_352 = arith.constant 1 : i32
            %while3A_353 = arith.divsi %while3A_350, %while3A_352 : i32
            %while3A_354 = arith.muli %while3A_353, %while3A_352 : i32
            %while3A_355 = arith.addi %while3A_349, %while3A_354 : i32
            %while3A_356 = arith.constant 1 : i32
            scf.for %while3A_359 = %while3A_349 to %while3A_355 step %while3A_356  : i32 {
              %dma_wait3A_360 = arith.constant 0 : i32
              %dma_wait3A_361 = arith.constant 0 : i32
              %dma_wait3A_362 = arith.constant 0 : i32
              %dma_wait3A_363 = tpu.memref_slice %arg15[%dma_wait3A_360, %dma_wait3A_361, %dma_wait3A_362] : memref<5x1x8192xf32, #tpu.memory_space<vmem>> -> memref<1x1x8192xf32, #tpu.memory_space<vmem>>
              %dma_wait3A_364 = tpu.memref_squeeze %dma_wait3A_363 : memref<1x1x8192xf32, #tpu.memory_space<vmem>> -> memref<1x8192xf32, #tpu.memory_space<vmem>>
              %dma_wait3A_365 = arith.constant 0 : i32
              %dma_wait3A_366 = arith.constant 0 : i32
              %dma_wait3A_367 = tpu.memref_slice %arg4[%dma_wait3A_365, %dma_wait3A_366] : memref<16384x8192xf32, #tpu.memory_space<hbm>> -> memref<1x8192xf32, #tpu.memory_space<hbm>>
              %dma_wait3A_368 = arith.constant 0 : i32
              %dma_wait3A_369 = arith.constant 0 : i32
              %dma_wait3A_370 = tpu.memref_slice %arg4[%dma_wait3A_368, %dma_wait3A_369] : memref<16384x8192xf32, #tpu.memory_space<hbm>> -> memref<1x8192xf32, #tpu.memory_space<hbm>>
              %dma_wait3A_371 = arith.constant 0 : i32
              %dma_wait3A_372 = arith.constant 0 : i32
              %dma_wait3A_373 = tpu.memref_slice %arg15[%dma_wait3A_360, %dma_wait3A_371, %dma_wait3A_372] : memref<5x1x8192xf32, #tpu.memory_space<vmem>> -> memref<1x1x8192xf32, #tpu.memory_space<vmem>>
              %dma_wait3A_374 = tpu.memref_squeeze %dma_wait3A_373 : memref<1x1x8192xf32, #tpu.memory_space<vmem>> -> memref<1x8192xf32, #tpu.memory_space<vmem>>
              tpu.wait_dma2 semaphore(%arg17 : memref<!tpu.dma_semaphore, #tpu.memory_space<semaphore_mem>>) src(%dma_wait3A_374 : memref<1x8192xf32, #tpu.memory_space<vmem>>) dst(%dma_wait3A_370 : memref<1x8192xf32, #tpu.memory_space<hbm>>)
            }
            %while3A_357 = arith.constant 1 : i32
            scf.for %while3A_359 = %while3A_355 to %while3A_351 step %while3A_357  : i32 {
              %dma_wait3A_360 = arith.constant 0 : i32
              %dma_wait3A_361 = arith.constant 0 : i32
              %dma_wait3A_362 = arith.constant 0 : i32
              %dma_wait3A_363 = tpu.memref_slice %arg15[%dma_wait3A_360, %dma_wait3A_361, %dma_wait3A_362] : memref<5x1x8192xf32, #tpu.memory_space<vmem>> -> memref<1x1x8192xf32, #tpu.memory_space<vmem>>
              %dma_wait3A_364 = tpu.memref_squeeze %dma_wait3A_363 : memref<1x1x8192xf32, #tpu.memory_space<vmem>> -> memref<1x8192xf32, #tpu.memory_space<vmem>>
              %dma_wait3A_365 = arith.constant 0 : i32
              %dma_wait3A_366 = arith.constant 0 : i32
              %dma_wait3A_367 = tpu.memref_slice %arg4[%dma_wait3A_365, %dma_wait3A_366] : memref<16384x8192xf32, #tpu.memory_space<hbm>> -> memref<1x8192xf32, #tpu.memory_space<hbm>>
              %dma_wait3A_368 = arith.constant 0 : i32
              %dma_wait3A_369 = arith.constant 0 : i32
              %dma_wait3A_370 = tpu.memref_slice %arg4[%dma_wait3A_368, %dma_wait3A_369] : memref<16384x8192xf32, #tpu.memory_space<hbm>> -> memref<1x8192xf32, #tpu.memory_space<hbm>>
              %dma_wait3A_371 = arith.constant 0 : i32
              %dma_wait3A_372 = arith.constant 0 : i32
              %dma_wait3A_373 = tpu.memref_slice %arg15[%dma_wait3A_360, %dma_wait3A_371, %dma_wait3A_372] : memref<5x1x8192xf32, #tpu.memory_space<vmem>> -> memref<1x1x8192xf32, #tpu.memory_space<vmem>>
              %dma_wait3A_374 = tpu.memref_squeeze %dma_wait3A_373 : memref<1x1x8192xf32, #tpu.memory_space<vmem>> -> memref<1x8192xf32, #tpu.memory_space<vmem>>
              tpu.wait_dma2 semaphore(%arg17 : memref<!tpu.dma_semaphore, #tpu.memory_space<semaphore_mem>>) src(%dma_wait3A_374 : memref<1x8192xf32, #tpu.memory_space<vmem>>) dst(%dma_wait3A_370 : memref<1x8192xf32, #tpu.memory_space<hbm>>)
            }
            %max3A_358 = arith.maxsi %reduce_sum3A_345, %cond3A_154 : i32
            scf.yield %max3A_358 : i32
          } else {
            scf.yield %cond3A_154 : i32
          }
          %dma_start3A = arith.constant 0 : i32
          %dma_start3A_291 = arith.constant 0 : i32
          %dma_start3A_292 = arith.constant 0 : i32
          %dma_start3A_293 = arith.constant 0 : i32
          %dma_start3A_294 = tpu.memref_slice %arg15[%dma_start3A, %dma_start3A_292, %dma_start3A_293] : memref<5x1x8192xf32, #tpu.memory_space<vmem>> -> memref<1x1x8192xf32, #tpu.memory_space<vmem>>
          %dma_start3A_295 = tpu.memref_squeeze %dma_start3A_294 : memref<1x1x8192xf32, #tpu.memory_space<vmem>> -> memref<1x8192xf32, #tpu.memory_space<vmem>>
          %dma_start3A_296 = arith.constant 0 : i32
          %dma_start3A_297 = tpu.memref_slice %arg12[%add3A_280, %dma_start3A_296] : memref<256x1xi32, #tpu.memory_space<vmem>> -> memref<1x1xi32, #tpu.memory_space<vmem>>
          %dma_start3A_298 = tpu.memref_squeeze %dma_start3A_297 : memref<1x1xi32, #tpu.memory_space<vmem>> -> memref<1xi32, #tpu.memory_space<vmem>>
          %dma_start3A_299 = arith.constant 0 : i32
          %dma_start3A_300 = arith.constant 0 : i32
          %dma_start3A_301 = tpu.memref_slice %arg2[%dma_start3A_299, %dma_start3A_300] : memref<8192x8192xf32, #tpu.memory_space<hbm>> -> memref<8192x8192xf32, #tpu.memory_space<hbm>>
          %dma_start3A_302 = tpu.memref_slice %arg16[%dma_start3A_291] : memref<5x!tpu.dma_semaphore, #tpu.memory_space<semaphore_mem>> -> memref<1x!tpu.dma_semaphore, #tpu.memory_space<semaphore_mem>>
          %dma_start3A_303 = tpu.memref_squeeze %dma_start3A_302 : memref<1x!tpu.dma_semaphore, #tpu.memory_space<semaphore_mem>> -> memref<!tpu.dma_semaphore, #tpu.memory_space<semaphore_mem>>
          tpu.enqueue_indirect_dma source(%dma_start3A_301 : memref<8192x8192xf32, #tpu.memory_space<hbm>>) target(%dma_start3A_295 : memref<1x8192xf32, #tpu.memory_space<vmem>>) offsets(%dma_start3A_298 : memref<1xi32, #tpu.memory_space<vmem>>) semaphore(%dma_start3A_303 : memref<!tpu.dma_semaphore, #tpu.memory_space<semaphore_mem>>)
          scf.yield %cond3A_290 : i32
        } else {
          scf.yield %cond3A_154 : i32
        }
        scf.yield %cond3A_285 : i32
      } else {
        scf.yield %cond3A_154 : i32
      }
      %mul3A_164 = arith.constant 5 : i32
      %mul3A_165 = arith.muli %while3A_136, %mul3A_164 : i32
      %add3A_166 = arith.constant 3 : i32
      %add3A_167 = arith.addi %mul3A_165, %add3A_166 : i32
      %lt3A_168 = arith.cmpi slt, %add3A_167, %scan3A_53 : i32
      %convert_element_type3A_169 = arith.extui %lt3A_168 : i1 to i32
      %cond3A_170 = arith.constant 0 : i32
      %cond3A_171 = arith.cmpi ne, %convert_element_type3A_169, %cond3A_170 : i32
      %cond3A_172 = scf.if %cond3A_171 -> (i32) {
        %jit3A_182 = arith.constant 8 : i32
        %div3A_183 = arith.divsi %add3A_167, %jit3A_182 : i32
        %sign3A_184 = arith.constant 0 : i32
        %sign3A_185 = arith.cmpi sgt, %add3A_167, %sign3A_184 : i32
        %sign3A_186 = arith.extui %sign3A_185 : i1 to i32
        %sign3A_187 = arith.constant 0 : i32
        %sign3A_188 = arith.cmpi slt, %add3A_167, %sign3A_187 : i32
        %sign3A_189 = arith.extui %sign3A_188 : i1 to i32
        %sign3A_190 = arith.subi %sign3A_186, %sign3A_189 : i32
        %sign3A_191 = arith.constant 0 : i32
        %sign3A_192 = arith.cmpi sgt, %jit3A_182, %sign3A_191 : i32
        %sign3A_193 = arith.extui %sign3A_192 : i1 to i32
        %sign3A_194 = arith.constant 0 : i32
        %sign3A_195 = arith.cmpi slt, %jit3A_182, %sign3A_194 : i32
        %sign3A_196 = arith.extui %sign3A_195 : i1 to i32
        %sign3A_197 = arith.subi %sign3A_193, %sign3A_196 : i32
        %ne3A_198 = arith.cmpi ne, %sign3A_190, %sign3A_197 : i32
        %rem3A_199 = arith.remsi %add3A_167, %jit3A_182 : i32
        %ne3A_200 = arith.constant 0 : i32
        %ne3A_201 = arith.cmpi ne, %rem3A_199, %ne3A_200 : i32
        %and3A_202 = arith.andi %ne3A_198, %ne3A_201 : i1
        %sub3A_203 = arith.constant 1 : i32
        %sub3A_204 = arith.subi %div3A_183, %sub3A_203 : i32
        %select_n3A_205 = arith.select %and3A_202, %sub3A_204, %div3A_183 : i32
        %mul3A_206 = arith.constant 8 : i32
        %mul3A_207 = arith.muli %select_n3A_205, %mul3A_206 : i32
        %get3A = arith.index_cast %mul3A_207 : i32 to index
        %get3A_208 = tpu.vector_load %arg13[%get3A] {strides = array<i32>} : memref<272xi32, #tpu.memory_space<vmem>>, vector<16xi32>,
        %sub3A_209 = arith.subi %add3A_167, %mul3A_207 : i32
        %eq3A = vector.broadcast %sub3A_209 : i32 to vector<16xi32>
        %eq3A_210 = arith.cmpi eq, %iota3A, %eq3A : vector<16xi32>
        %jit3A_211 = arith.constant 0 : i32
        %broadcast_in_dim3A_212 = vector.broadcast %jit3A_211 : i32 to vector<16xi32>
        %select_n3A_213 = arith.select %eq3A_210, %get3A_208, %broadcast_in_dim3A_212 : vector<16xi1>, vector<16xi32>
        %reduce_sum3A = arith.constant true
        %reduce_sum3A_214 = vector.broadcast %reduce_sum3A : i1 to vector<16xi1>
        %reduce_sum3A_215 = tpu.scan <sum>, %select_n3A_213 masked %reduce_sum3A_214 : vector<16xi32>, vector<16xi1> -> vector<16xi32>
        %reduce_sum3A_216 = vector.extract %reduce_sum3A_215[15] : i32 from vector<16xi32>
        %jit3A_217 = arith.constant 8 : i32
        %div3A_218 = arith.divsi %add3A_167, %jit3A_217 : i32
        %sign3A_219 = arith.constant 0 : i32
        %sign3A_220 = arith.cmpi sgt, %add3A_167, %sign3A_219 : i32
        %sign3A_221 = arith.extui %sign3A_220 : i1 to i32
        %sign3A_222 = arith.constant 0 : i32
        %sign3A_223 = arith.cmpi slt, %add3A_167, %sign3A_222 : i32
        %sign3A_224 = arith.extui %sign3A_223 : i1 to i32
        %sign3A_225 = arith.subi %sign3A_221, %sign3A_224 : i32
        %sign3A_226 = arith.constant 0 : i32
        %sign3A_227 = arith.cmpi sgt, %jit3A_217, %sign3A_226 : i32
        %sign3A_228 = arith.extui %sign3A_227 : i1 to i32
        %sign3A_229 = arith.constant 0 : i32
        %sign3A_230 = arith.cmpi slt, %jit3A_217, %sign3A_229 : i32
        %sign3A_231 = arith.extui %sign3A_230 : i1 to i32
        %sign3A_232 = arith.subi %sign3A_228, %sign3A_231 : i32
        %ne3A_233 = arith.cmpi ne, %sign3A_225, %sign3A_232 : i32
        %rem3A_234 = arith.remsi %add3A_167, %jit3A_217 : i32
        %ne3A_235 = arith.constant 0 : i32
        %ne3A_236 = arith.cmpi ne, %rem3A_234, %ne3A_235 : i32
        %and3A_237 = arith.andi %ne3A_233, %ne3A_236 : i1
        %sub3A_238 = arith.constant 1 : i32
        %sub3A_239 = arith.subi %div3A_218, %sub3A_238 : i32
        %select_n3A_240 = arith.select %and3A_237, %sub3A_239, %div3A_218 : i32
        %mul3A_241 = arith.constant 8 : i32
        %mul3A_242 = arith.muli %select_n3A_240, %mul3A_241 : i32
        %get3A_243 = arith.index_cast %mul3A_242 : i32 to index
        %get3A_244 = tpu.vector_load %arg14[%get3A_243] {strides = array<i32>} : memref<272xi32, #tpu.memory_space<vmem>>, vector<16xi32>,
        %sub3A_245 = arith.subi %add3A_167, %mul3A_242 : i32
        %eq3A_246 = vector.broadcast %sub3A_245 : i32 to vector<16xi32>
        %eq3A_247 = arith.cmpi eq, %iota3A, %eq3A_246 : vector<16xi32>
        %jit3A_248 = arith.constant 0 : i32
        %broadcast_in_dim3A_249 = vector.broadcast %jit3A_248 : i32 to vector<16xi32>
        %select_n3A_250 = arith.select %eq3A_247, %get3A_244, %broadcast_in_dim3A_249 : vector<16xi1>, vector<16xi32>
        %reduce_sum3A_251 = arith.constant true
        %reduce_sum3A_252 = vector.broadcast %reduce_sum3A_251 : i1 to vector<16xi1>
        %reduce_sum3A_253 = tpu.scan <sum>, %select_n3A_250 masked %reduce_sum3A_252 : vector<16xi32>, vector<16xi1> -> vector<16xi32>
        %reduce_sum3A_254 = vector.extract %reduce_sum3A_253[15] : i32 from vector<16xi32>
        %dma_wait3A = arith.constant 0 : i32
        %dma_wait3A_255 = arith.constant 3 : i32
        %dma_wait3A_256 = arith.constant 3 : i32
        %dma_wait3A_257 = arith.constant 0 : i32
        %dma_wait3A_258 = arith.constant 0 : i32
        %dma_wait3A_259 = tpu.memref_slice %arg15[%dma_wait3A_255, %dma_wait3A_257, %dma_wait3A_258] : memref<5x1x8192xf32, #tpu.memory_space<vmem>> -> memref<1x1x8192xf32, #tpu.memory_space<vmem>>
        %dma_wait3A_260 = tpu.memref_squeeze %dma_wait3A_259 : memref<1x1x8192xf32, #tpu.memory_space<vmem>> -> memref<1x8192xf32, #tpu.memory_space<vmem>>
        %dma_wait3A_261 = arith.constant 0 : i32
        %dma_wait3A_262 = tpu.memref_slice %arg12[%dma_wait3A, %dma_wait3A_261] : memref<256x1xi32, #tpu.memory_space<vmem>> -> memref<1x1xi32, #tpu.memory_space<vmem>>
        %dma_wait3A_263 = tpu.memref_squeeze %dma_wait3A_262 : memref<1x1xi32, #tpu.memory_space<vmem>> -> memref<1xi32, #tpu.memory_space<vmem>>
        %dma_wait3A_264 = arith.constant 0 : i32
        %dma_wait3A_265 = arith.constant 0 : i32
        %dma_wait3A_266 = tpu.memref_slice %arg2[%dma_wait3A_264, %dma_wait3A_265] : memref<8192x8192xf32, #tpu.memory_space<hbm>> -> memref<8192x8192xf32, #tpu.memory_space<hbm>>
        %dma_wait3A_267 = tpu.memref_slice %arg16[%dma_wait3A_256] : memref<5x!tpu.dma_semaphore, #tpu.memory_space<semaphore_mem>> -> memref<1x!tpu.dma_semaphore, #tpu.memory_space<semaphore_mem>>
        %dma_wait3A_268 = tpu.memref_squeeze %dma_wait3A_267 : memref<1x!tpu.dma_semaphore, #tpu.memory_space<semaphore_mem>> -> memref<!tpu.dma_semaphore, #tpu.memory_space<semaphore_mem>>
        tpu.wait_indirect_dma semaphore(%dma_wait3A_268 : memref<!tpu.dma_semaphore, #tpu.memory_space<semaphore_mem>>) src(%dma_wait3A_266 : memref<8192x8192xf32, #tpu.memory_space<hbm>>) dst(%dma_wait3A_260 : memref<1x8192xf32, #tpu.memory_space<vmem>>)
        %while3A_269 = arith.constant 0 : i32
        %while3A_270 = arith.constant 0 : i32
        %while3A_271 = arith.subi %reduce_sum3A_216, %while3A_270 : i32
        %while3A_272 = arith.addi %while3A_270, %while3A_271 : i32
        %while3A_273 = arith.constant 1 : i32
        %while3A_274 = arith.divsi %while3A_271, %while3A_273 : i32
        %while3A_275 = arith.muli %while3A_274, %while3A_273 : i32
        %while3A_276 = arith.addi %while3A_270, %while3A_275 : i32
        %while3A_277 = arith.constant 1 : i32
        scf.for %while3A_286 = %while3A_270 to %while3A_276 step %while3A_277  : i32 {
          %add3A_287 = arith.addi %reduce_sum3A_254, %while3A_286 : i32
          %jit3A_288 = arith.constant 8 : i32
          %div3A_289 = arith.divsi %add3A_287, %jit3A_288 : i32
          %sign3A_290 = arith.constant 0 : i32
          %sign3A_291 = arith.cmpi sgt, %add3A_287, %sign3A_290 : i32
          %sign3A_292 = arith.extui %sign3A_291 : i1 to i32
          %sign3A_293 = arith.constant 0 : i32
          %sign3A_294 = arith.cmpi slt, %add3A_287, %sign3A_293 : i32
          %sign3A_295 = arith.extui %sign3A_294 : i1 to i32
          %sign3A_296 = arith.subi %sign3A_292, %sign3A_295 : i32
          %sign3A_297 = arith.constant 0 : i32
          %sign3A_298 = arith.cmpi sgt, %jit3A_288, %sign3A_297 : i32
          %sign3A_299 = arith.extui %sign3A_298 : i1 to i32
          %sign3A_300 = arith.constant 0 : i32
          %sign3A_301 = arith.cmpi slt, %jit3A_288, %sign3A_300 : i32
          %sign3A_302 = arith.extui %sign3A_301 : i1 to i32
          %sign3A_303 = arith.subi %sign3A_299, %sign3A_302 : i32
          %ne3A_304 = arith.cmpi ne, %sign3A_296, %sign3A_303 : i32
          %rem3A_305 = arith.remsi %add3A_287, %jit3A_288 : i32
          %ne3A_306 = arith.constant 0 : i32
          %ne3A_307 = arith.cmpi ne, %rem3A_305, %ne3A_306 : i32
          %and3A_308 = arith.andi %ne3A_304, %ne3A_307 : i1
          %sub3A_309 = arith.constant 1 : i32
          %sub3A_310 = arith.subi %div3A_289, %sub3A_309 : i32
          %select_n3A_311 = arith.select %and3A_308, %sub3A_310, %div3A_289 : i32
          %mul3A_312 = arith.constant 8 : i32
          %mul3A_313 = arith.muli %select_n3A_311, %mul3A_312 : i32
          %get3A_314 = arith.index_cast %mul3A_313 : i32 to index
          %get3A_315 = tpu.vector_load %arg5[%get3A_314] {strides = array<i32>} : memref<16400xi32, #tpu.memory_space<vmem>>, vector<16xi32>,
          %sub3A_316 = arith.subi %add3A_287, %mul3A_313 : i32
          %eq3A_317 = vector.broadcast %sub3A_316 : i32 to vector<16xi32>
          %eq3A_318 = arith.cmpi eq, %iota3A, %eq3A_317 : vector<16xi32>
          %jit3A_319 = arith.constant 0 : i32
          %broadcast_in_dim3A_320 = vector.broadcast %jit3A_319 : i32 to vector<16xi32>
          %select_n3A_321 = arith.select %eq3A_318, %get3A_315, %broadcast_in_dim3A_320 : vector<16xi1>, vector<16xi32>
          %reduce_sum3A_322 = arith.constant true
          %reduce_sum3A_323 = vector.broadcast %reduce_sum3A_322 : i1 to vector<16xi1>
          %reduce_sum3A_324 = tpu.scan <sum>, %select_n3A_321 masked %reduce_sum3A_323 : vector<16xi32>, vector<16xi1> -> vector<16xi32>
          %reduce_sum3A_325 = vector.extract %reduce_sum3A_324[15] : i32 from vector<16xi32>
          %dma_start3A = arith.constant 3 : i32
          %dma_start3A_326 = arith.constant 0 : i32
          %dma_start3A_327 = arith.constant 0 : i32
          %dma_start3A_328 = tpu.memref_slice %arg15[%dma_start3A, %dma_start3A_326, %dma_start3A_327] : memref<5x1x8192xf32, #tpu.memory_space<vmem>> -> memref<1x1x8192xf32, #tpu.memory_space<vmem>>
          %dma_start3A_329 = tpu.memref_squeeze %dma_start3A_328 : memref<1x1x8192xf32, #tpu.memory_space<vmem>> -> memref<1x8192xf32, #tpu.memory_space<vmem>>
          %dma_start3A_330 = arith.constant 0 : i32
          %dma_start3A_331 = tpu.memref_slice %arg4[%reduce_sum3A_325, %dma_start3A_330] : memref<16384x8192xf32, #tpu.memory_space<hbm>> -> memref<1x8192xf32, #tpu.memory_space<hbm>>
          %dma_start3A_332 = arith.constant 0 : i32
          %dma_start3A_333 = tpu.memref_slice %arg4[%reduce_sum3A_325, %dma_start3A_332] : memref<16384x8192xf32, #tpu.memory_space<hbm>> -> memref<1x8192xf32, #tpu.memory_space<hbm>>
          %dma_start3A_334 = arith.constant 0 : i32
          %dma_start3A_335 = arith.constant 0 : i32
          %dma_start3A_336 = tpu.memref_slice %arg15[%dma_start3A, %dma_start3A_334, %dma_start3A_335] : memref<5x1x8192xf32, #tpu.memory_space<vmem>> -> memref<1x1x8192xf32, #tpu.memory_space<vmem>>
          %dma_start3A_337 = tpu.memref_squeeze %dma_start3A_336 : memref<1x1x8192xf32, #tpu.memory_space<vmem>> -> memref<1x8192xf32, #tpu.memory_space<vmem>>
          tpu.enqueue_dma source(%dma_start3A_337 : memref<1x8192xf32, #tpu.memory_space<vmem>>) target(%dma_start3A_333 : memref<1x8192xf32, #tpu.memory_space<hbm>>) target_semaphore(%arg17 : memref<!tpu.dma_semaphore, #tpu.memory_space<semaphore_mem>>)
        }
        %while3A_278 = arith.constant 1 : i32
        scf.for %while3A_286 = %while3A_276 to %while3A_272 step %while3A_278  : i32 {
          %add3A_287 = arith.addi %reduce_sum3A_254, %while3A_286 : i32
          %jit3A_288 = arith.constant 8 : i32
          %div3A_289 = arith.divsi %add3A_287, %jit3A_288 : i32
          %sign3A_290 = arith.constant 0 : i32
          %sign3A_291 = arith.cmpi sgt, %add3A_287, %sign3A_290 : i32
          %sign3A_292 = arith.extui %sign3A_291 : i1 to i32
          %sign3A_293 = arith.constant 0 : i32
          %sign3A_294 = arith.cmpi slt, %add3A_287, %sign3A_293 : i32
          %sign3A_295 = arith.extui %sign3A_294 : i1 to i32
          %sign3A_296 = arith.subi %sign3A_292, %sign3A_295 : i32
          %sign3A_297 = arith.constant 0 : i32
          %sign3A_298 = arith.cmpi sgt, %jit3A_288, %sign3A_297 : i32
          %sign3A_299 = arith.extui %sign3A_298 : i1 to i32
          %sign3A_300 = arith.constant 0 : i32
          %sign3A_301 = arith.cmpi slt, %jit3A_288, %sign3A_300 : i32
          %sign3A_302 = arith.extui %sign3A_301 : i1 to i32
          %sign3A_303 = arith.subi %sign3A_299, %sign3A_302 : i32
          %ne3A_304 = arith.cmpi ne, %sign3A_296, %sign3A_303 : i32
          %rem3A_305 = arith.remsi %add3A_287, %jit3A_288 : i32
          %ne3A_306 = arith.constant 0 : i32
          %ne3A_307 = arith.cmpi ne, %rem3A_305, %ne3A_306 : i32
          %and3A_308 = arith.andi %ne3A_304, %ne3A_307 : i1
          %sub3A_309 = arith.constant 1 : i32
          %sub3A_310 = arith.subi %div3A_289, %sub3A_309 : i32
          %select_n3A_311 = arith.select %and3A_308, %sub3A_310, %div3A_289 : i32
          %mul3A_312 = arith.constant 8 : i32
          %mul3A_313 = arith.muli %select_n3A_311, %mul3A_312 : i32
          %get3A_314 = arith.index_cast %mul3A_313 : i32 to index
          %get3A_315 = tpu.vector_load %arg5[%get3A_314] {strides = array<i32>} : memref<16400xi32, #tpu.memory_space<vmem>>, vector<16xi32>,
          %sub3A_316 = arith.subi %add3A_287, %mul3A_313 : i32
          %eq3A_317 = vector.broadcast %sub3A_316 : i32 to vector<16xi32>
          %eq3A_318 = arith.cmpi eq, %iota3A, %eq3A_317 : vector<16xi32>
          %jit3A_319 = arith.constant 0 : i32
          %broadcast_in_dim3A_320 = vector.broadcast %jit3A_319 : i32 to vector<16xi32>
          %select_n3A_321 = arith.select %eq3A_318, %get3A_315, %broadcast_in_dim3A_320 : vector<16xi1>, vector<16xi32>
          %reduce_sum3A_322 = arith.constant true
          %reduce_sum3A_323 = vector.broadcast %reduce_sum3A_322 : i1 to vector<16xi1>
          %reduce_sum3A_324 = tpu.scan <sum>, %select_n3A_321 masked %reduce_sum3A_323 : vector<16xi32>, vector<16xi1> -> vector<16xi32>
          %reduce_sum3A_325 = vector.extract %reduce_sum3A_324[15] : i32 from vector<16xi32>
          %dma_start3A = arith.constant 3 : i32
          %dma_start3A_326 = arith.constant 0 : i32
          %dma_start3A_327 = arith.constant 0 : i32
          %dma_start3A_328 = tpu.memref_slice %arg15[%dma_start3A, %dma_start3A_326, %dma_start3A_327] : memref<5x1x8192xf32, #tpu.memory_space<vmem>> -> memref<1x1x8192xf32, #tpu.memory_space<vmem>>
          %dma_start3A_329 = tpu.memref_squeeze %dma_start3A_328 : memref<1x1x8192xf32, #tpu.memory_space<vmem>> -> memref<1x8192xf32, #tpu.memory_space<vmem>>
          %dma_start3A_330 = arith.constant 0 : i32
          %dma_start3A_331 = tpu.memref_slice %arg4[%reduce_sum3A_325, %dma_start3A_330] : memref<16384x8192xf32, #tpu.memory_space<hbm>> -> memref<1x8192xf32, #tpu.memory_space<hbm>>
          %dma_start3A_332 = arith.constant 0 : i32
          %dma_start3A_333 = tpu.memref_slice %arg4[%reduce_sum3A_325, %dma_start3A_332] : memref<16384x8192xf32, #tpu.memory_space<hbm>> -> memref<1x8192xf32, #tpu.memory_space<hbm>>
          %dma_start3A_334 = arith.constant 0 : i32
          %dma_start3A_335 = arith.constant 0 : i32
          %dma_start3A_336 = tpu.memref_slice %arg15[%dma_start3A, %dma_start3A_334, %dma_start3A_335] : memref<5x1x8192xf32, #tpu.memory_space<vmem>> -> memref<1x1x8192xf32, #tpu.memory_space<vmem>>
          %dma_start3A_337 = tpu.memref_squeeze %dma_start3A_336 : memref<1x1x8192xf32, #tpu.memory_space<vmem>> -> memref<1x8192xf32, #tpu.memory_space<vmem>>
          tpu.enqueue_dma source(%dma_start3A_337 : memref<1x8192xf32, #tpu.memory_space<vmem>>) target(%dma_start3A_333 : memref<1x8192xf32, #tpu.memory_space<hbm>>) target_semaphore(%arg17 : memref<!tpu.dma_semaphore, #tpu.memory_space<semaphore_mem>>)
        }
        %add3A_279 = arith.constant 3 : i32
        %add3A_280 = arith.addi %add3A_167, %add3A_279 : i32
        %lt3A_281 = arith.cmpi slt, %add3A_280, %scan3A_53 : i32
        %convert_element_type3A_282 = arith.extui %lt3A_281 : i1 to i32
        %cond3A_283 = arith.constant 0 : i32
        %cond3A_284 = arith.cmpi ne, %convert_element_type3A_282, %cond3A_283 : i32
        %cond3A_285 = scf.if %cond3A_284 -> (i32) {
          %ge3A = arith.constant 2 : i32
          %ge3A_286 = arith.cmpi sge, %add3A_167, %ge3A : i32
          %convert_element_type3A_287 = arith.extui %ge3A_286 : i1 to i32
          %cond3A_288 = arith.constant 0 : i32
          %cond3A_289 = arith.cmpi ne, %convert_element_type3A_287, %cond3A_288 : i32
          %cond3A_290 = scf.if %cond3A_289 -> (i32) {
            %sub3A_304 = arith.constant 5 : i32
            %sub3A_305 = arith.subi %add3A_280, %sub3A_304 : i32
            %add3A_306 = arith.constant 1 : i32
            %add3A_307 = arith.addi %sub3A_305, %add3A_306 : i32
            %jit3A_308 = arith.constant 8 : i32
            %div3A_309 = arith.divsi %add3A_307, %jit3A_308 : i32
            %sign3A_310 = arith.constant 0 : i32
            %sign3A_311 = arith.cmpi sgt, %add3A_307, %sign3A_310 : i32
            %sign3A_312 = arith.extui %sign3A_311 : i1 to i32
            %sign3A_313 = arith.constant 0 : i32
            %sign3A_314 = arith.cmpi slt, %add3A_307, %sign3A_313 : i32
            %sign3A_315 = arith.extui %sign3A_314 : i1 to i32
            %sign3A_316 = arith.subi %sign3A_312, %sign3A_315 : i32
            %sign3A_317 = arith.constant 0 : i32
            %sign3A_318 = arith.cmpi sgt, %jit3A_308, %sign3A_317 : i32
            %sign3A_319 = arith.extui %sign3A_318 : i1 to i32
            %sign3A_320 = arith.constant 0 : i32
            %sign3A_321 = arith.cmpi slt, %jit3A_308, %sign3A_320 : i32
            %sign3A_322 = arith.extui %sign3A_321 : i1 to i32
            %sign3A_323 = arith.subi %sign3A_319, %sign3A_322 : i32
            %ne3A_324 = arith.cmpi ne, %sign3A_316, %sign3A_323 : i32
            %rem3A_325 = arith.remsi %add3A_307, %jit3A_308 : i32
            %ne3A_326 = arith.constant 0 : i32
            %ne3A_327 = arith.cmpi ne, %rem3A_325, %ne3A_326 : i32
            %and3A_328 = arith.andi %ne3A_324, %ne3A_327 : i1
            %sub3A_329 = arith.constant 1 : i32
            %sub3A_330 = arith.subi %div3A_309, %sub3A_329 : i32
            %select_n3A_331 = arith.select %and3A_328, %sub3A_330, %div3A_309 : i32
            %mul3A_332 = arith.constant 8 : i32
            %mul3A_333 = arith.muli %select_n3A_331, %mul3A_332 : i32
            %get3A_334 = arith.index_cast %mul3A_333 : i32 to index
            %get3A_335 = tpu.vector_load %arg14[%get3A_334] {strides = array<i32>} : memref<272xi32, #tpu.memory_space<vmem>>, vector<16xi32>,
            %sub3A_336 = arith.subi %add3A_307, %mul3A_333 : i32
            %eq3A_337 = vector.broadcast %sub3A_336 : i32 to vector<16xi32>
            %eq3A_338 = arith.cmpi eq, %iota3A, %eq3A_337 : vector<16xi32>
            %jit3A_339 = arith.constant 0 : i32
            %broadcast_in_dim3A_340 = vector.broadcast %jit3A_339 : i32 to vector<16xi32>
            %select_n3A_341 = arith.select %eq3A_338, %get3A_335, %broadcast_in_dim3A_340 : vector<16xi1>, vector<16xi32>
            %reduce_sum3A_342 = arith.constant true
            %reduce_sum3A_343 = vector.broadcast %reduce_sum3A_342 : i1 to vector<16xi1>
            %reduce_sum3A_344 = tpu.scan <sum>, %select_n3A_341 masked %reduce_sum3A_343 : vector<16xi32>, vector<16xi1> -> vector<16xi32>
            %reduce_sum3A_345 = vector.extract %reduce_sum3A_344[15] : i32 from vector<16xi32>
            %sub3A_346 = arith.subi %reduce_sum3A_345, %cond3A_163 : i32
            %max3A = arith.constant 0 : i32
            %max3A_347 = arith.maxsi %sub3A_346, %max3A : i32
            %while3A_348 = arith.constant 0 : i32
            %while3A_349 = arith.constant 0 : i32
            %while3A_350 = arith.subi %max3A_347, %while3A_349 : i32
            %while3A_351 = arith.addi %while3A_349, %while3A_350 : i32
            %while3A_352 = arith.constant 1 : i32
            %while3A_353 = arith.divsi %while3A_350, %while3A_352 : i32
            %while3A_354 = arith.muli %while3A_353, %while3A_352 : i32
            %while3A_355 = arith.addi %while3A_349, %while3A_354 : i32
            %while3A_356 = arith.constant 1 : i32
            scf.for %while3A_359 = %while3A_349 to %while3A_355 step %while3A_356  : i32 {
              %dma_wait3A_360 = arith.constant 0 : i32
              %dma_wait3A_361 = arith.constant 0 : i32
              %dma_wait3A_362 = arith.constant 0 : i32
              %dma_wait3A_363 = tpu.memref_slice %arg15[%dma_wait3A_360, %dma_wait3A_361, %dma_wait3A_362] : memref<5x1x8192xf32, #tpu.memory_space<vmem>> -> memref<1x1x8192xf32, #tpu.memory_space<vmem>>
              %dma_wait3A_364 = tpu.memref_squeeze %dma_wait3A_363 : memref<1x1x8192xf32, #tpu.memory_space<vmem>> -> memref<1x8192xf32, #tpu.memory_space<vmem>>
              %dma_wait3A_365 = arith.constant 0 : i32
              %dma_wait3A_366 = arith.constant 0 : i32
              %dma_wait3A_367 = tpu.memref_slice %arg4[%dma_wait3A_365, %dma_wait3A_366] : memref<16384x8192xf32, #tpu.memory_space<hbm>> -> memref<1x8192xf32, #tpu.memory_space<hbm>>
              %dma_wait3A_368 = arith.constant 0 : i32
              %dma_wait3A_369 = arith.constant 0 : i32
              %dma_wait3A_370 = tpu.memref_slice %arg4[%dma_wait3A_368, %dma_wait3A_369] : memref<16384x8192xf32, #tpu.memory_space<hbm>> -> memref<1x8192xf32, #tpu.memory_space<hbm>>
              %dma_wait3A_371 = arith.constant 0 : i32
              %dma_wait3A_372 = arith.constant 0 : i32
              %dma_wait3A_373 = tpu.memref_slice %arg15[%dma_wait3A_360, %dma_wait3A_371, %dma_wait3A_372] : memref<5x1x8192xf32, #tpu.memory_space<vmem>> -> memref<1x1x8192xf32, #tpu.memory_space<vmem>>
              %dma_wait3A_374 = tpu.memref_squeeze %dma_wait3A_373 : memref<1x1x8192xf32, #tpu.memory_space<vmem>> -> memref<1x8192xf32, #tpu.memory_space<vmem>>
              tpu.wait_dma2 semaphore(%arg17 : memref<!tpu.dma_semaphore, #tpu.memory_space<semaphore_mem>>) src(%dma_wait3A_374 : memref<1x8192xf32, #tpu.memory_space<vmem>>) dst(%dma_wait3A_370 : memref<1x8192xf32, #tpu.memory_space<hbm>>)
            }
            %while3A_357 = arith.constant 1 : i32
            scf.for %while3A_359 = %while3A_355 to %while3A_351 step %while3A_357  : i32 {
              %dma_wait3A_360 = arith.constant 0 : i32
              %dma_wait3A_361 = arith.constant 0 : i32
              %dma_wait3A_362 = arith.constant 0 : i32
              %dma_wait3A_363 = tpu.memref_slice %arg15[%dma_wait3A_360, %dma_wait3A_361, %dma_wait3A_362] : memref<5x1x8192xf32, #tpu.memory_space<vmem>> -> memref<1x1x8192xf32, #tpu.memory_space<vmem>>
              %dma_wait3A_364 = tpu.memref_squeeze %dma_wait3A_363 : memref<1x1x8192xf32, #tpu.memory_space<vmem>> -> memref<1x8192xf32, #tpu.memory_space<vmem>>
              %dma_wait3A_365 = arith.constant 0 : i32
              %dma_wait3A_366 = arith.constant 0 : i32
              %dma_wait3A_367 = tpu.memref_slice %arg4[%dma_wait3A_365, %dma_wait3A_366] : memref<16384x8192xf32, #tpu.memory_space<hbm>> -> memref<1x8192xf32, #tpu.memory_space<hbm>>
              %dma_wait3A_368 = arith.constant 0 : i32
              %dma_wait3A_369 = arith.constant 0 : i32
              %dma_wait3A_370 = tpu.memref_slice %arg4[%dma_wait3A_368, %dma_wait3A_369] : memref<16384x8192xf32, #tpu.memory_space<hbm>> -> memref<1x8192xf32, #tpu.memory_space<hbm>>
              %dma_wait3A_371 = arith.constant 0 : i32
              %dma_wait3A_372 = arith.constant 0 : i32
              %dma_wait3A_373 = tpu.memref_slice %arg15[%dma_wait3A_360, %dma_wait3A_371, %dma_wait3A_372] : memref<5x1x8192xf32, #tpu.memory_space<vmem>> -> memref<1x1x8192xf32, #tpu.memory_space<vmem>>
              %dma_wait3A_374 = tpu.memref_squeeze %dma_wait3A_373 : memref<1x1x8192xf32, #tpu.memory_space<vmem>> -> memref<1x8192xf32, #tpu.memory_space<vmem>>
              tpu.wait_dma2 semaphore(%arg17 : memref<!tpu.dma_semaphore, #tpu.memory_space<semaphore_mem>>) src(%dma_wait3A_374 : memref<1x8192xf32, #tpu.memory_space<vmem>>) dst(%dma_wait3A_370 : memref<1x8192xf32, #tpu.memory_space<hbm>>)
            }
            %max3A_358 = arith.maxsi %reduce_sum3A_345, %cond3A_163 : i32
            scf.yield %max3A_358 : i32
          } else {
            scf.yield %cond3A_163 : i32
          }
          %dma_start3A = arith.constant 1 : i32
          %dma_start3A_291 = arith.constant 1 : i32
          %dma_start3A_292 = arith.constant 0 : i32
          %dma_start3A_293 = arith.constant 0 : i32
          %dma_start3A_294 = tpu.memref_slice %arg15[%dma_start3A, %dma_start3A_292, %dma_start3A_293] : memref<5x1x8192xf32, #tpu.memory_space<vmem>> -> memref<1x1x8192xf32, #tpu.memory_space<vmem>>
          %dma_start3A_295 = tpu.memref_squeeze %dma_start3A_294 : memref<1x1x8192xf32, #tpu.memory_space<vmem>> -> memref<1x8192xf32, #tpu.memory_space<vmem>>
          %dma_start3A_296 = arith.constant 0 : i32
          %dma_start3A_297 = tpu.memref_slice %arg12[%add3A_280, %dma_start3A_296] : memref<256x1xi32, #tpu.memory_space<vmem>> -> memref<1x1xi32, #tpu.memory_space<vmem>>
          %dma_start3A_298 = tpu.memref_squeeze %dma_start3A_297 : memref<1x1xi32, #tpu.memory_space<vmem>> -> memref<1xi32, #tpu.memory_space<vmem>>
          %dma_start3A_299 = arith.constant 0 : i32
          %dma_start3A_300 = arith.constant 0 : i32
          %dma_start3A_301 = tpu.memref_slice %arg2[%dma_start3A_299, %dma_start3A_300] : memref<8192x8192xf32, #tpu.memory_space<hbm>> -> memref<8192x8192xf32, #tpu.memory_space<hbm>>
          %dma_start3A_302 = tpu.memref_slice %arg16[%dma_start3A_291] : memref<5x!tpu.dma_semaphore, #tpu.memory_space<semaphore_mem>> -> memref<1x!tpu.dma_semaphore, #tpu.memory_space<semaphore_mem>>
          %dma_start3A_303 = tpu.memref_squeeze %dma_start3A_302 : memref<1x!tpu.dma_semaphore, #tpu.memory_space<semaphore_mem>> -> memref<!tpu.dma_semaphore, #tpu.memory_space<semaphore_mem>>
          tpu.enqueue_indirect_dma source(%dma_start3A_301 : memref<8192x8192xf32, #tpu.memory_space<hbm>>) target(%dma_start3A_295 : memref<1x8192xf32, #tpu.memory_space<vmem>>) offsets(%dma_start3A_298 : memref<1xi32, #tpu.memory_space<vmem>>) semaphore(%dma_start3A_303 : memref<!tpu.dma_semaphore, #tpu.memory_space<semaphore_mem>>)
          scf.yield %cond3A_290 : i32
        } else {
          scf.yield %cond3A_163 : i32
        }
        scf.yield %cond3A_285 : i32
      } else {
        scf.yield %cond3A_163 : i32
      }
      %mul3A_173 = arith.constant 5 : i32
      %mul3A_174 = arith.muli %while3A_136, %mul3A_173 : i32
      %add3A_175 = arith.constant 4 : i32
      %add3A_176 = arith.addi %mul3A_174, %add3A_175 : i32
      %lt3A_177 = arith.cmpi slt, %add3A_176, %scan3A_53 : i32
      %convert_element_type3A_178 = arith.extui %lt3A_177 : i1 to i32
      %cond3A_179 = arith.constant 0 : i32
      %cond3A_180 = arith.cmpi ne, %convert_element_type3A_178, %cond3A_179 : i32
      %cond3A_181 = scf.if %cond3A_180 -> (i32) {
        %jit3A_182 = arith.constant 8 : i32
        %div3A_183 = arith.divsi %add3A_176, %jit3A_182 : i32
        %sign3A_184 = arith.constant 0 : i32
        %sign3A_185 = arith.cmpi sgt, %add3A_176, %sign3A_184 : i32
        %sign3A_186 = arith.extui %sign3A_185 : i1 to i32
        %sign3A_187 = arith.constant 0 : i32
        %sign3A_188 = arith.cmpi slt, %add3A_176, %sign3A_187 : i32
        %sign3A_189 = arith.extui %sign3A_188 : i1 to i32
        %sign3A_190 = arith.subi %sign3A_186, %sign3A_189 : i32
        %sign3A_191 = arith.constant 0 : i32
        %sign3A_192 = arith.cmpi sgt, %jit3A_182, %sign3A_191 : i32
        %sign3A_193 = arith.extui %sign3A_192 : i1 to i32
        %sign3A_194 = arith.constant 0 : i32
        %sign3A_195 = arith.cmpi slt, %jit3A_182, %sign3A_194 : i32
        %sign3A_196 = arith.extui %sign3A_195 : i1 to i32
        %sign3A_197 = arith.subi %sign3A_193, %sign3A_196 : i32
        %ne3A_198 = arith.cmpi ne, %sign3A_190, %sign3A_197 : i32
        %rem3A_199 = arith.remsi %add3A_176, %jit3A_182 : i32
        %ne3A_200 = arith.constant 0 : i32
        %ne3A_201 = arith.cmpi ne, %rem3A_199, %ne3A_200 : i32
        %and3A_202 = arith.andi %ne3A_198, %ne3A_201 : i1
        %sub3A_203 = arith.constant 1 : i32
        %sub3A_204 = arith.subi %div3A_183, %sub3A_203 : i32
        %select_n3A_205 = arith.select %and3A_202, %sub3A_204, %div3A_183 : i32
        %mul3A_206 = arith.constant 8 : i32
        %mul3A_207 = arith.muli %select_n3A_205, %mul3A_206 : i32
        %get3A = arith.index_cast %mul3A_207 : i32 to index
        %get3A_208 = tpu.vector_load %arg13[%get3A] {strides = array<i32>} : memref<272xi32, #tpu.memory_space<vmem>>, vector<16xi32>,
        %sub3A_209 = arith.subi %add3A_176, %mul3A_207 : i32
        %eq3A = vector.broadcast %sub3A_209 : i32 to vector<16xi32>
        %eq3A_210 = arith.cmpi eq, %iota3A, %eq3A : vector<16xi32>
        %jit3A_211 = arith.constant 0 : i32
        %broadcast_in_dim3A_212 = vector.broadcast %jit3A_211 : i32 to vector<16xi32>
        %select_n3A_213 = arith.select %eq3A_210, %get3A_208, %broadcast_in_dim3A_212 : vector<16xi1>, vector<16xi32>
        %reduce_sum3A = arith.constant true
        %reduce_sum3A_214 = vector.broadcast %reduce_sum3A : i1 to vector<16xi1>
        %reduce_sum3A_215 = tpu.scan <sum>, %select_n3A_213 masked %reduce_sum3A_214 : vector<16xi32>, vector<16xi1> -> vector<16xi32>
        %reduce_sum3A_216 = vector.extract %reduce_sum3A_215[15] : i32 from vector<16xi32>
        %jit3A_217 = arith.constant 8 : i32
        %div3A_218 = arith.divsi %add3A_176, %jit3A_217 : i32
        %sign3A_219 = arith.constant 0 : i32
        %sign3A_220 = arith.cmpi sgt, %add3A_176, %sign3A_219 : i32
        %sign3A_221 = arith.extui %sign3A_220 : i1 to i32
        %sign3A_222 = arith.constant 0 : i32
        %sign3A_223 = arith.cmpi slt, %add3A_176, %sign3A_222 : i32
        %sign3A_224 = arith.extui %sign3A_223 : i1 to i32
        %sign3A_225 = arith.subi %sign3A_221, %sign3A_224 : i32
        %sign3A_226 = arith.constant 0 : i32
        %sign3A_227 = arith.cmpi sgt, %jit3A_217, %sign3A_226 : i32
        %sign3A_228 = arith.extui %sign3A_227 : i1 to i32
        %sign3A_229 = arith.constant 0 : i32
        %sign3A_230 = arith.cmpi slt, %jit3A_217, %sign3A_229 : i32
        %sign3A_231 = arith.extui %sign3A_230 : i1 to i32
        %sign3A_232 = arith.subi %sign3A_228, %sign3A_231 : i32
        %ne3A_233 = arith.cmpi ne, %sign3A_225, %sign3A_232 : i32
        %rem3A_234 = arith.remsi %add3A_176, %jit3A_217 : i32
        %ne3A_235 = arith.constant 0 : i32
        %ne3A_236 = arith.cmpi ne, %rem3A_234, %ne3A_235 : i32
        %and3A_237 = arith.andi %ne3A_233, %ne3A_236 : i1
        %sub3A_238 = arith.constant 1 : i32
        %sub3A_239 = arith.subi %div3A_218, %sub3A_238 : i32
        %select_n3A_240 = arith.select %and3A_237, %sub3A_239, %div3A_218 : i32
        %mul3A_241 = arith.constant 8 : i32
        %mul3A_242 = arith.muli %select_n3A_240, %mul3A_241 : i32
        %get3A_243 = arith.index_cast %mul3A_242 : i32 to index
        %get3A_244 = tpu.vector_load %arg14[%get3A_243] {strides = array<i32>} : memref<272xi32, #tpu.memory_space<vmem>>, vector<16xi32>,
        %sub3A_245 = arith.subi %add3A_176, %mul3A_242 : i32
        %eq3A_246 = vector.broadcast %sub3A_245 : i32 to vector<16xi32>
        %eq3A_247 = arith.cmpi eq, %iota3A, %eq3A_246 : vector<16xi32>
        %jit3A_248 = arith.constant 0 : i32
        %broadcast_in_dim3A_249 = vector.broadcast %jit3A_248 : i32 to vector<16xi32>
        %select_n3A_250 = arith.select %eq3A_247, %get3A_244, %broadcast_in_dim3A_249 : vector<16xi1>, vector<16xi32>
        %reduce_sum3A_251 = arith.constant true
        %reduce_sum3A_252 = vector.broadcast %reduce_sum3A_251 : i1 to vector<16xi1>
        %reduce_sum3A_253 = tpu.scan <sum>, %select_n3A_250 masked %reduce_sum3A_252 : vector<16xi32>, vector<16xi1> -> vector<16xi32>
        %reduce_sum3A_254 = vector.extract %reduce_sum3A_253[15] : i32 from vector<16xi32>
        %dma_wait3A = arith.constant 0 : i32
        %dma_wait3A_255 = arith.constant 4 : i32
        %dma_wait3A_256 = arith.constant 4 : i32
        %dma_wait3A_257 = arith.constant 0 : i32
        %dma_wait3A_258 = arith.constant 0 : i32
        %dma_wait3A_259 = tpu.memref_slice %arg15[%dma_wait3A_255, %dma_wait3A_257, %dma_wait3A_258] : memref<5x1x8192xf32, #tpu.memory_space<vmem>> -> memref<1x1x8192xf32, #tpu.memory_space<vmem>>
        %dma_wait3A_260 = tpu.memref_squeeze %dma_wait3A_259 : memref<1x1x8192xf32, #tpu.memory_space<vmem>> -> memref<1x8192xf32, #tpu.memory_space<vmem>>
        %dma_wait3A_261 = arith.constant 0 : i32
        %dma_wait3A_262 = tpu.memref_slice %arg12[%dma_wait3A, %dma_wait3A_261] : memref<256x1xi32, #tpu.memory_space<vmem>> -> memref<1x1xi32, #tpu.memory_space<vmem>>
        %dma_wait3A_263 = tpu.memref_squeeze %dma_wait3A_262 : memref<1x1xi32, #tpu.memory_space<vmem>> -> memref<1xi32, #tpu.memory_space<vmem>>
        %dma_wait3A_264 = arith.constant 0 : i32
        %dma_wait3A_265 = arith.constant 0 : i32
        %dma_wait3A_266 = tpu.memref_slice %arg2[%dma_wait3A_264, %dma_wait3A_265] : memref<8192x8192xf32, #tpu.memory_space<hbm>> -> memref<8192x8192xf32, #tpu.memory_space<hbm>>
        %dma_wait3A_267 = tpu.memref_slice %arg16[%dma_wait3A_256] : memref<5x!tpu.dma_semaphore, #tpu.memory_space<semaphore_mem>> -> memref<1x!tpu.dma_semaphore, #tpu.memory_space<semaphore_mem>>
        %dma_wait3A_268 = tpu.memref_squeeze %dma_wait3A_267 : memref<1x!tpu.dma_semaphore, #tpu.memory_space<semaphore_mem>> -> memref<!tpu.dma_semaphore, #tpu.memory_space<semaphore_mem>>
        tpu.wait_indirect_dma semaphore(%dma_wait3A_268 : memref<!tpu.dma_semaphore, #tpu.memory_space<semaphore_mem>>) src(%dma_wait3A_266 : memref<8192x8192xf32, #tpu.memory_space<hbm>>) dst(%dma_wait3A_260 : memref<1x8192xf32, #tpu.memory_space<vmem>>)
        %while3A_269 = arith.constant 0 : i32
        %while3A_270 = arith.constant 0 : i32
        %while3A_271 = arith.subi %reduce_sum3A_216, %while3A_270 : i32
        %while3A_272 = arith.addi %while3A_270, %while3A_271 : i32
        %while3A_273 = arith.constant 1 : i32
        %while3A_274 = arith.divsi %while3A_271, %while3A_273 : i32
        %while3A_275 = arith.muli %while3A_274, %while3A_273 : i32
        %while3A_276 = arith.addi %while3A_270, %while3A_275 : i32
        %while3A_277 = arith.constant 1 : i32
        scf.for %while3A_286 = %while3A_270 to %while3A_276 step %while3A_277  : i32 {
          %add3A_287 = arith.addi %reduce_sum3A_254, %while3A_286 : i32
          %jit3A_288 = arith.constant 8 : i32
          %div3A_289 = arith.divsi %add3A_287, %jit3A_288 : i32
          %sign3A_290 = arith.constant 0 : i32
          %sign3A_291 = arith.cmpi sgt, %add3A_287, %sign3A_290 : i32
          %sign3A_292 = arith.extui %sign3A_291 : i1 to i32
          %sign3A_293 = arith.constant 0 : i32
          %sign3A_294 = arith.cmpi slt, %add3A_287, %sign3A_293 : i32
          %sign3A_295 = arith.extui %sign3A_294 : i1 to i32
          %sign3A_296 = arith.subi %sign3A_292, %sign3A_295 : i32
          %sign3A_297 = arith.constant 0 : i32
          %sign3A_298 = arith.cmpi sgt, %jit3A_288, %sign3A_297 : i32
          %sign3A_299 = arith.extui %sign3A_298 : i1 to i32
          %sign3A_300 = arith.constant 0 : i32
          %sign3A_301 = arith.cmpi slt, %jit3A_288, %sign3A_300 : i32
          %sign3A_302 = arith.extui %sign3A_301 : i1 to i32
          %sign3A_303 = arith.subi %sign3A_299, %sign3A_302 : i32
          %ne3A_304 = arith.cmpi ne, %sign3A_296, %sign3A_303 : i32
          %rem3A_305 = arith.remsi %add3A_287, %jit3A_288 : i32
          %ne3A_306 = arith.constant 0 : i32
          %ne3A_307 = arith.cmpi ne, %rem3A_305, %ne3A_306 : i32
          %and3A_308 = arith.andi %ne3A_304, %ne3A_307 : i1
          %sub3A_309 = arith.constant 1 : i32
          %sub3A_310 = arith.subi %div3A_289, %sub3A_309 : i32
          %select_n3A_311 = arith.select %and3A_308, %sub3A_310, %div3A_289 : i32
          %mul3A_312 = arith.constant 8 : i32
          %mul3A_313 = arith.muli %select_n3A_311, %mul3A_312 : i32
          %get3A_314 = arith.index_cast %mul3A_313 : i32 to index
          %get3A_315 = tpu.vector_load %arg5[%get3A_314] {strides = array<i32>} : memref<16400xi32, #tpu.memory_space<vmem>>, vector<16xi32>,
          %sub3A_316 = arith.subi %add3A_287, %mul3A_313 : i32
          %eq3A_317 = vector.broadcast %sub3A_316 : i32 to vector<16xi32>
          %eq3A_318 = arith.cmpi eq, %iota3A, %eq3A_317 : vector<16xi32>
          %jit3A_319 = arith.constant 0 : i32
          %broadcast_in_dim3A_320 = vector.broadcast %jit3A_319 : i32 to vector<16xi32>
          %select_n3A_321 = arith.select %eq3A_318, %get3A_315, %broadcast_in_dim3A_320 : vector<16xi1>, vector<16xi32>
          %reduce_sum3A_322 = arith.constant true
          %reduce_sum3A_323 = vector.broadcast %reduce_sum3A_322 : i1 to vector<16xi1>
          %reduce_sum3A_324 = tpu.scan <sum>, %select_n3A_321 masked %reduce_sum3A_323 : vector<16xi32>, vector<16xi1> -> vector<16xi32>
          %reduce_sum3A_325 = vector.extract %reduce_sum3A_324[15] : i32 from vector<16xi32>
          %dma_start3A = arith.constant 4 : i32
          %dma_start3A_326 = arith.constant 0 : i32
          %dma_start3A_327 = arith.constant 0 : i32
          %dma_start3A_328 = tpu.memref_slice %arg15[%dma_start3A, %dma_start3A_326, %dma_start3A_327] : memref<5x1x8192xf32, #tpu.memory_space<vmem>> -> memref<1x1x8192xf32, #tpu.memory_space<vmem>>
          %dma_start3A_329 = tpu.memref_squeeze %dma_start3A_328 : memref<1x1x8192xf32, #tpu.memory_space<vmem>> -> memref<1x8192xf32, #tpu.memory_space<vmem>>
          %dma_start3A_330 = arith.constant 0 : i32
          %dma_start3A_331 = tpu.memref_slice %arg4[%reduce_sum3A_325, %dma_start3A_330] : memref<16384x8192xf32, #tpu.memory_space<hbm>> -> memref<1x8192xf32, #tpu.memory_space<hbm>>
          %dma_start3A_332 = arith.constant 0 : i32
          %dma_start3A_333 = tpu.memref_slice %arg4[%reduce_sum3A_325, %dma_start3A_332] : memref<16384x8192xf32, #tpu.memory_space<hbm>> -> memref<1x8192xf32, #tpu.memory_space<hbm>>
          %dma_start3A_334 = arith.constant 0 : i32
          %dma_start3A_335 = arith.constant 0 : i32
          %dma_start3A_336 = tpu.memref_slice %arg15[%dma_start3A, %dma_start3A_334, %dma_start3A_335] : memref<5x1x8192xf32, #tpu.memory_space<vmem>> -> memref<1x1x8192xf32, #tpu.memory_space<vmem>>
          %dma_start3A_337 = tpu.memref_squeeze %dma_start3A_336 : memref<1x1x8192xf32, #tpu.memory_space<vmem>> -> memref<1x8192xf32, #tpu.memory_space<vmem>>
          tpu.enqueue_dma source(%dma_start3A_337 : memref<1x8192xf32, #tpu.memory_space<vmem>>) target(%dma_start3A_333 : memref<1x8192xf32, #tpu.memory_space<hbm>>) target_semaphore(%arg17 : memref<!tpu.dma_semaphore, #tpu.memory_space<semaphore_mem>>)
        }
        %while3A_278 = arith.constant 1 : i32
        scf.for %while3A_286 = %while3A_276 to %while3A_272 step %while3A_278  : i32 {
          %add3A_287 = arith.addi %reduce_sum3A_254, %while3A_286 : i32
          %jit3A_288 = arith.constant 8 : i32
          %div3A_289 = arith.divsi %add3A_287, %jit3A_288 : i32
          %sign3A_290 = arith.constant 0 : i32
          %sign3A_291 = arith.cmpi sgt, %add3A_287, %sign3A_290 : i32
          %sign3A_292 = arith.extui %sign3A_291 : i1 to i32
          %sign3A_293 = arith.constant 0 : i32
          %sign3A_294 = arith.cmpi slt, %add3A_287, %sign3A_293 : i32
          %sign3A_295 = arith.extui %sign3A_294 : i1 to i32
          %sign3A_296 = arith.subi %sign3A_292, %sign3A_295 : i32
          %sign3A_297 = arith.constant 0 : i32
          %sign3A_298 = arith.cmpi sgt, %jit3A_288, %sign3A_297 : i32
          %sign3A_299 = arith.extui %sign3A_298 : i1 to i32
          %sign3A_300 = arith.constant 0 : i32
          %sign3A_301 = arith.cmpi slt, %jit3A_288, %sign3A_300 : i32
          %sign3A_302 = arith.extui %sign3A_301 : i1 to i32
          %sign3A_303 = arith.subi %sign3A_299, %sign3A_302 : i32
          %ne3A_304 = arith.cmpi ne, %sign3A_296, %sign3A_303 : i32
          %rem3A_305 = arith.remsi %add3A_287, %jit3A_288 : i32
          %ne3A_306 = arith.constant 0 : i32
          %ne3A_307 = arith.cmpi ne, %rem3A_305, %ne3A_306 : i32
          %and3A_308 = arith.andi %ne3A_304, %ne3A_307 : i1
          %sub3A_309 = arith.constant 1 : i32
          %sub3A_310 = arith.subi %div3A_289, %sub3A_309 : i32
          %select_n3A_311 = arith.select %and3A_308, %sub3A_310, %div3A_289 : i32
          %mul3A_312 = arith.constant 8 : i32
          %mul3A_313 = arith.muli %select_n3A_311, %mul3A_312 : i32
          %get3A_314 = arith.index_cast %mul3A_313 : i32 to index
          %get3A_315 = tpu.vector_load %arg5[%get3A_314] {strides = array<i32>} : memref<16400xi32, #tpu.memory_space<vmem>>, vector<16xi32>,
          %sub3A_316 = arith.subi %add3A_287, %mul3A_313 : i32
          %eq3A_317 = vector.broadcast %sub3A_316 : i32 to vector<16xi32>
          %eq3A_318 = arith.cmpi eq, %iota3A, %eq3A_317 : vector<16xi32>
          %jit3A_319 = arith.constant 0 : i32
          %broadcast_in_dim3A_320 = vector.broadcast %jit3A_319 : i32 to vector<16xi32>
          %select_n3A_321 = arith.select %eq3A_318, %get3A_315, %broadcast_in_dim3A_320 : vector<16xi1>, vector<16xi32>
          %reduce_sum3A_322 = arith.constant true
          %reduce_sum3A_323 = vector.broadcast %reduce_sum3A_322 : i1 to vector<16xi1>
          %reduce_sum3A_324 = tpu.scan <sum>, %select_n3A_321 masked %reduce_sum3A_323 : vector<16xi32>, vector<16xi1> -> vector<16xi32>
          %reduce_sum3A_325 = vector.extract %reduce_sum3A_324[15] : i32 from vector<16xi32>
          %dma_start3A = arith.constant 4 : i32
          %dma_start3A_326 = arith.constant 0 : i32
          %dma_start3A_327 = arith.constant 0 : i32
          %dma_start3A_328 = tpu.memref_slice %arg15[%dma_start3A, %dma_start3A_326, %dma_start3A_327] : memref<5x1x8192xf32, #tpu.memory_space<vmem>> -> memref<1x1x8192xf32, #tpu.memory_space<vmem>>
          %dma_start3A_329 = tpu.memref_squeeze %dma_start3A_328 : memref<1x1x8192xf32, #tpu.memory_space<vmem>> -> memref<1x8192xf32, #tpu.memory_space<vmem>>
          %dma_start3A_330 = arith.constant 0 : i32
          %dma_start3A_331 = tpu.memref_slice %arg4[%reduce_sum3A_325, %dma_start3A_330] : memref<16384x8192xf32, #tpu.memory_space<hbm>> -> memref<1x8192xf32, #tpu.memory_space<hbm>>
          %dma_start3A_332 = arith.constant 0 : i32
          %dma_start3A_333 = tpu.memref_slice %arg4[%reduce_sum3A_325, %dma_start3A_332] : memref<16384x8192xf32, #tpu.memory_space<hbm>> -> memref<1x8192xf32, #tpu.memory_space<hbm>>
          %dma_start3A_334 = arith.constant 0 : i32
          %dma_start3A_335 = arith.constant 0 : i32
          %dma_start3A_336 = tpu.memref_slice %arg15[%dma_start3A, %dma_start3A_334, %dma_start3A_335] : memref<5x1x8192xf32, #tpu.memory_space<vmem>> -> memref<1x1x8192xf32, #tpu.memory_space<vmem>>
          %dma_start3A_337 = tpu.memref_squeeze %dma_start3A_336 : memref<1x1x8192xf32, #tpu.memory_space<vmem>> -> memref<1x8192xf32, #tpu.memory_space<vmem>>
          tpu.enqueue_dma source(%dma_start3A_337 : memref<1x8192xf32, #tpu.memory_space<vmem>>) target(%dma_start3A_333 : memref<1x8192xf32, #tpu.memory_space<hbm>>) target_semaphore(%arg17 : memref<!tpu.dma_semaphore, #tpu.memory_space<semaphore_mem>>)
        }
        %add3A_279 = arith.constant 3 : i32
        %add3A_280 = arith.addi %add3A_176, %add3A_279 : i32
        %lt3A_281 = arith.cmpi slt, %add3A_280, %scan3A_53 : i32
        %convert_element_type3A_282 = arith.extui %lt3A_281 : i1 to i32
        %cond3A_283 = arith.constant 0 : i32
        %cond3A_284 = arith.cmpi ne, %convert_element_type3A_282, %cond3A_283 : i32
        %cond3A_285 = scf.if %cond3A_284 -> (i32) {
          %ge3A = arith.constant 2 : i32
          %ge3A_286 = arith.cmpi sge, %add3A_176, %ge3A : i32
          %convert_element_type3A_287 = arith.extui %ge3A_286 : i1 to i32
          %cond3A_288 = arith.constant 0 : i32
          %cond3A_289 = arith.cmpi ne, %convert_element_type3A_287, %cond3A_288 : i32
          %cond3A_290 = scf.if %cond3A_289 -> (i32) {
            %sub3A_304 = arith.constant 5 : i32
            %sub3A_305 = arith.subi %add3A_280, %sub3A_304 : i32
            %add3A_306 = arith.constant 1 : i32
            %add3A_307 = arith.addi %sub3A_305, %add3A_306 : i32
            %jit3A_308 = arith.constant 8 : i32
            %div3A_309 = arith.divsi %add3A_307, %jit3A_308 : i32
            %sign3A_310 = arith.constant 0 : i32
            %sign3A_311 = arith.cmpi sgt, %add3A_307, %sign3A_310 : i32
            %sign3A_312 = arith.extui %sign3A_311 : i1 to i32
            %sign3A_313 = arith.constant 0 : i32
            %sign3A_314 = arith.cmpi slt, %add3A_307, %sign3A_313 : i32
            %sign3A_315 = arith.extui %sign3A_314 : i1 to i32
            %sign3A_316 = arith.subi %sign3A_312, %sign3A_315 : i32
            %sign3A_317 = arith.constant 0 : i32
            %sign3A_318 = arith.cmpi sgt, %jit3A_308, %sign3A_317 : i32
            %sign3A_319 = arith.extui %sign3A_318 : i1 to i32
            %sign3A_320 = arith.constant 0 : i32
            %sign3A_321 = arith.cmpi slt, %jit3A_308, %sign3A_320 : i32
            %sign3A_322 = arith.extui %sign3A_321 : i1 to i32
            %sign3A_323 = arith.subi %sign3A_319, %sign3A_322 : i32
            %ne3A_324 = arith.cmpi ne, %sign3A_316, %sign3A_323 : i32
            %rem3A_325 = arith.remsi %add3A_307, %jit3A_308 : i32
            %ne3A_326 = arith.constant 0 : i32
            %ne3A_327 = arith.cmpi ne, %rem3A_325, %ne3A_326 : i32
            %and3A_328 = arith.andi %ne3A_324, %ne3A_327 : i1
            %sub3A_329 = arith.constant 1 : i32
            %sub3A_330 = arith.subi %div3A_309, %sub3A_329 : i32
            %select_n3A_331 = arith.select %and3A_328, %sub3A_330, %div3A_309 : i32
            %mul3A_332 = arith.constant 8 : i32
            %mul3A_333 = arith.muli %select_n3A_331, %mul3A_332 : i32
            %get3A_334 = arith.index_cast %mul3A_333 : i32 to index
            %get3A_335 = tpu.vector_load %arg14[%get3A_334] {strides = array<i32>} : memref<272xi32, #tpu.memory_space<vmem>>, vector<16xi32>,
            %sub3A_336 = arith.subi %add3A_307, %mul3A_333 : i32
            %eq3A_337 = vector.broadcast %sub3A_336 : i32 to vector<16xi32>
            %eq3A_338 = arith.cmpi eq, %iota3A, %eq3A_337 : vector<16xi32>
            %jit3A_339 = arith.constant 0 : i32
            %broadcast_in_dim3A_340 = vector.broadcast %jit3A_339 : i32 to vector<16xi32>
            %select_n3A_341 = arith.select %eq3A_338, %get3A_335, %broadcast_in_dim3A_340 : vector<16xi1>, vector<16xi32>
            %reduce_sum3A_342 = arith.constant true
            %reduce_sum3A_343 = vector.broadcast %reduce_sum3A_342 : i1 to vector<16xi1>
            %reduce_sum3A_344 = tpu.scan <sum>, %select_n3A_341 masked %reduce_sum3A_343 : vector<16xi32>, vector<16xi1> -> vector<16xi32>
            %reduce_sum3A_345 = vector.extract %reduce_sum3A_344[15] : i32 from vector<16xi32>
            %sub3A_346 = arith.subi %reduce_sum3A_345, %cond3A_172 : i32
            %max3A = arith.constant 0 : i32
            %max3A_347 = arith.maxsi %sub3A_346, %max3A : i32
            %while3A_348 = arith.constant 0 : i32
            %while3A_349 = arith.constant 0 : i32
            %while3A_350 = arith.subi %max3A_347, %while3A_349 : i32
            %while3A_351 = arith.addi %while3A_349, %while3A_350 : i32
            %while3A_352 = arith.constant 1 : i32
            %while3A_353 = arith.divsi %while3A_350, %while3A_352 : i32
            %while3A_354 = arith.muli %while3A_353, %while3A_352 : i32
            %while3A_355 = arith.addi %while3A_349, %while3A_354 : i32
            %while3A_356 = arith.constant 1 : i32
            scf.for %while3A_359 = %while3A_349 to %while3A_355 step %while3A_356  : i32 {
              %dma_wait3A_360 = arith.constant 0 : i32
              %dma_wait3A_361 = arith.constant 0 : i32
              %dma_wait3A_362 = arith.constant 0 : i32
              %dma_wait3A_363 = tpu.memref_slice %arg15[%dma_wait3A_360, %dma_wait3A_361, %dma_wait3A_362] : memref<5x1x8192xf32, #tpu.memory_space<vmem>> -> memref<1x1x8192xf32, #tpu.memory_space<vmem>>
              %dma_wait3A_364 = tpu.memref_squeeze %dma_wait3A_363 : memref<1x1x8192xf32, #tpu.memory_space<vmem>> -> memref<1x8192xf32, #tpu.memory_space<vmem>>
              %dma_wait3A_365 = arith.constant 0 : i32
              %dma_wait3A_366 = arith.constant 0 : i32
              %dma_wait3A_367 = tpu.memref_slice %arg4[%dma_wait3A_365, %dma_wait3A_366] : memref<16384x8192xf32, #tpu.memory_space<hbm>> -> memref<1x8192xf32, #tpu.memory_space<hbm>>
              %dma_wait3A_368 = arith.constant 0 : i32
              %dma_wait3A_369 = arith.constant 0 : i32
              %dma_wait3A_370 = tpu.memref_slice %arg4[%dma_wait3A_368, %dma_wait3A_369] : memref<16384x8192xf32, #tpu.memory_space<hbm>> -> memref<1x8192xf32, #tpu.memory_space<hbm>>
              %dma_wait3A_371 = arith.constant 0 : i32
              %dma_wait3A_372 = arith.constant 0 : i32
              %dma_wait3A_373 = tpu.memref_slice %arg15[%dma_wait3A_360, %dma_wait3A_371, %dma_wait3A_372] : memref<5x1x8192xf32, #tpu.memory_space<vmem>> -> memref<1x1x8192xf32, #tpu.memory_space<vmem>>
              %dma_wait3A_374 = tpu.memref_squeeze %dma_wait3A_373 : memref<1x1x8192xf32, #tpu.memory_space<vmem>> -> memref<1x8192xf32, #tpu.memory_space<vmem>>
              tpu.wait_dma2 semaphore(%arg17 : memref<!tpu.dma_semaphore, #tpu.memory_space<semaphore_mem>>) src(%dma_wait3A_374 : memref<1x8192xf32, #tpu.memory_space<vmem>>) dst(%dma_wait3A_370 : memref<1x8192xf32, #tpu.memory_space<hbm>>)
            }
            %while3A_357 = arith.constant 1 : i32
            scf.for %while3A_359 = %while3A_355 to %while3A_351 step %while3A_357  : i32 {
              %dma_wait3A_360 = arith.constant 0 : i32
              %dma_wait3A_361 = arith.constant 0 : i32
              %dma_wait3A_362 = arith.constant 0 : i32
              %dma_wait3A_363 = tpu.memref_slice %arg15[%dma_wait3A_360, %dma_wait3A_361, %dma_wait3A_362] : memref<5x1x8192xf32, #tpu.memory_space<vmem>> -> memref<1x1x8192xf32, #tpu.memory_space<vmem>>
              %dma_wait3A_364 = tpu.memref_squeeze %dma_wait3A_363 : memref<1x1x8192xf32, #tpu.memory_space<vmem>> -> memref<1x8192xf32, #tpu.memory_space<vmem>>
              %dma_wait3A_365 = arith.constant 0 : i32
              %dma_wait3A_366 = arith.constant 0 : i32
              %dma_wait3A_367 = tpu.memref_slice %arg4[%dma_wait3A_365, %dma_wait3A_366] : memref<16384x8192xf32, #tpu.memory_space<hbm>> -> memref<1x8192xf32, #tpu.memory_space<hbm>>
              %dma_wait3A_368 = arith.constant 0 : i32
              %dma_wait3A_369 = arith.constant 0 : i32
              %dma_wait3A_370 = tpu.memref_slice %arg4[%dma_wait3A_368, %dma_wait3A_369] : memref<16384x8192xf32, #tpu.memory_space<hbm>> -> memref<1x8192xf32, #tpu.memory_space<hbm>>
              %dma_wait3A_371 = arith.constant 0 : i32
              %dma_wait3A_372 = arith.constant 0 : i32
              %dma_wait3A_373 = tpu.memref_slice %arg15[%dma_wait3A_360, %dma_wait3A_371, %dma_wait3A_372] : memref<5x1x8192xf32, #tpu.memory_space<vmem>> -> memref<1x1x8192xf32, #tpu.memory_space<vmem>>
              %dma_wait3A_374 = tpu.memref_squeeze %dma_wait3A_373 : memref<1x1x8192xf32, #tpu.memory_space<vmem>> -> memref<1x8192xf32, #tpu.memory_space<vmem>>
              tpu.wait_dma2 semaphore(%arg17 : memref<!tpu.dma_semaphore, #tpu.memory_space<semaphore_mem>>) src(%dma_wait3A_374 : memref<1x8192xf32, #tpu.memory_space<vmem>>) dst(%dma_wait3A_370 : memref<1x8192xf32, #tpu.memory_space<hbm>>)
            }
            %max3A_358 = arith.maxsi %reduce_sum3A_345, %cond3A_172 : i32
            scf.yield %max3A_358 : i32
          } else {
            scf.yield %cond3A_172 : i32
          }
          %dma_start3A = arith.constant 2 : i32
          %dma_start3A_291 = arith.constant 2 : i32
          %dma_start3A_292 = arith.constant 0 : i32
          %dma_start3A_293 = arith.constant 0 : i32
          %dma_start3A_294 = tpu.memref_slice %arg15[%dma_start3A, %dma_start3A_292, %dma_start3A_293] : memref<5x1x8192xf32, #tpu.memory_space<vmem>> -> memref<1x1x8192xf32, #tpu.memory_space<vmem>>
          %dma_start3A_295 = tpu.memref_squeeze %dma_start3A_294 : memref<1x1x8192xf32, #tpu.memory_space<vmem>> -> memref<1x8192xf32, #tpu.memory_space<vmem>>
          %dma_start3A_296 = arith.constant 0 : i32
          %dma_start3A_297 = tpu.memref_slice %arg12[%add3A_280, %dma_start3A_296] : memref<256x1xi32, #tpu.memory_space<vmem>> -> memref<1x1xi32, #tpu.memory_space<vmem>>
          %dma_start3A_298 = tpu.memref_squeeze %dma_start3A_297 : memref<1x1xi32, #tpu.memory_space<vmem>> -> memref<1xi32, #tpu.memory_space<vmem>>
          %dma_start3A_299 = arith.constant 0 : i32
          %dma_start3A_300 = arith.constant 0 : i32
          %dma_start3A_301 = tpu.memref_slice %arg2[%dma_start3A_299, %dma_start3A_300] : memref<8192x8192xf32, #tpu.memory_space<hbm>> -> memref<8192x8192xf32, #tpu.memory_space<hbm>>
          %dma_start3A_302 = tpu.memref_slice %arg16[%dma_start3A_291] : memref<5x!tpu.dma_semaphore, #tpu.memory_space<semaphore_mem>> -> memref<1x!tpu.dma_semaphore, #tpu.memory_space<semaphore_mem>>
          %dma_start3A_303 = tpu.memref_squeeze %dma_start3A_302 : memref<1x!tpu.dma_semaphore, #tpu.memory_space<semaphore_mem>> -> memref<!tpu.dma_semaphore, #tpu.memory_space<semaphore_mem>>
          tpu.enqueue_indirect_dma source(%dma_start3A_301 : memref<8192x8192xf32, #tpu.memory_space<hbm>>) target(%dma_start3A_295 : memref<1x8192xf32, #tpu.memory_space<vmem>>) offsets(%dma_start3A_298 : memref<1xi32, #tpu.memory_space<vmem>>) semaphore(%dma_start3A_303 : memref<!tpu.dma_semaphore, #tpu.memory_space<semaphore_mem>>)
          scf.yield %cond3A_290 : i32
        } else {
          scf.yield %cond3A_172 : i32
        }
        scf.yield %cond3A_285 : i32
      } else {
        scf.yield %cond3A_172 : i32
      }
      scf.yield %cond3A_181 : i32
    }
    %sub3A_125 = arith.subi %squeeze3A, %while3A_124 : i32
    %while3A_126 = arith.constant 0 : i32
    %while3A_127 = arith.constant 0 : i32
    %while3A_128 = arith.subi %sub3A_125, %while3A_127 : i32
    %while3A_129 = arith.addi %while3A_127, %while3A_128 : i32
    %while3A_130 = arith.constant 1 : i32
    %while3A_131 = arith.divsi %while3A_128, %while3A_130 : i32
    %while3A_132 = arith.muli %while3A_131, %while3A_130 : i32
    %while3A_133 = arith.addi %while3A_127, %while3A_132 : i32
    %while3A_134 = arith.constant 1 : i32
    scf.for %while3A_136 = %while3A_127 to %while3A_133 step %while3A_134  : i32 {
      %dma_wait3A = arith.constant 0 : i32
      %dma_wait3A_137 = arith.constant 0 : i32
      %dma_wait3A_138 = arith.constant 0 : i32
      %dma_wait3A_139 = tpu.memref_slice %arg15[%dma_wait3A, %dma_wait3A_137, %dma_wait3A_138] : memref<5x1x8192xf32, #tpu.memory_space<vmem>> -> memref<1x1x8192xf32, #tpu.memory_space<vmem>>
      %dma_wait3A_140 = tpu.memref_squeeze %dma_wait3A_139 : memref<1x1x8192xf32, #tpu.memory_space<vmem>> -> memref<1x8192xf32, #tpu.memory_space<vmem>>
      %dma_wait3A_141 = arith.constant 0 : i32
      %dma_wait3A_142 = arith.constant 0 : i32
      %dma_wait3A_143 = tpu.memref_slice %arg4[%dma_wait3A_141, %dma_wait3A_142] : memref<16384x8192xf32, #tpu.memory_space<hbm>> -> memref<1x8192xf32, #tpu.memory_space<hbm>>
      %dma_wait3A_144 = arith.constant 0 : i32
      %dma_wait3A_145 = arith.constant 0 : i32
      %dma_wait3A_146 = tpu.memref_slice %arg4[%dma_wait3A_144, %dma_wait3A_145] : memref<16384x8192xf32, #tpu.memory_space<hbm>> -> memref<1x8192xf32, #tpu.memory_space<hbm>>
      %dma_wait3A_147 = arith.constant 0 : i32
      %dma_wait3A_148 = arith.constant 0 : i32
      %dma_wait3A_149 = tpu.memref_slice %arg15[%dma_wait3A, %dma_wait3A_147, %dma_wait3A_148] : memref<5x1x8192xf32, #tpu.memory_space<vmem>> -> memref<1x1x8192xf32, #tpu.memory_space<vmem>>
      %dma_wait3A_150 = tpu.memref_squeeze %dma_wait3A_149 : memref<1x1x8192xf32, #tpu.memory_space<vmem>> -> memref<1x8192xf32, #tpu.memory_space<vmem>>
      tpu.wait_dma2 semaphore(%arg17 : memref<!tpu.dma_semaphore, #tpu.memory_space<semaphore_mem>>) src(%dma_wait3A_150 : memref<1x8192xf32, #tpu.memory_space<vmem>>) dst(%dma_wait3A_146 : memref<1x8192xf32, #tpu.memory_space<hbm>>)
    }
    %while3A_135 = arith.constant 1 : i32
    scf.for %while3A_136 = %while3A_133 to %while3A_129 step %while3A_135  : i32 {
      %dma_wait3A = arith.constant 0 : i32
      %dma_wait3A_137 = arith.constant 0 : i32
      %dma_wait3A_138 = arith.constant 0 : i32
      %dma_wait3A_139 = tpu.memref_slice %arg15[%dma_wait3A, %dma_wait3A_137, %dma_wait3A_138] : memref<5x1x8192xf32, #tpu.memory_space<vmem>> -> memref<1x1x8192xf32, #tpu.memory_space<vmem>>
      %dma_wait3A_140 = tpu.memref_squeeze %dma_wait3A_139 : memref<1x1x8192xf32, #tpu.memory_space<vmem>> -> memref<1x8192xf32, #tpu.memory_space<vmem>>
      %dma_wait3A_141 = arith.constant 0 : i32
      %dma_wait3A_142 = arith.constant 0 : i32
      %dma_wait3A_143 = tpu.memref_slice %arg4[%dma_wait3A_141, %dma_wait3A_142] : memref<16384x8192xf32, #tpu.memory_space<hbm>> -> memref<1x8192xf32, #tpu.memory_space<hbm>>
      %dma_wait3A_144 = arith.constant 0 : i32
      %dma_wait3A_145 = arith.constant 0 : i32
      %dma_wait3A_146 = tpu.memref_slice %arg4[%dma_wait3A_144, %dma_wait3A_145] : memref<16384x8192xf32, #tpu.memory_space<hbm>> -> memref<1x8192xf32, #tpu.memory_space<hbm>>
      %dma_wait3A_147 = arith.constant 0 : i32
      %dma_wait3A_148 = arith.constant 0 : i32
      %dma_wait3A_149 = tpu.memref_slice %arg15[%dma_wait3A, %dma_wait3A_147, %dma_wait3A_148] : memref<5x1x8192xf32, #tpu.memory_space<vmem>> -> memref<1x1x8192xf32, #tpu.memory_space<vmem>>
      %dma_wait3A_150 = tpu.memref_squeeze %dma_wait3A_149 : memref<1x1x8192xf32, #tpu.memory_space<vmem>> -> memref<1x8192xf32, #tpu.memory_space<vmem>>
      tpu.wait_dma2 semaphore(%arg17 : memref<!tpu.dma_semaphore, #tpu.memory_space<semaphore_mem>>) src(%dma_wait3A_150 : memref<1x8192xf32, #tpu.memory_space<vmem>>) dst(%dma_wait3A_146 : memref<1x8192xf32, #tpu.memory_space<hbm>>)
    }
    return
  }
}

</mosaic_0001>

<sc_bundles>
// kernel: kernel.3.cloned.1.call-start
scs
__scs_entry_jumppad:
0x0: {  	(pc) =	sbr.rel $0x88, $3  }
0x1: {  	(tag) =	ssettag $0x0;
	lr =	simm.s32 $0x1  }
0x2: {  	[smem:$0x3F9F] =	sst lr;
	_ =	strace $0xD0000000  }
0x3: {  	_ = 	snop  }
0x4: {  	_ = 	snop  }
0x5: {  	_ = 	snop  }
0x6: {  	_ = 	snop  }
0x7: {  	_ = 	snop  }
__scs_overlays_trampoline_lowered:
0x8: {  	[smem:$0x3FAE] =	sst s0  }
0x9: {  	[smem:$0x3FAF] =	sst s1  }
0xa: {  	[smem:$0x3FB0] =	sst s2  }
0xb: {  	[smem:$0x3FB1] =	sst s3  }
0xc: {  	[smem:$0x3FB2] =	sst s4  }
0xd: {  	[smem:$0x3FB3] =	sst s5  }
0xe: {  	[smem:$0x3FB4] =	sst s6  }
0xf: {  	[smem:$0x3FB5] =	sst s7  }
0x10: {  	[smem:$0x3FB6] =	sst s8  }
0x11: {  	[smem:$0x3FB7] =	sst s9;
	s0 =	simm.s32 @!p0 $0x0  }
0x12: {  	s1 =	sld [smem:$0x3F9D];
	s0 =	simm.s32 @p0 $0x1  }
0x13: {  	[smem:$0x3FB8] =	sst s0;
	s0 =	simm.s32 @!p1 $0x0  }
0x14: {  	s2 =	sld [smem:$0x3F9C];
	s0 =	simm.s32 @p1 $0x1  }
0x15: {  	[smem:$0x3FB9] =	sst s0;
	s0 =	simm.s32 @!p2 $0x0  }
0x16: {  	s3 =	sld [smem:$0x3FDB];
	s0 =	simm.s32 @p2 $0x1  }
0x17: {  	s4 =	simm.s32 $0x1BF5;
	[smem:$0x3FBB] =	sst s0  }
0x18: {  	s0 =	sld [smem:$0x3F9E];
	_ =	swait.ge [sflag:s4], $0x0  }
0x19: {  	s7 =	sld [smem:$0x3F9F]  }
0x1a: {  	s8 =	sadd.s32 $0xFFFFE003, lr  }
0x1b: {  	s9 =	sadd.s32 $0xFFFFFEF7, lr;
	s5 =	simm.s32 $0xFFFFFFFF;
	p2 =	slt.u32 s8, $0xFFFFF086  }
0x1c: {  	p1 =	slt.u32 s9, $0xF7A;
	s5 =	simm.s32 @!p2 $0x0  }
0x1d: {  	s5 =	simm.s32 @p1 $0x1;
	p0 =	seq.s32 s7, s2  }
0x1e: {  	s7 =	smul.u32 @!p0 $0xF7A, s2;
	p2 =	seq.s32 @!p0 s5, $0x0  }
0x1f: {  	s9 =	smul.u32 $0xF7A, s1;
	s8 =	simm.s32 @!p0 $0x1BF5;
	p2 =	por !p2, p0  }
0x20: {  	[sflag:s8] =	ssyncset.s32 @!p0 $0xFFFFF086;
	s6 =	sadd.s32 @!p0 s3, s7;
	s7 =	simm.s32 @!p0 $0x108  }
0x21: {  	s3 =	sadd.s32 s3, s9;
	s6 =	sadd.s32 @!p0 $0x88, s6;
	s7 =	simm.s32 @p2 $0x1082  }
0x22: {  	[simem:s7], [sflag:s8] =	dma.local @!p0 [hbm:s6], $0xF7A  }
0x23: {  	s9 =	sor.u32 $0xD0000000, s2;
	s6 =	simm.s32 $0x108;
	_ =	swait.ge @!p0 [sflag:s8], $0x0  }
0x24: {  	s3 =	sadd.s32 $0x88, s3;
	s6 =	simm.s32 @!p1 $0x1082;
	[sflag:s4] =	ssyncset.s32 $0xFFFFF086  }
0x25: {  	[simem:s6], [sflag:s4] =	dma.local [hbm:s3], $0xF7A  }
0x26: {  	[smem:$0x3F9F] =	sst s1;
	(tag) =	ssettag s2;
	_ =	strace s9  }
0x27: {  	s1 =	sld [smem:$0x3FAF]  }
0x28: {  	s2 =	sld [smem:$0x3FB0]  }
0x29: {  	s4 =	sld [smem:$0x3FB2]  }
0x2a: {  	p0 =	seq.s32 s5, $0x0;
	s5 =	sld [smem:$0x3FB3]  }
0x2b: {  	s6 =	sld [smem:$0x3FB4]  }
0x2c: {  	s7 =	sld [smem:$0x3FB5]  }
0x2d: {  	s3 =	simm.s32 $0x108;
	s8 =	sld [smem:$0x3FB6]  }
0x2e: {  	s3 =	simm.s32 @!p0 $0x1082;
	s9 =	sld [smem:$0x3FB7]  }
0x2f: {  	lr =	sadd.s32 s0, s3;
	s0 =	sld [smem:$0x3FAE]  }
0x30: {  	s3 =	sld [smem:$0x3FB1]  }
0x31: {  	[smem:$0x3FBA] =	sst s10  }
0x32: {  	s10 =	sld [smem:$0x3FB8];
	_ =	sdelay $0x3  }
0x33: {  	p0 =	seq.s32 s10, $0x1;
	s10 =	sld [smem:$0x3FBA];
	_ =	sdelay $0x3  }
0x34: {  	[smem:$0x3FBA] =	sst s10  }
0x35: {  	s10 =	sld [smem:$0x3FB9];
	_ =	sdelay $0x3  }
0x36: {  	p1 =	seq.s32 s10, $0x1;
	s10 =	sld [smem:$0x3FBA];
	_ =	sdelay $0x3  }
0x37: {  	[smem:$0x3FBA] =	sst s10  }
0x38: {  	s10 =	sld [smem:$0x3FBB]  }
0x39: {  	_ = 	snop;
	(pc) =	sbr.ind lr, $3  }
0x3a: {  	_ = 	snop  }
0x3b: {  	_ = 	snop  }
0x3c: {  	p2 =	seq.s32 s10, $0x1;
	s10 =	sld [smem:$0x3FBA]  }
0x3d: {  	_ =	shalt  }
0x3e: {  	_ =	shalt  }
0x3f: {  	_ =	shalt  }
0x40: {  	_ =	shalt  }
0x41: {  	_ =	shalt  }
0x42: {  	_ =	shalt  }
0x43: {  	_ =	shalt  }
0x44: {  	_ =	shalt  }
0x45: {  	_ =	shalt  }
0x46: {  	_ =	shalt  }
0x47: {  	_ =	shalt  }
0x48: {  	_ =	shalt  }
0x49: {  	_ =	shalt  }
0x4a: {  	_ =	shalt  }
0x4b: {  	_ =	shalt  }
0x4c: {  	_ =	shalt  }
0x4d: {  	_ =	shalt  }
0x4e: {  	_ =	shalt  }
0x4f: {  	_ =	shalt  }
0x50: {  	_ =	shalt  }
0x51: {  	_ =	shalt  }
0x52: {  	_ =	shalt  }
0x53: {  	_ =	shalt  }
0x54: {  	_ =	shalt  }
0x55: {  	_ =	shalt  }
0x56: {  	_ =	shalt  }
0x57: {  	_ =	shalt  }
0x58: {  	_ =	shalt  }
0x59: {  	_ =	shalt  }
0x5a: {  	_ =	shalt  }
0x5b: {  	_ =	shalt  }
0x5c: {  	_ =	shalt  }
0x5d: {  	_ =	shalt  }
0x5e: {  	_ =	shalt  }
0x5f: {  	_ =	shalt  }
0x60: {  	_ =	shalt  }
0x61: {  	_ =	shalt  }
0x62: {  	_ =	shalt  }
0x63: {  	_ =	shalt  }
0x64: {  	_ =	shalt  }
0x65: {  	_ =	shalt  }
0x66: {  	_ =	shalt  }
0x67: {  	_ =	shalt  }
0x68: {  	_ =	shalt  }
0x69: {  	_ =	shalt  }
0x6a: {  	_ =	shalt  }
0x6b: {  	_ =	shalt  }
0x6c: {  	_ =	shalt  }
0x6d: {  	_ =	shalt  }
0x6e: {  	_ =	shalt  }
0x6f: {  	_ =	shalt  }
0x70: {  	_ =	shalt  }
0x71: {  	_ =	shalt  }
0x72: {  	_ =	shalt  }
0x73: {  	_ =	shalt  }
0x74: {  	_ =	shalt  }
0x75: {  	_ =	shalt  }
0x76: {  	_ =	shalt  }
0x77: {  	_ =	shalt  }
0x78: {  	_ =	shalt  }
0x79: {  	_ =	shalt  }
0x7a: {  	_ =	shalt  }
0x7b: {  	_ =	shalt  }
0x7c: {  	_ =	shalt  }
0x7d: {  	_ =	shalt  }
0x7e: {  	_ =	shalt  }
0x7f: {  	_ =	shalt  }
0x80: {  	_ =	shalt  }
0x81: {  	_ =	shalt  }
0x82: {  	_ =	shalt  }
0x83: {  	_ =	shalt  }
0x84: {  	_ =	shalt  }
0x85: {  	_ =	shalt  }
0x86: {  	_ =	shalt  }
0x87: {  	_ =	shalt  }
.Lfunc_end0:
.L_simem_size_0:
called_computation_lowered:
.L_overlay_start_0:
0x88: {  	s2 =	sld [smem:$0x3FD9]  }
0x89: {  	s3 =	sld [smem:$0x3FFE];
	_ =	sdelay $0x1  }
0x8a: {  	s1 =	srdreg.scid  }
0x8b: {  	s0 =	sand.u32 $0x1, s1  }
0x8c: {  	s17 =	sshll.u32 s0, $0xA;
	s2 =	sadd.s32 s3, s2  }
0x8d: {  	s2 =	sadd.s32 s2, s17  }
0x8e: {  	[smem:$0x3FC6] =	sst s2  }
0x8f: {  	_ = 	snop  }
0x90: {  	s2 =	sld [smem:$0x3FC8]  }
0x91: {  	s18 =	sld [smem:$0x3FD0];
	(tm) =	ssettm $0x1  }
0x92: {  	s4 =	sld [smem:$0x3FFB];
	_ =	sdelay $0x3  }
0x93: {  	_ =	strace s4  }
0x94: {  	s4 =	sld [smem:$0x3FFC];
	_ =	sdelay $0x3  }
0x95: {  	_ =	strace s4  }
0x96: {  	s4 =	sld [smem:$0x3FFD];
	_ =	sdelay $0x3  }
0x97: {  	_ =	strace s4  }
0x98: {  	_ =	strace $0x8FFFFFFF  }
0x99: {  	s19 =	sld [smem:$0x3FDB];
	_ =	sdelay $0x1  }
0x9a: {  	s5 =	simm.s32 $_scs_section_size  }
0x9b: {  	s6 =	simm.s32 $_size__tile_overlayer_lowered;
	s7 =	simm.s32 $_tile_overlayer_lowered  }
0x9c: {  	s22 =	simm.s32 $0x1BFF;
	s21 =	sshll.u32 s7, $0x1;
	s4 =	sadd.s32 s5, s19  }
0x9d: {  	s8 =	simm.s32 $0x0;
	s20 =	sshll.u32 s6, $0x1;
	s6 =	sadd.s32 s21, s4  }
0x9e: {  	[timem:s8], [sflag:s22] =	dma.local [hbm:s6], s20  }
0x9f: {  	_ =	swait.ge [sflag:s22], s20  }
0xa0: {  	s5 =	ssub.s32 $0x0, s20;
	[sflag:s22] =	ssyncset.done $0x0  }
0xa1: {  	[sflag:s22] =	ssyncadd.s32 s5;
	_ =	sdelay $0x1  }
0xa2: {  	s23 =	simm.s32 $0x1B8B  }
0xa3: {  	_ =	swait.ge [sflag:s23], $0x1  }
0xa4: {  	[sflag:s23] =	ssyncset.done $0x0  }
0xa5: {  	s25 =	simm.s32 $0x1B8E;
	s24 =	sld [smem:$0x3FFE];
	[sflag:s23] =	ssyncadd.s32 $0xFFFFFFFF  }
0xa6: {  	s26 =	simm.s32 $execute0_lowered;
	[smem:$0x3FD2] =	sst s25  }
0xa7: {  	s6 =	sshll.u32 s26, $0x1;
	_ =	strace $0x80000046;
	[dreg:$0x1] =	wrdreg $0xFFFFFFFF  }
0xa8: {  	s28 =	simm.s32 $_size_execute0_lowered;
	s4 =	sadd.s32 s4, s6;
	[dreg:$0x0] =	wrdreg $0x0  }
0xa9: {  	s6 =	sshll.u32 s28, $0x1;
	[dreg:$0x2] =	wrdreg s4  }
0xaa: {  	[dreg:$0x3] =	wrdreg s6  }
0xab: {  	[dreg:$0x4] =	wrdreg $0xC0  }
0xac: {  	_ =	task [dreg:s8], $0x5FFFF  }
0xad: {  	[dreg:$0x1] =	wrdreg $0xFFFFFFFF  }
0xae: {  	[dreg:$0x0] =	wrdreg $0x60  }
0xaf: {  	[dreg:$0x2] =	wrdreg s2  }
0xb0: {  	[dreg:$0x3] =	wrdreg s24  }
0xb1: {  	[dreg:$0x4] =	wrdreg s18  }
0xb2: {  	[dreg:$0x5] =	wrdreg $0x9  }
0xb3: {  	_ =	task.clear_ibuf [dreg:s8], $0x6FFFF;
	_ =	strace $0x90000046  }
0xb4: {  	s29 =	simm.s32 $0x9;
	_ =	strace $0x80000048  }
0xb5: {  	_ =	swait.ge [sflag:s29], $0x1  }
0xb6: {  	[sflag:s29] =	ssyncadd.s32 $0xFFFFFFFF  }
0xb7: {  	_ =	strace $0x90000048  }
0xb8: {  	_ =	sfence  }
0xb9: {  	s30 =	sld [smem:$0x0];
	_ =	sdelay $0x2  }
0xba: {  	s31 =	sshll.u32 s1, $0xD;
	s1 =	sshrl.u32 s1, $0x2  }
0xbb: {  	s3 =	sand.u32 $0x4000, s31;
	s1 =	sadd.s32 s1, s30  }
0xbc: {  	s0 =	sor.u32 s3, s0;
	s1 =	sshll.u32 s1, $0x11  }
0xbd: {  	s0 =	sor.u32 s1, s0  }
0xbe: {  	s0 =	sadd.s32 $0x8F2B, s0  }
0xbf: {  	[sflag:s0] =	ssyncadd.remote.s32 $0x1  }
0xc0: {  	_ =	sfence.sel $0xFFFF  }
0xc1: {  	[dreg:$0x0] =	wrdreg $0xFFFFFFFF;
	(pc) =	sbr.abs _section_cstart, $3  }
0xc2: {  	[dreg:$0x1] =	wrdreg $0xFFFFFFFF  }
0xc3: {  	_ =	task.clear_ibuf [dreg:s8], $0x2FFFF;
	_ =	strace $0x9FFFFFFF  }
0xc4: {  	(tm) =	ssettm $0x7FFFFFFF  }
0xc5: {  	_ =	shalt  }
tec
execute0_lowered:
.L_overlay_start_1:
0x0: {  	(tag) =	ssettag $0x1  }
0x1: {  	s5 =	rddreg [dreg:$0x0]  }
0x2: {  	s0 =	rddreg [dreg:$0x1]  }
0x3: {  	s2 =	rddreg [dreg:$0x2]  }
0x4: {  	s3 =	simm.s32 $0x0;
	s1 =	srdreg.scid;
	s6 =	stileid.u32  }
0x5: {  	s12 =	simm.s32 $0x4080;
	s13 =	simm.s32 $0x8080;
	s15 =	simm.s32 $0xC080  }
0x6: {  	s16 =	simm.s32 $0xD380;
	s17 =	simm.s32 $0x15380;
	s18 =	simm.s32 $0x15500  }
0x7: {  	s19 =	simm.s32 $0x15680;
	s23 =	simm.s32 $0xD280;
	s24 =	simm.s32 $0x80  }
0x8: {  	s28 =	simm.s32 $0x1B680;
	s30 =	simm.s32 $0x19680;
	[smem:$0x7FF] =	sst s3  }
0x9: {  	s1 =	sand.u32 $0x1, s1;
	s0 =	sadd.s32 $0x400, s0;
	s26 =	sshll.u32 s6, $0x9  }
0xa: {  	s29 =	sadd.s32 $0x800, s5;
	s31 =	sadd.s32 $0x1000, s5;
	s9 =	sadd.s32 $0x1800, s5  }
0xb: {  	s5 =	simm.s32 $0x1D680;
	_ =	strace $0x80000047;
	[dreg:$0x4] =	wrdreg s0  }
.Ltmp0:
0xc: {  	s4 =	ssub.s32 $0x2, s1;
	[dreg:$0x6] =	wrdreg s29;
	(pc) =	sbr.rel .LBB2_1-.Ltmp0, $4  }
0xd: {  	s1 =	sshll.u32 s1, $0x8;
	[dreg:$0x7] =	wrdreg s31;
	s25 =	sshrl.u32 s4, $0x1  }
0xe: {  	v0 =	vlaneseq.u32;
	s1 =	sor.u32 s1, s26;
	s26 =	simm.s32 $0x6;
	s0 =	ssub.s32 s4, s25  }
0xf: {  	v2 =	vimm.s32 $0x0;
	v4 =	vimm.s32 $0x1;
	vm0 =	vmmov $0xffff;
	s25 =	simm.s32 $0x400;
	[dreg:$0x5] =	wrdreg s1;
	s0 =	smax.u32 s0, $0x1  }
0x10: {  	v3 =	vmul.u32 $0x100, v0;
	v5 =	vmul.u32 $0x8, v0;
	s4 =	simm.s32 $0x17680;
	v1 =	vmov s1;
	s1 =	simm.s32 $0x0;
	[dreg:$0x8] =	wrdreg s0  }
.LBB2_102:
0x11: {  	[sflag:s26] =	ssyncadd.s32 $0xFFFFE000  }
.LBB2_103:
0x12: {  	s1 =	sadd.s32 $0x1, s1;
	s0 =	rddreg [dreg:$0x8]  }
0x13: {  	p0 =	sne.s32 s1, s0  }
.Ltmp1:
0x14: {  	_ = 	snop;
	(pc) =	sbr.rel @!p0 .LBB2_104-.Ltmp1, $1  }
0x15: {  	_ =	sdelay $0x3  }
.LBB2_1:
0x16: {  	[dreg:$0x9] =	wrdreg s1  }
0x17: {  	s0 =	rddreg [dreg:$0x4];
	s31 =	simm.s32 $0x7  }
0x18: {  	[tilespmem:s3], [sflag:$0x7] =	stream.linear.gather [hbm4b:s0+s3], $0x4000, $0x38;
	[tilespmem:$0x1F680] =	vst v63  }
0x19: {  	s6 =	simm.s32 $0xC0A0;
	_ =	swait.ge [sflag:s31], $0x4000  }
0x1a: {  	s10 =	simm.s32 $0x0;
	s1 =	simm.s32 $0x70;
	[sflag:s31] =	ssyncset.done $0x0  }
0x1b: {  	v11 =	vimm.s32 $0x0;
	s11 =	simm.s32 $0xC0A0;
	s0 =	simm.s32 $0x40;
	[sflag:s31] =	ssyncadd.s32 $0xFFFFC000  }
.LBB2_2:
0x1c: {  	s10 =	sadd.s32 $0x4, s10  }
0x1d: {  	[tilespmem:s6+$0x10] =	vst v11;
	s11 =	sadd.s32 $0x40, s11;
	p0 =	slt.u32 s10, $0xFC  }
.Ltmp2:
0x1e: {  	[tilespmem:s6+$0x0] =	vst v11;
	(pc) =	sbr.rel @p0 .LBB2_2-.Ltmp2, $3  }
0x1f: {  	[tilespmem:s6+$0xFFFFFFE0] =	vst v11  }
0x20: {  	[tilespmem:s6+$0xFFFFFFF0] =	vst v11;
	s6 =	smov.u32 s11;
	_ =	sdelay $0x1  }
0x21: {  	v11 =	vimm.s32 $0x0  }
0x22: {  	[tilespmem:s6+$0x10] =	vst v11  }
0x23: {  	[tilespmem:s6+$0x0] =	vst v11  }
0x24: {  	[tilespmem:s6+$0xFFFFFFE0] =	vst v11  }
0x25: {  	[tilespmem:s6+$0xFFFFFFF0] =	vst v11  }
0x26: {  	v6 =	vld [tilespmem:s0+$0xFFFFFFC0]  }
0x27: {  	v7 =	vld [tilespmem:s0+$0xFFFFFFE0]  }
0x28: {  	v8 =	vld [tilespmem:s0+$0x0]  }
0x29: {  	v10 =	vld [tilespmem:s0+$0x20]  }
0x2a: {  	v14 =	vld [tilespmem:s0+$0xFFFFFFD0]  }
0x2b: {  	v15 =	vld [tilespmem:s0+$0x10];
	v19 =	vsub.s32 v6, v1  }
0x2c: {  	v16 =	vld [tilespmem:s0+$0xFFFFFFF0];
	vm7 =	vlt.u32 v19, $0x100  }
0x2d: {  	v12 =	vsub.s32 v7, v1;
	v17 =	vsel vm7, $0x1, v2  }
0x2e: {  	vm6 =	vlt.u32 v12, $0x100;
	(xrf0) =	vadd.scan.msk.s32 $0xffff, v17  }
0x2f: {  	v9 =	vsub.s32 v8, v1;
	v21 =	vsel vm6, $0x1, v2  }
0x30: {  	v6 =	vsub.s32 v10, v1;
	v8 =	vsub.s32 v14, v1;
	v7 =	vsub.s32 v15, v1;
	(xrf0) =	vadd.scan.msk.s32 $0xffff, v21  }
0x31: {  	v10 =	vsub.s32 v16, v1;
	vm2 =	vlt.u32 v9, $0x100;
	vm3 =	vlt.u32 v8, $0x100  }
0x32: {  	vm8 =	vlt.u32 v7, $0x100;
	v18 =	vmpcnt.ones.xlane vm7;
	v23 =	vmpcnt.ones.xlane vm3  }
0x33: {  	vm1 =	vlt.u32 v6, $0x100;
	vm5 =	vlt.u32 v10, $0x100;
	v25 =	vsel vm2, $0x1, v2  }
0x34: {  	v22 =	vmpcnt.ones.xlane vm6;
	v29 =	vsel vm8, $0x1, v2;
	v14 =	vadd.s32 v11, v18;
	v18 =	vld [tilespmem:s0+$0x30];
	(xrf0) =	vadd.scan.msk.s32 $0xffff, v25;
	v20, _, _ =	vpop (xrf0)  }
0x35: {  	v16 =	vsel vm1, $0x1, v2;
	(xrf0) =	vadd.scan.msk.s32 $0xffff, v29;
	v17 =	vsub.s32 v20, v17;
	v20 =	vsel vm5, $0x1, v2  }
0x36: {  	(xrf0) =	vadd.scan.msk.s32 $0xffff, v16;
	v24 =	vadd.s32 v11, v17;
	v11 =	vadd.s32 v14, v23;
	v17 =	vmpcnt.ones.xlane vm5;
	v23, _, _ =	vpop (xrf0)  }
0x37: {  	s31 =	simm.s32 $0x0;
	v23 =	vsub.s32 v23, v21;
	v21 =	vadd.s32 v11, v22;
	v22 =	vmpcnt.ones.xlane vm2  }
0x38: {  	v13 =	vor.u32 s31, v0;
	v28 =	vmpcnt.ones.xlane vm8;
	v15 =	vsel vm3, $0x1, v2;
	(xrf0) =	vadd.scan.msk.s32 $0xffff, v20  }
0x39: {  	v23 =	vadd.s32 v11, v23;
	v26 =	vadd.s32 v21, v17;
	v11 =	vsub.s32 v18, v1  }
0x3a: {  	v30 =	vmpcnt.ones.xlane vm1;
	(xrf0) =	vadd.scan.msk.s32 $0xffff, v15;
	v18, _, _ =	vpop (xrf0);
	v17 =	vadd.s32 v26, v22;
	vm4 =	vlt.u32 v11, $0x100  }
0x3b: {  	s6 =	simm.s32 $0x20;
	s11 =	simm.s32 $0x0;
	v27 =	vsub.s32 v18, v25;
	v25 =	vadd.s32 v17, v28;
	v18 =	vsel vm4, $0x1, v2;
	v22, _, _ =	vpop (xrf0)  }
0x3c: {  	s14 =	simm.s32 $0xF0;
	s20 =	simm.s32 $0xC0;
	s0 =	simm.s32 $0x50;
	[tilespmem:v24+s12+$0x0] =	vst.idx.msk vm7, v19;
	v19 =	vadd.s32 v25, v30;
	(xrf0) =	vadd.scan.msk.s32 $0xffff, v18;
	v22 =	vsub.s32 v22, v29;
	v28, _, _ =	vpop (xrf0)  }
.LBB2_4:
0x3d: {  	v29 =	vld [tilespmem:s20+$0xFFFFFFC0];
	[tilespmem:v24+s13+$0x0] =	vst.idx.msk vm7, v13;
	v24 =	vadd.s32 v26, v27  }
0x3e: {  	s10 =	sadd.s32 $0xFFFFFFB0, s14;
	s11 =	sadd.s32 $0x8, s11;
	v26 =	vor.u32 s0, v0;
	v13 =	vsub.s32 v28, v16;
	v16, _, _ =	vpop (xrf0);
	vm9 =	vmmov vm8  }
0x3f: {  	v28 =	vor.u32 s6, v0;
	s0 =	sadd.s32 $0xFFFFFFF0, s1;
	v27 =	vld [tilespmem:s20+$0x0];
	p0 =	slt.u32 s11, $0x3F8;
	[tilespmem:v23+s12+$0x0] =	vst.idx.msk vm6, v12;
	v16 =	vsub.s32 v16, v20;
	v20 =	vadd.s32 v25, v13;
	s6 =	smov.u32 s10  }
0x40: {  	s10 =	sadd.s32 $0xFFFFFFA0, s1;
	v25 =	vld [tilespmem:s20+$0xFFFFFFE0];
	[tilespmem:v23+s13+$0x0] =	vst.idx.msk vm6, v28;
	v16 =	vadd.s32 v21, v16;
	v21 =	vor.u32 s0, v0;
	v23 =	vor.u32 s1, v0;
	v12, _, _ =	vpop (xrf0)  }
0x41: {  	v13 =	vmpcnt.ones.xlane vm4;
	s0 =	sadd.s32 $0xFFFFFFC0, s1;
	v28 =	vld [tilespmem:s20+$0x20];
	v12 =	vsub.s32 v12, v15;
	v15 =	vor.u32 s10, v0  }
0x42: {  	v17 =	vadd.s32 v17, v22;
	v31 =	vor.u32 s0, v0;
	s0 =	sadd.s32 $0xFFFFFFD0, s1;
	s1 =	smov.u32 s14;
	v30 =	vld [tilespmem:s20+$0x30];
	v14 =	vadd.s32 v14, v12  }
0x43: {  	s10 =	sadd.s32 $0xFFFFFF90, s14;
	v32 =	vadd.s32 v19, v13;
	v12 =	vor.u32 s0, v0;
	v22 =	vsub.s32 v29, v1;
	v29 =	vld [tilespmem:s20+$0xFFFFFFD0];
	[tilespmem:v24+s12+$0x0] =	vst.idx.msk vm2, v9;
	v33, _, _ =	vpop (xrf0)  }
0x44: {  	v13 =	vor.u32 s10, v0;
	v9 =	vsub.s32 v27, v1;
	v27 =	vld [tilespmem:s20+$0x10];
	[tilespmem:v24+s13+$0x0] =	vst.idx.msk vm2, v12;
	v18 =	vsub.s32 v33, v18  }
0x45: {  	vm7 =	vlt.u32 v22, $0x100;
	v12 =	vsub.s32 v25, v1;
	[tilespmem:v16+s12+$0x0] =	vst.idx.msk vm5, v10;
	v18 =	vadd.s32 v19, v18  }
0x46: {  	v19 =	vsel vm7, $0x1, v2;
	v10 =	vmpcnt.ones.xlane vm7;
	v24 =	vld [tilespmem:s20+$0xFFFFFFF0];
	v25 =	vsub.s32 v28, v1;
	[tilespmem:v16+s13+$0x0] =	vst.idx.msk vm5, v31  }
0x47: {  	vm2 =	vlt.u32 v9, $0x100;
	vm6 =	vlt.u32 v12, $0x100;
	(xrf0) =	vadd.scan.msk.s32 $0xffff, v19;
	[tilespmem:v14+s12+$0x0] =	vst.idx.msk vm3, v8  }
0x48: {  	v28 =	vsel vm6, $0x1, v2;
	v8 =	vsub.s32 v29, v1;
	v29 =	vmpcnt.ones.xlane vm6;
	[tilespmem:v14+s13+$0x0] =	vst.idx.msk vm3, v15  }
0x49: {  	v31 =	vsel vm2, $0x1, v2;
	v27 =	vsub.s32 v27, v1;
	(xrf0) =	vadd.scan.msk.s32 $0xffff, v28;
	[tilespmem:v20+s12+$0x0] =	vst.idx.msk vm1, v6;
	v6 =	vmovc v25  }
0x4a: {  	v14 =	vadd.s32 v32, v10;
	vm8 =	vlt.u32 v27, $0x100;
	[tilespmem:v20+s13+$0x0] =	vst.idx.msk vm1, v21;
	vm1 =	vlt.u32 v6, $0x100  }
0x4b: {  	v10 =	vsub.s32 v24, v1;
	v25 =	vmpcnt.ones.xlane vm8;
	v16 =	vsel vm1, $0x1, v2;
	[tilespmem:v18+s12+$0x0] =	vst.idx.msk vm4, v11  }
0x4c: {  	vm3 =	vlt.u32 v8, $0x100;
	v33 =	vsel vm8, $0x1, v2;
	vm5 =	vlt.u32 v10, $0x100;
	(xrf0) =	vadd.scan.msk.s32 $0xffff, v31  }
0x4d: {  	v15 =	vsel vm3, $0x1, v2;
	v11 =	vmpcnt.ones.xlane vm3;
	v20, _, _ =	vpop (xrf0);
	(xrf0) =	vadd.scan.msk.s32 $0xffff, v33;
	[tilespmem:v17+s12+$0x0] =	vst.idx.msk vm9, v7  }
0x4e: {  	v7 =	vmovc v27;
	v21 =	vsub.s32 v20, v19;
	v20 =	vsel vm5, $0x1, v2;
	(xrf0) =	vadd.scan.msk.s32 $0xffff, v16;
	[tilespmem:v18+s13+$0x0] =	vst.idx.msk vm4, v23  }
0x4f: {  	v11 =	vadd.s32 v14, v11;
	v24 =	vadd.s32 v32, v21;
	v32 =	vmpcnt.ones.xlane vm5;
	v19, _, _ =	vpop (xrf0);
	(xrf0) =	vadd.scan.msk.s32 $0xffff, v20  }
.Ltmp3:
0x50: {  	v27 =	vmpcnt.ones.xlane vm2;
	v21 =	vadd.s32 v11, v29;
	v19 =	vsub.s32 v19, v28;
	[tilespmem:v17+s13+$0x0] =	vst.idx.msk vm9, v26;
	(pc) =	sbr.rel @p0 .LBB2_4-.Ltmp3, $4  }
0x51: {  	v23 =	vadd.s32 v11, v19;
	v26 =	vadd.s32 v21, v32;
	v11 =	vsub.s32 v30, v1;
	(xrf0) =	vadd.scan.msk.s32 $0xffff, v15  }
0x52: {  	v19 =	vmpcnt.ones.xlane vm1;
	v17 =	vadd.s32 v26, v27;
	vm4 =	vlt.u32 v11, $0x100;
	v18, _, _ =	vpop (xrf0)  }
0x53: {  	v27 =	vsub.s32 v18, v31;
	v25 =	vadd.s32 v17, v25;
	v18 =	vsel vm4, $0x1, v2;
	v28, _, _ =	vpop (xrf0)  }
0x54: {  	s14 =	sadd.s32 $0x80, s14;
	s0 =	sadd.s32 $0xFFFFFFE0, s1;
	s20 =	sadd.s32 $0x80, s20;
	[tilespmem:v24+s12+$0x0] =	vst.idx.msk vm7, v22;
	v22 =	vsub.s32 v28, v33;
	v19 =	vadd.s32 v25, v19;
	v28, _, _ =	vpop (xrf0);
	(xrf0) =	vadd.scan.msk.s32 $0xffff, v18  }
0x55: {  	v29 =	vmpcnt.ones.xlane vm4;
	_ =	sdelay $0x1  }
0x56: {  	v29 =	vadd.s32 v19, v29  }
0x57: {  	(v2sf) =	vpush v29, $0x0;
	_ =	sdelay $0xa  }
0x58: {  	v26 =	vadd.s32 v26, v27  }
0x59: {  	v62 =	vadd.s32 v17, v22  }
0x5a: {  	v51, _, _ =	vpop (xrf0);
	[tilespmem:v24+s13+$0x0] =	vst.idx.msk vm7, v13  }
0x5b: {  	[tilespmem:v23+s12+$0x0] =	vst.idx.msk vm6, v12;
	v54 =	vor.u32 s6, v0;
	v20 =	vsub.s32 v51, v20  }
0x5c: {  	[tilespmem:v23+s13+$0x0] =	vst.idx.msk vm6, v54;
	v52 =	vadd.s32 v21, v20;
	v53, _, _ =	vpop (xrf0);
	s7 =	spop (v2sf)  }
0x5d: {  	s20 =	sadd.s32 $0xFFFFFFD0, s1;
	s21 =	sadd.s32 $0xFFFFFFC0, s1;
	v15 =	vsub.s32 v53, v15;
	[tilespmem:v26+s12+$0x0] =	vst.idx.msk vm2, v9;
	s29 =	sand.u32 $0xF, s7  }
0x5e: {  	v56 =	vsub.s32 v28, v16;
	v57 =	vor.u32 s20, v0;
	v55 =	vadd.s32 v14, v15;
	[tilespmem:v62+s12+$0x0] =	vst.idx.msk vm8, v7;
	s31 =	sshra.s32 s7, $0x1F;
	p1 =	slt.s32 s7, $0x1;
	p0 =	sne.s32 s29, $0x0  }
0x5f: {  	s10 =	sadd.s32 $0xFFFFFFF0, s1;
	v14 =	vadd.s32 v25, v56;
	v7 =	vor.u32 s0, v0;
	[tilespmem:v26+s13+$0x0] =	vst.idx.msk vm2, v57;
	s6 =	sshrl.u32 s31, $0x1C;
	p0 =	por !p1, !p0  }
0x60: {  	v63 =	vor.u32 s10, v0;
	s10 =	simm.s32 $0x1;
	v58, _, _ =	vpop (xrf0);
	[tilespmem:v62+s13+$0x0] =	vst.idx.msk vm8, v7;
	s6 =	sadd.s32 s6, s7;
	p0 =	por !p0, !p0  }
0x61: {  	v59 =	vor.u32 s21, v0;
	v15 =	vsub.s32 v58, v18;
	[tilespmem:v52+s12+$0x0] =	vst.idx.msk vm5, v10;
	s6 =	sshra.s32 s6, $0x4;
	s10 =	simm.s32 @!p0 $0x0  }
0x62: {  	v60 =	vadd.s32 v19, v15;
	[tilespmem:v52+s13+$0x0] =	vst.idx.msk vm5, v59;
	s6 =	ssub.s32 s6, s10  }
0x63: {  	s22 =	sadd.s32 $0xFFFFFFA0, s1;
	[tilespmem:v55+s12+$0x0] =	vst.idx.msk vm3, v8;
	p1 =	slt.s32 s6, $0x1  }
.Ltmp4:
0x64: {  	v61 =	vor.u32 s22, v0;
	[tilespmem:v14+s12+$0x0] =	vst.idx.msk vm1, v6;
	(pc) =	sbr.rel @p1 .LBB2_9-.Ltmp4, $4  }
0x65: {  	[tilespmem:v55+s13+$0x0] =	vst.idx.msk vm3, v61  }
0x66: {  	[tilespmem:v14+s13+$0x0] =	vst.idx.msk vm1, v63  }
0x67: {  	v6 =	vor.u32 s1, v0;
	[tilespmem:v60+s12+$0x0] =	vst.idx.msk vm4, v11  }
0x68: {  	s0 =	simm.s32 $0x4080;
	vm2 =	vmmov vm8;
	[tilespmem:v60+s13+$0x0] =	vst.idx.msk vm4, v6  }
0x69: {  	p0 =	sne.s32 s6, $0x1  }
.Ltmp5:
0x6a: {  	_ = 	snop;
	(pc) =	sbr.rel @!p0 .LBB2_8-.Ltmp5, $2  }
0x6b: {  	_ =	sdelay $0x2  }
0x6c: {  	v6 =	vld [tilespmem:s0+$0x0];
	s1 =	sadd.s32 $0xFFFFFFFF, s6  }
.LBB2_7:
0x6d: {  	p0 =	sne.s32 s1, $0x1;
	_ =	sdelay $0x3  }
0x6e: {  	v6 =	vadd.s32 v3, v6;
	_ =	sdelay $0x1  }
.Ltmp6:
0x6f: {  	(pc) =	sbr.rel @p0 .LBB2_7-.Ltmp6, $3  }
0x70: {  	_ =	sdelay $0x1  }
0x71: {  	s0 =	sadd.s32 $0x10, s0;
	[tilespmem:v6+s15+$0x0] =	vst.idx.add.s32.msk $0xffff, v4  }
0x72: {  	s1 =	sadd.s32 $0xFFFFFFFF, s1;
	v6 =	vld [tilespmem:s0+$0x0]  }
.LBB2_8:
0x73: {  	_ =	sdelay $0x3  }
0x74: {  	v6 =	vadd.s32 v3, v6;
	_ =	sdelay $0x4  }
0x75: {  	[tilespmem:v6+s15+$0x0] =	vst.idx.add.s32.msk $0xffff, v4  }
.LBB2_9:
0x76: {  	s8 =	sshll.u32 s6, $0x4  }
0x77: {  	s0 =	ssub.s32 s7, s8  }
0x78: {  	p0 =	slt.s32 s0, $0x1  }
0x79: {  	v7 =	vld @!p0 [tilespmem:s8+$0x4080];
	_ =	sdelay $0x1  }
0x7a: {  	v8 =	vlaneseq.u32 @!p0  }
0x7b: {  	v9 =	vmul.u32 @!p0 $0x100, v8  }
0x7c: {  	v6 =	vmov @!p0 s0  }
0x7d: {  	vm1 =	vgt.s32 @!p0 v6, v8;
	v7 =	vadd.s32 @!p0 v9, v7  }
0x7e: {  	v7 =	vsel @!p0 vm1, v7, v9;
	_ =	sdelay $0x3  }
0x7f: {  	s0 =	simm.s32 @!p0 $0xC080;
	v8 =	vimm.s32 @!p0 $0x1  }
0x80: {  	s11 =	simm.s32 $0x0;
	s20 =	simm.s32 $0xC080;
	[tilespmem:v7+s0+$0x0] =	vst.idx.add.s32.msk @!p0 vm1, v8  }
0x81: {  	s21 =	sand.u32 $0xF0, s11;
	v7 =	vld [tilespmem:s20+$0x0]  }
0x82: {  	v8 =	vld [tilespmem:s21+$0xC180]  }
0x83: {  	v9 =	vld [tilespmem:s21+$0xC280]  }
0x84: {  	v10 =	vld [tilespmem:s21+$0xC380]  }
0x85: {  	v11 =	vld [tilespmem:s21+$0xC480]  }
0x86: {  	v12 =	vld [tilespmem:s21+$0xC580]  }
0x87: {  	v7 =	vadd.s32 v7, v8;
	v8 =	vld [tilespmem:s21+$0xC680]  }
0x88: {  	v7 =	vadd.s32 v9, v7;
	v9 =	vld [tilespmem:s21+$0xC780]  }
0x89: {  	v7 =	vadd.s32 v10, v7;
	v10 =	vld [tilespmem:s21+$0xC880]  }
0x8a: {  	v7 =	vadd.s32 v11, v7;
	v11 =	vld [tilespmem:s21+$0xC980]  }
0x8b: {  	v7 =	vadd.s32 v12, v7;
	v12 =	vld [tilespmem:s21+$0xCA80]  }
0x8c: {  	v7 =	vadd.s32 v8, v7;
	v8 =	vld [tilespmem:s21+$0xCB80]  }
0x8d: {  	v7 =	vadd.s32 v9, v7;
	v9 =	vld [tilespmem:s21+$0xCC80]  }
0x8e: {  	v7 =	vadd.s32 v10, v7;
	v10 =	vld [tilespmem:s21+$0xCD80]  }
0x8f: {  	v7 =	vadd.s32 v11, v7;
	v11 =	vld [tilespmem:s21+$0xCE80]  }
0x90: {  	v7 =	vadd.s32 v12, v7;
	v12 =	vld [tilespmem:s21+$0xCF80]  }
0x91: {  	v7 =	vadd.s32 v8, v7  }
0x92: {  	v7 =	vadd.s32 v9, v7  }
0x93: {  	v7 =	vadd.s32 v10, v7  }
0x94: {  	v7 =	vadd.s32 v11, v7  }
0x95: {  	v7 =	vadd.s32 v12, v7  }
0x96: {  	(xrf0) =	vadd.scan.msk.s32 $0xffff, v7;
	_ =	sdelay $0x5  }
0x97: {  	v8, _, _ =	vpop (xrf0)  }
0x98: {  	s0 =	simm.s32 $0xD080;
	v9 =	vsub.s32 v8, v7;
	(v2sf) =	vpush v8, $0xF  }
0x99: {  	s1 =	simm.s32 $0xD180;
	[tilespmem:s0+$0x0] =	vst v7;
	v7 =	vadd.s32 s11, v9  }
0x9a: {  	s10 =	simm.s32 $0xD280;
	[tilespmem:s1+$0x0] =	vst v7  }
0x9b: {  	s22 =	simm.s32 $0x10;
	s21 =	simm.s32 $0xC090;
	[tilespmem:s10+$0x0] =	vst v7  }
0x9c: {  	s29 =	sand.u32 $0xF0, s22;
	v7 =	vld [tilespmem:s21+$0x0]  }
0x9d: {  	v8 =	vld [tilespmem:s29+$0xC180]  }
0x9e: {  	v9 =	vld [tilespmem:s29+$0xC280]  }
0x9f: {  	v10 =	vld [tilespmem:s29+$0xC380]  }
0xa0: {  	v12 =	vld [tilespmem:s29+$0xC480]  }
0xa1: {  	v13 =	vld [tilespmem:s29+$0xC580]  }
0xa2: {  	v14 =	vld [tilespmem:s29+$0xC680];
	v7 =	vadd.s32 v7, v8  }
0xa3: {  	v11 =	vld [tilespmem:s29+$0xC780];
	v7 =	vadd.s32 v9, v7  }
0xa4: {  	v8 =	vadd.s32 v10, v7;
	v7 =	vld [tilespmem:s29+$0xC880]  }
0xa5: {  	v9 =	vadd.s32 v12, v8;
	v8 =	vld [tilespmem:s29+$0xC980]  }
0xa6: {  	[dreg:$0xa] =	wrdreg s7;
	s31 =	simm.s32 $0x20;
	s14 =	simm.s32 $0xD190;
	v10 =	vadd.s32 v13, v9;
	v9 =	vld [tilespmem:s29+$0xCA80]  }
0xa7: {  	s22 =	simm.s32 $0x0;
	s20 =	simm.s32 $0xD290;
	v12 =	vadd.s32 v14, v10;
	v10 =	vld [tilespmem:s29+$0xCB80];
	s10 =	spop (v2sf)  }
.LBB2_10:
0xa8: {  	s22 =	sadd.s32 s22, s10  }
0xa9: {  	v11 =	vadd.s32 v11, v12;
	v12 =	vld [tilespmem:s29+$0xCC80];
	s0 =	sadd.s32 $0x10, s0;
	s10 =	smov.u32 s31;
	s1 =	sadd.s32 $0x10, s31  }
0xaa: {  	p2 =	sne.s32 s31, $0xF0;
	v7 =	vadd.s32 v7, v11;
	v11 =	vld [tilespmem:s29+$0xCD80]  }
0xab: {  	v7 =	vadd.s32 v8, v7;
	v8 =	vld [tilespmem:s29+$0xCE80]  }
0xac: {  	v7 =	vadd.s32 v9, v7;
	v9 =	vld [tilespmem:s29+$0xCF80]  }
0xad: {  	v7 =	vadd.s32 v10, v7  }
0xae: {  	v7 =	vadd.s32 v12, v7  }
0xaf: {  	v7 =	vadd.s32 v11, v7  }
0xb0: {  	v7 =	vadd.s32 v8, v7  }
0xb1: {  	v7 =	vadd.s32 v9, v7  }
0xb2: {  	[tilespmem:s0+$0x0] =	vst v7;
	(xrf0) =	vadd.scan.msk.s32 $0xffff, v7;
	_ =	sdelay $0x5  }
0xb3: {  	v8, _, _ =	vpop (xrf0)  }
0xb4: {  	v7 =	vsub.s32 v8, v7;
	(v2sf) =	vpush v8, $0xF  }
0xb5: {  	v7 =	vadd.s32 s22, v7  }
0xb6: {  	[tilespmem:s14+$0x0] =	vst v7  }
0xb7: {  	s21 =	sadd.s32 $0x10, s21;
	[tilespmem:s20+$0x0] =	vst v7  }
0xb8: {  	s29 =	sand.u32 $0xF0, s10;
	v7 =	vld [tilespmem:s21+$0x0]  }
0xb9: {  	v8 =	vld [tilespmem:s29+$0xC180]  }
0xba: {  	v9 =	vld [tilespmem:s29+$0xC280]  }
0xbb: {  	v10 =	vld [tilespmem:s29+$0xC380]  }
0xbc: {  	v12 =	vld [tilespmem:s29+$0xC480]  }
0xbd: {  	v13 =	vld [tilespmem:s29+$0xC580]  }
0xbe: {  	v7 =	vadd.s32 v7, v8;
	v14 =	vld [tilespmem:s29+$0xC680]  }
.Ltmp7:
0xbf: {  	v7 =	vadd.s32 v9, v7;
	v11 =	vld [tilespmem:s29+$0xC780];
	(pc) =	sbr.rel @p2 .LBB2_10-.Ltmp7, $4  }
0xc0: {  	v8 =	vadd.s32 v10, v7;
	v7 =	vld [tilespmem:s29+$0xC880]  }
0xc1: {  	v9 =	vadd.s32 v12, v8;
	v8 =	vld [tilespmem:s29+$0xC980]  }
0xc2: {  	s31 =	smov.u32 s1;
	v10 =	vadd.s32 v13, v9;
	v9 =	vld [tilespmem:s29+$0xCA80]  }
0xc3: {  	s14 =	sadd.s32 $0x10, s14;
	s20 =	sadd.s32 $0x10, s20;
	v12 =	vadd.s32 v14, v10;
	v10 =	vld [tilespmem:s29+$0xCB80];
	s10 =	spop (v2sf)  }
0xc4: {  	v11 =	vadd.s32 v11, v12;
	v58 =	vld [tilespmem:s29+$0xCC80]  }
0xc5: {  	v59 =	vld [tilespmem:s29+$0xCD80];
	v7 =	vadd.s32 v7, v11  }
0xc6: {  	v7 =	vadd.s32 v8, v7;
	v8 =	vld [tilespmem:s29+$0xCE80]  }
0xc7: {  	v60 =	vld [tilespmem:s29+$0xCF80];
	v7 =	vadd.s32 v9, v7  }
0xc8: {  	v7 =	vadd.s32 v10, v7  }
0xc9: {  	v7 =	vadd.s32 v58, v7  }
0xca: {  	v7 =	vadd.s32 v59, v7  }
0xcb: {  	v7 =	vadd.s32 v8, v7  }
0xcc: {  	v7 =	vadd.s32 v60, v7  }
0xcd: {  	(xrf0) =	vadd.scan.msk.s32 $0xffff, v7;
	_ =	sdelay $0x5  }
0xce: {  	v8, _, _ =	vpop (xrf0)  }
0xcf: {  	s1 =	sadd.s32 s22, s10;
	s0 =	sadd.s32 $0x10, s0;
	v9 =	vsub.s32 v8, v7  }
0xd0: {  	[tilespmem:s0+$0x0] =	vst v7;
	v7 =	vadd.s32 s1, v9  }
0xd1: {  	[tilespmem:s14+$0x0] =	vst v7  }
0xd2: {  	s29 =	simm.s32 $0x0;
	[tilespmem:s20+$0x0] =	vst v7  }
0xd3: {  	v7 =	vld [tilespmem:s29+$0xD080];
	_ =	sdelay $0x4  }
0xd4: {  	vm1 =	vgt.s32 v7, $0x0  }
0xd5: {  	v61 =	vsel vm1, $0x1, v2  }
0xd6: {  	(xrf0) =	vadd.scan.msk.s32 $0xffff, v61;
	_ =	sdelay $0x5  }
0xd7: {  	(v2sf) =	vpush v8, $0xF;
	v8, _, _ =	vpop (xrf0)  }
0xd8: {  	v9 =	vsub.s32 v8, v61;
	(v2sf) =	vpush v8, $0xF  }
0xd9: {  	v8 =	vadd.s32 s11, v9  }
0xda: {  	v9 =	vshll.u32 v8, $0x7;
	_ =	sdelay $0x1  }
0xdb: {  	v62 =	vld [tilespmem:s29+$0xD180]  }
0xdc: {  	s7 =	rddreg [dreg:$0x5]  }
0xdd: {  	v63 =	vor.u32 s7, v0  }
0xde: {  	[tilespmem:v9+s16+$0x0] =	vst.idx.msk vm1, v63  }
0xdf: {  	[tilespmem:v8+s17+$0x0] =	vst.idx.msk vm1, v7  }
0xe0: {  	s14 =	simm.s32 $0x10;
	[tilespmem:v8+s18+$0x0] =	vst.idx.msk vm1, v62  }
0xe1: {  	v7 =	vld [tilespmem:s14+$0xD080];
	_ =	sdelay $0x3  }
0xe2: {  	s31 =	spop (v2sf)  }
0xe3: {  	s0 =	smov.u32 s7;
	s1 =	simm.s32 $0x80;
	vm1 =	vgt.s32 v7, $0x0;
	s10 =	spop (v2sf)  }
.LBB2_12:
0xe4: {  	s11 =	sadd.s32 s11, s10  }
0xe5: {  	v8 =	vsel vm1, $0x1, v2;
	s0 =	sadd.s32 $0x10, s0;
	s10 =	smov.u32 s1;
	s20 =	sadd.s32 $0x40, s1  }
0xe6: {  	p2 =	sne.s32 s1, $0x3C0;
	(xrf0) =	vadd.scan.msk.s32 $0xffff, v8;
	_ =	sdelay $0x5  }
0xe7: {  	v9, _, _ =	vpop (xrf0)  }
0xe8: {  	v8 =	vsub.s32 v9, v8;
	(v2sf) =	vpush v9, $0xF  }
0xe9: {  	v8 =	vadd.s32 s11, v8  }
0xea: {  	v9 =	vshll.u32 v8, $0x7;
	_ =	sdelay $0x1  }
0xeb: {  	v10 =	vld [tilespmem:s14+$0xD180];
	_ =	sdelay $0x1  }
0xec: {  	v11 =	vor.u32 s0, v0  }
0xed: {  	[tilespmem:v9+s16+$0x0] =	vst.idx.msk vm1, v11  }
0xee: {  	[tilespmem:v8+s17+$0x0] =	vst.idx.msk vm1, v7  }
0xef: {  	s14 =	sshra.s32 s10, $0x2;
	[tilespmem:v8+s18+$0x0] =	vst.idx.msk vm1, v10  }
0xf0: {  	v7 =	vld [tilespmem:s14+$0xD080]  }
.Ltmp8:
0xf1: {  	(pc) =	sbr.rel @p2 .LBB2_12-.Ltmp8, $2  }
0xf2: {  	_ =	sdelay $0x2  }
0xf3: {  	s1 =	smov.u32 s20;
	vm1 =	vgt.s32 v7, $0x0;
	s10 =	spop (v2sf)  }
0xf4: {  	v8 =	vsel vm1, $0x1, v2  }
0xf5: {  	(xrf0) =	vadd.scan.msk.s32 $0xffff, v8;
	_ =	sdelay $0x5  }
0xf6: {  	v9, _, _ =	vpop (xrf0)  }
0xf7: {  	(v2sf) =	vpush v9, $0xF;
	_ =	sdelay $0xc  }
0xf8: {  	s1 =	sadd.s32 s11, s10;
	v8 =	vsub.s32 v9, v8  }
0xf9: {  	v8 =	vadd.s32 s1, v8  }
0xfa: {  	v63 =	vshll.u32 v8, $0x7;
	s31 =	spop (v2sf)  }
0xfb: {  	s20 =	sadd.s32 s1, s31  }
0xfc: {  	v10 =	vld [tilespmem:s14+$0xD180];
	p2 =	slt.s32 s20, $0x1  }
.Ltmp9:
0xfd: {  	s0 =	sadd.s32 $0x10, s0;
	(pc) =	sbr.rel @p2 .LBB2_15-.Ltmp9, $4  }
0xfe: {  	v11 =	vor.u32 s0, v0  }
0xff: {  	[tilespmem:v63+s16+$0x0] =	vst.idx.msk vm1, v11  }
0x100: {  	[tilespmem:v8+s17+$0x0] =	vst.idx.msk vm1, v7  }
0x101: {  	[tilespmem:v8+s18+$0x0] =	vst.idx.msk vm1, v10  }
0x102: {  	v7 =	vld.msk [tilespmem:$0xD380], $0x1;
	_ =	sdelay $0x4  }
0x103: {  	v8 =	vshll.u32 v7, $0x6  }
0x104: {  	v7 =	vand.u32 $0x7, v7;
	v8 =	vand.u32 $0xFFFFFE00, v8  }
0x105: {  	v7 =	vor.u32 v7, v8  }
0x106: {  	v7 =	vperm.xlane v7, v2;
	_ =	sdelay $0x1  }
0x107: {  	v7 =	vadd.s32 v5, v7;
	_ =	sdelay $0x3  }
0x108: {  	s7 =	rddreg [dreg:$0x0]  }
0x109: {  	[tilespmem:s19], [sflag:$0x1] =	stream.indirect_vreg.gather [hbm4b:s7+s3], $0x80, v7, vm0, $0xb8;
	[tilespmem:$0x1F680] =	vst v63  }
0x10a: {  	s11 =	smov.u32 s8;
	s8 =	rddreg [dreg:$0x6];
	s0 =	simm.s32 $0x15E80  }
0x10b: {  	[tilespmem:s0], [sflag:$0x1] =	stream.indirect_vreg.gather [hbm4b:s8+s3], $0x80, v7, vm0, $0xb8;
	[tilespmem:$0x1F680] =	vst v63  }
0x10c: {  	s10 =	rddreg [dreg:$0x7];
	s29 =	simm.s32 $0x16680  }
0x10d: {  	[tilespmem:s29], [sflag:$0x1] =	stream.indirect_vreg.gather [hbm4b:s10+s3], $0x80, v7, vm0, $0xb8;
	[tilespmem:$0x1F680] =	vst v63  }
0x10e: {  	s31 =	simm.s32 $0x16E80;
	p2 =	seq.s32 s20, $0x1  }
0x10f: {  	[tilespmem:s31], [sflag:$0x1] =	stream.indirect_vreg.gather [hbm4b:s9+s3], $0x80, v7, vm0, $0xb8;
	[tilespmem:$0x1F680] =	vst v63  }
0x110: {  	v7 =	vld.msk @!p2 [tilespmem:$0xD400], $0x1;
	_ =	sdelay $0x4  }
0x111: {  	v8 =	vshll.u32 @!p2 v7, $0x6  }
0x112: {  	v7 =	vand.u32 @!p2 $0x7, v7;
	v8 =	vand.u32 @!p2 $0xFFFFFE00, v8  }
0x113: {  	v9 =	vlaneseq.u32 @!p2;
	v7 =	vor.u32 @!p2 v7, v8;
	v8 =	vimm.s32 @!p2 $0x0  }
0x114: {  	v7 =	vperm.xlane @!p2 v7, v8;
	v8 =	vmul.u32 @!p2 $0x8, v9;
	_ =	sdelay $0x1  }
0x115: {  	v7 =	vadd.s32 @!p2 v8, v7;
	_ =	sdelay $0x3  }
0x116: {  	vm1 =	vmmov @!p2 $0xffff;
	s1 =	simm.s32 @!p2 $0x17680;
	s0 =	simm.s32 @!p2 $0x0  }
0x117: {  	[tilespmem:s1], [sflag:$0x2] =	stream.indirect_vreg.gather @!p2 [hbm4b:s7+s0], $0x80, v7, vm1, $0xb8;
	[tilespmem:$0x1F680] =	vst v63  }
0x118: {  	s1 =	simm.s32 @!p2 $0x17E80  }
0x119: {  	[tilespmem:s1], [sflag:$0x2] =	stream.indirect_vreg.gather @!p2 [hbm4b:s8+s0], $0x80, v7, vm1, $0xb8;
	[tilespmem:$0x1F680] =	vst v63  }
0x11a: {  	s1 =	simm.s32 @!p2 $0x18680  }
0x11b: {  	[tilespmem:s1], [sflag:$0x2] =	stream.indirect_vreg.gather @!p2 [hbm4b:s10+s0], $0x80, v7, vm1, $0xb8;
	[tilespmem:$0x1F680] =	vst v63  }
0x11c: {  	p3 =	slt.u32 @!p2 s20, $0x3;
	s1 =	simm.s32 @!p2 $0x18E80  }
0x11d: {  	[tilespmem:s1], [sflag:$0x2] =	stream.indirect_vreg.gather @!p2 [hbm4b:s9+s0], $0x80, v7, vm1, $0xb8;
	[tilespmem:$0x1F680] =	vst v63  }
0x11e: {  	p2 =	por p3, p2  }
0x11f: {  	v7 =	vld.msk @!p2 [tilespmem:$0xD480], $0x1;
	_ =	sdelay $0x4  }
0x120: {  	v8 =	vshll.u32 @!p2 v7, $0x6  }
0x121: {  	v7 =	vand.u32 @!p2 $0x7, v7;
	v8 =	vand.u32 @!p2 $0xFFFFFE00, v8  }
0x122: {  	v9 =	vlaneseq.u32 @!p2;
	v7 =	vor.u32 @!p2 v7, v8;
	v8 =	vimm.s32 @!p2 $0x0  }
0x123: {  	v7 =	vperm.xlane @!p2 v7, v8;
	v8 =	vmul.u32 @!p2 $0x8, v9;
	_ =	sdelay $0x1  }
0x124: {  	v7 =	vadd.s32 @!p2 v8, v7;
	_ =	sdelay $0x3  }
0x125: {  	vm1 =	vmmov @!p2 $0xffff;
	s0 =	simm.s32 @!p2 $0x0;
	s1 =	simm.s32 @!p2 $0x19680  }
0x126: {  	[tilespmem:s1], [sflag:$0x3] =	stream.indirect_vreg.gather @!p2 [hbm4b:s7+s0], $0x80, v7, vm1, $0xb8;
	[tilespmem:$0x1F680] =	vst v63  }
0x127: {  	s1 =	simm.s32 @!p2 $0x19E80  }
0x128: {  	[tilespmem:s1], [sflag:$0x3] =	stream.indirect_vreg.gather @!p2 [hbm4b:s8+s0], $0x80, v7, vm1, $0xb8;
	[tilespmem:$0x1F680] =	vst v63  }
0x129: {  	s1 =	simm.s32 @!p2 $0x1A680  }
0x12a: {  	[tilespmem:s1], [sflag:$0x3] =	stream.indirect_vreg.gather @!p2 [hbm4b:s10+s0], $0x80, v7, vm1, $0xb8;
	[tilespmem:$0x1F680] =	vst v63  }
0x12b: {  	s8 =	smov.u32 s11;
	s1 =	simm.s32 @!p2 $0x1AE80  }
0x12c: {  	[tilespmem:s1], [sflag:$0x3] =	stream.indirect_vreg.gather @!p2 [hbm4b:s9+s0], $0x80, v7, vm1, $0xb8;
	[tilespmem:$0x1F680] =	vst v63  }
.LBB2_15:
.Ltmp10:
0x12d: {  	(pc) =	sbr.rel @p1 .LBB2_22-.Ltmp10, $1  }
0x12e: {  	_ =	sdelay $0x3  }
0x12f: {  	p2 =	sne.s32 s6, $0x1  }
.Ltmp11:
0x130: {  	_ = 	snop;
	(pc) =	sbr.rel @!p2 .LBB2_17-.Ltmp11, $3  }
0x131: {  	_ =	sdelay $0x1  }
0x132: {  	s1 =	simm.s32 $0x4080  }
0x133: {  	s0 =	simm.s32 $0x8080;
	p1 =	por $0x0, $0x0;
	v7 =	vld [tilespmem:s1+$0x0];
	s1 =	sadd.s32 $0xFFFFFFFF, s6  }
0x134: {  	_ =	sdelay $0x3  }
0x135: {  	(xrf1) =	vunique.msk.u32 $0xffff, v7;
	_ =	sdelay $0x9  }
0x136: {  	v8 =	vld.idx.msk [tilespmem:v7+s23+$0x0], $0xffff;
	_ =	sdelay $0x3  }
0x137: {  	_, v9, vm1 =	vpop (xrf1)  }
0x138: {  	v8 =	vadd.s32 v9, v8  }
0x139: {  	v63 =	vld [tilespmem:s0+$0x0];
	v10 =	vadd.s32 $0xFFFFFFFF, v8;
	_ =	sdelay $0x2  }
0x13a: {  	p2 =	sne.s32 s1, $0x1  }
.Ltmp12:
0x13b: {  	_ = 	snop;
	(pc) =	sbr.rel @!p2 .LBB2_19-.Ltmp12, $4  }
0x13c: {  	[tilespmem:v10+s3+$0x0] =	vst.idx.msk $0xffff, v63  }
0x13d: {  	s11 =	simm.s32 $0x4090;
	[tilespmem:v7+s23+$0x0] =	vst.idx.msk vm1, v8  }
0x13e: {  	v7 =	vld [tilespmem:s11+$0x0]  }
0x13f: {  	s14 =	sadd.s32 $0xFFFFFFFF, s1;
	p1 =	por $0x1, $0x1;
	s6 =	simm.s32 $0x8080  }
.LBB2_20:
0x140: {  	p2 =	sne.s32 s14, $0x1;
	_ =	sdelay $0x2  }
0x141: {  	(xrf1) =	vunique.msk.u32 $0xffff, v7;
	_ =	sdelay $0x8  }
0x142: {  	v8 =	vld.idx.msk [tilespmem:v7+s23+$0x0], $0xffff;
	_ =	sdelay $0x4  }
0x143: {  	_, v9, vm1 =	vpop (xrf1)  }
0x144: {  	s6 =	sadd.s32 $0x10, s6;
	v8 =	vadd.s32 v9, v8  }
0x145: {  	v9 =	vld [tilespmem:s6+$0x0];
	v10 =	vadd.s32 $0xFFFFFFFF, v8;
	_ =	sdelay $0x3  }
.Ltmp13:
0x146: {  	(pc) =	sbr.rel @p2 .LBB2_20-.Ltmp13, $4  }
0x147: {  	[tilespmem:v10+s3+$0x0] =	vst.idx.msk $0xffff, v9  }
0x148: {  	s11 =	sadd.s32 $0x10, s11;
	[tilespmem:v7+s23+$0x0] =	vst.idx.msk vm1, v8  }
0x149: {  	v7 =	vld [tilespmem:s11+$0x0]  }
0x14a: {  	s14 =	sadd.s32 $0xFFFFFFFF, s14  }
.LBB2_21:
0x14b: {  	_ =	sdelay $0x2  }
0x14c: {  	(xrf1) =	vunique.msk.u32 $0xffff, v7;
	_ =	sdelay $0x9  }
0x14d: {  	v8 =	vld.idx.msk [tilespmem:v7+s23+$0x0], $0xffff;
	_ =	sdelay $0x3  }
0x14e: {  	s1 =	sadd.s32 @p1 $0x10, s6;
	_, v9, vm1 =	vpop (xrf1)  }
0x14f: {  	s0 =	smov.u32 @p1 s1;
	v8 =	vadd.s32 v9, v8  }
0x150: {  	v63 =	vld [tilespmem:s0+$0x0];
	v10 =	vadd.s32 $0xFFFFFFFF, v8;
	_ =	sdelay $0x4  }
0x151: {  	[tilespmem:v10+s3+$0x0] =	vst.idx.msk $0xffff, v63  }
0x152: {  	[tilespmem:v7+s23+$0x0] =	vst.idx.msk vm1, v8  }
.LBB2_22:
0x153: {  	v7 =	vld @!p0 [tilespmem:s8+$0x4080];
	_ =	sdelay $0x2  }
0x154: {  	v8 =	vlaneseq.u32 @!p0  }
0x155: {  	vm1 =	vgt.s32 @!p0 v6, v8  }
0x156: {  	v6 =	vnsel @!p0 vm1, $0x0, v7  }
0x157: {  	(xrf1) =	vunique.msk.u32 @!p0 vm1, v6;
	_ =	sdelay $0x2  }
0x158: {  	s0 =	sadd.s32 $0x4, s20  }
0x159: {  	s1 =	smulhi.u32 $0x66666667, s0;
	s6 =	sshra.s32 s0, $0x1F  }
0x15a: {  	s6 =	smul.u32 $0x66666667, s6;
	_ =	sdelay $0x1  }
0x15b: {  	s1 =	sadd.s32 s6, s1  }
0x15c: {  	s6 =	sshrl.u32 s1, $0x1F;
	s1 =	sshra.s32 s1, $0x1  }
0x15d: {  	s10 =	simm.s32 @!p0 $0xD280;
	s1 =	sadd.s32 s6, s1  }
0x15e: {  	s6 =	smul.u32 $0xFFFFFFFB, s1;
	v7 =	vld.idx.msk @!p0 [tilespmem:v6+s10+$0x0], $0xffff  }
0x15f: {  	s11 =	ssub.s32 $0xFFFFFFFC, s20  }
0x160: {  	p2 =	slt.s32 s0, $0x1;
	p1 =	sne.s32 s6, s11  }
0x161: {  	p1 =	por !p2, !p1  }
0x162: {  	s0 =	simm.s32 $0x1;
	p1 =	por !p1, !p1;
	_, v8, vm2 =	vpop @!p0 (xrf1)  }
0x163: {  	s0 =	simm.s32 @!p1 $0x0;
	v7 =	vadd.s32 @!p0 v7, v8  }
0x164: {  	s21 =	ssub.s32 s1, s0;
	v8 =	vld @!p0 [tilespmem:s8+$0x8080];
	v9 =	vadd.s32 @!p0 $0xFFFFFFFF, v7  }
0x165: {  	p1 =	slt.s32 s21, $0x1  }
.Ltmp14:
0x166: {  	_ = 	snop;
	(pc) =	sbr.rel @!p1 .LBB2_23-.Ltmp14, $4  }
0x167: {  	_ = 	snop  }
0x168: {  	s0 =	simm.s32 @!p0 $0x0  }
0x169: {  	[tilespmem:v9+s0+$0x0] =	vst.idx.msk @!p0 vm1, v8  }
0x16a: {  	s22 =	simm.s32 $0x0;
	s6 =	simm.s32 $0x0;
	[tilespmem:v6+s10+$0x0] =	vst.idx.msk @!p0 vm2, v7  }
.LBB2_99:
0x16b: {  	s0 =	rddreg [dreg:$0xa]  }
0x16c: {  	s0 =	ssub.s32 s0, s22  }
0x16d: {  	p0 =	slt.s32 s0, $0x1  }
.Ltmp15:
0x16e: {  	_ = 	snop;
	(pc) =	sbr.rel @p0 .LBB2_103-.Ltmp15, $2  }
0x16f: {  	_ =	sdelay $0x2  }
0x170: {  	s1 =	rddreg [dreg:$0x9]  }
0x171: {  	p0 =	sne.s32 s0, $0x1  }
.Ltmp16:
0x172: {  	_ = 	snop;
	(pc) =	sbr.rel @!p0 .LBB2_102-.Ltmp16, $3  }
0x173: {  	_ =	sdelay $0x1  }
0x174: {  	_ =	swait.ge [sflag:s26], $0x2000  }
0x175: {  	s0 =	sadd.s32 $0xFFFFFFFF, s0;
	[sflag:s26] =	ssyncset.done $0x0  }
.LBB2_101:
0x176: {  	p0 =	sne.s32 s0, $0x1;
	s0 =	sadd.s32 $0xFFFFFFFF, s0;
	[sflag:s26] =	ssyncadd.s32 $0xFFFFE000  }
.Ltmp17:
0x177: {  	(pc) =	sbr.rel @p0 .LBB2_101-.Ltmp17, $3  }
0x178: {  	_ =	sdelay $0x1  }
0x179: {  	_ =	swait.ge [sflag:s26], $0x2000  }
0x17a: {  	[sflag:s26] =	ssyncset.done $0x0  }
.Ltmp18:
0x17b: {  	_ = 	snop;
	(pc) =	sbr.rel .LBB2_102-.Ltmp18, $1  }
0x17c: {  	_ =	sdelay $0x3  }
.LBB2_95:
0x17d: {  	[sflag:s26] =	ssyncadd.s32 $0xFFFFE000  }
.LBB2_96:
0x17e: {  	p0 =	sgt.s32 s1, s22  }
0x17f: {  	s22 =	smov.u32 @p0 s1  }
.LBB2_97:
0x180: {  	s0 =	sshll.u32 s0, $0x9  }
0x181: {  	s0 =	sshra.s32 s0, $0x2  }
0x182: {  	v6 =	vld.msk [tilespmem:s0+$0xD380], $0x1;
	_ =	sdelay $0x4  }
0x183: {  	v7 =	vshll.u32 v6, $0x6  }
0x184: {  	v6 =	vand.u32 $0x7, v6;
	v7 =	vand.u32 $0xFFFFFE00, v7  }
0x185: {  	v6 =	vor.u32 v6, v7  }
0x186: {  	v6 =	vperm.xlane v6, v2;
	_ =	sdelay $0x1  }
0x187: {  	v6 =	vadd.s32 v5, v6;
	_ =	sdelay $0x3  }
0x188: {  	s10 =	rddreg [dreg:$0x0]  }
0x189: {  	[tilespmem:s30], [sflag:$0x3] =	stream.indirect_vreg.gather [hbm4b:s10+s3], $0x80, v6, vm0, $0xb8;
	[tilespmem:$0x1F680] =	vst v63  }
0x18a: {  	s11 =	rddreg [dreg:$0x6];
	s1 =	simm.s32 $0x19E80  }
0x18b: {  	[tilespmem:s1], [sflag:$0x3] =	stream.indirect_vreg.gather [hbm4b:s11+s3], $0x80, v6, vm0, $0xb8;
	[tilespmem:$0x1F680] =	vst v63  }
0x18c: {  	s14 =	rddreg [dreg:$0x7];
	s29 =	simm.s32 $0x1A680  }
0x18d: {  	[tilespmem:s29], [sflag:$0x3] =	stream.indirect_vreg.gather [hbm4b:s14+s3], $0x80, v6, vm0, $0xb8;
	[tilespmem:$0x1F680] =	vst v63  }
0x18e: {  	s31 =	simm.s32 $0x1AE80  }
0x18f: {  	[tilespmem:s31], [sflag:$0x3] =	stream.indirect_vreg.gather [hbm4b:s9+s3], $0x80, v6, vm0, $0xb8;
	[tilespmem:$0x1F680] =	vst v63  }
.LBB2_98:
0x190: {  	s6 =	sadd.s32 $0x1, s6  }
0x191: {  	p0 =	sne.s32 s6, s21  }
.Ltmp19:
0x192: {  	_ = 	snop;
	(pc) =	sbr.rel @!p0 .LBB2_99-.Ltmp19, $1  }
0x193: {  	_ =	sdelay $0x3  }
.LBB2_23:
0x194: {  	s11 =	smul.u32 $0x5, s6;
	_ =	sdelay $0x1  }
0x195: {  	p0 =	sge.s32 s11, s20  }
.Ltmp20:
0x196: {  	_ = 	snop;
	(pc) =	sbr.rel @p0 .LBB2_38-.Ltmp20, $1  }
0x197: {  	_ =	sdelay $0x3  }
0x198: {  	p0 =	sne.s32 s6, $0x0;
	s0 =	simm.s32 $0x1  }
0x199: {  	s1 =	sshra.s32 s11, $0x1F;
	s0 =	simm.s32 @!p0 $0x0  }
0x19a: {  	s10 =	sand.u32 $0x7, s11;
	s0 =	sor.u32 s0, s1  }
0x19b: {  	p1 =	sne.s32 s10, $0x0;
	p6 =	sne.s32 s0, $0x1  }
0x19c: {  	s31 =	sshrl.u32 s1, $0x1D;
	p0 =	por !p1, !p6  }
0x19d: {  	s1 =	simm.s32 $0x1;
	s0 =	sadd.s32 s31, s11;
	p0 =	por !p0, !p0  }
0x19e: {  	s0 =	sshrl.u32 s0, $0x3;
	s1 =	simm.s32 @!p0 $0x0  }
0x19f: {  	s0 =	ssub.s32 s0, s1  }
0x1a0: {  	s0 =	sshll.u32 s0, $0x3  }
0x1a1: {  	v6 =	vld [tilespmem:s0+$0x15380];
	_ =	sdelay $0x1  }
0x1a2: {  	v7 =	vld [tilespmem:s0+$0x15500];
	s0 =	ssub.s32 s11, s0  }
0x1a3: {  	v8 =	vmov s0  }
0x1a4: {  	vm1 =	veq.s32 v8, v0  }
0x1a5: {  	v6 =	vnsel vm1, $0x0, v6  }
0x1a6: {  	(xrf0) =	vadd.scan.msk.s32 $0xffff, v6;
	_ =	sdelay $0x1  }
0x1a7: {  	v6 =	vnsel vm1, $0x0, v7  }
0x1a8: {  	(xrf0) =	vadd.scan.msk.s32 $0xffff, v6;
	_ =	sdelay $0x2  }
0x1a9: {  	v6, _, _ =	vpop (xrf0)  }
0x1aa: {  	(v2sf) =	vpush v6, $0xF;
	_ =	sdelay $0x1  }
0x1ab: {  	v6, _, _ =	vpop (xrf0)  }
0x1ac: {  	(v2sf) =	vpush v6, $0xF;
	_ =	sdelay $0xb  }
0x1ad: {  	s0 =	spop (v2sf)  }
0x1ae: {  	p0 =	slt.s32 s0, $0x1  }
.Ltmp21:
0x1af: {  	_ = 	snop;
	(pc) =	sbr.rel @p0 .LBB2_30-.Ltmp21, $4  }
0x1b0: {  	s7 =	simm.s32 $0x1;
	s1 =	spop (v2sf)  }
0x1b1: {  	_ =	swait.ge [sflag:s7], $0x2000  }
0x1b2: {  	[sflag:s7] =	ssyncset.done $0x0  }
0x1b3: {  	[sflag:s7] =	ssyncadd.s32 $0xFFFFE000  }
0x1b4: {  	p1 =	sne.s32 s0, $0x1  }
.Ltmp22:
0x1b5: {  	_ = 	snop;
	(pc) =	sbr.rel @!p1 .LBB2_26-.Ltmp22, $4  }
0x1b6: {  	_ = 	snop  }
0x1b7: {  	s10 =	sshra.s32 s1, $0x1F;
	s29 =	sand.u32 $0x7, s1;
	p0 =	slt.s32 s1, $0x1  }
0x1b8: {  	s0 =	sadd.s32 $0xFFFFFFFF, s0;
	s10 =	sshrl.u32 s10, $0x1D;
	p2 =	sne.s32 s29, $0x0  }
0x1b9: {  	s14 =	sadd.s32 s10, s1;
	p2 =	por !p0, !p2;
	p0 =	por $0x0, $0x0  }
0x1ba: {  	p0 =	por !p2, !p2;
	s10 =	simm.s32 $0x1  }
0x1bb: {  	s14 =	sshrl.u32 s14, $0x3;
	s10 =	simm.s32 @!p0 $0x0  }
0x1bc: {  	s10 =	ssub.s32 s14, s10  }
0x1bd: {  	s10 =	sshll.u32 s10, $0x3  }
0x1be: {  	v6 =	vld [tilespmem:s10+$0x0];
	_ =	sdelay $0x1  }
0x1bf: {  	s10 =	ssub.s32 s1, s10  }
0x1c0: {  	v7 =	vmov s10  }
0x1c1: {  	vm1 =	veq.s32 v7, v0  }
0x1c2: {  	v6 =	vnsel vm1, $0x0, v6  }
0x1c3: {  	(xrf0) =	vadd.scan.msk.s32 $0xffff, v6;
	_ =	sdelay $0x5  }
0x1c4: {  	v6, _, _ =	vpop (xrf0)  }
0x1c5: {  	(v2sf) =	vpush v6, $0xF;
	_ =	sdelay $0x9  }
0x1c6: {  	p3 =	sne.s32 s0, $0x1  }
.Ltmp23:
0x1c7: {  	_ = 	snop;
	(pc) =	sbr.rel @!p3 .LBB2_29-.Ltmp23, $4  }
0x1c8: {  	s0 =	sadd.s32 $0xFFFFFFFF, s0;
	s1 =	sadd.s32 $0x1, s1  }
0x1c9: {  	p0 =	por $0x1, $0x1;
	s29 =	sshra.s32 s1, $0x1F;
	s31 =	sand.u32 $0x7, s1  }
0x1ca: {  	p6 =	slt.s32 s1, $0x1;
	s10 =	sshrl.u32 s29, $0x1D;
	p1 =	sne.s32 s31, $0x0  }
0x1cb: {  	s14 =	sadd.s32 s10, s1;
	p2 =	por !p6, !p1;
	s10 =	spop (v2sf)  }
.LBB2_28:
0x1cc: {  	p1 =	sne.s32 s0, $0x1  }
0x1cd: {  	s29 =	sshll.u32 s10, $0xD;
	s10 =	sshll.u32 s10, $0x7;
	p2 =	por !p2, !p2  }
0x1ce: {  	s31 =	simm.s32 $0x1;
	s29 =	sand.u32 $0xFFFF0000, s29;
	s10 =	sand.u32 $0x380, s10  }
0x1cf: {  	s14 =	sshrl.u32 s14, $0x3;
	s31 =	simm.s32 @!p2 $0x0;
	s10 =	sor.u32 s10, s29  }
0x1d0: {  	s14 =	ssub.s32 s14, s31;
	s10 =	sshrl.u32 s10, $0x3  }
0x1d1: {  	s14 =	sshll.u32 s14, $0x3;
	s10 =	sadd.s32 s2, s10  }
0x1d2: {  	[hbm4b:s10+s24] =	stream.strided.scatter [tilespmem:s19], [sflag:$0x6], $0x2000, s25, s24, $0x38;
	[tilespmem:$0x1F680] =	vst v63  }
0x1d3: {  	v6 =	vld [tilespmem:s14+$0x0];
	_ =	sdelay $0x1  }
0x1d4: {  	s10 =	ssub.s32 s1, s14  }
0x1d5: {  	v7 =	vmov s10  }
0x1d6: {  	vm1 =	veq.s32 v7, v0  }
0x1d7: {  	v6 =	vnsel vm1, $0x0, v6  }
0x1d8: {  	(xrf0) =	vadd.scan.msk.s32 $0xffff, v6;
	_ =	sdelay $0x5  }
0x1d9: {  	v6, _, _ =	vpop (xrf0)  }
0x1da: {  	(v2sf) =	vpush v6, $0xF;
	_ =	sdelay $0xa  }
.Ltmp24:
0x1db: {  	s1 =	sadd.s32 $0x1, s1;
	(pc) =	sbr.rel @p1 .LBB2_28-.Ltmp24, $4  }
0x1dc: {  	s10 =	sshra.s32 s1, $0x1F  }
0x1dd: {  	s29 =	sand.u32 $0x7, s1;
	s10 =	sshrl.u32 s10, $0x1D  }
0x1de: {  	p2 =	slt.s32 s1, $0x1;
	p3 =	sne.s32 s29, $0x0;
	s14 =	sadd.s32 s10, s1  }
0x1df: {  	s0 =	sadd.s32 $0xFFFFFFFF, s0;
	p2 =	por !p2, !p3;
	s10 =	spop (v2sf)  }
.LBB2_29:
0x1e0: {  	s0 =	sshll.u32 @p0 s10, $0xD;
	s10 =	sshll.u32 @p0 s10, $0x7;
	p1 =	por !p2, !p2  }
0x1e1: {  	s29 =	simm.s32 $0x1;
	s0 =	sand.u32 @p0 $0xFFFF0000, s0;
	s10 =	sand.u32 @p0 $0x380, s10  }
0x1e2: {  	s14 =	sshrl.u32 s14, $0x3;
	s29 =	simm.s32 @!p1 $0x0;
	s0 =	sor.u32 @p0 s10, s0  }
0x1e3: {  	s8 =	ssub.s32 s14, s29;
	s0 =	sshrl.u32 @p0 s0, $0x3  }
0x1e4: {  	s10 =	sshll.u32 s8, $0x3;
	s0 =	sadd.s32 @p0 s2, s0  }
0x1e5: {  	[hbm4b:s0+s24] =	stream.strided.scatter @p0 [tilespmem:s19], [sflag:$0x6], $0x2000, s25, s24, $0x38;
	[tilespmem:$0x1F680] =	vst v63  }
0x1e6: {  	v6 =	vld [tilespmem:s10+$0x0];
	_ =	sdelay $0x1  }
0x1e7: {  	s14 =	ssub.s32 s1, s10  }
0x1e8: {  	v7 =	vmov s14  }
0x1e9: {  	vm1 =	veq.s32 v7, v0  }
0x1ea: {  	v6 =	vnsel vm1, $0x0, v6  }
0x1eb: {  	(xrf0) =	vadd.scan.msk.s32 $0xffff, v6;
	_ =	sdelay $0x5  }
0x1ec: {  	v6, _, _ =	vpop (xrf0)  }
0x1ed: {  	(v2sf) =	vpush v6, $0xF;
	_ =	sdelay $0xe  }
0x1ee: {  	s29 =	spop (v2sf)  }
0x1ef: {  	s31 =	sshll.u32 s29, $0xD;
	s0 =	sshll.u32 s29, $0x7  }
0x1f0: {  	s1 =	sand.u32 $0xFFFF0000, s31;
	s0 =	sand.u32 $0x380, s0  }
0x1f1: {  	s0 =	sor.u32 s0, s1  }
0x1f2: {  	s0 =	sshrl.u32 s0, $0x3  }
0x1f3: {  	s0 =	sadd.s32 s2, s0  }
0x1f4: {  	[hbm4b:s0+s24] =	stream.strided.scatter [tilespmem:s19], [sflag:$0x6], $0x2000, s25, s24, $0x38;
	[tilespmem:$0x1F680] =	vst v63  }
.LBB2_30:
0x1f5: {  	s0 =	sadd.s32 $0x3, s11  }
0x1f6: {  	p0 =	sge.s32 s0, s20  }
.Ltmp25:
0x1f7: {  	_ = 	snop;
	(pc) =	sbr.rel @p0 .LBB2_38-.Ltmp25, $1  }
0x1f8: {  	_ =	sdelay $0x3  }
0x1f9: {  	p0 =	slt.s32 s11, $0x2  }
.Ltmp26:
0x1fa: {  	_ = 	snop;
	(pc) =	sbr.rel @p0 .LBB2_37-.Ltmp26, $1  }
0x1fb: {  	_ =	sdelay $0x3  }
0x1fc: {  	s1 =	sadd.s32 $0xFFFFFFFF, s11  }
0x1fd: {  	s10 =	sand.u32 $0xFFFFFFF8, s1  }
0x1fe: {  	v6 =	vld [tilespmem:s10+$0x15500];
	_ =	sdelay $0x1  }
0x1ff: {  	s1 =	sand.u32 $0x7, s1  }
0x200: {  	v7 =	vmov s1  }
0x201: {  	vm1 =	veq.s32 v7, v0  }
0x202: {  	v6 =	vnsel vm1, $0x0, v6  }
0x203: {  	(xrf0) =	vadd.scan.msk.s32 $0xffff, v6;
	_ =	sdelay $0x5  }
0x204: {  	v6, _, _ =	vpop (xrf0)  }
0x205: {  	(v2sf) =	vpush v6, $0xF;
	_ =	sdelay $0xe  }
0x206: {  	s1 =	spop (v2sf)  }
0x207: {  	s10 =	ssub.s32 s1, s22  }
0x208: {  	p0 =	slt.s32 s10, $0x1  }
.Ltmp27:
0x209: {  	_ = 	snop;
	(pc) =	sbr.rel @p0 .LBB2_36-.Ltmp27, $1  }
0x20a: {  	_ =	sdelay $0x3  }
0x20b: {  	p0 =	sne.s32 s10, $0x1  }
.Ltmp28:
0x20c: {  	_ = 	snop;
	(pc) =	sbr.rel @!p0 .LBB2_35-.Ltmp28, $3  }
0x20d: {  	_ =	sdelay $0x1  }
0x20e: {  	_ =	swait.ge [sflag:s26], $0x2000  }
0x20f: {  	s10 =	sadd.s32 $0xFFFFFFFF, s10;
	[sflag:s26] =	ssyncset.done $0x0  }
.LBB2_34:
0x210: {  	p0 =	sne.s32 s10, $0x1;
	s10 =	sadd.s32 $0xFFFFFFFF, s10;
	[sflag:s26] =	ssyncadd.s32 $0xFFFFE000  }
.Ltmp29:
0x211: {  	(pc) =	sbr.rel @p0 .LBB2_34-.Ltmp29, $3  }
0x212: {  	_ =	sdelay $0x1  }
0x213: {  	_ =	swait.ge [sflag:s26], $0x2000  }
0x214: {  	[sflag:s26] =	ssyncset.done $0x0  }
.LBB2_35:
0x215: {  	[sflag:s26] =	ssyncadd.s32 $0xFFFFE000  }
.LBB2_36:
0x216: {  	p0 =	sgt.s32 s1, s22  }
0x217: {  	s22 =	smov.u32 @p0 s1  }
.LBB2_37:
0x218: {  	s0 =	sshll.u32 s0, $0x9  }
0x219: {  	s0 =	sshra.s32 s0, $0x2  }
0x21a: {  	v6 =	vld.msk [tilespmem:s0+$0xD380], $0x1;
	_ =	sdelay $0x4  }
0x21b: {  	v7 =	vshll.u32 v6, $0x6  }
0x21c: {  	v6 =	vand.u32 $0x7, v6;
	v7 =	vand.u32 $0xFFFFFE00, v7  }
0x21d: {  	v6 =	vor.u32 v6, v7  }
0x21e: {  	v6 =	vperm.xlane v6, v2;
	_ =	sdelay $0x1  }
0x21f: {  	v6 =	vadd.s32 v5, v6;
	_ =	sdelay $0x3  }
0x220: {  	s8 =	rddreg [dreg:$0x0]  }
0x221: {  	[tilespmem:s28], [sflag:$0x4] =	stream.indirect_vreg.gather [hbm4b:s8+s3], $0x80, v6, vm0, $0xb8;
	[tilespmem:$0x1F680] =	vst v63  }
0x222: {  	s10 =	rddreg [dreg:$0x6];
	s1 =	simm.s32 $0x1BE80  }
0x223: {  	[tilespmem:s1], [sflag:$0x4] =	stream.indirect_vreg.gather [hbm4b:s10+s3], $0x80, v6, vm0, $0xb8;
	[tilespmem:$0x1F680] =	vst v63  }
0x224: {  	s14 =	rddreg [dreg:$0x7];
	s29 =	simm.s32 $0x1C680  }
0x225: {  	[tilespmem:s29], [sflag:$0x4] =	stream.indirect_vreg.gather [hbm4b:s14+s3], $0x80, v6, vm0, $0xb8;
	[tilespmem:$0x1F680] =	vst v63  }
0x226: {  	s31 =	simm.s32 $0x1CE80  }
0x227: {  	[tilespmem:s31], [sflag:$0x4] =	stream.indirect_vreg.gather [hbm4b:s9+s3], $0x80, v6, vm0, $0xb8;
	[tilespmem:$0x1F680] =	vst v63  }
.LBB2_38:
0x228: {  	s1 =	sadd.s32 $0x1, s11  }
0x229: {  	p0 =	sge.s32 s1, s20  }
.Ltmp30:
0x22a: {  	_ = 	snop;
	(pc) =	sbr.rel @p0 .LBB2_53-.Ltmp30, $1  }
0x22b: {  	_ =	sdelay $0x3  }
0x22c: {  	p0 =	slt.u32 s6, $0x1999999A;
	s0 =	simm.s32 $0x1  }
0x22d: {  	s10 =	sshra.s32 s1, $0x1F;
	s0 =	simm.s32 @!p0 $0x0  }
0x22e: {  	s14 =	sand.u32 $0x7, s1;
	s0 =	sadd.s32 s0, s10  }
0x22f: {  	p1 =	sne.s32 s14, $0x0;
	p6 =	sne.s32 s0, $0x1  }
0x230: {  	s31 =	sshrl.u32 s10, $0x1D;
	p0 =	por !p1, !p6  }
0x231: {  	s10 =	simm.s32 $0x1;
	s0 =	sadd.s32 s31, s1;
	p0 =	por !p0, !p0  }
0x232: {  	s0 =	sshrl.u32 s0, $0x3;
	s10 =	simm.s32 @!p0 $0x0  }
0x233: {  	s0 =	ssub.s32 s0, s10  }
0x234: {  	s0 =	sshll.u32 s0, $0x3  }
0x235: {  	v6 =	vld [tilespmem:s0+$0x15380];
	_ =	sdelay $0x1  }
0x236: {  	v7 =	vld [tilespmem:s0+$0x15500];
	s0 =	ssub.s32 s1, s0  }
0x237: {  	v8 =	vmov s0  }
0x238: {  	vm1 =	veq.s32 v8, v0  }
0x239: {  	v6 =	vnsel vm1, $0x0, v6  }
0x23a: {  	(xrf0) =	vadd.scan.msk.s32 $0xffff, v6;
	_ =	sdelay $0x1  }
0x23b: {  	v6 =	vnsel vm1, $0x0, v7  }
0x23c: {  	(xrf0) =	vadd.scan.msk.s32 $0xffff, v6;
	_ =	sdelay $0x2  }
0x23d: {  	v6, _, _ =	vpop (xrf0)  }
0x23e: {  	(v2sf) =	vpush v6, $0xF;
	_ =	sdelay $0x1  }
0x23f: {  	v6, _, _ =	vpop (xrf0)  }
0x240: {  	(v2sf) =	vpush v6, $0xF;
	_ =	sdelay $0xb  }
0x241: {  	s0 =	spop (v2sf)  }
0x242: {  	p0 =	slt.s32 s0, $0x1  }
.Ltmp31:
0x243: {  	_ = 	snop;
	(pc) =	sbr.rel @p0 .LBB2_45-.Ltmp31, $4  }
0x244: {  	s7 =	simm.s32 $0x2;
	s14 =	spop (v2sf)  }
0x245: {  	_ =	swait.ge [sflag:s7], $0x2000  }
0x246: {  	[sflag:s7] =	ssyncset.done $0x0  }
0x247: {  	[sflag:s7] =	ssyncadd.s32 $0xFFFFE000  }
0x248: {  	p1 =	sne.s32 s0, $0x1  }
.Ltmp32:
0x249: {  	_ = 	snop;
	(pc) =	sbr.rel @!p1 .LBB2_41-.Ltmp32, $4  }
0x24a: {  	_ = 	snop  }
0x24b: {  	s10 =	sshra.s32 s14, $0x1F;
	s31 =	sand.u32 $0x7, s14;
	p0 =	slt.s32 s14, $0x1  }
0x24c: {  	s0 =	sadd.s32 $0xFFFFFFFF, s0;
	s10 =	sshrl.u32 s10, $0x1D;
	p2 =	sne.s32 s31, $0x0  }
0x24d: {  	s29 =	sadd.s32 s10, s14;
	p2 =	por !p0, !p2;
	p0 =	por $0x0, $0x0  }
0x24e: {  	p0 =	por !p2, !p2;
	s10 =	simm.s32 $0x1  }
0x24f: {  	s29 =	sshrl.u32 s29, $0x3;
	s10 =	simm.s32 @!p0 $0x0  }
0x250: {  	s10 =	ssub.s32 s29, s10  }
0x251: {  	s10 =	sshll.u32 s10, $0x3  }
0x252: {  	v6 =	vld [tilespmem:s10+$0x0];
	_ =	sdelay $0x1  }
0x253: {  	s10 =	ssub.s32 s14, s10  }
0x254: {  	v7 =	vmov s10  }
0x255: {  	vm1 =	veq.s32 v7, v0  }
0x256: {  	v6 =	vnsel vm1, $0x0, v6  }
0x257: {  	(xrf0) =	vadd.scan.msk.s32 $0xffff, v6;
	_ =	sdelay $0x5  }
0x258: {  	v6, _, _ =	vpop (xrf0)  }
0x259: {  	(v2sf) =	vpush v6, $0xF;
	_ =	sdelay $0x9  }
0x25a: {  	p3 =	sne.s32 s0, $0x1  }
.Ltmp33:
0x25b: {  	_ = 	snop;
	(pc) =	sbr.rel @!p3 .LBB2_44-.Ltmp33, $4  }
0x25c: {  	s0 =	sadd.s32 $0xFFFFFFFF, s0;
	s14 =	sadd.s32 $0x1, s14  }
0x25d: {  	p0 =	por $0x1, $0x1;
	s31 =	sshra.s32 s14, $0x1F;
	s29 =	sand.u32 $0x7, s14  }
0x25e: {  	p6 =	slt.s32 s14, $0x1;
	s10 =	sshrl.u32 s31, $0x1D;
	p1 =	sne.s32 s29, $0x0  }
0x25f: {  	s29 =	sadd.s32 s10, s14;
	p2 =	por !p6, !p1;
	s10 =	spop (v2sf)  }
.LBB2_43:
0x260: {  	p1 =	sne.s32 s0, $0x1  }
0x261: {  	s31 =	sshll.u32 s10, $0xD;
	s10 =	sshll.u32 s10, $0x7;
	p2 =	por !p2, !p2  }
0x262: {  	s7 =	simm.s32 $0x1;
	s31 =	sand.u32 $0xFFFF0000, s31;
	s10 =	sand.u32 $0x380, s10  }
0x263: {  	s29 =	sshrl.u32 s29, $0x3;
	s7 =	simm.s32 @!p2 $0x0;
	s10 =	sor.u32 s10, s31  }
0x264: {  	s7 =	ssub.s32 s29, s7;
	s10 =	sshrl.u32 s10, $0x3  }
0x265: {  	s7 =	sshll.u32 s7, $0x3;
	s10 =	sadd.s32 s2, s10  }
0x266: {  	[hbm4b:s10+s24] =	stream.strided.scatter [tilespmem:s4], [sflag:$0x6], $0x2000, s25, s24, $0x38;
	[tilespmem:$0x1F680] =	vst v63  }
0x267: {  	v6 =	vld [tilespmem:s7+$0x0];
	_ =	sdelay $0x1  }
0x268: {  	s7 =	ssub.s32 s14, s7  }
0x269: {  	v7 =	vmov s7  }
0x26a: {  	vm1 =	veq.s32 v7, v0  }
0x26b: {  	v6 =	vnsel vm1, $0x0, v6  }
0x26c: {  	(xrf0) =	vadd.scan.msk.s32 $0xffff, v6;
	_ =	sdelay $0x5  }
0x26d: {  	v6, _, _ =	vpop (xrf0)  }
0x26e: {  	(v2sf) =	vpush v6, $0xF;
	_ =	sdelay $0xa  }
.Ltmp34:
0x26f: {  	s14 =	sadd.s32 $0x1, s14;
	(pc) =	sbr.rel @p1 .LBB2_43-.Ltmp34, $4  }
0x270: {  	s7 =	sshra.s32 s14, $0x1F  }
0x271: {  	s10 =	sand.u32 $0x7, s14;
	s7 =	sshrl.u32 s7, $0x1D  }
0x272: {  	p2 =	slt.s32 s14, $0x1;
	p3 =	sne.s32 s10, $0x0;
	s29 =	sadd.s32 s7, s14  }
0x273: {  	s0 =	sadd.s32 $0xFFFFFFFF, s0;
	p2 =	por !p2, !p3;
	s10 =	spop (v2sf)  }
.LBB2_44:
0x274: {  	s0 =	sshll.u32 @p0 s10, $0xD;
	s7 =	sshll.u32 @p0 s10, $0x7;
	p1 =	por !p2, !p2  }
0x275: {  	s10 =	simm.s32 $0x1;
	s0 =	sand.u32 @p0 $0xFFFF0000, s0;
	s7 =	sand.u32 @p0 $0x380, s7  }
0x276: {  	s29 =	sshrl.u32 s29, $0x3;
	s10 =	simm.s32 @!p1 $0x0;
	s0 =	sor.u32 @p0 s7, s0  }
0x277: {  	s10 =	ssub.s32 s29, s10;
	s0 =	sshrl.u32 @p0 s0, $0x3  }
0x278: {  	s7 =	sshll.u32 s10, $0x3;
	s0 =	sadd.s32 @p0 s2, s0  }
0x279: {  	[hbm4b:s0+s24] =	stream.strided.scatter @p0 [tilespmem:s4], [sflag:$0x6], $0x2000, s25, s24, $0x38;
	[tilespmem:$0x1F680] =	vst v63  }
0x27a: {  	v6 =	vld [tilespmem:s7+$0x0];
	_ =	sdelay $0x1  }
0x27b: {  	s14 =	ssub.s32 s14, s7  }
0x27c: {  	v7 =	vmov s14  }
0x27d: {  	vm1 =	veq.s32 v7, v0  }
0x27e: {  	v6 =	vnsel vm1, $0x0, v6  }
0x27f: {  	(xrf0) =	vadd.scan.msk.s32 $0xffff, v6;
	_ =	sdelay $0x5  }
0x280: {  	v6, _, _ =	vpop (xrf0)  }
0x281: {  	(v2sf) =	vpush v6, $0xF;
	_ =	sdelay $0xe  }
0x282: {  	s29 =	spop (v2sf)  }
0x283: {  	s31 =	sshll.u32 s29, $0xD;
	s0 =	sshll.u32 s29, $0x7  }
0x284: {  	s7 =	sand.u32 $0xFFFF0000, s31;
	s0 =	sand.u32 $0x380, s0  }
0x285: {  	s0 =	sor.u32 s0, s7  }
0x286: {  	s0 =	sshrl.u32 s0, $0x3  }
0x287: {  	s0 =	sadd.s32 s2, s0  }
0x288: {  	[hbm4b:s0+s24] =	stream.strided.scatter [tilespmem:s4], [sflag:$0x6], $0x2000, s25, s24, $0x38;
	[tilespmem:$0x1F680] =	vst v63  }
.LBB2_45:
0x289: {  	s0 =	sadd.s32 $0x4, s11  }
0x28a: {  	p0 =	sge.s32 s0, s20  }
.Ltmp35:
0x28b: {  	_ = 	snop;
	(pc) =	sbr.rel @p0 .LBB2_53-.Ltmp35, $1  }
0x28c: {  	_ =	sdelay $0x3  }
0x28d: {  	p0 =	slt.s32 s1, $0x2  }
.Ltmp36:
0x28e: {  	_ = 	snop;
	(pc) =	sbr.rel @p0 .LBB2_52-.Ltmp36, $1  }
0x28f: {  	_ =	sdelay $0x3  }
0x290: {  	s7 =	sand.u32 $0x7FFFFFF8, s11  }
0x291: {  	v6 =	vld [tilespmem:s7+$0x15500];
	_ =	sdelay $0x1  }
0x292: {  	s31 =	sand.u32 $0x7, s11  }
0x293: {  	v7 =	vmov s31  }
0x294: {  	vm1 =	veq.s32 v7, v0  }
0x295: {  	v6 =	vnsel vm1, $0x0, v6  }
0x296: {  	(xrf0) =	vadd.scan.msk.s32 $0xffff, v6;
	_ =	sdelay $0x5  }
0x297: {  	v6, _, _ =	vpop (xrf0)  }
0x298: {  	(v2sf) =	vpush v6, $0xF;
	_ =	sdelay $0xe  }
0x299: {  	s14 =	spop (v2sf)  }
0x29a: {  	s10 =	ssub.s32 s14, s22  }
0x29b: {  	p0 =	slt.s32 s10, $0x1  }
.Ltmp37:
0x29c: {  	_ = 	snop;
	(pc) =	sbr.rel @p0 .LBB2_51-.Ltmp37, $1  }
0x29d: {  	_ =	sdelay $0x3  }
0x29e: {  	p0 =	sne.s32 s10, $0x1  }
.Ltmp38:
0x29f: {  	_ = 	snop;
	(pc) =	sbr.rel @!p0 .LBB2_50-.Ltmp38, $3  }
0x2a0: {  	_ =	sdelay $0x1  }
0x2a1: {  	_ =	swait.ge [sflag:s26], $0x2000  }
0x2a2: {  	s10 =	sadd.s32 $0xFFFFFFFF, s10;
	[sflag:s26] =	ssyncset.done $0x0  }
.LBB2_49:
0x2a3: {  	p0 =	sne.s32 s10, $0x1;
	s10 =	sadd.s32 $0xFFFFFFFF, s10;
	[sflag:s26] =	ssyncadd.s32 $0xFFFFE000  }
.Ltmp39:
0x2a4: {  	(pc) =	sbr.rel @p0 .LBB2_49-.Ltmp39, $3  }
0x2a5: {  	_ =	sdelay $0x1  }
0x2a6: {  	_ =	swait.ge [sflag:s26], $0x2000  }
0x2a7: {  	[sflag:s26] =	ssyncset.done $0x0  }
.LBB2_50:
0x2a8: {  	[sflag:s26] =	ssyncadd.s32 $0xFFFFE000  }
.LBB2_51:
0x2a9: {  	p0 =	sgt.s32 s14, s22  }
0x2aa: {  	s22 =	smov.u32 @p0 s14  }
.LBB2_52:
0x2ab: {  	s0 =	sshll.u32 s0, $0x9  }
0x2ac: {  	s0 =	sshra.s32 s0, $0x2  }
0x2ad: {  	v6 =	vld.msk [tilespmem:s0+$0xD380], $0x1;
	_ =	sdelay $0x4  }
0x2ae: {  	v7 =	vshll.u32 v6, $0x6  }
0x2af: {  	v6 =	vand.u32 $0x7, v6;
	v7 =	vand.u32 $0xFFFFFE00, v7  }
0x2b0: {  	v6 =	vor.u32 v6, v7  }
0x2b1: {  	v6 =	vperm.xlane v6, v2;
	_ =	sdelay $0x1  }
0x2b2: {  	v6 =	vadd.s32 v5, v6;
	_ =	sdelay $0x3  }
0x2b3: {  	s8 =	rddreg [dreg:$0x0]  }
0x2b4: {  	[tilespmem:s5], [sflag:$0x5] =	stream.indirect_vreg.gather [hbm4b:s8+s3], $0x80, v6, vm0, $0xb8;
	[tilespmem:$0x1F680] =	vst v63  }
0x2b5: {  	s10 =	rddreg [dreg:$0x6];
	s7 =	simm.s32 $0x1DE80  }
0x2b6: {  	[tilespmem:s7], [sflag:$0x5] =	stream.indirect_vreg.gather [hbm4b:s10+s3], $0x80, v6, vm0, $0xb8;
	[tilespmem:$0x1F680] =	vst v63  }
0x2b7: {  	s14 =	rddreg [dreg:$0x7];
	s29 =	simm.s32 $0x1E680  }
0x2b8: {  	[tilespmem:s29], [sflag:$0x5] =	stream.indirect_vreg.gather [hbm4b:s14+s3], $0x80, v6, vm0, $0xb8;
	[tilespmem:$0x1F680] =	vst v63  }
0x2b9: {  	s31 =	simm.s32 $0x1EE80  }
0x2ba: {  	[tilespmem:s31], [sflag:$0x5] =	stream.indirect_vreg.gather [hbm4b:s9+s3], $0x80, v6, vm0, $0xb8;
	[tilespmem:$0x1F680] =	vst v63  }
.LBB2_53:
0x2bb: {  	s14 =	sadd.s32 $0x2, s11  }
0x2bc: {  	p0 =	sge.s32 s14, s20  }
.Ltmp40:
0x2bd: {  	_ = 	snop;
	(pc) =	sbr.rel @p0 .LBB2_68-.Ltmp40, $1  }
0x2be: {  	_ =	sdelay $0x3  }
0x2bf: {  	s0 =	sand.u32 $0x7, s14  }
0x2c0: {  	s7 =	sshra.s32 s14, $0x1F;
	p0 =	slt.s32 s14, $0x1;
	p1 =	sne.s32 s0, $0x0  }
0x2c1: {  	s29 =	sshrl.u32 s7, $0x1D;
	p0 =	por !p0, !p1  }
0x2c2: {  	s7 =	simm.s32 $0x1;
	s0 =	sadd.s32 s29, s14;
	p0 =	por !p0, !p0  }
0x2c3: {  	s0 =	sshrl.u32 s0, $0x3;
	s7 =	simm.s32 @!p0 $0x0  }
0x2c4: {  	s0 =	ssub.s32 s0, s7  }
0x2c5: {  	s0 =	sshll.u32 s0, $0x3  }
0x2c6: {  	v6 =	vld [tilespmem:s0+$0x15380];
	_ =	sdelay $0x1  }
0x2c7: {  	v7 =	vld [tilespmem:s0+$0x15500];
	s0 =	ssub.s32 s14, s0  }
0x2c8: {  	v8 =	vmov s0  }
0x2c9: {  	vm1 =	veq.s32 v8, v0  }
0x2ca: {  	v6 =	vnsel vm1, $0x0, v6  }
0x2cb: {  	(xrf0) =	vadd.scan.msk.s32 $0xffff, v6;
	_ =	sdelay $0x1  }
0x2cc: {  	v6 =	vnsel vm1, $0x0, v7  }
0x2cd: {  	(xrf0) =	vadd.scan.msk.s32 $0xffff, v6;
	_ =	sdelay $0x2  }
0x2ce: {  	v6, _, _ =	vpop (xrf0)  }
0x2cf: {  	(v2sf) =	vpush v6, $0xF;
	_ =	sdelay $0x1  }
0x2d0: {  	v6, _, _ =	vpop (xrf0)  }
0x2d1: {  	(v2sf) =	vpush v6, $0xF;
	_ =	sdelay $0xb  }
0x2d2: {  	s10 =	spop (v2sf)  }
0x2d3: {  	p0 =	slt.s32 s10, $0x1  }
.Ltmp41:
0x2d4: {  	_ = 	snop;
	(pc) =	sbr.rel @p0 .LBB2_60-.Ltmp41, $4  }
0x2d5: {  	s31 =	simm.s32 $0x3;
	s0 =	spop (v2sf)  }
0x2d6: {  	_ =	swait.ge [sflag:s31], $0x2000  }
0x2d7: {  	[sflag:s31] =	ssyncset.done $0x0  }
0x2d8: {  	[sflag:s31] =	ssyncadd.s32 $0xFFFFE000  }
0x2d9: {  	p1 =	sne.s32 s10, $0x1  }
.Ltmp42:
0x2da: {  	_ = 	snop;
	(pc) =	sbr.rel @!p1 .LBB2_56-.Ltmp42, $4  }
0x2db: {  	_ = 	snop  }
0x2dc: {  	s7 =	sshra.s32 s0, $0x1F;
	s29 =	sand.u32 $0x7, s0;
	p0 =	slt.s32 s0, $0x1  }
0x2dd: {  	s7 =	sshrl.u32 s7, $0x1D;
	p2 =	sne.s32 s29, $0x0;
	s29 =	sadd.s32 $0xFFFFFFFF, s10  }
0x2de: {  	s31 =	sadd.s32 s7, s0;
	p2 =	por !p0, !p2;
	p0 =	por $0x0, $0x0  }
0x2df: {  	p0 =	por !p2, !p2;
	s7 =	simm.s32 $0x1  }
0x2e0: {  	s10 =	sshrl.u32 s31, $0x3;
	s7 =	simm.s32 @!p0 $0x0  }
0x2e1: {  	s7 =	ssub.s32 s10, s7  }
0x2e2: {  	s7 =	sshll.u32 s7, $0x3  }
0x2e3: {  	v6 =	vld [tilespmem:s7+$0x0];
	_ =	sdelay $0x1  }
0x2e4: {  	s7 =	ssub.s32 s0, s7  }
0x2e5: {  	v7 =	vmov s7  }
0x2e6: {  	vm1 =	veq.s32 v7, v0  }
0x2e7: {  	v6 =	vnsel vm1, $0x0, v6  }
0x2e8: {  	(xrf0) =	vadd.scan.msk.s32 $0xffff, v6;
	_ =	sdelay $0x5  }
0x2e9: {  	v6, _, _ =	vpop (xrf0)  }
0x2ea: {  	(v2sf) =	vpush v6, $0xF;
	_ =	sdelay $0x9  }
0x2eb: {  	p3 =	sne.s32 s29, $0x1  }
.Ltmp43:
0x2ec: {  	_ = 	snop;
	(pc) =	sbr.rel @!p3 .LBB2_59-.Ltmp43, $4  }
0x2ed: {  	s29 =	sadd.s32 $0xFFFFFFFF, s29;
	s0 =	sadd.s32 $0x1, s0  }
0x2ee: {  	p0 =	por $0x1, $0x1;
	s10 =	sshra.s32 s0, $0x1F;
	s8 =	sand.u32 $0x7, s0  }
0x2ef: {  	p6 =	slt.s32 s0, $0x1;
	s7 =	sshrl.u32 s10, $0x1D;
	p1 =	sne.s32 s8, $0x0  }
0x2f0: {  	s31 =	sadd.s32 s7, s0;
	p2 =	por !p6, !p1;
	s10 =	spop (v2sf)  }
.LBB2_58:
0x2f1: {  	p1 =	sne.s32 s29, $0x1  }
0x2f2: {  	s7 =	sshll.u32 s10, $0xD;
	s10 =	sshll.u32 s10, $0x7;
	p2 =	por !p2, !p2  }
0x2f3: {  	s8 =	simm.s32 $0x1;
	s7 =	sand.u32 $0xFFFF0000, s7;
	s10 =	sand.u32 $0x380, s10  }
0x2f4: {  	s31 =	sshrl.u32 s31, $0x3;
	s8 =	simm.s32 @!p2 $0x0;
	s7 =	sor.u32 s10, s7  }
0x2f5: {  	s8 =	ssub.s32 s31, s8;
	s7 =	sshrl.u32 s7, $0x3  }
0x2f6: {  	s8 =	sshll.u32 s8, $0x3;
	s7 =	sadd.s32 s2, s7  }
0x2f7: {  	[hbm4b:s7+s24] =	stream.strided.scatter [tilespmem:s30], [sflag:$0x6], $0x2000, s25, s24, $0x38;
	[tilespmem:$0x1F680] =	vst v63  }
0x2f8: {  	v6 =	vld [tilespmem:s8+$0x0];
	_ =	sdelay $0x1  }
0x2f9: {  	s7 =	ssub.s32 s0, s8  }
0x2fa: {  	v7 =	vmov s7  }
0x2fb: {  	vm1 =	veq.s32 v7, v0  }
0x2fc: {  	v6 =	vnsel vm1, $0x0, v6  }
0x2fd: {  	(xrf0) =	vadd.scan.msk.s32 $0xffff, v6;
	_ =	sdelay $0x5  }
0x2fe: {  	v6, _, _ =	vpop (xrf0)  }
0x2ff: {  	(v2sf) =	vpush v6, $0xF;
	_ =	sdelay $0xa  }
.Ltmp44:
0x300: {  	s0 =	sadd.s32 $0x1, s0;
	(pc) =	sbr.rel @p1 .LBB2_58-.Ltmp44, $4  }
0x301: {  	s7 =	sshra.s32 s0, $0x1F  }
0x302: {  	s8 =	sand.u32 $0x7, s0;
	s7 =	sshrl.u32 s7, $0x1D  }
0x303: {  	p2 =	slt.s32 s0, $0x1;
	p3 =	sne.s32 s8, $0x0;
	s31 =	sadd.s32 s7, s0  }
0x304: {  	s29 =	sadd.s32 $0xFFFFFFFF, s29;
	p2 =	por !p2, !p3;
	s10 =	spop (v2sf)  }
.LBB2_59:
0x305: {  	s7 =	sshll.u32 @p0 s10, $0xD;
	s8 =	sshll.u32 @p0 s10, $0x7;
	p1 =	por !p2, !p2  }
0x306: {  	s10 =	simm.s32 $0x1;
	s7 =	sand.u32 @p0 $0xFFFF0000, s7;
	s8 =	sand.u32 @p0 $0x380, s8  }
0x307: {  	s29 =	sshrl.u32 s31, $0x3;
	s10 =	simm.s32 @!p1 $0x0;
	s7 =	sor.u32 @p0 s8, s7  }
0x308: {  	s10 =	ssub.s32 s29, s10;
	s7 =	sshrl.u32 @p0 s7, $0x3  }
0x309: {  	s8 =	sshll.u32 s10, $0x3;
	s7 =	sadd.s32 @p0 s2, s7  }
0x30a: {  	[hbm4b:s7+s24] =	stream.strided.scatter @p0 [tilespmem:s30], [sflag:$0x6], $0x2000, s25, s24, $0x38;
	[tilespmem:$0x1F680] =	vst v63  }
0x30b: {  	v6 =	vld [tilespmem:s8+$0x0];
	_ =	sdelay $0x1  }
0x30c: {  	s0 =	ssub.s32 s0, s8  }
0x30d: {  	v7 =	vmov s0  }
0x30e: {  	vm1 =	veq.s32 v7, v0  }
0x30f: {  	v6 =	vnsel vm1, $0x0, v6  }
0x310: {  	(xrf0) =	vadd.scan.msk.s32 $0xffff, v6;
	_ =	sdelay $0x5  }
0x311: {  	v6, _, _ =	vpop (xrf0)  }
0x312: {  	(v2sf) =	vpush v6, $0xF;
	_ =	sdelay $0xe  }
0x313: {  	s29 =	spop (v2sf)  }
0x314: {  	s31 =	sshll.u32 s29, $0xD;
	s0 =	sshll.u32 s29, $0x7  }
0x315: {  	s7 =	sand.u32 $0xFFFF0000, s31;
	s0 =	sand.u32 $0x380, s0  }
0x316: {  	s0 =	sor.u32 s0, s7  }
0x317: {  	s0 =	sshrl.u32 s0, $0x3  }
0x318: {  	s0 =	sadd.s32 s2, s0  }
0x319: {  	[hbm4b:s0+s24] =	stream.strided.scatter [tilespmem:s30], [sflag:$0x6], $0x2000, s25, s24, $0x38;
	[tilespmem:$0x1F680] =	vst v63  }
.LBB2_60:
0x31a: {  	s0 =	sadd.s32 $0x5, s11  }
0x31b: {  	p0 =	sge.s32 s0, s20  }
.Ltmp45:
0x31c: {  	_ = 	snop;
	(pc) =	sbr.rel @p0 .LBB2_68-.Ltmp45, $1  }
0x31d: {  	_ =	sdelay $0x3  }
0x31e: {  	p0 =	sgt.u32 s6, $0x19999999  }
.Ltmp46:
0x31f: {  	_ = 	snop;
	(pc) =	sbr.rel @p0 .LBB2_67-.Ltmp46, $1  }
0x320: {  	_ =	sdelay $0x3  }
0x321: {  	s7 =	sand.u32 $0xFFFFFFF8, s1  }
0x322: {  	v6 =	vld [tilespmem:s7+$0x15500];
	_ =	sdelay $0x1  }
0x323: {  	s31 =	sand.u32 $0x7, s1  }
0x324: {  	v7 =	vmov s31  }
0x325: {  	vm1 =	veq.s32 v7, v0  }
0x326: {  	v6 =	vnsel vm1, $0x0, v6  }
0x327: {  	(xrf0) =	vadd.scan.msk.s32 $0xffff, v6;
	_ =	sdelay $0x5  }
0x328: {  	v6, _, _ =	vpop (xrf0)  }
0x329: {  	(v2sf) =	vpush v6, $0xF;
	_ =	sdelay $0xe  }
0x32a: {  	s1 =	spop (v2sf)  }
0x32b: {  	s10 =	ssub.s32 s1, s22  }
0x32c: {  	p0 =	slt.s32 s10, $0x1  }
.Ltmp47:
0x32d: {  	_ = 	snop;
	(pc) =	sbr.rel @p0 .LBB2_66-.Ltmp47, $1  }
0x32e: {  	_ =	sdelay $0x3  }
0x32f: {  	p0 =	sne.s32 s10, $0x1  }
.Ltmp48:
0x330: {  	_ = 	snop;
	(pc) =	sbr.rel @!p0 .LBB2_65-.Ltmp48, $3  }
0x331: {  	_ =	sdelay $0x1  }
0x332: {  	_ =	swait.ge [sflag:s26], $0x2000  }
0x333: {  	s10 =	sadd.s32 $0xFFFFFFFF, s10;
	[sflag:s26] =	ssyncset.done $0x0  }
.LBB2_64:
0x334: {  	p0 =	sne.s32 s10, $0x1;
	s10 =	sadd.s32 $0xFFFFFFFF, s10;
	[sflag:s26] =	ssyncadd.s32 $0xFFFFE000  }
.Ltmp49:
0x335: {  	(pc) =	sbr.rel @p0 .LBB2_64-.Ltmp49, $3  }
0x336: {  	_ =	sdelay $0x1  }
0x337: {  	_ =	swait.ge [sflag:s26], $0x2000  }
0x338: {  	[sflag:s26] =	ssyncset.done $0x0  }
.LBB2_65:
0x339: {  	[sflag:s26] =	ssyncadd.s32 $0xFFFFE000  }
.LBB2_66:
0x33a: {  	p0 =	sgt.s32 s1, s22  }
0x33b: {  	s22 =	smov.u32 @p0 s1  }
.LBB2_67:
0x33c: {  	s0 =	sshll.u32 s0, $0x9  }
0x33d: {  	s0 =	sshra.s32 s0, $0x2  }
0x33e: {  	v6 =	vld.msk [tilespmem:s0+$0xD380], $0x1;
	_ =	sdelay $0x4  }
0x33f: {  	v7 =	vshll.u32 v6, $0x6  }
0x340: {  	v6 =	vand.u32 $0x7, v6;
	v7 =	vand.u32 $0xFFFFFE00, v7  }
0x341: {  	v6 =	vor.u32 v6, v7  }
0x342: {  	v6 =	vperm.xlane v6, v2;
	_ =	sdelay $0x1  }
0x343: {  	v6 =	vadd.s32 v5, v6;
	_ =	sdelay $0x3  }
0x344: {  	s7 =	rddreg [dreg:$0x0]  }
0x345: {  	[tilespmem:s19], [sflag:$0x1] =	stream.indirect_vreg.gather [hbm4b:s7+s3], $0x80, v6, vm0, $0xb8;
	[tilespmem:$0x1F680] =	vst v63  }
0x346: {  	s8 =	rddreg [dreg:$0x6];
	s1 =	simm.s32 $0x15E80  }
0x347: {  	[tilespmem:s1], [sflag:$0x1] =	stream.indirect_vreg.gather [hbm4b:s8+s3], $0x80, v6, vm0, $0xb8;
	[tilespmem:$0x1F680] =	vst v63  }
0x348: {  	s10 =	rddreg [dreg:$0x7];
	s29 =	simm.s32 $0x16680  }
0x349: {  	[tilespmem:s29], [sflag:$0x1] =	stream.indirect_vreg.gather [hbm4b:s10+s3], $0x80, v6, vm0, $0xb8;
	[tilespmem:$0x1F680] =	vst v63  }
0x34a: {  	s31 =	simm.s32 $0x16E80  }
0x34b: {  	[tilespmem:s31], [sflag:$0x1] =	stream.indirect_vreg.gather [hbm4b:s9+s3], $0x80, v6, vm0, $0xb8;
	[tilespmem:$0x1F680] =	vst v63  }
.LBB2_68:
0x34c: {  	s1 =	sadd.s32 $0x3, s11  }
0x34d: {  	p0 =	sge.s32 s1, s20  }
.Ltmp50:
0x34e: {  	_ = 	snop;
	(pc) =	sbr.rel @p0 .LBB2_83-.Ltmp50, $1  }
0x34f: {  	_ =	sdelay $0x3  }
0x350: {  	s0 =	sand.u32 $0x7, s1  }
0x351: {  	s7 =	sshra.s32 s1, $0x1F;
	p0 =	slt.s32 s1, $0x1;
	p1 =	sne.s32 s0, $0x0  }
0x352: {  	s29 =	sshrl.u32 s7, $0x1D;
	p0 =	por !p0, !p1  }
0x353: {  	s7 =	simm.s32 $0x1;
	s0 =	sadd.s32 s29, s1;
	p0 =	por !p0, !p0  }
0x354: {  	s0 =	sshrl.u32 s0, $0x3;
	s7 =	simm.s32 @!p0 $0x0  }
0x355: {  	s0 =	ssub.s32 s0, s7  }
0x356: {  	s0 =	sshll.u32 s0, $0x3  }
0x357: {  	v6 =	vld [tilespmem:s0+$0x15380];
	_ =	sdelay $0x1  }
0x358: {  	v7 =	vld [tilespmem:s0+$0x15500];
	s0 =	ssub.s32 s1, s0  }
0x359: {  	v8 =	vmov s0  }
0x35a: {  	vm1 =	veq.s32 v8, v0  }
0x35b: {  	v6 =	vnsel vm1, $0x0, v6  }
0x35c: {  	(xrf0) =	vadd.scan.msk.s32 $0xffff, v6;
	_ =	sdelay $0x1  }
0x35d: {  	v6 =	vnsel vm1, $0x0, v7  }
0x35e: {  	(xrf0) =	vadd.scan.msk.s32 $0xffff, v6;
	_ =	sdelay $0x2  }
0x35f: {  	v6, _, _ =	vpop (xrf0)  }
0x360: {  	(v2sf) =	vpush v6, $0xF;
	_ =	sdelay $0x1  }
0x361: {  	v6, _, _ =	vpop (xrf0)  }
0x362: {  	(v2sf) =	vpush v6, $0xF;
	_ =	sdelay $0xb  }
0x363: {  	s10 =	spop (v2sf)  }
0x364: {  	p0 =	slt.s32 s10, $0x1  }
.Ltmp51:
0x365: {  	_ = 	snop;
	(pc) =	sbr.rel @p0 .LBB2_75-.Ltmp51, $4  }
0x366: {  	s31 =	simm.s32 $0x4;
	s0 =	spop (v2sf)  }
0x367: {  	_ =	swait.ge [sflag:s31], $0x2000  }
0x368: {  	[sflag:s31] =	ssyncset.done $0x0  }
0x369: {  	[sflag:s31] =	ssyncadd.s32 $0xFFFFE000  }
0x36a: {  	p1 =	sne.s32 s10, $0x1  }
.Ltmp52:
0x36b: {  	_ = 	snop;
	(pc) =	sbr.rel @!p1 .LBB2_71-.Ltmp52, $4  }
0x36c: {  	_ = 	snop  }
0x36d: {  	s7 =	sshra.s32 s0, $0x1F;
	s8 =	sand.u32 $0x7, s0;
	p0 =	slt.s32 s0, $0x1  }
0x36e: {  	s29 =	sadd.s32 $0xFFFFFFFF, s10;
	s7 =	sshrl.u32 s7, $0x1D;
	p2 =	sne.s32 s8, $0x0  }
0x36f: {  	s31 =	sadd.s32 s7, s0;
	p2 =	por !p0, !p2;
	p0 =	por $0x0, $0x0  }
0x370: {  	p0 =	por !p2, !p2;
	s7 =	simm.s32 $0x1  }
0x371: {  	s8 =	sshrl.u32 s31, $0x3;
	s7 =	simm.s32 @!p0 $0x0  }
0x372: {  	s7 =	ssub.s32 s8, s7  }
0x373: {  	s7 =	sshll.u32 s7, $0x3  }
0x374: {  	v6 =	vld [tilespmem:s7+$0x0];
	_ =	sdelay $0x1  }
0x375: {  	s7 =	ssub.s32 s0, s7  }
0x376: {  	v7 =	vmov s7  }
0x377: {  	vm1 =	veq.s32 v7, v0  }
0x378: {  	v6 =	vnsel vm1, $0x0, v6  }
0x379: {  	(xrf0) =	vadd.scan.msk.s32 $0xffff, v6;
	_ =	sdelay $0x5  }
0x37a: {  	v6, _, _ =	vpop (xrf0)  }
0x37b: {  	(v2sf) =	vpush v6, $0xF;
	_ =	sdelay $0x9  }
0x37c: {  	p3 =	sne.s32 s29, $0x1  }
.Ltmp53:
0x37d: {  	_ = 	snop;
	(pc) =	sbr.rel @!p3 .LBB2_74-.Ltmp53, $4  }
0x37e: {  	s29 =	sadd.s32 $0xFFFFFFFF, s29;
	s0 =	sadd.s32 $0x1, s0  }
0x37f: {  	p0 =	por $0x1, $0x1;
	s8 =	sshra.s32 s0, $0x1F;
	s10 =	sand.u32 $0x7, s0  }
0x380: {  	p6 =	slt.s32 s0, $0x1;
	s7 =	sshrl.u32 s8, $0x1D;
	p1 =	sne.s32 s10, $0x0  }
0x381: {  	s31 =	sadd.s32 s7, s0;
	p2 =	por !p6, !p1;
	s10 =	spop (v2sf)  }
.LBB2_73:
0x382: {  	p1 =	sne.s32 s29, $0x1;
	s7 =	sshll.u32 s10, $0xD  }
0x383: {  	s8 =	sshll.u32 s10, $0x7;
	p2 =	por !p2, !p2;
	s10 =	sshrl.u32 s31, $0x3  }
0x384: {  	s31 =	simm.s32 $0x1;
	s7 =	sand.u32 $0xFFFF0000, s7;
	s8 =	sand.u32 $0x380, s8  }
0x385: {  	s31 =	simm.s32 @!p2 $0x0;
	s7 =	sor.u32 s8, s7  }
0x386: {  	s8 =	ssub.s32 s10, s31;
	s7 =	sshrl.u32 s7, $0x3  }
0x387: {  	s8 =	sshll.u32 s8, $0x3;
	s7 =	sadd.s32 s2, s7  }
0x388: {  	[hbm4b:s7+s24] =	stream.strided.scatter [tilespmem:s28], [sflag:$0x6], $0x2000, s25, s24, $0x38;
	[tilespmem:$0x1F680] =	vst v63  }
0x389: {  	v6 =	vld [tilespmem:s8+$0x0];
	_ =	sdelay $0x1  }
0x38a: {  	s7 =	ssub.s32 s0, s8  }
0x38b: {  	v7 =	vmov s7  }
0x38c: {  	vm1 =	veq.s32 v7, v0  }
0x38d: {  	v6 =	vnsel vm1, $0x0, v6  }
0x38e: {  	(xrf0) =	vadd.scan.msk.s32 $0xffff, v6;
	_ =	sdelay $0x5  }
0x38f: {  	v6, _, _ =	vpop (xrf0)  }
0x390: {  	(v2sf) =	vpush v6, $0xF;
	_ =	sdelay $0xa  }
.Ltmp54:
0x391: {  	s0 =	sadd.s32 $0x1, s0;
	(pc) =	sbr.rel @p1 .LBB2_73-.Ltmp54, $4  }
0x392: {  	s7 =	sshra.s32 s0, $0x1F  }
0x393: {  	s8 =	sand.u32 $0x7, s0;
	s7 =	sshrl.u32 s7, $0x1D  }
0x394: {  	p2 =	slt.s32 s0, $0x1;
	p3 =	sne.s32 s8, $0x0;
	s31 =	sadd.s32 s7, s0  }
0x395: {  	s29 =	sadd.s32 $0xFFFFFFFF, s29;
	p2 =	por !p2, !p3;
	s10 =	spop (v2sf)  }
.LBB2_74:
0x396: {  	s7 =	sshll.u32 @p0 s10, $0xD;
	s8 =	sshll.u32 @p0 s10, $0x7;
	p1 =	por !p2, !p2  }
0x397: {  	s10 =	simm.s32 $0x1;
	s7 =	sand.u32 @p0 $0xFFFF0000, s7;
	s8 =	sand.u32 @p0 $0x380, s8  }
0x398: {  	s29 =	sshrl.u32 s31, $0x3;
	s10 =	simm.s32 @!p1 $0x0;
	s7 =	sor.u32 @p0 s8, s7  }
0x399: {  	s10 =	ssub.s32 s29, s10;
	s7 =	sshrl.u32 @p0 s7, $0x3  }
0x39a: {  	s8 =	sshll.u32 s10, $0x3;
	s7 =	sadd.s32 @p0 s2, s7  }
0x39b: {  	[hbm4b:s7+s24] =	stream.strided.scatter @p0 [tilespmem:s28], [sflag:$0x6], $0x2000, s25, s24, $0x38;
	[tilespmem:$0x1F680] =	vst v63  }
0x39c: {  	v6 =	vld [tilespmem:s8+$0x0];
	_ =	sdelay $0x1  }
0x39d: {  	s0 =	ssub.s32 s0, s8  }
0x39e: {  	v7 =	vmov s0  }
0x39f: {  	vm1 =	veq.s32 v7, v0  }
0x3a0: {  	v6 =	vnsel vm1, $0x0, v6  }
0x3a1: {  	(xrf0) =	vadd.scan.msk.s32 $0xffff, v6;
	_ =	sdelay $0x5  }
0x3a2: {  	v6, _, _ =	vpop (xrf0)  }
0x3a3: {  	(v2sf) =	vpush v6, $0xF;
	_ =	sdelay $0xe  }
0x3a4: {  	s29 =	spop (v2sf)  }
0x3a5: {  	s31 =	sshll.u32 s29, $0xD;
	s0 =	sshll.u32 s29, $0x7  }
0x3a6: {  	s7 =	sand.u32 $0xFFFF0000, s31;
	s0 =	sand.u32 $0x380, s0  }
0x3a7: {  	s0 =	sor.u32 s0, s7  }
0x3a8: {  	s0 =	sshrl.u32 s0, $0x3  }
0x3a9: {  	s0 =	sadd.s32 s2, s0  }
0x3aa: {  	[hbm4b:s0+s24] =	stream.strided.scatter [tilespmem:s28], [sflag:$0x6], $0x2000, s25, s24, $0x38;
	[tilespmem:$0x1F680] =	vst v63  }
.LBB2_75:
0x3ab: {  	s0 =	sadd.s32 $0x6, s11  }
0x3ac: {  	p0 =	sge.s32 s0, s20  }
.Ltmp55:
0x3ad: {  	_ = 	snop;
	(pc) =	sbr.rel @p0 .LBB2_83-.Ltmp55, $1  }
0x3ae: {  	_ =	sdelay $0x3  }
0x3af: {  	p0 =	slt.s32 s1, $0x2  }
.Ltmp56:
0x3b0: {  	_ = 	snop;
	(pc) =	sbr.rel @p0 .LBB2_82-.Ltmp56, $1  }
0x3b1: {  	_ =	sdelay $0x3  }
0x3b2: {  	s7 =	sshra.s32 s14, $0x1F  }
0x3b3: {  	s7 =	sshrl.u32 s7, $0x1D  }
0x3b4: {  	s7 =	sadd.s32 s7, s14  }
0x3b5: {  	s7 =	sand.u32 $0xFFFFFFF8, s7  }
0x3b6: {  	v6 =	vld [tilespmem:s7+$0x15500];
	_ =	sdelay $0x1  }
0x3b7: {  	s7 =	ssub.s32 s14, s7  }
0x3b8: {  	v7 =	vmov s7  }
0x3b9: {  	vm1 =	veq.s32 v7, v0  }
0x3ba: {  	v6 =	vnsel vm1, $0x0, v6  }
0x3bb: {  	(xrf0) =	vadd.scan.msk.s32 $0xffff, v6;
	_ =	sdelay $0x5  }
0x3bc: {  	v6, _, _ =	vpop (xrf0)  }
0x3bd: {  	(v2sf) =	vpush v6, $0xF;
	_ =	sdelay $0xe  }
0x3be: {  	s14 =	spop (v2sf)  }
0x3bf: {  	s10 =	ssub.s32 s14, s22  }
0x3c0: {  	p0 =	slt.s32 s10, $0x1  }
.Ltmp57:
0x3c1: {  	_ = 	snop;
	(pc) =	sbr.rel @p0 .LBB2_81-.Ltmp57, $1  }
0x3c2: {  	_ =	sdelay $0x3  }
0x3c3: {  	p0 =	sne.s32 s10, $0x1  }
.Ltmp58:
0x3c4: {  	_ = 	snop;
	(pc) =	sbr.rel @!p0 .LBB2_80-.Ltmp58, $3  }
0x3c5: {  	_ =	sdelay $0x1  }
0x3c6: {  	_ =	swait.ge [sflag:s26], $0x2000  }
0x3c7: {  	s10 =	sadd.s32 $0xFFFFFFFF, s10;
	[sflag:s26] =	ssyncset.done $0x0  }
.LBB2_79:
0x3c8: {  	p0 =	sne.s32 s10, $0x1;
	s10 =	sadd.s32 $0xFFFFFFFF, s10;
	[sflag:s26] =	ssyncadd.s32 $0xFFFFE000  }
.Ltmp59:
0x3c9: {  	(pc) =	sbr.rel @p0 .LBB2_79-.Ltmp59, $3  }
0x3ca: {  	_ =	sdelay $0x1  }
0x3cb: {  	_ =	swait.ge [sflag:s26], $0x2000  }
0x3cc: {  	[sflag:s26] =	ssyncset.done $0x0  }
.LBB2_80:
0x3cd: {  	[sflag:s26] =	ssyncadd.s32 $0xFFFFE000  }
.LBB2_81:
0x3ce: {  	p0 =	sgt.s32 s14, s22  }
0x3cf: {  	s22 =	smov.u32 @p0 s14  }
.LBB2_82:
0x3d0: {  	s0 =	sshll.u32 s0, $0x9  }
0x3d1: {  	s0 =	sshra.s32 s0, $0x2  }
0x3d2: {  	v6 =	vld.msk [tilespmem:s0+$0xD380], $0x1;
	_ =	sdelay $0x4  }
0x3d3: {  	v7 =	vshll.u32 v6, $0x6  }
0x3d4: {  	v6 =	vand.u32 $0x7, v6;
	v7 =	vand.u32 $0xFFFFFE00, v7  }
0x3d5: {  	v6 =	vor.u32 v6, v7  }
0x3d6: {  	v6 =	vperm.xlane v6, v2;
	_ =	sdelay $0x1  }
0x3d7: {  	v6 =	vadd.s32 v5, v6;
	_ =	sdelay $0x3  }
0x3d8: {  	s8 =	rddreg [dreg:$0x0]  }
0x3d9: {  	[tilespmem:s4], [sflag:$0x2] =	stream.indirect_vreg.gather [hbm4b:s8+s3], $0x80, v6, vm0, $0xb8;
	[tilespmem:$0x1F680] =	vst v63  }
0x3da: {  	s10 =	rddreg [dreg:$0x6];
	s7 =	simm.s32 $0x17E80  }
0x3db: {  	[tilespmem:s7], [sflag:$0x2] =	stream.indirect_vreg.gather [hbm4b:s10+s3], $0x80, v6, vm0, $0xb8;
	[tilespmem:$0x1F680] =	vst v63  }
0x3dc: {  	s14 =	rddreg [dreg:$0x7];
	s29 =	simm.s32 $0x18680  }
0x3dd: {  	[tilespmem:s29], [sflag:$0x2] =	stream.indirect_vreg.gather [hbm4b:s14+s3], $0x80, v6, vm0, $0xb8;
	[tilespmem:$0x1F680] =	vst v63  }
0x3de: {  	s31 =	simm.s32 $0x18E80  }
0x3df: {  	[tilespmem:s31], [sflag:$0x2] =	stream.indirect_vreg.gather [hbm4b:s9+s3], $0x80, v6, vm0, $0xb8;
	[tilespmem:$0x1F680] =	vst v63  }
.LBB2_83:
0x3e0: {  	s14 =	sadd.s32 $0x4, s11  }
0x3e1: {  	p0 =	sge.s32 s14, s20  }
.Ltmp60:
0x3e2: {  	_ = 	snop;
	(pc) =	sbr.rel @p0 .LBB2_98-.Ltmp60, $1  }
0x3e3: {  	_ =	sdelay $0x3  }
0x3e4: {  	s0 =	sand.u32 $0x7, s14  }
0x3e5: {  	s7 =	sshra.s32 s14, $0x1F;
	p0 =	slt.s32 s14, $0x1;
	p1 =	sne.s32 s0, $0x0  }
0x3e6: {  	s29 =	sshrl.u32 s7, $0x1D;
	p0 =	por !p0, !p1  }
0x3e7: {  	s7 =	simm.s32 $0x1;
	s0 =	sadd.s32 s29, s14;
	p0 =	por !p0, !p0  }
0x3e8: {  	s0 =	sshrl.u32 s0, $0x3;
	s7 =	simm.s32 @!p0 $0x0  }
0x3e9: {  	s0 =	ssub.s32 s0, s7  }
0x3ea: {  	s0 =	sshll.u32 s0, $0x3  }
0x3eb: {  	v6 =	vld [tilespmem:s0+$0x15380];
	_ =	sdelay $0x1  }
0x3ec: {  	v7 =	vld [tilespmem:s0+$0x15500];
	s0 =	ssub.s32 s14, s0  }
0x3ed: {  	v8 =	vmov s0  }
0x3ee: {  	vm1 =	veq.s32 v8, v0  }
0x3ef: {  	v6 =	vnsel vm1, $0x0, v6  }
0x3f0: {  	(xrf0) =	vadd.scan.msk.s32 $0xffff, v6;
	_ =	sdelay $0x1  }
0x3f1: {  	v6 =	vnsel vm1, $0x0, v7  }
0x3f2: {  	(xrf0) =	vadd.scan.msk.s32 $0xffff, v6;
	_ =	sdelay $0x2  }
0x3f3: {  	v6, _, _ =	vpop (xrf0)  }
0x3f4: {  	(v2sf) =	vpush v6, $0xF;
	_ =	sdelay $0x1  }
0x3f5: {  	v6, _, _ =	vpop (xrf0)  }
0x3f6: {  	(v2sf) =	vpush v6, $0xF;
	_ =	sdelay $0xb  }
0x3f7: {  	s10 =	spop (v2sf)  }
0x3f8: {  	p0 =	slt.s32 s10, $0x1  }
.Ltmp61:
0x3f9: {  	_ = 	snop;
	(pc) =	sbr.rel @p0 .LBB2_90-.Ltmp61, $4  }
0x3fa: {  	s31 =	simm.s32 $0x5;
	s0 =	spop (v2sf)  }
0x3fb: {  	_ =	swait.ge [sflag:s31], $0x2000  }
0x3fc: {  	[sflag:s31] =	ssyncset.done $0x0  }
0x3fd: {  	[sflag:s31] =	ssyncadd.s32 $0xFFFFE000  }
0x3fe: {  	p1 =	sne.s32 s10, $0x1  }
.Ltmp62:
0x3ff: {  	_ = 	snop;
	(pc) =	sbr.rel @!p1 .LBB2_86-.Ltmp62, $4  }
0x400: {  	_ = 	snop  }
0x401: {  	s7 =	sshra.s32 s0, $0x1F;
	s8 =	sand.u32 $0x7, s0;
	p0 =	slt.s32 s0, $0x1  }
0x402: {  	s29 =	sadd.s32 $0xFFFFFFFF, s10;
	s7 =	sshrl.u32 s7, $0x1D;
	p2 =	sne.s32 s8, $0x0  }
0x403: {  	s31 =	sadd.s32 s7, s0;
	p2 =	por !p0, !p2;
	p0 =	por $0x0, $0x0  }
0x404: {  	p0 =	por !p2, !p2;
	s7 =	simm.s32 $0x1  }
0x405: {  	s8 =	sshrl.u32 s31, $0x3;
	s7 =	simm.s32 @!p0 $0x0  }
0x406: {  	s7 =	ssub.s32 s8, s7  }
0x407: {  	s7 =	sshll.u32 s7, $0x3  }
0x408: {  	v6 =	vld [tilespmem:s7+$0x0];
	_ =	sdelay $0x1  }
0x409: {  	s7 =	ssub.s32 s0, s7  }
0x40a: {  	v7 =	vmov s7  }
0x40b: {  	vm1 =	veq.s32 v7, v0  }
0x40c: {  	v6 =	vnsel vm1, $0x0, v6  }
0x40d: {  	(xrf0) =	vadd.scan.msk.s32 $0xffff, v6;
	_ =	sdelay $0x5  }
0x40e: {  	v6, _, _ =	vpop (xrf0)  }
0x40f: {  	(v2sf) =	vpush v6, $0xF;
	_ =	sdelay $0x9  }
0x410: {  	p3 =	sne.s32 s29, $0x1  }
.Ltmp63:
0x411: {  	_ = 	snop;
	(pc) =	sbr.rel @!p3 .LBB2_89-.Ltmp63, $4  }
0x412: {  	s29 =	sadd.s32 $0xFFFFFFFF, s29;
	s0 =	sadd.s32 $0x1, s0  }
0x413: {  	p0 =	por $0x1, $0x1;
	s8 =	sshra.s32 s0, $0x1F;
	s10 =	sand.u32 $0x7, s0  }
0x414: {  	p6 =	slt.s32 s0, $0x1;
	s7 =	sshrl.u32 s8, $0x1D;
	p1 =	sne.s32 s10, $0x0  }
0x415: {  	s31 =	sadd.s32 s7, s0;
	p2 =	por !p6, !p1;
	s10 =	spop (v2sf)  }
.LBB2_88:
0x416: {  	p1 =	sne.s32 s29, $0x1;
	s7 =	sshll.u32 s10, $0xD  }
0x417: {  	s8 =	sshll.u32 s10, $0x7;
	p2 =	por !p2, !p2;
	s10 =	sshrl.u32 s31, $0x3  }
0x418: {  	s31 =	simm.s32 $0x1;
	s7 =	sand.u32 $0xFFFF0000, s7;
	s8 =	sand.u32 $0x380, s8  }
0x419: {  	s31 =	simm.s32 @!p2 $0x0;
	s7 =	sor.u32 s8, s7  }
0x41a: {  	s8 =	ssub.s32 s10, s31;
	s7 =	sshrl.u32 s7, $0x3  }
0x41b: {  	s8 =	sshll.u32 s8, $0x3;
	s7 =	sadd.s32 s2, s7  }
0x41c: {  	[hbm4b:s7+s24] =	stream.strided.scatter [tilespmem:s5], [sflag:$0x6], $0x2000, s25, s24, $0x38;
	[tilespmem:$0x1F680] =	vst v63  }
0x41d: {  	v6 =	vld [tilespmem:s8+$0x0];
	_ =	sdelay $0x1  }
0x41e: {  	s7 =	ssub.s32 s0, s8  }
0x41f: {  	v7 =	vmov s7  }
0x420: {  	vm1 =	veq.s32 v7, v0  }
0x421: {  	v6 =	vnsel vm1, $0x0, v6  }
0x422: {  	(xrf0) =	vadd.scan.msk.s32 $0xffff, v6;
	_ =	sdelay $0x5  }
0x423: {  	v6, _, _ =	vpop (xrf0)  }
0x424: {  	(v2sf) =	vpush v6, $0xF;
	_ =	sdelay $0xa  }
.Ltmp64:
0x425: {  	s0 =	sadd.s32 $0x1, s0;
	(pc) =	sbr.rel @p1 .LBB2_88-.Ltmp64, $4  }
0x426: {  	s7 =	sshra.s32 s0, $0x1F  }
0x427: {  	s8 =	sand.u32 $0x7, s0;
	s7 =	sshrl.u32 s7, $0x1D  }
0x428: {  	p2 =	slt.s32 s0, $0x1;
	p3 =	sne.s32 s8, $0x0;
	s31 =	sadd.s32 s7, s0  }
0x429: {  	s29 =	sadd.s32 $0xFFFFFFFF, s29;
	p2 =	por !p2, !p3;
	s10 =	spop (v2sf)  }
.LBB2_89:
0x42a: {  	s7 =	sshll.u32 @p0 s10, $0xD;
	s8 =	sshll.u32 @p0 s10, $0x7;
	p1 =	por !p2, !p2  }
0x42b: {  	s10 =	simm.s32 $0x1;
	s7 =	sand.u32 @p0 $0xFFFF0000, s7;
	s8 =	sand.u32 @p0 $0x380, s8  }
0x42c: {  	s29 =	sshrl.u32 s31, $0x3;
	s10 =	simm.s32 @!p1 $0x0;
	s7 =	sor.u32 @p0 s8, s7  }
0x42d: {  	s10 =	ssub.s32 s29, s10;
	s7 =	sshrl.u32 @p0 s7, $0x3  }
0x42e: {  	s8 =	sshll.u32 s10, $0x3;
	s7 =	sadd.s32 @p0 s2, s7  }
0x42f: {  	[hbm4b:s7+s24] =	stream.strided.scatter @p0 [tilespmem:s5], [sflag:$0x6], $0x2000, s25, s24, $0x38;
	[tilespmem:$0x1F680] =	vst v63  }
0x430: {  	v6 =	vld [tilespmem:s8+$0x0];
	_ =	sdelay $0x1  }
0x431: {  	s0 =	ssub.s32 s0, s8  }
0x432: {  	v7 =	vmov s0  }
0x433: {  	vm1 =	veq.s32 v7, v0  }
0x434: {  	v6 =	vnsel vm1, $0x0, v6  }
0x435: {  	(xrf0) =	vadd.scan.msk.s32 $0xffff, v6;
	_ =	sdelay $0x5  }
0x436: {  	v6, _, _ =	vpop (xrf0)  }
0x437: {  	(v2sf) =	vpush v6, $0xF;
	_ =	sdelay $0xe  }
0x438: {  	s29 =	spop (v2sf)  }
0x439: {  	s31 =	sshll.u32 s29, $0xD;
	s0 =	sshll.u32 s29, $0x7  }
0x43a: {  	s7 =	sand.u32 $0xFFFF0000, s31;
	s0 =	sand.u32 $0x380, s0  }
0x43b: {  	s0 =	sor.u32 s0, s7  }
0x43c: {  	s0 =	sshrl.u32 s0, $0x3  }
0x43d: {  	s0 =	sadd.s32 s2, s0  }
0x43e: {  	[hbm4b:s0+s24] =	stream.strided.scatter [tilespmem:s5], [sflag:$0x6], $0x2000, s25, s24, $0x38;
	[tilespmem:$0x1F680] =	vst v63  }
.LBB2_90:
0x43f: {  	s0 =	sadd.s32 $0x7, s11  }
0x440: {  	p0 =	sge.s32 s0, s20  }
.Ltmp65:
0x441: {  	_ = 	snop;
	(pc) =	sbr.rel @p0 .LBB2_98-.Ltmp65, $1  }
0x442: {  	_ =	sdelay $0x3  }
0x443: {  	p0 =	slt.s32 s14, $0x2  }
.Ltmp66:
0x444: {  	_ = 	snop;
	(pc) =	sbr.rel @p0 .LBB2_97-.Ltmp66, $1  }
0x445: {  	_ =	sdelay $0x3  }
0x446: {  	s7 =	sshra.s32 s1, $0x1F  }
0x447: {  	s7 =	sshrl.u32 s7, $0x1D  }
0x448: {  	s7 =	sadd.s32 s7, s1  }
0x449: {  	s7 =	sand.u32 $0xFFFFFFF8, s7  }
0x44a: {  	v6 =	vld [tilespmem:s7+$0x15500];
	_ =	sdelay $0x1  }
0x44b: {  	s31 =	ssub.s32 s1, s7  }
0x44c: {  	v7 =	vmov s31  }
0x44d: {  	vm1 =	veq.s32 v7, v0  }
0x44e: {  	v6 =	vnsel vm1, $0x0, v6  }
0x44f: {  	(xrf0) =	vadd.scan.msk.s32 $0xffff, v6;
	_ =	sdelay $0x5  }
0x450: {  	v6, _, _ =	vpop (xrf0)  }
0x451: {  	(v2sf) =	vpush v6, $0xF;
	_ =	sdelay $0xe  }
0x452: {  	s1 =	spop (v2sf)  }
0x453: {  	s10 =	ssub.s32 s1, s22  }
0x454: {  	p0 =	slt.s32 s10, $0x1  }
.Ltmp67:
0x455: {  	_ = 	snop;
	(pc) =	sbr.rel @p0 .LBB2_96-.Ltmp67, $1  }
0x456: {  	_ =	sdelay $0x3  }
0x457: {  	p0 =	sne.s32 s10, $0x1  }
.Ltmp68:
0x458: {  	_ = 	snop;
	(pc) =	sbr.rel @!p0 .LBB2_95-.Ltmp68, $3  }
0x459: {  	_ =	sdelay $0x1  }
0x45a: {  	_ =	swait.ge [sflag:s26], $0x2000  }
0x45b: {  	s10 =	sadd.s32 $0xFFFFFFFF, s10;
	[sflag:s26] =	ssyncset.done $0x0  }
.LBB2_94:
0x45c: {  	p0 =	sne.s32 s10, $0x1;
	s10 =	sadd.s32 $0xFFFFFFFF, s10;
	[sflag:s26] =	ssyncadd.s32 $0xFFFFE000  }
.Ltmp69:
0x45d: {  	(pc) =	sbr.rel @p0 .LBB2_94-.Ltmp69, $3  }
0x45e: {  	_ =	sdelay $0x1  }
0x45f: {  	_ =	swait.ge [sflag:s26], $0x2000  }
0x460: {  	[sflag:s26] =	ssyncset.done $0x0  }
.Ltmp70:
0x461: {  	_ = 	snop;
	(pc) =	sbr.rel .LBB2_95-.Ltmp70, $1  }
0x462: {  	_ =	sdelay $0x3  }
.LBB2_26:
.Ltmp71:
0x463: {  	(pc) =	sbr.rel .LBB2_29-.Ltmp71, $2  }
0x464: {  	_ =	sdelay $0x2  }
0x465: {  	_ = 	snop  }
.LBB2_41:
.Ltmp72:
0x466: {  	(pc) =	sbr.rel .LBB2_44-.Ltmp72, $2  }
0x467: {  	_ =	sdelay $0x2  }
0x468: {  	_ = 	snop  }
.LBB2_56:
.Ltmp73:
0x469: {  	(pc) =	sbr.rel .LBB2_59-.Ltmp73, $2  }
0x46a: {  	_ =	sdelay $0x2  }
0x46b: {  	_ = 	snop  }
.LBB2_71:
.Ltmp74:
0x46c: {  	(pc) =	sbr.rel .LBB2_74-.Ltmp74, $2  }
0x46d: {  	_ =	sdelay $0x2  }
0x46e: {  	_ = 	snop  }
.LBB2_86:
.Ltmp75:
0x46f: {  	(pc) =	sbr.rel .LBB2_89-.Ltmp75, $2  }
0x470: {  	_ =	sdelay $0x2  }
0x471: {  	_ = 	snop  }
.LBB2_17:
.Ltmp76:
0x472: {  	(pc) =	sbr.rel .LBB2_21-.Ltmp76, $2  }
0x473: {  	_ =	sdelay $0x2  }
0x474: {  	s6 =	simm.s32 $0x8080  }
.LBB2_19:
.Ltmp77:
0x475: {  	(pc) =	sbr.rel .LBB2_21-.Ltmp77, $2  }
0x476: {  	_ =	sdelay $0x2  }
0x477: {  	s6 =	simm.s32 $0x8080  }
.LBB2_104:
0x478: {  	_ =	sfence.sel $0x180000  }
0x479: {  	[bflag:$0x0] =	sbarrier.arrive $0xFFFF  }
0x47a: {  	_ =	strace $0x90000047  }
0x47b: {  	s0 =	stileid.u32;
	[bflag:$0x2] =	sbarrier.arrive $0xFFFF  }
0x47c: {  	p0 =	sne.s32 s0, $0x0;
	s0 =	rddreg [dreg:$0x3]  }
0x47d: {  	s0 =	sadd.s32 @!p0 $0x100000, s0  }
0x47e: {  	[sflag:s0] =	ssyncadd.tile.s32 @!p0 $0x1;
	_ =	shalt  }
.Lfunc_end2:
_tile_overlayer_lowered:
.L_overlay_start_2:
0x47f: {  	(tag) =	ssettag $0x2  }
0x480: {  	s0 =	rddreg [dreg:$0x0];
	s2 =	stileid.u32  }
0x481: {  	s1 =	rddreg [dreg:$0x1];
	p0 =	sne.s32 s2, $0x0  }
0x482: {  	s3 =	rddreg [dreg:$0x2];
	[bflag:$0x3] =	sbarrier.arrive $0xFFFF;
	s2 =	simm.s32 @!p0 $0x1C07  }
0x483: {  	[timem:s3], [sflag:s2] =	dma.local @!p0 [hbm:s0], s1  }
0x484: {  	s0 =	simm.s32 @!p0 $0x7  }
0x485: {  	_ =	swait.ge @!p0 [sflag:s0], s1  }
0x486: {  	s1 =	ssub.s32 @!p0 $0x0, s1;
	[sflag:s0] =	ssyncset.done @!p0 $0x0  }
0x487: {  	[sflag:s0] =	ssyncadd.s32 @!p0 s1  }
0x488: {  	[bflag:$0x3] =	sbarrier.arrive $0xFFFF  }
0x489: {  	_ =	shalt  }

</sc_bundles>
